<compile_context>
chip_gen: v7x
topology: tpu7x:2x2x1
jax: 0.10.2.dev20260603
libtpu: 0.0.44.dev20260713+nightly
codegen_flags: <defaults>
</compile_context>

<pallas_src>
import functools

import jax
import jax.numpy as jnp
from jax import lax
from jax.experimental import pallas as pl
from jax.experimental.pallas import tpu as pltpu
from jax.experimental.pallas import tpu_sc as plsc

N = 10000
E = 320000
D = 128
H = 8
DH = D // H
L = 16

NC = 2
NS = 16
NW = NC * NS

N_PAD = 10240
E_PAD = 327680
CH = 128
EPT = E_PAD // NW
NCHUNK = EPT // CH
RPS = N_PAD // NS
NFL = RPS // CH

_mesh = plsc.VectorSubcoreMesh(core_axis_name="c", subcore_axis_name="s")


def _ln_qkv_body(x_ref, g_ref, b_ref, w_ref, bias_ref, q_ref, k_ref, v_ref):
    x = x_ref[...]
    mu = jnp.mean(x, axis=-1, keepdims=True)
    var = jnp.mean((x - mu) ** 2, axis=-1, keepdims=True)
    h = (x - mu) / jnp.sqrt(var + 1e-5) * g_ref[...] + b_ref[...]
    qkv = lax.dot_general(h, w_ref[...], (((1,), (1,)), ((), ())),
                          preferred_element_type=jnp.float32) + bias_ref[...]
    q_ref[...] = qkv[:, :D] * (D ** -0.5)
    k_ref[...] = qkv[:, D:2 * D]
    v_ref[...] = qkv[:, 2 * D:]


def _ln_qkv(x_pad, ln_gamma, ln_beta, Wqkv, bqkv):
    RB = 2560
    grid = (N_PAD // RB,)
    return pl.pallas_call(
        _ln_qkv_body,
        grid=grid,
        in_specs=[
            pl.BlockSpec((RB, D), lambda i: (i, 0)),
            pl.BlockSpec((1, D), lambda i: (0, 0)),
            pl.BlockSpec((1, D), lambda i: (0, 0)),
            pl.BlockSpec((3 * D, D), lambda i: (0, 0)),
            pl.BlockSpec((1, 3 * D), lambda i: (0, 0)),
        ],
        out_specs=[
            pl.BlockSpec((RB, D), lambda i: (i, 0)),
            pl.BlockSpec((RB, D), lambda i: (i, 0)),
            pl.BlockSpec((RB, D), lambda i: (i, 0)),
        ],
        out_shape=[jax.ShapeDtypeStruct((N_PAD, D), jnp.float32)] * 3,
    )(x_pad, ln_gamma.reshape(1, D), ln_beta.reshape(1, D), Wqkv,
      bqkv.reshape(1, 3 * D))


@functools.partial(
    pl.kernel,
    out_type=[
        jax.ShapeDtypeStruct((NW, NCHUNK, H, CH), jnp.float32),
        jax.ShapeDtypeStruct((NC * N_PAD * H,), jnp.float32),
    ],
    mesh=_mesh,
    compiler_params=pltpu.CompilerParams(needs_layout_passes=False),
    scratch_types=[
        pltpu.VMEM((CH,), jnp.int32),
        pltpu.VMEM((CH,), jnp.int32),
        pltpu.VMEM((H, CH), jnp.int32),
        pltpu.VMEM((CH, D), jnp.float32),
        pltpu.VMEM((CH, D), jnp.float32),
        pltpu.VMEM((H, CH), jnp.float32),
        pltpu.VMEM((H, CH), jnp.float32),
        pltpu.VMEM((H, CH), jnp.float32),
        pltpu.VMEM((RPS * H,), jnp.float32),
        pltpu.VMEM_SHARED((N_PAD * H,), jnp.float32),
        pltpu.SemaphoreType.DMA,
        pltpu.SemaphoreType.DMA,
    ],
)
def _edge_logits(q_hbm, k_hbm, src_hbm, dst_hbm, dist_hbm, path_hbm,
                 aexp_hbm, sparts_hbm,
                 src_v, dst_v, idx8_v, qrows, krows, dist_v, path_v, aexp_h,
                 stage_v, s_sh, sem0, sem1):
    cid = lax.axis_index("c")
    sid = lax.axis_index("s")
    wid = sid * NC + cid

    def _zfill(i, carry):
        stage_v[pl.ds(i * L, L)] = jnp.zeros((L,), jnp.float32)
        return carry
    lax.fori_loop(0, RPS * H // L, _zfill, 0)
    pltpu.sync_copy(stage_v, s_sh.at[pl.ds(sid * (RPS * H), RPS * H)])
    plsc.subcore_barrier()

    def _chunk(g, carry):
        base = wid * EPT + g * CH
        pltpu.sync_copy(src_hbm.at[pl.ds(base, CH)], src_v)
        pltpu.sync_copy(dst_hbm.at[pl.ds(base, CH)], dst_v)
        pltpu.sync_copy(dist_hbm.at[wid, g], dist_v)
        pltpu.sync_copy(path_hbm.at[wid, g], path_v)
        cp_q = pltpu.async_copy(q_hbm.at[src_v], qrows, sem0)
        cp_k = pltpu.async_copy(k_hbm.at[dst_v], krows, sem1)

        def _mkidx(j, inner):
            d16 = dst_v[pl.ds(j * L, L)]
            for h in range(H):
                idx8_v[h, pl.ds(j * L, L)] = d16 * H + h
            return inner
        lax.fori_loop(0, CH // L, _mkidx, 0)
        cp_q.wait()
        cp_k.wait()

        def _e16(t, inner):
            lanes = lax.iota(jnp.int32, L)
            rows = t * L + lanes
            for h in range(H):
                hrow = jnp.full((L,), h, jnp.int32)
                acc = (plsc.load_gather(dist_v, [hrow, rows]) +
                       plsc.load_gather(path_v, [hrow, rows]))
                for dd in range(DH):
                    col = jnp.full((L,), h * DH + dd, jnp.int32)
                    acc = acc + (plsc.load_gather(qrows, [rows, col]) *
                                 plsc.load_gather(krows, [rows, col]))
                plsc.store_scatter(aexp_h, [hrow, rows], jnp.exp(acc))
            return inner
        lax.fori_loop(0, CH // L, _e16, 0)

        pltpu.sync_copy(aexp_h, aexp_hbm.at[wid, g])
        for h in range(H):
            pltpu.sync_copy(aexp_h.at[h], s_sh.at[idx8_v.at[h]], add=True)
        return carry
    lax.fori_loop(0, NCHUNK, _chunk, 0)

    plsc.subcore_barrier()
    pltpu.sync_copy(s_sh.at[pl.ds(sid * (RPS * H), RPS * H)], stage_v)
    pltpu.sync_copy(stage_v,
                    sparts_hbm.at[pl.ds((cid * NS + sid) * (RPS * H),
                                        RPS * H)])


@functools.partial(
    pl.kernel,
    out_type=jax.ShapeDtypeStruct((NC, NS, RPS, D), jnp.float32),
    mesh=_mesh,
    compiler_params=pltpu.CompilerParams(needs_layout_passes=False),
    scratch_types=[
        pltpu.VMEM((CH,), jnp.int32),
        pltpu.VMEM((1, CH), jnp.int32),
        pltpu.VMEM((1, CH), jnp.int32),
        pltpu.VMEM((CH, D), jnp.float32),
        pltpu.VMEM((H, CH), jnp.float32),
        pltpu.VMEM_SHARED((N_PAD, D), jnp.float32),
        pltpu.SemaphoreType.DMA,
    ],
)
def _edge_agg(v_hbm, src_hbm, dst_hbm, aexp_hbm,
              agg_hbm,
              src_v, dst2_v, ridx_v, vrows, aexp_h, agg_sh, sem0):
    cid = lax.axis_index("c")
    sid = lax.axis_index("s")
    wid = sid * NC + cid

    def _zfill(e, carry):
        for j in range(D // L):
            vrows[e, pl.ds(j * L, L)] = jnp.zeros((L,), jnp.float32)
        return carry
    lax.fori_loop(0, CH, _zfill, 0)
    for c in range(NFL):
        def _ridx(j, carry, _c=c):
            ridx_v[0, pl.ds(j * L, L)] = (
                sid * RPS + _c * CH + j * L + lax.iota(jnp.int32, L))
            return carry
        lax.fori_loop(0, CH // L, _ridx, 0)
        pltpu.sync_copy(vrows, agg_sh.at[ridx_v.at[0]])
    plsc.subcore_barrier()

    def _chunk(g, carry):
        base = wid * EPT + g * CH
        pltpu.sync_copy(src_hbm.at[pl.ds(base, CH)], src_v)
        pltpu.sync_copy(dst_hbm.at[pl.ds(base, CH)], dst2_v.at[0])
        pltpu.sync_copy(aexp_hbm.at[wid, g], aexp_h)
        cp_v = pltpu.async_copy(v_hbm.at[src_v], vrows, sem0)
        cp_v.wait()

        def _scale(t, inner):
            for ll in range(L):
                e = t * L + ll
                for h in range(H):
                    w = plsc.load_gather(
                        aexp_h,
                        [jnp.full((L,), h, jnp.int32),
                         jnp.zeros((L,), jnp.int32) + e])
                    vrows[e, pl.ds(h * DH, DH)] = (
                        vrows[e, pl.ds(h * DH, DH)] * w)
            return inner
        lax.fori_loop(0, CH // L, _scale, 0)

        pltpu.sync_copy(vrows, agg_sh.at[dst2_v.at[0]], add=True)
        return carry
    lax.fori_loop(0, NCHUNK, _chunk, 0)

    plsc.subcore_barrier()
    for c in range(NFL):
        def _ridx(j, carry, _c=c):
            ridx_v[0, pl.ds(j * L, L)] = (
                sid * RPS + _c * CH + j * L + lax.iota(jnp.int32, L))
            return carry
        lax.fori_loop(0, CH // L, _ridx, 0)
        pltpu.sync_copy(agg_sh.at[ridx_v.at[0]], vrows)
        pltpu.sync_copy(vrows, agg_hbm.at[cid, sid, pl.ds(c * CH, CH), :])


def _out_proj_body(a0_ref, a1_ref, s0_ref, s1_ref, x_ref, ex_ref, w_ref,
                   b_ref, o_ref):
    r = 1.0 / jnp.maximum(s0_ref[...] + s1_ref[...], 1e-30)
    er = lax.dot_general(r, ex_ref[...], (((1,), (0,)), ((), ())),
                         preferred_element_type=jnp.float32)
    agg = (a0_ref[...] + a1_ref[...]) * er
    o_ref[...] = (x_ref[...] +
                  lax.dot_general(agg, w_ref[...], (((1,), (1,)), ((), ())),
                                  preferred_element_type=jnp.float32) +
                  b_ref[...])


def _out_proj(agg0, agg1, s0, s1, x, expand, Wout, bout):
    RB = 2000
    grid = (N // RB,)
    return pl.pallas_call(
        _out_proj_body,
        grid=grid,
        in_specs=[
            pl.BlockSpec((RB, D), lambda i: (i, 0)),
            pl.BlockSpec((RB, D), lambda i: (i, 0)),
            pl.BlockSpec((RB, H), lambda i: (i, 0)),
            pl.BlockSpec((RB, H), lambda i: (i, 0)),
            pl.BlockSpec((RB, D), lambda i: (i, 0)),
            pl.BlockSpec((H, D), lambda i: (0, 0)),
            pl.BlockSpec((D, D), lambda i: (0, 0)),
            pl.BlockSpec((1, D), lambda i: (0, 0)),
        ],
        out_specs=pl.BlockSpec((RB, D), lambda i: (i, 0)),
        out_shape=jax.ShapeDtypeStruct((N, D), jnp.float32),
    )(agg0, agg1, s0, s1, x, expand, Wout, bout.reshape(1, D))


def kernel(x, edge_index, dist_attn, path_attn, ln_gamma, ln_beta,
           Wqkv, bqkv, Wout, bout):
    x_pad = jnp.pad(x, ((0, N_PAD - N), (0, 0)))
    src = jnp.concatenate(
        [edge_index[0], jnp.full((E_PAD - E,), N, jnp.int32)])
    dst = jnp.concatenate(
        [edge_index[1], jnp.full((E_PAD - E,), N, jnp.int32)])
    dist_r = jnp.pad(dist_attn, ((0, E_PAD - E), (0, 0))).reshape(
        NW, NCHUNK, CH, H).transpose(0, 1, 3, 2)
    path_r = jnp.pad(path_attn, ((0, E_PAD - E), (0, 0))).reshape(
        NW, NCHUNK, CH, H).transpose(0, 1, 3, 2)
    expand = jnp.repeat(jnp.eye(H, dtype=jnp.float32), DH, axis=1)

    q, k, v = _ln_qkv(x_pad, ln_gamma, ln_beta, Wqkv, bqkv)
    aexp, sparts = _edge_logits(q, k, src, dst, dist_r, path_r)
    agg = _edge_agg(v, src, dst, aexp)
    aggr = agg.reshape(NC, N_PAD, D)
    s0 = sparts[:N_PAD * H].reshape(N_PAD, H)[:N]
    s1 = sparts[N_PAD * H:].reshape(N_PAD, H)[:N]
    return _out_proj(aggr[0, :N], aggr[1, :N], s0, s1, x, expand,
                     Wout, bout)

# --- scband reference (transcript-rebuilt; emitter-appended) ---
"""Pipeline reference for scband-graph-self-attention-network-80633716015118 (READ-ONLY COPY).

The authoritative reference and input builder live on the scoring server;
editing this copy changes nothing except your own understanding.
"""

import jax, jax.numpy as jnp
import numpy as np

N = 10000
E = 320000
D = 128
H = 8
DH = D // H


def layer_norm(x, g, b, eps=1e-5):
    mu = jnp.mean(x, axis=-1, keepdims=True)
    var = jnp.var(x, axis=-1, keepdims=True)
    return (x - mu) / jnp.sqrt(var + eps) * g + b


def setup_inputs(seed: int = 0) -> dict:
    key = jax.random.key(seed)
    ks = jax.random.split(key, 8)
    x = jax.random.normal(ks[0], (N, D), dtype=jnp.float32)
    edge_index = jax.random.randint(ks[1], (2, E), 0, N, dtype=jnp.int32)
    dist_attn = jax.random.normal(ks[2], (E, H), dtype=jnp.float32)
    path_attn = jax.random.normal(ks[3], (E, H), dtype=jnp.float32)
    ln_gamma = jnp.ones((D,), jnp.float32)
    ln_beta = jnp.zeros((D,), jnp.float32)
    Wqkv = jax.random.normal(ks[4], (3 * D, D), dtype=jnp.float32) * 0.05
    bqkv = jnp.zeros((3 * D,), jnp.float32)
    Wout = jax.random.normal(ks[5], (D, D), dtype=jnp.float32) * 0.05
    bout = jnp.zeros((D,), jnp.float32)
    return {"x": x, "edge_index": edge_index, "dist_attn": dist_attn,
            "path_attn": path_attn, "ln_gamma": ln_gamma, "ln_beta": ln_beta,
            "Wqkv": Wqkv, "bqkv": bqkv, "Wout": Wout, "bout": bout}


def reference(x, edge_index, dist_attn, path_attn, ln_gamma, ln_beta, Wqkv, bqkv, Wout, bout):
    res = x
    h = layer_norm(x, ln_gamma, ln_beta)
    qkv = (h @ Wqkv.T + bqkv).reshape(N, 3, H, DH).transpose(1, 0, 2, 3)
    scale = D ** (-0.5)
    q = qkv[0] * scale  # srcdata 'Q'
    k = qkv[1]          # dstdata 'K'
    v = qkv[2]
    src = edge_index[0]
    dst = edge_index[1]
    # fn.u_dot_v('Q','K'): dot(Q[src], K[dst]) per head -> [E, H]
    node_attn = jnp.sum(q[src] * k[dst], axis=-1)
    a = node_attn + dist_attn + path_attn
    # edge_softmax: softmax over incoming edges grouped by destination node
    m = jax.ops.segment_max(a, dst, num_segments=N)
    a_exp = jnp.exp(a - m[dst])
    s = jax.ops.segment_sum(a_exp, dst, num_segments=N)
    sa = a_exp / s[dst]
    hv = v.reshape(N, D)
    he = (hv[src].reshape(E, H, DH) * sa[:, :, None]).reshape(E, D)
    agg = jax.ops.segment_sum(he, dst, num_segments=N)
    out = agg @ Wout.T + bout
    return res + out

if __name__ == "__main__":
    import jax
    _d = setup_inputs()
    print(jax.jit(kernel)(*tuple(_d.values())))

</pallas_src>

<mosaic_0001>
#map = affine_map<(d0, d1) -> (0, 0)>
#map1 = affine_map<(d0, d1) -> (0)>
#map2 = affine_map<(d0, d1) -> (0, 0, 0, 0)>
module attributes {stable_mosaic.version = 14 : i64} {
  func.func @_edge_logits(%arg0: i32, %arg1: i32, %arg2: memref<10240x128xf32, #tpu.memory_space<hbm>>, %arg3: memref<10240x128xf32, #tpu.memory_space<hbm>>, %arg4: memref<327680xi32, #tpu.memory_space<hbm>>, %arg5: memref<327680xi32, #tpu.memory_space<hbm>>, %arg6: memref<32x80x8x128xf32, #tpu.memory_space<hbm>>, %arg7: memref<32x80x8x128xf32, #tpu.memory_space<hbm>>, %arg8: memref<32x80x8x128xf32, #tpu.memory_space<hbm>>, %arg9: memref<163840xf32, #tpu.memory_space<hbm>>, %arg10: memref<128xi32, #tpu.memory_space<vmem>>, %arg11: memref<128xi32, #tpu.memory_space<vmem>>, %arg12: memref<8x128xi32, #tpu.memory_space<vmem>>, %arg13: memref<128x128xf32, #tpu.memory_space<vmem>>, %arg14: memref<128x128xf32, #tpu.memory_space<vmem>>, %arg15: memref<8x128xf32, #tpu.memory_space<vmem>>, %arg16: memref<8x128xf32, #tpu.memory_space<vmem>>, %arg17: memref<8x128xf32, #tpu.memory_space<vmem>>, %arg18: memref<5120xf32, #tpu.memory_space<vmem>>, %arg19: memref<81920xf32, #tpu.memory_space<vmem_shared>>, %arg20: memref<!tpu.dma_semaphore, #tpu.memory_space<semaphore_mem>>, %arg21: memref<!tpu.dma_semaphore, #tpu.memory_space<semaphore_mem>>) attributes {dimension_semantics = [#tpu.dimension_semantics<core_parallel>, #tpu.dimension_semantics<subcore_parallel>], iteration_bounds = array<i64: 2, 16>, scalar_prefetch = 0 : i64, scratch_operands = 12 : i64, tpu.core_type = #tpu.core_type<sc_vector_subcore>, window_params = [{transform_indices = #map}, {transform_indices = #map}, {transform_indices = #map1}, {transform_indices = #map1}, {transform_indices = #map2}, {transform_indices = #map2}, {transform_indices = #map2}, {transform_indices = #map1}]} {
    %mul3A = arith.constant 2 : i32
    %mul3A_0 = arith.muli %arg1, %mul3A : i32
    %add3A = arith.addi %mul3A_0, %arg0 : i32
    %scan3A = arith.constant 0 : i32
    %scan3A_1 = arith.constant 0 : i32
    %scan3A_2 = arith.constant 320 : i32
    %scan3A_3 = arith.addi %scan3A_1, %scan3A_2 : i32
    %scan3A_4 = arith.constant 1 : i32
    scf.for %scan3A_22 = %scan3A_1 to %scan3A_3 step %scan3A_4  : i32 {
      %broadcast_in_dim3A = arith.constant 0.000000e+00 : f32
      %broadcast_in_dim3A_23 = vector.broadcast %broadcast_in_dim3A : f32 to vector<16xf32>
      %mul3A_24 = arith.constant 16 : i32
      %mul3A_25 = arith.muli %scan3A_22, %mul3A_24 : i32
      %swap3A = arith.index_cast %mul3A_25 : i32 to index
      %swap3A_26 = tpu.vector_load %arg18[%swap3A] {strides = array<i32>} : memref<5120xf32, #tpu.memory_space<vmem>>, vector<16xf32>,
      tpu.vector_store %arg18[%swap3A], %broadcast_in_dim3A_23 {strides = array<i32>} : memref<5120xf32, #tpu.memory_space<vmem>>, vector<16xf32>,
    }
    %scan3A_5 = arith.constant 320 : i32
    %mul3A_6 = arith.constant 5120 : i32
    %mul3A_7 = arith.muli %arg1, %mul3A_6 : i32
    "tpu.region"() ({
      %run_scoped3A = tpu.sem_alloc : memref<!tpu.dma_semaphore, #tpu.memory_space<semaphore_mem>>
      %dma_start3A = tpu.memref_slice %arg19[%mul3A_7] : memref<81920xf32, #tpu.memory_space<vmem_shared>> -> memref<5120xf32, #tpu.memory_space<vmem_shared>>
      %dma_start3A_22 = tpu.memref_slice %arg19[%mul3A_7] : memref<81920xf32, #tpu.memory_space<vmem_shared>> -> memref<5120xf32, #tpu.memory_space<vmem_shared>>
      tpu.enqueue_dma source(%arg18 : memref<5120xf32, #tpu.memory_space<vmem>>) target(%dma_start3A_22 : memref<5120xf32, #tpu.memory_space<vmem_shared>>) target_semaphore(%run_scoped3A : memref<!tpu.dma_semaphore, #tpu.memory_space<semaphore_mem>>)
      %dma_wait3A = tpu.memref_slice %arg19[%mul3A_7] : memref<81920xf32, #tpu.memory_space<vmem_shared>> -> memref<5120xf32, #tpu.memory_space<vmem_shared>>
      %dma_wait3A_23 = tpu.memref_slice %arg19[%mul3A_7] : memref<81920xf32, #tpu.memory_space<vmem_shared>> -> memref<5120xf32, #tpu.memory_space<vmem_shared>>
      tpu.wait_dma2 semaphore(%run_scoped3A : memref<!tpu.dma_semaphore, #tpu.memory_space<semaphore_mem>>) src(%arg18 : memref<5120xf32, #tpu.memory_space<vmem>>) dst(%dma_wait3A_23 : memref<5120xf32, #tpu.memory_space<vmem_shared>>)
      tpu.yield
    }) : () -> ()
    %barrier3A = arith.constant 0 : index
    tpu.barrier barrier_id(%barrier3A)
    %scan3A_8 = arith.constant 0 : i32
    %scan3A_9 = arith.constant 0 : i32
    %scan3A_10 = arith.constant 80 : i32
    %scan3A_11 = arith.addi %scan3A_9, %scan3A_10 : i32
    %scan3A_12 = arith.constant 1 : i32
    scf.for %scan3A_22 = %scan3A_9 to %scan3A_11 step %scan3A_12  : i32 {
      %mul3A_23 = arith.constant 10240 : i32
      %mul3A_24 = arith.muli %add3A, %mul3A_23 : i32
      %mul3A_25 = arith.constant 128 : i32
      %mul3A_26 = arith.muli %scan3A_22, %mul3A_25 : i32
      %add3A_27 = arith.addi %mul3A_24, %mul3A_26 : i32
      "tpu.region"() ({
        %run_scoped3A_65 = tpu.sem_alloc : memref<!tpu.dma_semaphore, #tpu.memory_space<semaphore_mem>>
        %dma_start3A_66 = tpu.memref_slice %arg4[%add3A_27] : memref<327680xi32, #tpu.memory_space<hbm>> -> memref<128xi32, #tpu.memory_space<hbm>>
        %dma_start3A_67 = tpu.memref_slice %arg4[%add3A_27] : memref<327680xi32, #tpu.memory_space<hbm>> -> memref<128xi32, #tpu.memory_space<hbm>>
        tpu.enqueue_dma source(%dma_start3A_67 : memref<128xi32, #tpu.memory_space<hbm>>) target(%arg10 : memref<128xi32, #tpu.memory_space<vmem>>) target_semaphore(%run_scoped3A_65 : memref<!tpu.dma_semaphore, #tpu.memory_space<semaphore_mem>>)
        %dma_wait3A_68 = tpu.memref_slice %arg4[%add3A_27] : memref<327680xi32, #tpu.memory_space<hbm>> -> memref<128xi32, #tpu.memory_space<hbm>>
        %dma_wait3A_69 = tpu.memref_slice %arg4[%add3A_27] : memref<327680xi32, #tpu.memory_space<hbm>> -> memref<128xi32, #tpu.memory_space<hbm>>
        tpu.wait_dma2 semaphore(%run_scoped3A_65 : memref<!tpu.dma_semaphore, #tpu.memory_space<semaphore_mem>>) src(%dma_wait3A_69 : memref<128xi32, #tpu.memory_space<hbm>>) dst(%arg10 : memref<128xi32, #tpu.memory_space<vmem>>)
        tpu.yield
      }) : () -> ()
      "tpu.region"() ({
        %run_scoped3A_65 = tpu.sem_alloc : memref<!tpu.dma_semaphore, #tpu.memory_space<semaphore_mem>>
        %dma_start3A_66 = tpu.memref_slice %arg5[%add3A_27] : memref<327680xi32, #tpu.memory_space<hbm>> -> memref<128xi32, #tpu.memory_space<hbm>>
        %dma_start3A_67 = tpu.memref_slice %arg5[%add3A_27] : memref<327680xi32, #tpu.memory_space<hbm>> -> memref<128xi32, #tpu.memory_space<hbm>>
        tpu.enqueue_dma source(%dma_start3A_67 : memref<128xi32, #tpu.memory_space<hbm>>) target(%arg11 : memref<128xi32, #tpu.memory_space<vmem>>) target_semaphore(%run_scoped3A_65 : memref<!tpu.dma_semaphore, #tpu.memory_space<semaphore_mem>>)
        %dma_wait3A_68 = tpu.memref_slice %arg5[%add3A_27] : memref<327680xi32, #tpu.memory_space<hbm>> -> memref<128xi32, #tpu.memory_space<hbm>>
        %dma_wait3A_69 = tpu.memref_slice %arg5[%add3A_27] : memref<327680xi32, #tpu.memory_space<hbm>> -> memref<128xi32, #tpu.memory_space<hbm>>
        tpu.wait_dma2 semaphore(%run_scoped3A_65 : memref<!tpu.dma_semaphore, #tpu.memory_space<semaphore_mem>>) src(%dma_wait3A_69 : memref<128xi32, #tpu.memory_space<hbm>>) dst(%arg11 : memref<128xi32, #tpu.memory_space<vmem>>)
        tpu.yield
      }) : () -> ()
      "tpu.region"() ({
        %run_scoped3A_65 = tpu.sem_alloc : memref<!tpu.dma_semaphore, #tpu.memory_space<semaphore_mem>>
        %dma_start3A_66 = arith.constant 0 : i32
        %dma_start3A_67 = arith.constant 0 : i32
        %dma_start3A_68 = tpu.memref_slice %arg6[%add3A, %scan3A_22, %dma_start3A_66, %dma_start3A_67] : memref<32x80x8x128xf32, #tpu.memory_space<hbm>> -> memref<1x1x8x128xf32, #tpu.memory_space<hbm>>
        %dma_start3A_69 = tpu.memref_squeeze %dma_start3A_68 : memref<1x1x8x128xf32, #tpu.memory_space<hbm>> -> memref<8x128xf32, #tpu.memory_space<hbm>>
        %dma_start3A_70 = arith.constant 0 : i32
        %dma_start3A_71 = arith.constant 0 : i32
        %dma_start3A_72 = tpu.memref_slice %arg6[%add3A, %scan3A_22, %dma_start3A_70, %dma_start3A_71] : memref<32x80x8x128xf32, #tpu.memory_space<hbm>> -> memref<1x1x8x128xf32, #tpu.memory_space<hbm>>
        %dma_start3A_73 = tpu.memref_squeeze %dma_start3A_72 : memref<1x1x8x128xf32, #tpu.memory_space<hbm>> -> memref<8x128xf32, #tpu.memory_space<hbm>>
        tpu.enqueue_dma source(%dma_start3A_73 : memref<8x128xf32, #tpu.memory_space<hbm>>) target(%arg15 : memref<8x128xf32, #tpu.memory_space<vmem>>) target_semaphore(%run_scoped3A_65 : memref<!tpu.dma_semaphore, #tpu.memory_space<semaphore_mem>>)
        %dma_wait3A_74 = arith.constant 0 : i32
        %dma_wait3A_75 = arith.constant 0 : i32
        %dma_wait3A_76 = tpu.memref_slice %arg6[%add3A, %scan3A_22, %dma_wait3A_74, %dma_wait3A_75] : memref<32x80x8x128xf32, #tpu.memory_space<hbm>> -> memref<1x1x8x128xf32, #tpu.memory_space<hbm>>
        %dma_wait3A_77 = tpu.memref_squeeze %dma_wait3A_76 : memref<1x1x8x128xf32, #tpu.memory_space<hbm>> -> memref<8x128xf32, #tpu.memory_space<hbm>>
        %dma_wait3A_78 = arith.constant 0 : i32
        %dma_wait3A_79 = arith.constant 0 : i32
        %dma_wait3A_80 = tpu.memref_slice %arg6[%add3A, %scan3A_22, %dma_wait3A_78, %dma_wait3A_79] : memref<32x80x8x128xf32, #tpu.memory_space<hbm>> -> memref<1x1x8x128xf32, #tpu.memory_space<hbm>>
        %dma_wait3A_81 = tpu.memref_squeeze %dma_wait3A_80 : memref<1x1x8x128xf32, #tpu.memory_space<hbm>> -> memref<8x128xf32, #tpu.memory_space<hbm>>
        tpu.wait_dma2 semaphore(%run_scoped3A_65 : memref<!tpu.dma_semaphore, #tpu.memory_space<semaphore_mem>>) src(%dma_wait3A_81 : memref<8x128xf32, #tpu.memory_space<hbm>>) dst(%arg15 : memref<8x128xf32, #tpu.memory_space<vmem>>)
        tpu.yield
      }) : () -> ()
      "tpu.region"() ({
        %run_scoped3A_65 = tpu.sem_alloc : memref<!tpu.dma_semaphore, #tpu.memory_space<semaphore_mem>>
        %dma_start3A_66 = arith.constant 0 : i32
        %dma_start3A_67 = arith.constant 0 : i32
        %dma_start3A_68 = tpu.memref_slice %arg7[%add3A, %scan3A_22, %dma_start3A_66, %dma_start3A_67] : memref<32x80x8x128xf32, #tpu.memory_space<hbm>> -> memref<1x1x8x128xf32, #tpu.memory_space<hbm>>
        %dma_start3A_69 = tpu.memref_squeeze %dma_start3A_68 : memref<1x1x8x128xf32, #tpu.memory_space<hbm>> -> memref<8x128xf32, #tpu.memory_space<hbm>>
        %dma_start3A_70 = arith.constant 0 : i32
        %dma_start3A_71 = arith.constant 0 : i32
        %dma_start3A_72 = tpu.memref_slice %arg7[%add3A, %scan3A_22, %dma_start3A_70, %dma_start3A_71] : memref<32x80x8x128xf32, #tpu.memory_space<hbm>> -> memref<1x1x8x128xf32, #tpu.memory_space<hbm>>
        %dma_start3A_73 = tpu.memref_squeeze %dma_start3A_72 : memref<1x1x8x128xf32, #tpu.memory_space<hbm>> -> memref<8x128xf32, #tpu.memory_space<hbm>>
        tpu.enqueue_dma source(%dma_start3A_73 : memref<8x128xf32, #tpu.memory_space<hbm>>) target(%arg16 : memref<8x128xf32, #tpu.memory_space<vmem>>) target_semaphore(%run_scoped3A_65 : memref<!tpu.dma_semaphore, #tpu.memory_space<semaphore_mem>>)
        %dma_wait3A_74 = arith.constant 0 : i32
        %dma_wait3A_75 = arith.constant 0 : i32
        %dma_wait3A_76 = tpu.memref_slice %arg7[%add3A, %scan3A_22, %dma_wait3A_74, %dma_wait3A_75] : memref<32x80x8x128xf32, #tpu.memory_space<hbm>> -> memref<1x1x8x128xf32, #tpu.memory_space<hbm>>
        %dma_wait3A_77 = tpu.memref_squeeze %dma_wait3A_76 : memref<1x1x8x128xf32, #tpu.memory_space<hbm>> -> memref<8x128xf32, #tpu.memory_space<hbm>>
        %dma_wait3A_78 = arith.constant 0 : i32
        %dma_wait3A_79 = arith.constant 0 : i32
        %dma_wait3A_80 = tpu.memref_slice %arg7[%add3A, %scan3A_22, %dma_wait3A_78, %dma_wait3A_79] : memref<32x80x8x128xf32, #tpu.memory_space<hbm>> -> memref<1x1x8x128xf32, #tpu.memory_space<hbm>>
        %dma_wait3A_81 = tpu.memref_squeeze %dma_wait3A_80 : memref<1x1x8x128xf32, #tpu.memory_space<hbm>> -> memref<8x128xf32, #tpu.memory_space<hbm>>
        tpu.wait_dma2 semaphore(%run_scoped3A_65 : memref<!tpu.dma_semaphore, #tpu.memory_space<semaphore_mem>>) src(%dma_wait3A_81 : memref<8x128xf32, #tpu.memory_space<hbm>>) dst(%arg16 : memref<8x128xf32, #tpu.memory_space<vmem>>)
        tpu.yield
      }) : () -> ()
      %dma_start3A = arith.constant 0 : i32
      %dma_start3A_28 = arith.constant 0 : i32
      %dma_start3A_29 = tpu.memref_slice %arg2[%dma_start3A, %dma_start3A_28] : memref<10240x128xf32, #tpu.memory_space<hbm>> -> memref<10240x128xf32, #tpu.memory_space<hbm>>
      tpu.enqueue_indirect_dma source(%dma_start3A_29 : memref<10240x128xf32, #tpu.memory_space<hbm>>) target(%arg13 : memref<128x128xf32, #tpu.memory_space<vmem>>) offsets(%arg10 : memref<128xi32, #tpu.memory_space<vmem>>) semaphore(%arg20 : memref<!tpu.dma_semaphore, #tpu.memory_space<semaphore_mem>>)
      %dma_start3A_30 = arith.constant 0 : i32
      %dma_start3A_31 = arith.constant 0 : i32
      %dma_start3A_32 = tpu.memref_slice %arg3[%dma_start3A_30, %dma_start3A_31] : memref<10240x128xf32, #tpu.memory_space<hbm>> -> memref<10240x128xf32, #tpu.memory_space<hbm>>
      tpu.enqueue_indirect_dma source(%dma_start3A_32 : memref<10240x128xf32, #tpu.memory_space<hbm>>) target(%arg14 : memref<128x128xf32, #tpu.memory_space<vmem>>) offsets(%arg11 : memref<128xi32, #tpu.memory_space<vmem>>) semaphore(%arg21 : memref<!tpu.dma_semaphore, #tpu.memory_space<semaphore_mem>>)
      %scan3A_33 = arith.constant 0 : i32
      %scan3A_34 = arith.constant 0 : i32
      %scan3A_35 = arith.constant 8 : i32
      %scan3A_36 = arith.addi %scan3A_34, %scan3A_35 : i32
      %scan3A_37 = arith.constant 1 : i32
      scf.for %scan3A_65 = %scan3A_34 to %scan3A_36 step %scan3A_37  : i32 {
        %mul3A_66 = arith.constant 16 : i32
        %mul3A_67 = arith.muli %scan3A_65, %mul3A_66 : i32
        %get3A = arith.index_cast %mul3A_67 : i32 to index
        %get3A_68 = tpu.vector_load %arg11[%get3A] {strides = array<i32>} : memref<128xi32, #tpu.memory_space<vmem>>, vector<16xi32>,
        %mul3A_69 = arith.constant 8 : i32
        %mul3A_70 = vector.broadcast %mul3A_69 : i32 to vector<16xi32>
        %mul3A_71 = arith.muli %get3A_68, %mul3A_70 : vector<16xi32>
        %add3A_72 = arith.constant 0 : i32
        %add3A_73 = vector.broadcast %add3A_72 : i32 to vector<16xi32>
        %add3A_74 = arith.addi %mul3A_71, %add3A_73 : vector<16xi32>
        %mul3A_75 = arith.constant 16 : i32
        %mul3A_76 = arith.muli %scan3A_65, %mul3A_75 : i32
        %swap3A = arith.constant 0 : i32
        %swap3A_77 = arith.index_cast %swap3A : i32 to index
        %swap3A_78 = arith.index_cast %mul3A_76 : i32 to index
        %swap3A_79 = tpu.vector_load %arg12[%swap3A_77, %swap3A_78] {strides = array<i32>} : memref<8x128xi32, #tpu.memory_space<vmem>>, vector<16xi32>,
        tpu.vector_store %arg12[%swap3A_77, %swap3A_78], %add3A_74 {strides = array<i32>} : memref<8x128xi32, #tpu.memory_space<vmem>>, vector<16xi32>,
        %mul3A_80 = arith.constant 8 : i32
        %mul3A_81 = vector.broadcast %mul3A_80 : i32 to vector<16xi32>
        %mul3A_82 = arith.muli %get3A_68, %mul3A_81 : vector<16xi32>
        %add3A_83 = arith.constant 1 : i32
        %add3A_84 = vector.broadcast %add3A_83 : i32 to vector<16xi32>
        %add3A_85 = arith.addi %mul3A_82, %add3A_84 : vector<16xi32>
        %mul3A_86 = arith.constant 16 : i32
        %mul3A_87 = arith.muli %scan3A_65, %mul3A_86 : i32
        %swap3A_88 = arith.constant 1 : i32
        %swap3A_89 = arith.index_cast %swap3A_88 : i32 to index
        %swap3A_90 = arith.index_cast %mul3A_87 : i32 to index
        %swap3A_91 = tpu.vector_load %arg12[%swap3A_89, %swap3A_90] {strides = array<i32>} : memref<8x128xi32, #tpu.memory_space<vmem>>, vector<16xi32>,
        tpu.vector_store %arg12[%swap3A_89, %swap3A_90], %add3A_85 {strides = array<i32>} : memref<8x128xi32, #tpu.memory_space<vmem>>, vector<16xi32>,
        %mul3A_92 = arith.constant 8 : i32
        %mul3A_93 = vector.broadcast %mul3A_92 : i32 to vector<16xi32>
        %mul3A_94 = arith.muli %get3A_68, %mul3A_93 : vector<16xi32>
        %add3A_95 = arith.constant 2 : i32
        %add3A_96 = vector.broadcast %add3A_95 : i32 to vector<16xi32>
        %add3A_97 = arith.addi %mul3A_94, %add3A_96 : vector<16xi32>
        %mul3A_98 = arith.constant 16 : i32
        %mul3A_99 = arith.muli %scan3A_65, %mul3A_98 : i32
        %swap3A_100 = arith.constant 2 : i32
        %swap3A_101 = arith.index_cast %swap3A_100 : i32 to index
        %swap3A_102 = arith.index_cast %mul3A_99 : i32 to index
        %swap3A_103 = tpu.vector_load %arg12[%swap3A_101, %swap3A_102] {strides = array<i32>} : memref<8x128xi32, #tpu.memory_space<vmem>>, vector<16xi32>,
        tpu.vector_store %arg12[%swap3A_101, %swap3A_102], %add3A_97 {strides = array<i32>} : memref<8x128xi32, #tpu.memory_space<vmem>>, vector<16xi32>,
        %mul3A_104 = arith.constant 8 : i32
        %mul3A_105 = vector.broadcast %mul3A_104 : i32 to vector<16xi32>
        %mul3A_106 = arith.muli %get3A_68, %mul3A_105 : vector<16xi32>
        %add3A_107 = arith.constant 3 : i32
        %add3A_108 = vector.broadcast %add3A_107 : i32 to vector<16xi32>
        %add3A_109 = arith.addi %mul3A_106, %add3A_108 : vector<16xi32>
        %mul3A_110 = arith.constant 16 : i32
        %mul3A_111 = arith.muli %scan3A_65, %mul3A_110 : i32
        %swap3A_112 = arith.constant 3 : i32
        %swap3A_113 = arith.index_cast %swap3A_112 : i32 to index
        %swap3A_114 = arith.index_cast %mul3A_111 : i32 to index
        %swap3A_115 = tpu.vector_load %arg12[%swap3A_113, %swap3A_114] {strides = array<i32>} : memref<8x128xi32, #tpu.memory_space<vmem>>, vector<16xi32>,
        tpu.vector_store %arg12[%swap3A_113, %swap3A_114], %add3A_109 {strides = array<i32>} : memref<8x128xi32, #tpu.memory_space<vmem>>, vector<16xi32>,
        %mul3A_116 = arith.constant 8 : i32
        %mul3A_117 = vector.broadcast %mul3A_116 : i32 to vector<16xi32>
        %mul3A_118 = arith.muli %get3A_68, %mul3A_117 : vector<16xi32>
        %add3A_119 = arith.constant 4 : i32
        %add3A_120 = vector.broadcast %add3A_119 : i32 to vector<16xi32>
        %add3A_121 = arith.addi %mul3A_118, %add3A_120 : vector<16xi32>
        %mul3A_122 = arith.constant 16 : i32
        %mul3A_123 = arith.muli %scan3A_65, %mul3A_122 : i32
        %swap3A_124 = arith.constant 4 : i32
        %swap3A_125 = arith.index_cast %swap3A_124 : i32 to index
        %swap3A_126 = arith.index_cast %mul3A_123 : i32 to index
        %swap3A_127 = tpu.vector_load %arg12[%swap3A_125, %swap3A_126] {strides = array<i32>} : memref<8x128xi32, #tpu.memory_space<vmem>>, vector<16xi32>,
        tpu.vector_store %arg12[%swap3A_125, %swap3A_126], %add3A_121 {strides = array<i32>} : memref<8x128xi32, #tpu.memory_space<vmem>>, vector<16xi32>,
        %mul3A_128 = arith.constant 8 : i32
        %mul3A_129 = vector.broadcast %mul3A_128 : i32 to vector<16xi32>
        %mul3A_130 = arith.muli %get3A_68, %mul3A_129 : vector<16xi32>
        %add3A_131 = arith.constant 5 : i32
        %add3A_132 = vector.broadcast %add3A_131 : i32 to vector<16xi32>
        %add3A_133 = arith.addi %mul3A_130, %add3A_132 : vector<16xi32>
        %mul3A_134 = arith.constant 16 : i32
        %mul3A_135 = arith.muli %scan3A_65, %mul3A_134 : i32
        %swap3A_136 = arith.constant 5 : i32
        %swap3A_137 = arith.index_cast %swap3A_136 : i32 to index
        %swap3A_138 = arith.index_cast %mul3A_135 : i32 to index
        %swap3A_139 = tpu.vector_load %arg12[%swap3A_137, %swap3A_138] {strides = array<i32>} : memref<8x128xi32, #tpu.memory_space<vmem>>, vector<16xi32>,
        tpu.vector_store %arg12[%swap3A_137, %swap3A_138], %add3A_133 {strides = array<i32>} : memref<8x128xi32, #tpu.memory_space<vmem>>, vector<16xi32>,
        %mul3A_140 = arith.constant 8 : i32
        %mul3A_141 = vector.broadcast %mul3A_140 : i32 to vector<16xi32>
        %mul3A_142 = arith.muli %get3A_68, %mul3A_141 : vector<16xi32>
        %add3A_143 = arith.constant 6 : i32
        %add3A_144 = vector.broadcast %add3A_143 : i32 to vector<16xi32>
        %add3A_145 = arith.addi %mul3A_142, %add3A_144 : vector<16xi32>
        %mul3A_146 = arith.constant 16 : i32
        %mul3A_147 = arith.muli %scan3A_65, %mul3A_146 : i32
        %swap3A_148 = arith.constant 6 : i32
        %swap3A_149 = arith.index_cast %swap3A_148 : i32 to index
        %swap3A_150 = arith.index_cast %mul3A_147 : i32 to index
        %swap3A_151 = tpu.vector_load %arg12[%swap3A_149, %swap3A_150] {strides = array<i32>} : memref<8x128xi32, #tpu.memory_space<vmem>>, vector<16xi32>,
        tpu.vector_store %arg12[%swap3A_149, %swap3A_150], %add3A_145 {strides = array<i32>} : memref<8x128xi32, #tpu.memory_space<vmem>>, vector<16xi32>,
        %mul3A_152 = arith.constant 8 : i32
        %mul3A_153 = vector.broadcast %mul3A_152 : i32 to vector<16xi32>
        %mul3A_154 = arith.muli %get3A_68, %mul3A_153 : vector<16xi32>
        %add3A_155 = arith.constant 7 : i32
        %add3A_156 = vector.broadcast %add3A_155 : i32 to vector<16xi32>
        %add3A_157 = arith.addi %mul3A_154, %add3A_156 : vector<16xi32>
        %mul3A_158 = arith.constant 16 : i32
        %mul3A_159 = arith.muli %scan3A_65, %mul3A_158 : i32
        %swap3A_160 = arith.constant 7 : i32
        %swap3A_161 = arith.index_cast %swap3A_160 : i32 to index
        %swap3A_162 = arith.index_cast %mul3A_159 : i32 to index
        %swap3A_163 = tpu.vector_load %arg12[%swap3A_161, %swap3A_162] {strides = array<i32>} : memref<8x128xi32, #tpu.memory_space<vmem>>, vector<16xi32>,
        tpu.vector_store %arg12[%swap3A_161, %swap3A_162], %add3A_157 {strides = array<i32>} : memref<8x128xi32, #tpu.memory_space<vmem>>, vector<16xi32>,
      }
      %scan3A_38 = arith.constant 8 : i32
      %dma_wait3A = arith.constant 0 : i32
      %dma_wait3A_39 = arith.constant 0 : i32
      %dma_wait3A_40 = tpu.memref_slice %arg2[%dma_wait3A, %dma_wait3A_39] : memref<10240x128xf32, #tpu.memory_space<hbm>> -> memref<10240x128xf32, #tpu.memory_space<hbm>>
      tpu.wait_indirect_dma semaphore(%arg20 : memref<!tpu.dma_semaphore, #tpu.memory_space<semaphore_mem>>) src(%dma_wait3A_40 : memref<10240x128xf32, #tpu.memory_space<hbm>>) dst(%arg13 : memref<128x128xf32, #tpu.memory_space<vmem>>)
      %dma_wait3A_41 = arith.constant 0 : i32
      %dma_wait3A_42 = arith.constant 0 : i32
      %dma_wait3A_43 = tpu.memref_slice %arg3[%dma_wait3A_41, %dma_wait3A_42] : memref<10240x128xf32, #tpu.memory_space<hbm>> -> memref<10240x128xf32, #tpu.memory_space<hbm>>
      tpu.wait_indirect_dma semaphore(%arg21 : memref<!tpu.dma_semaphore, #tpu.memory_space<semaphore_mem>>) src(%dma_wait3A_43 : memref<10240x128xf32, #tpu.memory_space<hbm>>) dst(%arg14 : memref<128x128xf32, #tpu.memory_space<vmem>>)
      %scan3A_44 = arith.constant 0 : i32
      %scan3A_45 = arith.constant 0 : i32
      %scan3A_46 = arith.constant 8 : i32
      %scan3A_47 = arith.addi %scan3A_45, %scan3A_46 : i32
      %scan3A_48 = arith.constant 1 : i32
      scf.for %scan3A_65 = %scan3A_45 to %scan3A_47 step %scan3A_48  : i32 {
        %iota3A = tpu.iota {dimensions = array<i32: 0>} : vector<16xi32>
        %mul3A_66 = arith.constant 16 : i32
        %mul3A_67 = arith.muli %scan3A_65, %mul3A_66 : i32
        %add3A_68 = vector.broadcast %mul3A_67 : i32 to vector<16xi32>
        %add3A_69 = arith.addi %add3A_68, %iota3A : vector<16xi32>
        %broadcast_in_dim3A = arith.constant 0 : i32
        %broadcast_in_dim3A_70 = vector.broadcast %broadcast_in_dim3A : i32 to vector<16xi32>
        %gather3A = tpu.vector_load_idx %arg15[%broadcast_in_dim3A_70, %add3A_69] : memref<8x128xf32, #tpu.memory_space<vmem>>[vector<16xi32>, vector<16xi32>], vector<16xf32>,
        %gather3A_71 = tpu.vector_load_idx %arg16[%broadcast_in_dim3A_70, %add3A_69] : memref<8x128xf32, #tpu.memory_space<vmem>>[vector<16xi32>, vector<16xi32>], vector<16xf32>,
        %add3A_72 = arith.addf %gather3A, %gather3A_71 : vector<16xf32>
        %broadcast_in_dim3A_73 = arith.constant 0 : i32
        %broadcast_in_dim3A_74 = vector.broadcast %broadcast_in_dim3A_73 : i32 to vector<16xi32>
        %gather3A_75 = tpu.vector_load_idx %arg13[%add3A_69, %broadcast_in_dim3A_74] : memref<128x128xf32, #tpu.memory_space<vmem>>[vector<16xi32>, vector<16xi32>], vector<16xf32>,
        %gather3A_76 = tpu.vector_load_idx %arg14[%add3A_69, %broadcast_in_dim3A_74] : memref<128x128xf32, #tpu.memory_space<vmem>>[vector<16xi32>, vector<16xi32>], vector<16xf32>,
        %mul3A_77 = arith.mulf %gather3A_75, %gather3A_76 : vector<16xf32>
        %add3A_78 = arith.addf %add3A_72, %mul3A_77 : vector<16xf32>
        %broadcast_in_dim3A_79 = arith.constant 1 : i32
        %broadcast_in_dim3A_80 = vector.broadcast %broadcast_in_dim3A_79 : i32 to vector<16xi32>
        %gather3A_81 = tpu.vector_load_idx %arg13[%add3A_69, %broadcast_in_dim3A_80] : memref<128x128xf32, #tpu.memory_space<vmem>>[vector<16xi32>, vector<16xi32>], vector<16xf32>,
        %gather3A_82 = tpu.vector_load_idx %arg14[%add3A_69, %broadcast_in_dim3A_80] : memref<128x128xf32, #tpu.memory_space<vmem>>[vector<16xi32>, vector<16xi32>], vector<16xf32>,
        %mul3A_83 = arith.mulf %gather3A_81, %gather3A_82 : vector<16xf32>
        %add3A_84 = arith.addf %add3A_78, %mul3A_83 : vector<16xf32>
        %broadcast_in_dim3A_85 = arith.constant 2 : i32
        %broadcast_in_dim3A_86 = vector.broadcast %broadcast_in_dim3A_85 : i32 to vector<16xi32>
        %gather3A_87 = tpu.vector_load_idx %arg13[%add3A_69, %broadcast_in_dim3A_86] : memref<128x128xf32, #tpu.memory_space<vmem>>[vector<16xi32>, vector<16xi32>], vector<16xf32>,
        %gather3A_88 = tpu.vector_load_idx %arg14[%add3A_69, %broadcast_in_dim3A_86] : memref<128x128xf32, #tpu.memory_space<vmem>>[vector<16xi32>, vector<16xi32>], vector<16xf32>,
        %mul3A_89 = arith.mulf %gather3A_87, %gather3A_88 : vector<16xf32>
        %add3A_90 = arith.addf %add3A_84, %mul3A_89 : vector<16xf32>
        %broadcast_in_dim3A_91 = arith.constant 3 : i32
        %broadcast_in_dim3A_92 = vector.broadcast %broadcast_in_dim3A_91 : i32 to vector<16xi32>
        %gather3A_93 = tpu.vector_load_idx %arg13[%add3A_69, %broadcast_in_dim3A_92] : memref<128x128xf32, #tpu.memory_space<vmem>>[vector<16xi32>, vector<16xi32>], vector<16xf32>,
        %gather3A_94 = tpu.vector_load_idx %arg14[%add3A_69, %broadcast_in_dim3A_92] : memref<128x128xf32, #tpu.memory_space<vmem>>[vector<16xi32>, vector<16xi32>], vector<16xf32>,
        %mul3A_95 = arith.mulf %gather3A_93, %gather3A_94 : vector<16xf32>
        %add3A_96 = arith.addf %add3A_90, %mul3A_95 : vector<16xf32>
        %broadcast_in_dim3A_97 = arith.constant 4 : i32
        %broadcast_in_dim3A_98 = vector.broadcast %broadcast_in_dim3A_97 : i32 to vector<16xi32>
        %gather3A_99 = tpu.vector_load_idx %arg13[%add3A_69, %broadcast_in_dim3A_98] : memref<128x128xf32, #tpu.memory_space<vmem>>[vector<16xi32>, vector<16xi32>], vector<16xf32>,
        %gather3A_100 = tpu.vector_load_idx %arg14[%add3A_69, %broadcast_in_dim3A_98] : memref<128x128xf32, #tpu.memory_space<vmem>>[vector<16xi32>, vector<16xi32>], vector<16xf32>,
        %mul3A_101 = arith.mulf %gather3A_99, %gather3A_100 : vector<16xf32>
        %add3A_102 = arith.addf %add3A_96, %mul3A_101 : vector<16xf32>
        %broadcast_in_dim3A_103 = arith.constant 5 : i32
        %broadcast_in_dim3A_104 = vector.broadcast %broadcast_in_dim3A_103 : i32 to vector<16xi32>
        %gather3A_105 = tpu.vector_load_idx %arg13[%add3A_69, %broadcast_in_dim3A_104] : memref<128x128xf32, #tpu.memory_space<vmem>>[vector<16xi32>, vector<16xi32>], vector<16xf32>,
        %gather3A_106 = tpu.vector_load_idx %arg14[%add3A_69, %broadcast_in_dim3A_104] : memref<128x128xf32, #tpu.memory_space<vmem>>[vector<16xi32>, vector<16xi32>], vector<16xf32>,
        %mul3A_107 = arith.mulf %gather3A_105, %gather3A_106 : vector<16xf32>
        %add3A_108 = arith.addf %add3A_102, %mul3A_107 : vector<16xf32>
        %broadcast_in_dim3A_109 = arith.constant 6 : i32
        %broadcast_in_dim3A_110 = vector.broadcast %broadcast_in_dim3A_109 : i32 to vector<16xi32>
        %gather3A_111 = tpu.vector_load_idx %arg13[%add3A_69, %broadcast_in_dim3A_110] : memref<128x128xf32, #tpu.memory_space<vmem>>[vector<16xi32>, vector<16xi32>], vector<16xf32>,
        %gather3A_112 = tpu.vector_load_idx %arg14[%add3A_69, %broadcast_in_dim3A_110] : memref<128x128xf32, #tpu.memory_space<vmem>>[vector<16xi32>, vector<16xi32>], vector<16xf32>,
        %mul3A_113 = arith.mulf %gather3A_111, %gather3A_112 : vector<16xf32>
        %add3A_114 = arith.addf %add3A_108, %mul3A_113 : vector<16xf32>
        %broadcast_in_dim3A_115 = arith.constant 7 : i32
        %broadcast_in_dim3A_116 = vector.broadcast %broadcast_in_dim3A_115 : i32 to vector<16xi32>
        %gather3A_117 = tpu.vector_load_idx %arg13[%add3A_69, %broadcast_in_dim3A_116] : memref<128x128xf32, #tpu.memory_space<vmem>>[vector<16xi32>, vector<16xi32>], vector<16xf32>,
        %gather3A_118 = tpu.vector_load_idx %arg14[%add3A_69, %broadcast_in_dim3A_116] : memref<128x128xf32, #tpu.memory_space<vmem>>[vector<16xi32>, vector<16xi32>], vector<16xf32>,
        %mul3A_119 = arith.mulf %gather3A_117, %gather3A_118 : vector<16xf32>
        %add3A_120 = arith.addf %add3A_114, %mul3A_119 : vector<16xf32>
        %broadcast_in_dim3A_121 = arith.constant 8 : i32
        %broadcast_in_dim3A_122 = vector.broadcast %broadcast_in_dim3A_121 : i32 to vector<16xi32>
        %gather3A_123 = tpu.vector_load_idx %arg13[%add3A_69, %broadcast_in_dim3A_122] : memref<128x128xf32, #tpu.memory_space<vmem>>[vector<16xi32>, vector<16xi32>], vector<16xf32>,
        %gather3A_124 = tpu.vector_load_idx %arg14[%add3A_69, %broadcast_in_dim3A_122] : memref<128x128xf32, #tpu.memory_space<vmem>>[vector<16xi32>, vector<16xi32>], vector<16xf32>,
        %mul3A_125 = arith.mulf %gather3A_123, %gather3A_124 : vector<16xf32>
        %add3A_126 = arith.addf %add3A_120, %mul3A_125 : vector<16xf32>
        %broadcast_in_dim3A_127 = arith.constant 9 : i32
        %broadcast_in_dim3A_128 = vector.broadcast %broadcast_in_dim3A_127 : i32 to vector<16xi32>
        %gather3A_129 = tpu.vector_load_idx %arg13[%add3A_69, %broadcast_in_dim3A_128] : memref<128x128xf32, #tpu.memory_space<vmem>>[vector<16xi32>, vector<16xi32>], vector<16xf32>,
        %gather3A_130 = tpu.vector_load_idx %arg14[%add3A_69, %broadcast_in_dim3A_128] : memref<128x128xf32, #tpu.memory_space<vmem>>[vector<16xi32>, vector<16xi32>], vector<16xf32>,
        %mul3A_131 = arith.mulf %gather3A_129, %gather3A_130 : vector<16xf32>
        %add3A_132 = arith.addf %add3A_126, %mul3A_131 : vector<16xf32>
        %broadcast_in_dim3A_133 = arith.constant 10 : i32
        %broadcast_in_dim3A_134 = vector.broadcast %broadcast_in_dim3A_133 : i32 to vector<16xi32>
        %gather3A_135 = tpu.vector_load_idx %arg13[%add3A_69, %broadcast_in_dim3A_134] : memref<128x128xf32, #tpu.memory_space<vmem>>[vector<16xi32>, vector<16xi32>], vector<16xf32>,
        %gather3A_136 = tpu.vector_load_idx %arg14[%add3A_69, %broadcast_in_dim3A_134] : memref<128x128xf32, #tpu.memory_space<vmem>>[vector<16xi32>, vector<16xi32>], vector<16xf32>,
        %mul3A_137 = arith.mulf %gather3A_135, %gather3A_136 : vector<16xf32>
        %add3A_138 = arith.addf %add3A_132, %mul3A_137 : vector<16xf32>
        %broadcast_in_dim3A_139 = arith.constant 11 : i32
        %broadcast_in_dim3A_140 = vector.broadcast %broadcast_in_dim3A_139 : i32 to vector<16xi32>
        %gather3A_141 = tpu.vector_load_idx %arg13[%add3A_69, %broadcast_in_dim3A_140] : memref<128x128xf32, #tpu.memory_space<vmem>>[vector<16xi32>, vector<16xi32>], vector<16xf32>,
        %gather3A_142 = tpu.vector_load_idx %arg14[%add3A_69, %broadcast_in_dim3A_140] : memref<128x128xf32, #tpu.memory_space<vmem>>[vector<16xi32>, vector<16xi32>], vector<16xf32>,
        %mul3A_143 = arith.mulf %gather3A_141, %gather3A_142 : vector<16xf32>
        %add3A_144 = arith.addf %add3A_138, %mul3A_143 : vector<16xf32>
        %broadcast_in_dim3A_145 = arith.constant 12 : i32
        %broadcast_in_dim3A_146 = vector.broadcast %broadcast_in_dim3A_145 : i32 to vector<16xi32>
        %gather3A_147 = tpu.vector_load_idx %arg13[%add3A_69, %broadcast_in_dim3A_146] : memref<128x128xf32, #tpu.memory_space<vmem>>[vector<16xi32>, vector<16xi32>], vector<16xf32>,
        %gather3A_148 = tpu.vector_load_idx %arg14[%add3A_69, %broadcast_in_dim3A_146] : memref<128x128xf32, #tpu.memory_space<vmem>>[vector<16xi32>, vector<16xi32>], vector<16xf32>,
        %mul3A_149 = arith.mulf %gather3A_147, %gather3A_148 : vector<16xf32>
        %add3A_150 = arith.addf %add3A_144, %mul3A_149 : vector<16xf32>
        %broadcast_in_dim3A_151 = arith.constant 13 : i32
        %broadcast_in_dim3A_152 = vector.broadcast %broadcast_in_dim3A_151 : i32 to vector<16xi32>
        %gather3A_153 = tpu.vector_load_idx %arg13[%add3A_69, %broadcast_in_dim3A_152] : memref<128x128xf32, #tpu.memory_space<vmem>>[vector<16xi32>, vector<16xi32>], vector<16xf32>,
        %gather3A_154 = tpu.vector_load_idx %arg14[%add3A_69, %broadcast_in_dim3A_152] : memref<128x128xf32, #tpu.memory_space<vmem>>[vector<16xi32>, vector<16xi32>], vector<16xf32>,
        %mul3A_155 = arith.mulf %gather3A_153, %gather3A_154 : vector<16xf32>
        %add3A_156 = arith.addf %add3A_150, %mul3A_155 : vector<16xf32>
        %broadcast_in_dim3A_157 = arith.constant 14 : i32
        %broadcast_in_dim3A_158 = vector.broadcast %broadcast_in_dim3A_157 : i32 to vector<16xi32>
        %gather3A_159 = tpu.vector_load_idx %arg13[%add3A_69, %broadcast_in_dim3A_158] : memref<128x128xf32, #tpu.memory_space<vmem>>[vector<16xi32>, vector<16xi32>], vector<16xf32>,
        %gather3A_160 = tpu.vector_load_idx %arg14[%add3A_69, %broadcast_in_dim3A_158] : memref<128x128xf32, #tpu.memory_space<vmem>>[vector<16xi32>, vector<16xi32>], vector<16xf32>,
        %mul3A_161 = arith.mulf %gather3A_159, %gather3A_160 : vector<16xf32>
        %add3A_162 = arith.addf %add3A_156, %mul3A_161 : vector<16xf32>
        %broadcast_in_dim3A_163 = arith.constant 15 : i32
        %broadcast_in_dim3A_164 = vector.broadcast %broadcast_in_dim3A_163 : i32 to vector<16xi32>
        %gather3A_165 = tpu.vector_load_idx %arg13[%add3A_69, %broadcast_in_dim3A_164] : memref<128x128xf32, #tpu.memory_space<vmem>>[vector<16xi32>, vector<16xi32>], vector<16xf32>,
        %gather3A_166 = tpu.vector_load_idx %arg14[%add3A_69, %broadcast_in_dim3A_164] : memref<128x128xf32, #tpu.memory_space<vmem>>[vector<16xi32>, vector<16xi32>], vector<16xf32>,
        %mul3A_167 = arith.mulf %gather3A_165, %gather3A_166 : vector<16xf32>
        %add3A_168 = arith.addf %add3A_162, %mul3A_167 : vector<16xf32>
        %exp3A = math.exp %add3A_168 : vector<16xf32>
        tpu.vector_store_idx %arg17[%broadcast_in_dim3A_70, %add3A_69], %exp3A : memref<8x128xf32, #tpu.memory_space<vmem>>[vector<16xi32>, vector<16xi32>], vector<16xf32>,
        %broadcast_in_dim3A_169 = arith.constant 1 : i32
        %broadcast_in_dim3A_170 = vector.broadcast %broadcast_in_dim3A_169 : i32 to vector<16xi32>
        %gather3A_171 = tpu.vector_load_idx %arg15[%broadcast_in_dim3A_170, %add3A_69] : memref<8x128xf32, #tpu.memory_space<vmem>>[vector<16xi32>, vector<16xi32>], vector<16xf32>,
        %gather3A_172 = tpu.vector_load_idx %arg16[%broadcast_in_dim3A_170, %add3A_69] : memref<8x128xf32, #tpu.memory_space<vmem>>[vector<16xi32>, vector<16xi32>], vector<16xf32>,
        %add3A_173 = arith.addf %gather3A_171, %gather3A_172 : vector<16xf32>
        %broadcast_in_dim3A_174 = arith.constant 16 : i32
        %broadcast_in_dim3A_175 = vector.broadcast %broadcast_in_dim3A_174 : i32 to vector<16xi32>
        %gather3A_176 = tpu.vector_load_idx %arg13[%add3A_69, %broadcast_in_dim3A_175] : memref<128x128xf32, #tpu.memory_space<vmem>>[vector<16xi32>, vector<16xi32>], vector<16xf32>,
        %gather3A_177 = tpu.vector_load_idx %arg14[%add3A_69, %broadcast_in_dim3A_175] : memref<128x128xf32, #tpu.memory_space<vmem>>[vector<16xi32>, vector<16xi32>], vector<16xf32>,
        %mul3A_178 = arith.mulf %gather3A_176, %gather3A_177 : vector<16xf32>
        %add3A_179 = arith.addf %add3A_173, %mul3A_178 : vector<16xf32>
        %broadcast_in_dim3A_180 = arith.constant 17 : i32
        %broadcast_in_dim3A_181 = vector.broadcast %broadcast_in_dim3A_180 : i32 to vector<16xi32>
        %gather3A_182 = tpu.vector_load_idx %arg13[%add3A_69, %broadcast_in_dim3A_181] : memref<128x128xf32, #tpu.memory_space<vmem>>[vector<16xi32>, vector<16xi32>], vector<16xf32>,
        %gather3A_183 = tpu.vector_load_idx %arg14[%add3A_69, %broadcast_in_dim3A_181] : memref<128x128xf32, #tpu.memory_space<vmem>>[vector<16xi32>, vector<16xi32>], vector<16xf32>,
        %mul3A_184 = arith.mulf %gather3A_182, %gather3A_183 : vector<16xf32>
        %add3A_185 = arith.addf %add3A_179, %mul3A_184 : vector<16xf32>
        %broadcast_in_dim3A_186 = arith.constant 18 : i32
        %broadcast_in_dim3A_187 = vector.broadcast %broadcast_in_dim3A_186 : i32 to vector<16xi32>
        %gather3A_188 = tpu.vector_load_idx %arg13[%add3A_69, %broadcast_in_dim3A_187] : memref<128x128xf32, #tpu.memory_space<vmem>>[vector<16xi32>, vector<16xi32>], vector<16xf32>,
        %gather3A_189 = tpu.vector_load_idx %arg14[%add3A_69, %broadcast_in_dim3A_187] : memref<128x128xf32, #tpu.memory_space<vmem>>[vector<16xi32>, vector<16xi32>], vector<16xf32>,
        %mul3A_190 = arith.mulf %gather3A_188, %gather3A_189 : vector<16xf32>
        %add3A_191 = arith.addf %add3A_185, %mul3A_190 : vector<16xf32>
        %broadcast_in_dim3A_192 = arith.constant 19 : i32
        %broadcast_in_dim3A_193 = vector.broadcast %broadcast_in_dim3A_192 : i32 to vector<16xi32>
        %gather3A_194 = tpu.vector_load_idx %arg13[%add3A_69, %broadcast_in_dim3A_193] : memref<128x128xf32, #tpu.memory_space<vmem>>[vector<16xi32>, vector<16xi32>], vector<16xf32>,
        %gather3A_195 = tpu.vector_load_idx %arg14[%add3A_69, %broadcast_in_dim3A_193] : memref<128x128xf32, #tpu.memory_space<vmem>>[vector<16xi32>, vector<16xi32>], vector<16xf32>,
        %mul3A_196 = arith.mulf %gather3A_194, %gather3A_195 : vector<16xf32>
        %add3A_197 = arith.addf %add3A_191, %mul3A_196 : vector<16xf32>
        %broadcast_in_dim3A_198 = arith.constant 20 : i32
        %broadcast_in_dim3A_199 = vector.broadcast %broadcast_in_dim3A_198 : i32 to vector<16xi32>
        %gather3A_200 = tpu.vector_load_idx %arg13[%add3A_69, %broadcast_in_dim3A_199] : memref<128x128xf32, #tpu.memory_space<vmem>>[vector<16xi32>, vector<16xi32>], vector<16xf32>,
        %gather3A_201 = tpu.vector_load_idx %arg14[%add3A_69, %broadcast_in_dim3A_199] : memref<128x128xf32, #tpu.memory_space<vmem>>[vector<16xi32>, vector<16xi32>], vector<16xf32>,
        %mul3A_202 = arith.mulf %gather3A_200, %gather3A_201 : vector<16xf32>
        %add3A_203 = arith.addf %add3A_197, %mul3A_202 : vector<16xf32>
        %broadcast_in_dim3A_204 = arith.constant 21 : i32
        %broadcast_in_dim3A_205 = vector.broadcast %broadcast_in_dim3A_204 : i32 to vector<16xi32>
        %gather3A_206 = tpu.vector_load_idx %arg13[%add3A_69, %broadcast_in_dim3A_205] : memref<128x128xf32, #tpu.memory_space<vmem>>[vector<16xi32>, vector<16xi32>], vector<16xf32>,
        %gather3A_207 = tpu.vector_load_idx %arg14[%add3A_69, %broadcast_in_dim3A_205] : memref<128x128xf32, #tpu.memory_space<vmem>>[vector<16xi32>, vector<16xi32>], vector<16xf32>,
        %mul3A_208 = arith.mulf %gather3A_206, %gather3A_207 : vector<16xf32>
        %add3A_209 = arith.addf %add3A_203, %mul3A_208 : vector<16xf32>
        %broadcast_in_dim3A_210 = arith.constant 22 : i32
        %broadcast_in_dim3A_211 = vector.broadcast %broadcast_in_dim3A_210 : i32 to vector<16xi32>
        %gather3A_212 = tpu.vector_load_idx %arg13[%add3A_69, %broadcast_in_dim3A_211] : memref<128x128xf32, #tpu.memory_space<vmem>>[vector<16xi32>, vector<16xi32>], vector<16xf32>,
        %gather3A_213 = tpu.vector_load_idx %arg14[%add3A_69, %broadcast_in_dim3A_211] : memref<128x128xf32, #tpu.memory_space<vmem>>[vector<16xi32>, vector<16xi32>], vector<16xf32>,
        %mul3A_214 = arith.mulf %gather3A_212, %gather3A_213 : vector<16xf32>
        %add3A_215 = arith.addf %add3A_209, %mul3A_214 : vector<16xf32>
        %broadcast_in_dim3A_216 = arith.constant 23 : i32
        %broadcast_in_dim3A_217 = vector.broadcast %broadcast_in_dim3A_216 : i32 to vector<16xi32>
        %gather3A_218 = tpu.vector_load_idx %arg13[%add3A_69, %broadcast_in_dim3A_217] : memref<128x128xf32, #tpu.memory_space<vmem>>[vector<16xi32>, vector<16xi32>], vector<16xf32>,
        %gather3A_219 = tpu.vector_load_idx %arg14[%add3A_69, %broadcast_in_dim3A_217] : memref<128x128xf32, #tpu.memory_space<vmem>>[vector<16xi32>, vector<16xi32>], vector<16xf32>,
        %mul3A_220 = arith.mulf %gather3A_218, %gather3A_219 : vector<16xf32>
        %add3A_221 = arith.addf %add3A_215, %mul3A_220 : vector<16xf32>
        %broadcast_in_dim3A_222 = arith.constant 24 : i32
        %broadcast_in_dim3A_223 = vector.broadcast %broadcast_in_dim3A_222 : i32 to vector<16xi32>
        %gather3A_224 = tpu.vector_load_idx %arg13[%add3A_69, %broadcast_in_dim3A_223] : memref<128x128xf32, #tpu.memory_space<vmem>>[vector<16xi32>, vector<16xi32>], vector<16xf32>,
        %gather3A_225 = tpu.vector_load_idx %arg14[%add3A_69, %broadcast_in_dim3A_223] : memref<128x128xf32, #tpu.memory_space<vmem>>[vector<16xi32>, vector<16xi32>], vector<16xf32>,
        %mul3A_226 = arith.mulf %gather3A_224, %gather3A_225 : vector<16xf32>
        %add3A_227 = arith.addf %add3A_221, %mul3A_226 : vector<16xf32>
        %broadcast_in_dim3A_228 = arith.constant 25 : i32
        %broadcast_in_dim3A_229 = vector.broadcast %broadcast_in_dim3A_228 : i32 to vector<16xi32>
        %gather3A_230 = tpu.vector_load_idx %arg13[%add3A_69, %broadcast_in_dim3A_229] : memref<128x128xf32, #tpu.memory_space<vmem>>[vector<16xi32>, vector<16xi32>], vector<16xf32>,
        %gather3A_231 = tpu.vector_load_idx %arg14[%add3A_69, %broadcast_in_dim3A_229] : memref<128x128xf32, #tpu.memory_space<vmem>>[vector<16xi32>, vector<16xi32>], vector<16xf32>,
        %mul3A_232 = arith.mulf %gather3A_230, %gather3A_231 : vector<16xf32>
        %add3A_233 = arith.addf %add3A_227, %mul3A_232 : vector<16xf32>
        %broadcast_in_dim3A_234 = arith.constant 26 : i32
        %broadcast_in_dim3A_235 = vector.broadcast %broadcast_in_dim3A_234 : i32 to vector<16xi32>
        %gather3A_236 = tpu.vector_load_idx %arg13[%add3A_69, %broadcast_in_dim3A_235] : memref<128x128xf32, #tpu.memory_space<vmem>>[vector<16xi32>, vector<16xi32>], vector<16xf32>,
        %gather3A_237 = tpu.vector_load_idx %arg14[%add3A_69, %broadcast_in_dim3A_235] : memref<128x128xf32, #tpu.memory_space<vmem>>[vector<16xi32>, vector<16xi32>], vector<16xf32>,
        %mul3A_238 = arith.mulf %gather3A_236, %gather3A_237 : vector<16xf32>
        %add3A_239 = arith.addf %add3A_233, %mul3A_238 : vector<16xf32>
        %broadcast_in_dim3A_240 = arith.constant 27 : i32
        %broadcast_in_dim3A_241 = vector.broadcast %broadcast_in_dim3A_240 : i32 to vector<16xi32>
        %gather3A_242 = tpu.vector_load_idx %arg13[%add3A_69, %broadcast_in_dim3A_241] : memref<128x128xf32, #tpu.memory_space<vmem>>[vector<16xi32>, vector<16xi32>], vector<16xf32>,
        %gather3A_243 = tpu.vector_load_idx %arg14[%add3A_69, %broadcast_in_dim3A_241] : memref<128x128xf32, #tpu.memory_space<vmem>>[vector<16xi32>, vector<16xi32>], vector<16xf32>,
        %mul3A_244 = arith.mulf %gather3A_242, %gather3A_243 : vector<16xf32>
        %add3A_245 = arith.addf %add3A_239, %mul3A_244 : vector<16xf32>
        %broadcast_in_dim3A_246 = arith.constant 28 : i32
        %broadcast_in_dim3A_247 = vector.broadcast %broadcast_in_dim3A_246 : i32 to vector<16xi32>
        %gather3A_248 = tpu.vector_load_idx %arg13[%add3A_69, %broadcast_in_dim3A_247] : memref<128x128xf32, #tpu.memory_space<vmem>>[vector<16xi32>, vector<16xi32>], vector<16xf32>,
        %gather3A_249 = tpu.vector_load_idx %arg14[%add3A_69, %broadcast_in_dim3A_247] : memref<128x128xf32, #tpu.memory_space<vmem>>[vector<16xi32>, vector<16xi32>], vector<16xf32>,
        %mul3A_250 = arith.mulf %gather3A_248, %gather3A_249 : vector<16xf32>
        %add3A_251 = arith.addf %add3A_245, %mul3A_250 : vector<16xf32>
        %broadcast_in_dim3A_252 = arith.constant 29 : i32
        %broadcast_in_dim3A_253 = vector.broadcast %broadcast_in_dim3A_252 : i32 to vector<16xi32>
        %gather3A_254 = tpu.vector_load_idx %arg13[%add3A_69, %broadcast_in_dim3A_253] : memref<128x128xf32, #tpu.memory_space<vmem>>[vector<16xi32>, vector<16xi32>], vector<16xf32>,
        %gather3A_255 = tpu.vector_load_idx %arg14[%add3A_69, %broadcast_in_dim3A_253] : memref<128x128xf32, #tpu.memory_space<vmem>>[vector<16xi32>, vector<16xi32>], vector<16xf32>,
        %mul3A_256 = arith.mulf %gather3A_254, %gather3A_255 : vector<16xf32>
        %add3A_257 = arith.addf %add3A_251, %mul3A_256 : vector<16xf32>
        %broadcast_in_dim3A_258 = arith.constant 30 : i32
        %broadcast_in_dim3A_259 = vector.broadcast %broadcast_in_dim3A_258 : i32 to vector<16xi32>
        %gather3A_260 = tpu.vector_load_idx %arg13[%add3A_69, %broadcast_in_dim3A_259] : memref<128x128xf32, #tpu.memory_space<vmem>>[vector<16xi32>, vector<16xi32>], vector<16xf32>,
        %gather3A_261 = tpu.vector_load_idx %arg14[%add3A_69, %broadcast_in_dim3A_259] : memref<128x128xf32, #tpu.memory_space<vmem>>[vector<16xi32>, vector<16xi32>], vector<16xf32>,
        %mul3A_262 = arith.mulf %gather3A_260, %gather3A_261 : vector<16xf32>
        %add3A_263 = arith.addf %add3A_257, %mul3A_262 : vector<16xf32>
        %broadcast_in_dim3A_264 = arith.constant 31 : i32
        %broadcast_in_dim3A_265 = vector.broadcast %broadcast_in_dim3A_264 : i32 to vector<16xi32>
        %gather3A_266 = tpu.vector_load_idx %arg13[%add3A_69, %broadcast_in_dim3A_265] : memref<128x128xf32, #tpu.memory_space<vmem>>[vector<16xi32>, vector<16xi32>], vector<16xf32>,
        %gather3A_267 = tpu.vector_load_idx %arg14[%add3A_69, %broadcast_in_dim3A_265] : memref<128x128xf32, #tpu.memory_space<vmem>>[vector<16xi32>, vector<16xi32>], vector<16xf32>,
        %mul3A_268 = arith.mulf %gather3A_266, %gather3A_267 : vector<16xf32>
        %add3A_269 = arith.addf %add3A_263, %mul3A_268 : vector<16xf32>
        %exp3A_270 = math.exp %add3A_269 : vector<16xf32>
        tpu.vector_store_idx %arg17[%broadcast_in_dim3A_170, %add3A_69], %exp3A_270 : memref<8x128xf32, #tpu.memory_space<vmem>>[vector<16xi32>, vector<16xi32>], vector<16xf32>,
        %broadcast_in_dim3A_271 = arith.constant 2 : i32
        %broadcast_in_dim3A_272 = vector.broadcast %broadcast_in_dim3A_271 : i32 to vector<16xi32>
        %gather3A_273 = tpu.vector_load_idx %arg15[%broadcast_in_dim3A_272, %add3A_69] : memref<8x128xf32, #tpu.memory_space<vmem>>[vector<16xi32>, vector<16xi32>], vector<16xf32>,
        %gather3A_274 = tpu.vector_load_idx %arg16[%broadcast_in_dim3A_272, %add3A_69] : memref<8x128xf32, #tpu.memory_space<vmem>>[vector<16xi32>, vector<16xi32>], vector<16xf32>,
        %add3A_275 = arith.addf %gather3A_273, %gather3A_274 : vector<16xf32>
        %broadcast_in_dim3A_276 = arith.constant 32 : i32
        %broadcast_in_dim3A_277 = vector.broadcast %broadcast_in_dim3A_276 : i32 to vector<16xi32>
        %gather3A_278 = tpu.vector_load_idx %arg13[%add3A_69, %broadcast_in_dim3A_277] : memref<128x128xf32, #tpu.memory_space<vmem>>[vector<16xi32>, vector<16xi32>], vector<16xf32>,
        %gather3A_279 = tpu.vector_load_idx %arg14[%add3A_69, %broadcast_in_dim3A_277] : memref<128x128xf32, #tpu.memory_space<vmem>>[vector<16xi32>, vector<16xi32>], vector<16xf32>,
        %mul3A_280 = arith.mulf %gather3A_278, %gather3A_279 : vector<16xf32>
        %add3A_281 = arith.addf %add3A_275, %mul3A_280 : vector<16xf32>
        %broadcast_in_dim3A_282 = arith.constant 33 : i32
        %broadcast_in_dim3A_283 = vector.broadcast %broadcast_in_dim3A_282 : i32 to vector<16xi32>
        %gather3A_284 = tpu.vector_load_idx %arg13[%add3A_69, %broadcast_in_dim3A_283] : memref<128x128xf32, #tpu.memory_space<vmem>>[vector<16xi32>, vector<16xi32>], vector<16xf32>,
        %gather3A_285 = tpu.vector_load_idx %arg14[%add3A_69, %broadcast_in_dim3A_283] : memref<128x128xf32, #tpu.memory_space<vmem>>[vector<16xi32>, vector<16xi32>], vector<16xf32>,
        %mul3A_286 = arith.mulf %gather3A_284, %gather3A_285 : vector<16xf32>
        %add3A_287 = arith.addf %add3A_281, %mul3A_286 : vector<16xf32>
        %broadcast_in_dim3A_288 = arith.constant 34 : i32
        %broadcast_in_dim3A_289 = vector.broadcast %broadcast_in_dim3A_288 : i32 to vector<16xi32>
        %gather3A_290 = tpu.vector_load_idx %arg13[%add3A_69, %broadcast_in_dim3A_289] : memref<128x128xf32, #tpu.memory_space<vmem>>[vector<16xi32>, vector<16xi32>], vector<16xf32>,
        %gather3A_291 = tpu.vector_load_idx %arg14[%add3A_69, %broadcast_in_dim3A_289] : memref<128x128xf32, #tpu.memory_space<vmem>>[vector<16xi32>, vector<16xi32>], vector<16xf32>,
        %mul3A_292 = arith.mulf %gather3A_290, %gather3A_291 : vector<16xf32>
        %add3A_293 = arith.addf %add3A_287, %mul3A_292 : vector<16xf32>
        %broadcast_in_dim3A_294 = arith.constant 35 : i32
        %broadcast_in_dim3A_295 = vector.broadcast %broadcast_in_dim3A_294 : i32 to vector<16xi32>
        %gather3A_296 = tpu.vector_load_idx %arg13[%add3A_69, %broadcast_in_dim3A_295] : memref<128x128xf32, #tpu.memory_space<vmem>>[vector<16xi32>, vector<16xi32>], vector<16xf32>,
        %gather3A_297 = tpu.vector_load_idx %arg14[%add3A_69, %broadcast_in_dim3A_295] : memref<128x128xf32, #tpu.memory_space<vmem>>[vector<16xi32>, vector<16xi32>], vector<16xf32>,
        %mul3A_298 = arith.mulf %gather3A_296, %gather3A_297 : vector<16xf32>
        %add3A_299 = arith.addf %add3A_293, %mul3A_298 : vector<16xf32>
        %broadcast_in_dim3A_300 = arith.constant 36 : i32
        %broadcast_in_dim3A_301 = vector.broadcast %broadcast_in_dim3A_300 : i32 to vector<16xi32>
        %gather3A_302 = tpu.vector_load_idx %arg13[%add3A_69, %broadcast_in_dim3A_301] : memref<128x128xf32, #tpu.memory_space<vmem>>[vector<16xi32>, vector<16xi32>], vector<16xf32>,
        %gather3A_303 = tpu.vector_load_idx %arg14[%add3A_69, %broadcast_in_dim3A_301] : memref<128x128xf32, #tpu.memory_space<vmem>>[vector<16xi32>, vector<16xi32>], vector<16xf32>,
        %mul3A_304 = arith.mulf %gather3A_302, %gather3A_303 : vector<16xf32>
        %add3A_305 = arith.addf %add3A_299, %mul3A_304 : vector<16xf32>
        %broadcast_in_dim3A_306 = arith.constant 37 : i32
        %broadcast_in_dim3A_307 = vector.broadcast %broadcast_in_dim3A_306 : i32 to vector<16xi32>
        %gather3A_308 = tpu.vector_load_idx %arg13[%add3A_69, %broadcast_in_dim3A_307] : memref<128x128xf32, #tpu.memory_space<vmem>>[vector<16xi32>, vector<16xi32>], vector<16xf32>,
        %gather3A_309 = tpu.vector_load_idx %arg14[%add3A_69, %broadcast_in_dim3A_307] : memref<128x128xf32, #tpu.memory_space<vmem>>[vector<16xi32>, vector<16xi32>], vector<16xf32>,
        %mul3A_310 = arith.mulf %gather3A_308, %gather3A_309 : vector<16xf32>
        %add3A_311 = arith.addf %add3A_305, %mul3A_310 : vector<16xf32>
        %broadcast_in_dim3A_312 = arith.constant 38 : i32
        %broadcast_in_dim3A_313 = vector.broadcast %broadcast_in_dim3A_312 : i32 to vector<16xi32>
        %gather3A_314 = tpu.vector_load_idx %arg13[%add3A_69, %broadcast_in_dim3A_313] : memref<128x128xf32, #tpu.memory_space<vmem>>[vector<16xi32>, vector<16xi32>], vector<16xf32>,
        %gather3A_315 = tpu.vector_load_idx %arg14[%add3A_69, %broadcast_in_dim3A_313] : memref<128x128xf32, #tpu.memory_space<vmem>>[vector<16xi32>, vector<16xi32>], vector<16xf32>,
        %mul3A_316 = arith.mulf %gather3A_314, %gather3A_315 : vector<16xf32>
        %add3A_317 = arith.addf %add3A_311, %mul3A_316 : vector<16xf32>
        %broadcast_in_dim3A_318 = arith.constant 39 : i32
        %broadcast_in_dim3A_319 = vector.broadcast %broadcast_in_dim3A_318 : i32 to vector<16xi32>
        %gather3A_320 = tpu.vector_load_idx %arg13[%add3A_69, %broadcast_in_dim3A_319] : memref<128x128xf32, #tpu.memory_space<vmem>>[vector<16xi32>, vector<16xi32>], vector<16xf32>,
        %gather3A_321 = tpu.vector_load_idx %arg14[%add3A_69, %broadcast_in_dim3A_319] : memref<128x128xf32, #tpu.memory_space<vmem>>[vector<16xi32>, vector<16xi32>], vector<16xf32>,
        %mul3A_322 = arith.mulf %gather3A_320, %gather3A_321 : vector<16xf32>
        %add3A_323 = arith.addf %add3A_317, %mul3A_322 : vector<16xf32>
        %broadcast_in_dim3A_324 = arith.constant 40 : i32
        %broadcast_in_dim3A_325 = vector.broadcast %broadcast_in_dim3A_324 : i32 to vector<16xi32>
        %gather3A_326 = tpu.vector_load_idx %arg13[%add3A_69, %broadcast_in_dim3A_325] : memref<128x128xf32, #tpu.memory_space<vmem>>[vector<16xi32>, vector<16xi32>], vector<16xf32>,
        %gather3A_327 = tpu.vector_load_idx %arg14[%add3A_69, %broadcast_in_dim3A_325] : memref<128x128xf32, #tpu.memory_space<vmem>>[vector<16xi32>, vector<16xi32>], vector<16xf32>,
        %mul3A_328 = arith.mulf %gather3A_326, %gather3A_327 : vector<16xf32>
        %add3A_329 = arith.addf %add3A_323, %mul3A_328 : vector<16xf32>
        %broadcast_in_dim3A_330 = arith.constant 41 : i32
        %broadcast_in_dim3A_331 = vector.broadcast %broadcast_in_dim3A_330 : i32 to vector<16xi32>
        %gather3A_332 = tpu.vector_load_idx %arg13[%add3A_69, %broadcast_in_dim3A_331] : memref<128x128xf32, #tpu.memory_space<vmem>>[vector<16xi32>, vector<16xi32>], vector<16xf32>,
        %gather3A_333 = tpu.vector_load_idx %arg14[%add3A_69, %broadcast_in_dim3A_331] : memref<128x128xf32, #tpu.memory_space<vmem>>[vector<16xi32>, vector<16xi32>], vector<16xf32>,
        %mul3A_334 = arith.mulf %gather3A_332, %gather3A_333 : vector<16xf32>
        %add3A_335 = arith.addf %add3A_329, %mul3A_334 : vector<16xf32>
        %broadcast_in_dim3A_336 = arith.constant 42 : i32
        %broadcast_in_dim3A_337 = vector.broadcast %broadcast_in_dim3A_336 : i32 to vector<16xi32>
        %gather3A_338 = tpu.vector_load_idx %arg13[%add3A_69, %broadcast_in_dim3A_337] : memref<128x128xf32, #tpu.memory_space<vmem>>[vector<16xi32>, vector<16xi32>], vector<16xf32>,
        %gather3A_339 = tpu.vector_load_idx %arg14[%add3A_69, %broadcast_in_dim3A_337] : memref<128x128xf32, #tpu.memory_space<vmem>>[vector<16xi32>, vector<16xi32>], vector<16xf32>,
        %mul3A_340 = arith.mulf %gather3A_338, %gather3A_339 : vector<16xf32>
        %add3A_341 = arith.addf %add3A_335, %mul3A_340 : vector<16xf32>
        %broadcast_in_dim3A_342 = arith.constant 43 : i32
        %broadcast_in_dim3A_343 = vector.broadcast %broadcast_in_dim3A_342 : i32 to vector<16xi32>
        %gather3A_344 = tpu.vector_load_idx %arg13[%add3A_69, %broadcast_in_dim3A_343] : memref<128x128xf32, #tpu.memory_space<vmem>>[vector<16xi32>, vector<16xi32>], vector<16xf32>,
        %gather3A_345 = tpu.vector_load_idx %arg14[%add3A_69, %broadcast_in_dim3A_343] : memref<128x128xf32, #tpu.memory_space<vmem>>[vector<16xi32>, vector<16xi32>], vector<16xf32>,
        %mul3A_346 = arith.mulf %gather3A_344, %gather3A_345 : vector<16xf32>
        %add3A_347 = arith.addf %add3A_341, %mul3A_346 : vector<16xf32>
        %broadcast_in_dim3A_348 = arith.constant 44 : i32
        %broadcast_in_dim3A_349 = vector.broadcast %broadcast_in_dim3A_348 : i32 to vector<16xi32>
        %gather3A_350 = tpu.vector_load_idx %arg13[%add3A_69, %broadcast_in_dim3A_349] : memref<128x128xf32, #tpu.memory_space<vmem>>[vector<16xi32>, vector<16xi32>], vector<16xf32>,
        %gather3A_351 = tpu.vector_load_idx %arg14[%add3A_69, %broadcast_in_dim3A_349] : memref<128x128xf32, #tpu.memory_space<vmem>>[vector<16xi32>, vector<16xi32>], vector<16xf32>,
        %mul3A_352 = arith.mulf %gather3A_350, %gather3A_351 : vector<16xf32>
        %add3A_353 = arith.addf %add3A_347, %mul3A_352 : vector<16xf32>
        %broadcast_in_dim3A_354 = arith.constant 45 : i32
        %broadcast_in_dim3A_355 = vector.broadcast %broadcast_in_dim3A_354 : i32 to vector<16xi32>
        %gather3A_356 = tpu.vector_load_idx %arg13[%add3A_69, %broadcast_in_dim3A_355] : memref<128x128xf32, #tpu.memory_space<vmem>>[vector<16xi32>, vector<16xi32>], vector<16xf32>,
        %gather3A_357 = tpu.vector_load_idx %arg14[%add3A_69, %broadcast_in_dim3A_355] : memref<128x128xf32, #tpu.memory_space<vmem>>[vector<16xi32>, vector<16xi32>], vector<16xf32>,
        %mul3A_358 = arith.mulf %gather3A_356, %gather3A_357 : vector<16xf32>
        %add3A_359 = arith.addf %add3A_353, %mul3A_358 : vector<16xf32>
        %broadcast_in_dim3A_360 = arith.constant 46 : i32
        %broadcast_in_dim3A_361 = vector.broadcast %broadcast_in_dim3A_360 : i32 to vector<16xi32>
        %gather3A_362 = tpu.vector_load_idx %arg13[%add3A_69, %broadcast_in_dim3A_361] : memref<128x128xf32, #tpu.memory_space<vmem>>[vector<16xi32>, vector<16xi32>], vector<16xf32>,
        %gather3A_363 = tpu.vector_load_idx %arg14[%add3A_69, %broadcast_in_dim3A_361] : memref<128x128xf32, #tpu.memory_space<vmem>>[vector<16xi32>, vector<16xi32>], vector<16xf32>,
        %mul3A_364 = arith.mulf %gather3A_362, %gather3A_363 : vector<16xf32>
        %add3A_365 = arith.addf %add3A_359, %mul3A_364 : vector<16xf32>
        %broadcast_in_dim3A_366 = arith.constant 47 : i32
        %broadcast_in_dim3A_367 = vector.broadcast %broadcast_in_dim3A_366 : i32 to vector<16xi32>
        %gather3A_368 = tpu.vector_load_idx %arg13[%add3A_69, %broadcast_in_dim3A_367] : memref<128x128xf32, #tpu.memory_space<vmem>>[vector<16xi32>, vector<16xi32>], vector<16xf32>,
        %gather3A_369 = tpu.vector_load_idx %arg14[%add3A_69, %broadcast_in_dim3A_367] : memref<128x128xf32, #tpu.memory_space<vmem>>[vector<16xi32>, vector<16xi32>], vector<16xf32>,
        %mul3A_370 = arith.mulf %gather3A_368, %gather3A_369 : vector<16xf32>
        %add3A_371 = arith.addf %add3A_365, %mul3A_370 : vector<16xf32>
        %exp3A_372 = math.exp %add3A_371 : vector<16xf32>
        tpu.vector_store_idx %arg17[%broadcast_in_dim3A_272, %add3A_69], %exp3A_372 : memref<8x128xf32, #tpu.memory_space<vmem>>[vector<16xi32>, vector<16xi32>], vector<16xf32>,
        %broadcast_in_dim3A_373 = arith.constant 3 : i32
        %broadcast_in_dim3A_374 = vector.broadcast %broadcast_in_dim3A_373 : i32 to vector<16xi32>
        %gather3A_375 = tpu.vector_load_idx %arg15[%broadcast_in_dim3A_374, %add3A_69] : memref<8x128xf32, #tpu.memory_space<vmem>>[vector<16xi32>, vector<16xi32>], vector<16xf32>,
        %gather3A_376 = tpu.vector_load_idx %arg16[%broadcast_in_dim3A_374, %add3A_69] : memref<8x128xf32, #tpu.memory_space<vmem>>[vector<16xi32>, vector<16xi32>], vector<16xf32>,
        %add3A_377 = arith.addf %gather3A_375, %gather3A_376 : vector<16xf32>
        %broadcast_in_dim3A_378 = arith.constant 48 : i32
        %broadcast_in_dim3A_379 = vector.broadcast %broadcast_in_dim3A_378 : i32 to vector<16xi32>
        %gather3A_380 = tpu.vector_load_idx %arg13[%add3A_69, %broadcast_in_dim3A_379] : memref<128x128xf32, #tpu.memory_space<vmem>>[vector<16xi32>, vector<16xi32>], vector<16xf32>,
        %gather3A_381 = tpu.vector_load_idx %arg14[%add3A_69, %broadcast_in_dim3A_379] : memref<128x128xf32, #tpu.memory_space<vmem>>[vector<16xi32>, vector<16xi32>], vector<16xf32>,
        %mul3A_382 = arith.mulf %gather3A_380, %gather3A_381 : vector<16xf32>
        %add3A_383 = arith.addf %add3A_377, %mul3A_382 : vector<16xf32>
        %broadcast_in_dim3A_384 = arith.constant 49 : i32
        %broadcast_in_dim3A_385 = vector.broadcast %broadcast_in_dim3A_384 : i32 to vector<16xi32>
        %gather3A_386 = tpu.vector_load_idx %arg13[%add3A_69, %broadcast_in_dim3A_385] : memref<128x128xf32, #tpu.memory_space<vmem>>[vector<16xi32>, vector<16xi32>], vector<16xf32>,
        %gather3A_387 = tpu.vector_load_idx %arg14[%add3A_69, %broadcast_in_dim3A_385] : memref<128x128xf32, #tpu.memory_space<vmem>>[vector<16xi32>, vector<16xi32>], vector<16xf32>,
        %mul3A_388 = arith.mulf %gather3A_386, %gather3A_387 : vector<16xf32>
        %add3A_389 = arith.addf %add3A_383, %mul3A_388 : vector<16xf32>
        %broadcast_in_dim3A_390 = arith.constant 50 : i32
        %broadcast_in_dim3A_391 = vector.broadcast %broadcast_in_dim3A_390 : i32 to vector<16xi32>
        %gather3A_392 = tpu.vector_load_idx %arg13[%add3A_69, %broadcast_in_dim3A_391] : memref<128x128xf32, #tpu.memory_space<vmem>>[vector<16xi32>, vector<16xi32>], vector<16xf32>,
        %gather3A_393 = tpu.vector_load_idx %arg14[%add3A_69, %broadcast_in_dim3A_391] : memref<128x128xf32, #tpu.memory_space<vmem>>[vector<16xi32>, vector<16xi32>], vector<16xf32>,
        %mul3A_394 = arith.mulf %gather3A_392, %gather3A_393 : vector<16xf32>
        %add3A_395 = arith.addf %add3A_389, %mul3A_394 : vector<16xf32>
        %broadcast_in_dim3A_396 = arith.constant 51 : i32
        %broadcast_in_dim3A_397 = vector.broadcast %broadcast_in_dim3A_396 : i32 to vector<16xi32>
        %gather3A_398 = tpu.vector_load_idx %arg13[%add3A_69, %broadcast_in_dim3A_397] : memref<128x128xf32, #tpu.memory_space<vmem>>[vector<16xi32>, vector<16xi32>], vector<16xf32>,
        %gather3A_399 = tpu.vector_load_idx %arg14[%add3A_69, %broadcast_in_dim3A_397] : memref<128x128xf32, #tpu.memory_space<vmem>>[vector<16xi32>, vector<16xi32>], vector<16xf32>,
        %mul3A_400 = arith.mulf %gather3A_398, %gather3A_399 : vector<16xf32>
        %add3A_401 = arith.addf %add3A_395, %mul3A_400 : vector<16xf32>
        %broadcast_in_dim3A_402 = arith.constant 52 : i32
        %broadcast_in_dim3A_403 = vector.broadcast %broadcast_in_dim3A_402 : i32 to vector<16xi32>
        %gather3A_404 = tpu.vector_load_idx %arg13[%add3A_69, %broadcast_in_dim3A_403] : memref<128x128xf32, #tpu.memory_space<vmem>>[vector<16xi32>, vector<16xi32>], vector<16xf32>,
        %gather3A_405 = tpu.vector_load_idx %arg14[%add3A_69, %broadcast_in_dim3A_403] : memref<128x128xf32, #tpu.memory_space<vmem>>[vector<16xi32>, vector<16xi32>], vector<16xf32>,
        %mul3A_406 = arith.mulf %gather3A_404, %gather3A_405 : vector<16xf32>
        %add3A_407 = arith.addf %add3A_401, %mul3A_406 : vector<16xf32>
        %broadcast_in_dim3A_408 = arith.constant 53 : i32
        %broadcast_in_dim3A_409 = vector.broadcast %broadcast_in_dim3A_408 : i32 to vector<16xi32>
        %gather3A_410 = tpu.vector_load_idx %arg13[%add3A_69, %broadcast_in_dim3A_409] : memref<128x128xf32, #tpu.memory_space<vmem>>[vector<16xi32>, vector<16xi32>], vector<16xf32>,
        %gather3A_411 = tpu.vector_load_idx %arg14[%add3A_69, %broadcast_in_dim3A_409] : memref<128x128xf32, #tpu.memory_space<vmem>>[vector<16xi32>, vector<16xi32>], vector<16xf32>,
        %mul3A_412 = arith.mulf %gather3A_410, %gather3A_411 : vector<16xf32>
        %add3A_413 = arith.addf %add3A_407, %mul3A_412 : vector<16xf32>
        %broadcast_in_dim3A_414 = arith.constant 54 : i32
        %broadcast_in_dim3A_415 = vector.broadcast %broadcast_in_dim3A_414 : i32 to vector<16xi32>
        %gather3A_416 = tpu.vector_load_idx %arg13[%add3A_69, %broadcast_in_dim3A_415] : memref<128x128xf32, #tpu.memory_space<vmem>>[vector<16xi32>, vector<16xi32>], vector<16xf32>,
        %gather3A_417 = tpu.vector_load_idx %arg14[%add3A_69, %broadcast_in_dim3A_415] : memref<128x128xf32, #tpu.memory_space<vmem>>[vector<16xi32>, vector<16xi32>], vector<16xf32>,
        %mul3A_418 = arith.mulf %gather3A_416, %gather3A_417 : vector<16xf32>
        %add3A_419 = arith.addf %add3A_413, %mul3A_418 : vector<16xf32>
        %broadcast_in_dim3A_420 = arith.constant 55 : i32
        %broadcast_in_dim3A_421 = vector.broadcast %broadcast_in_dim3A_420 : i32 to vector<16xi32>
        %gather3A_422 = tpu.vector_load_idx %arg13[%add3A_69, %broadcast_in_dim3A_421] : memref<128x128xf32, #tpu.memory_space<vmem>>[vector<16xi32>, vector<16xi32>], vector<16xf32>,
        %gather3A_423 = tpu.vector_load_idx %arg14[%add3A_69, %broadcast_in_dim3A_421] : memref<128x128xf32, #tpu.memory_space<vmem>>[vector<16xi32>, vector<16xi32>], vector<16xf32>,
        %mul3A_424 = arith.mulf %gather3A_422, %gather3A_423 : vector<16xf32>
        %add3A_425 = arith.addf %add3A_419, %mul3A_424 : vector<16xf32>
        %broadcast_in_dim3A_426 = arith.constant 56 : i32
        %broadcast_in_dim3A_427 = vector.broadcast %broadcast_in_dim3A_426 : i32 to vector<16xi32>
        %gather3A_428 = tpu.vector_load_idx %arg13[%add3A_69, %broadcast_in_dim3A_427] : memref<128x128xf32, #tpu.memory_space<vmem>>[vector<16xi32>, vector<16xi32>], vector<16xf32>,
        %gather3A_429 = tpu.vector_load_idx %arg14[%add3A_69, %broadcast_in_dim3A_427] : memref<128x128xf32, #tpu.memory_space<vmem>>[vector<16xi32>, vector<16xi32>], vector<16xf32>,
        %mul3A_430 = arith.mulf %gather3A_428, %gather3A_429 : vector<16xf32>
        %add3A_431 = arith.addf %add3A_425, %mul3A_430 : vector<16xf32>
        %broadcast_in_dim3A_432 = arith.constant 57 : i32
        %broadcast_in_dim3A_433 = vector.broadcast %broadcast_in_dim3A_432 : i32 to vector<16xi32>
        %gather3A_434 = tpu.vector_load_idx %arg13[%add3A_69, %broadcast_in_dim3A_433] : memref<128x128xf32, #tpu.memory_space<vmem>>[vector<16xi32>, vector<16xi32>], vector<16xf32>,
        %gather3A_435 = tpu.vector_load_idx %arg14[%add3A_69, %broadcast_in_dim3A_433] : memref<128x128xf32, #tpu.memory_space<vmem>>[vector<16xi32>, vector<16xi32>], vector<16xf32>,
        %mul3A_436 = arith.mulf %gather3A_434, %gather3A_435 : vector<16xf32>
        %add3A_437 = arith.addf %add3A_431, %mul3A_436 : vector<16xf32>
        %broadcast_in_dim3A_438 = arith.constant 58 : i32
        %broadcast_in_dim3A_439 = vector.broadcast %broadcast_in_dim3A_438 : i32 to vector<16xi32>
        %gather3A_440 = tpu.vector_load_idx %arg13[%add3A_69, %broadcast_in_dim3A_439] : memref<128x128xf32, #tpu.memory_space<vmem>>[vector<16xi32>, vector<16xi32>], vector<16xf32>,
        %gather3A_441 = tpu.vector_load_idx %arg14[%add3A_69, %broadcast_in_dim3A_439] : memref<128x128xf32, #tpu.memory_space<vmem>>[vector<16xi32>, vector<16xi32>], vector<16xf32>,
        %mul3A_442 = arith.mulf %gather3A_440, %gather3A_441 : vector<16xf32>
        %add3A_443 = arith.addf %add3A_437, %mul3A_442 : vector<16xf32>
        %broadcast_in_dim3A_444 = arith.constant 59 : i32
        %broadcast_in_dim3A_445 = vector.broadcast %broadcast_in_dim3A_444 : i32 to vector<16xi32>
        %gather3A_446 = tpu.vector_load_idx %arg13[%add3A_69, %broadcast_in_dim3A_445] : memref<128x128xf32, #tpu.memory_space<vmem>>[vector<16xi32>, vector<16xi32>], vector<16xf32>,
        %gather3A_447 = tpu.vector_load_idx %arg14[%add3A_69, %broadcast_in_dim3A_445] : memref<128x128xf32, #tpu.memory_space<vmem>>[vector<16xi32>, vector<16xi32>], vector<16xf32>,
        %mul3A_448 = arith.mulf %gather3A_446, %gather3A_447 : vector<16xf32>
        %add3A_449 = arith.addf %add3A_443, %mul3A_448 : vector<16xf32>
        %broadcast_in_dim3A_450 = arith.constant 60 : i32
        %broadcast_in_dim3A_451 = vector.broadcast %broadcast_in_dim3A_450 : i32 to vector<16xi32>
        %gather3A_452 = tpu.vector_load_idx %arg13[%add3A_69, %broadcast_in_dim3A_451] : memref<128x128xf32, #tpu.memory_space<vmem>>[vector<16xi32>, vector<16xi32>], vector<16xf32>,
        %gather3A_453 = tpu.vector_load_idx %arg14[%add3A_69, %broadcast_in_dim3A_451] : memref<128x128xf32, #tpu.memory_space<vmem>>[vector<16xi32>, vector<16xi32>], vector<16xf32>,
        %mul3A_454 = arith.mulf %gather3A_452, %gather3A_453 : vector<16xf32>
        %add3A_455 = arith.addf %add3A_449, %mul3A_454 : vector<16xf32>
        %broadcast_in_dim3A_456 = arith.constant 61 : i32
        %broadcast_in_dim3A_457 = vector.broadcast %broadcast_in_dim3A_456 : i32 to vector<16xi32>
        %gather3A_458 = tpu.vector_load_idx %arg13[%add3A_69, %broadcast_in_dim3A_457] : memref<128x128xf32, #tpu.memory_space<vmem>>[vector<16xi32>, vector<16xi32>], vector<16xf32>,
        %gather3A_459 = tpu.vector_load_idx %arg14[%add3A_69, %broadcast_in_dim3A_457] : memref<128x128xf32, #tpu.memory_space<vmem>>[vector<16xi32>, vector<16xi32>], vector<16xf32>,
        %mul3A_460 = arith.mulf %gather3A_458, %gather3A_459 : vector<16xf32>
        %add3A_461 = arith.addf %add3A_455, %mul3A_460 : vector<16xf32>
        %broadcast_in_dim3A_462 = arith.constant 62 : i32
        %broadcast_in_dim3A_463 = vector.broadcast %broadcast_in_dim3A_462 : i32 to vector<16xi32>
        %gather3A_464 = tpu.vector_load_idx %arg13[%add3A_69, %broadcast_in_dim3A_463] : memref<128x128xf32, #tpu.memory_space<vmem>>[vector<16xi32>, vector<16xi32>], vector<16xf32>,
        %gather3A_465 = tpu.vector_load_idx %arg14[%add3A_69, %broadcast_in_dim3A_463] : memref<128x128xf32, #tpu.memory_space<vmem>>[vector<16xi32>, vector<16xi32>], vector<16xf32>,
        %mul3A_466 = arith.mulf %gather3A_464, %gather3A_465 : vector<16xf32>
        %add3A_467 = arith.addf %add3A_461, %mul3A_466 : vector<16xf32>
        %broadcast_in_dim3A_468 = arith.constant 63 : i32
        %broadcast_in_dim3A_469 = vector.broadcast %broadcast_in_dim3A_468 : i32 to vector<16xi32>
        %gather3A_470 = tpu.vector_load_idx %arg13[%add3A_69, %broadcast_in_dim3A_469] : memref<128x128xf32, #tpu.memory_space<vmem>>[vector<16xi32>, vector<16xi32>], vector<16xf32>,
        %gather3A_471 = tpu.vector_load_idx %arg14[%add3A_69, %broadcast_in_dim3A_469] : memref<128x128xf32, #tpu.memory_space<vmem>>[vector<16xi32>, vector<16xi32>], vector<16xf32>,
        %mul3A_472 = arith.mulf %gather3A_470, %gather3A_471 : vector<16xf32>
        %add3A_473 = arith.addf %add3A_467, %mul3A_472 : vector<16xf32>
        %exp3A_474 = math.exp %add3A_473 : vector<16xf32>
        tpu.vector_store_idx %arg17[%broadcast_in_dim3A_374, %add3A_69], %exp3A_474 : memref<8x128xf32, #tpu.memory_space<vmem>>[vector<16xi32>, vector<16xi32>], vector<16xf32>,
        %broadcast_in_dim3A_475 = arith.constant 4 : i32
        %broadcast_in_dim3A_476 = vector.broadcast %broadcast_in_dim3A_475 : i32 to vector<16xi32>
        %gather3A_477 = tpu.vector_load_idx %arg15[%broadcast_in_dim3A_476, %add3A_69] : memref<8x128xf32, #tpu.memory_space<vmem>>[vector<16xi32>, vector<16xi32>], vector<16xf32>,
        %gather3A_478 = tpu.vector_load_idx %arg16[%broadcast_in_dim3A_476, %add3A_69] : memref<8x128xf32, #tpu.memory_space<vmem>>[vector<16xi32>, vector<16xi32>], vector<16xf32>,
        %add3A_479 = arith.addf %gather3A_477, %gather3A_478 : vector<16xf32>
        %broadcast_in_dim3A_480 = arith.constant 64 : i32
        %broadcast_in_dim3A_481 = vector.broadcast %broadcast_in_dim3A_480 : i32 to vector<16xi32>
        %gather3A_482 = tpu.vector_load_idx %arg13[%add3A_69, %broadcast_in_dim3A_481] : memref<128x128xf32, #tpu.memory_space<vmem>>[vector<16xi32>, vector<16xi32>], vector<16xf32>,
        %gather3A_483 = tpu.vector_load_idx %arg14[%add3A_69, %broadcast_in_dim3A_481] : memref<128x128xf32, #tpu.memory_space<vmem>>[vector<16xi32>, vector<16xi32>], vector<16xf32>,
        %mul3A_484 = arith.mulf %gather3A_482, %gather3A_483 : vector<16xf32>
        %add3A_485 = arith.addf %add3A_479, %mul3A_484 : vector<16xf32>
        %broadcast_in_dim3A_486 = arith.constant 65 : i32
        %broadcast_in_dim3A_487 = vector.broadcast %broadcast_in_dim3A_486 : i32 to vector<16xi32>
        %gather3A_488 = tpu.vector_load_idx %arg13[%add3A_69, %broadcast_in_dim3A_487] : memref<128x128xf32, #tpu.memory_space<vmem>>[vector<16xi32>, vector<16xi32>], vector<16xf32>,
        %gather3A_489 = tpu.vector_load_idx %arg14[%add3A_69, %broadcast_in_dim3A_487] : memref<128x128xf32, #tpu.memory_space<vmem>>[vector<16xi32>, vector<16xi32>], vector<16xf32>,
        %mul3A_490 = arith.mulf %gather3A_488, %gather3A_489 : vector<16xf32>
        %add3A_491 = arith.addf %add3A_485, %mul3A_490 : vector<16xf32>
        %broadcast_in_dim3A_492 = arith.constant 66 : i32
        %broadcast_in_dim3A_493 = vector.broadcast %broadcast_in_dim3A_492 : i32 to vector<16xi32>
        %gather3A_494 = tpu.vector_load_idx %arg13[%add3A_69, %broadcast_in_dim3A_493] : memref<128x128xf32, #tpu.memory_space<vmem>>[vector<16xi32>, vector<16xi32>], vector<16xf32>,
        %gather3A_495 = tpu.vector_load_idx %arg14[%add3A_69, %broadcast_in_dim3A_493] : memref<128x128xf32, #tpu.memory_space<vmem>>[vector<16xi32>, vector<16xi32>], vector<16xf32>,
        %mul3A_496 = arith.mulf %gather3A_494, %gather3A_495 : vector<16xf32>
        %add3A_497 = arith.addf %add3A_491, %mul3A_496 : vector<16xf32>
        %broadcast_in_dim3A_498 = arith.constant 67 : i32
        %broadcast_in_dim3A_499 = vector.broadcast %broadcast_in_dim3A_498 : i32 to vector<16xi32>
        %gather3A_500 = tpu.vector_load_idx %arg13[%add3A_69, %broadcast_in_dim3A_499] : memref<128x128xf32, #tpu.memory_space<vmem>>[vector<16xi32>, vector<16xi32>], vector<16xf32>,
        %gather3A_501 = tpu.vector_load_idx %arg14[%add3A_69, %broadcast_in_dim3A_499] : memref<128x128xf32, #tpu.memory_space<vmem>>[vector<16xi32>, vector<16xi32>], vector<16xf32>,
        %mul3A_502 = arith.mulf %gather3A_500, %gather3A_501 : vector<16xf32>
        %add3A_503 = arith.addf %add3A_497, %mul3A_502 : vector<16xf32>
        %broadcast_in_dim3A_504 = arith.constant 68 : i32
        %broadcast_in_dim3A_505 = vector.broadcast %broadcast_in_dim3A_504 : i32 to vector<16xi32>
        %gather3A_506 = tpu.vector_load_idx %arg13[%add3A_69, %broadcast_in_dim3A_505] : memref<128x128xf32, #tpu.memory_space<vmem>>[vector<16xi32>, vector<16xi32>], vector<16xf32>,
        %gather3A_507 = tpu.vector_load_idx %arg14[%add3A_69, %broadcast_in_dim3A_505] : memref<128x128xf32, #tpu.memory_space<vmem>>[vector<16xi32>, vector<16xi32>], vector<16xf32>,
        %mul3A_508 = arith.mulf %gather3A_506, %gather3A_507 : vector<16xf32>
        %add3A_509 = arith.addf %add3A_503, %mul3A_508 : vector<16xf32>
        %broadcast_in_dim3A_510 = arith.constant 69 : i32
        %broadcast_in_dim3A_511 = vector.broadcast %broadcast_in_dim3A_510 : i32 to vector<16xi32>
        %gather3A_512 = tpu.vector_load_idx %arg13[%add3A_69, %broadcast_in_dim3A_511] : memref<128x128xf32, #tpu.memory_space<vmem>>[vector<16xi32>, vector<16xi32>], vector<16xf32>,
        %gather3A_513 = tpu.vector_load_idx %arg14[%add3A_69, %broadcast_in_dim3A_511] : memref<128x128xf32, #tpu.memory_space<vmem>>[vector<16xi32>, vector<16xi32>], vector<16xf32>,
        %mul3A_514 = arith.mulf %gather3A_512, %gather3A_513 : vector<16xf32>
        %add3A_515 = arith.addf %add3A_509, %mul3A_514 : vector<16xf32>
        %broadcast_in_dim3A_516 = arith.constant 70 : i32
        %broadcast_in_dim3A_517 = vector.broadcast %broadcast_in_dim3A_516 : i32 to vector<16xi32>
        %gather3A_518 = tpu.vector_load_idx %arg13[%add3A_69, %broadcast_in_dim3A_517] : memref<128x128xf32, #tpu.memory_space<vmem>>[vector<16xi32>, vector<16xi32>], vector<16xf32>,
        %gather3A_519 = tpu.vector_load_idx %arg14[%add3A_69, %broadcast_in_dim3A_517] : memref<128x128xf32, #tpu.memory_space<vmem>>[vector<16xi32>, vector<16xi32>], vector<16xf32>,
        %mul3A_520 = arith.mulf %gather3A_518, %gather3A_519 : vector<16xf32>
        %add3A_521 = arith.addf %add3A_515, %mul3A_520 : vector<16xf32>
        %broadcast_in_dim3A_522 = arith.constant 71 : i32
        %broadcast_in_dim3A_523 = vector.broadcast %broadcast_in_dim3A_522 : i32 to vector<16xi32>
        %gather3A_524 = tpu.vector_load_idx %arg13[%add3A_69, %broadcast_in_dim3A_523] : memref<128x128xf32, #tpu.memory_space<vmem>>[vector<16xi32>, vector<16xi32>], vector<16xf32>,
        %gather3A_525 = tpu.vector_load_idx %arg14[%add3A_69, %broadcast_in_dim3A_523] : memref<128x128xf32, #tpu.memory_space<vmem>>[vector<16xi32>, vector<16xi32>], vector<16xf32>,
        %mul3A_526 = arith.mulf %gather3A_524, %gather3A_525 : vector<16xf32>
        %add3A_527 = arith.addf %add3A_521, %mul3A_526 : vector<16xf32>
        %broadcast_in_dim3A_528 = arith.constant 72 : i32
        %broadcast_in_dim3A_529 = vector.broadcast %broadcast_in_dim3A_528 : i32 to vector<16xi32>
        %gather3A_530 = tpu.vector_load_idx %arg13[%add3A_69, %broadcast_in_dim3A_529] : memref<128x128xf32, #tpu.memory_space<vmem>>[vector<16xi32>, vector<16xi32>], vector<16xf32>,
        %gather3A_531 = tpu.vector_load_idx %arg14[%add3A_69, %broadcast_in_dim3A_529] : memref<128x128xf32, #tpu.memory_space<vmem>>[vector<16xi32>, vector<16xi32>], vector<16xf32>,
        %mul3A_532 = arith.mulf %gather3A_530, %gather3A_531 : vector<16xf32>
        %add3A_533 = arith.addf %add3A_527, %mul3A_532 : vector<16xf32>
        %broadcast_in_dim3A_534 = arith.constant 73 : i32
        %broadcast_in_dim3A_535 = vector.broadcast %broadcast_in_dim3A_534 : i32 to vector<16xi32>
        %gather3A_536 = tpu.vector_load_idx %arg13[%add3A_69, %broadcast_in_dim3A_535] : memref<128x128xf32, #tpu.memory_space<vmem>>[vector<16xi32>, vector<16xi32>], vector<16xf32>,
        %gather3A_537 = tpu.vector_load_idx %arg14[%add3A_69, %broadcast_in_dim3A_535] : memref<128x128xf32, #tpu.memory_space<vmem>>[vector<16xi32>, vector<16xi32>], vector<16xf32>,
        %mul3A_538 = arith.mulf %gather3A_536, %gather3A_537 : vector<16xf32>
        %add3A_539 = arith.addf %add3A_533, %mul3A_538 : vector<16xf32>
        %broadcast_in_dim3A_540 = arith.constant 74 : i32
        %broadcast_in_dim3A_541 = vector.broadcast %broadcast_in_dim3A_540 : i32 to vector<16xi32>
        %gather3A_542 = tpu.vector_load_idx %arg13[%add3A_69, %broadcast_in_dim3A_541] : memref<128x128xf32, #tpu.memory_space<vmem>>[vector<16xi32>, vector<16xi32>], vector<16xf32>,
        %gather3A_543 = tpu.vector_load_idx %arg14[%add3A_69, %broadcast_in_dim3A_541] : memref<128x128xf32, #tpu.memory_space<vmem>>[vector<16xi32>, vector<16xi32>], vector<16xf32>,
        %mul3A_544 = arith.mulf %gather3A_542, %gather3A_543 : vector<16xf32>
        %add3A_545 = arith.addf %add3A_539, %mul3A_544 : vector<16xf32>
        %broadcast_in_dim3A_546 = arith.constant 75 : i32
        %broadcast_in_dim3A_547 = vector.broadcast %broadcast_in_dim3A_546 : i32 to vector<16xi32>
        %gather3A_548 = tpu.vector_load_idx %arg13[%add3A_69, %broadcast_in_dim3A_547] : memref<128x128xf32, #tpu.memory_space<vmem>>[vector<16xi32>, vector<16xi32>], vector<16xf32>,
        %gather3A_549 = tpu.vector_load_idx %arg14[%add3A_69, %broadcast_in_dim3A_547] : memref<128x128xf32, #tpu.memory_space<vmem>>[vector<16xi32>, vector<16xi32>], vector<16xf32>,
        %mul3A_550 = arith.mulf %gather3A_548, %gather3A_549 : vector<16xf32>
        %add3A_551 = arith.addf %add3A_545, %mul3A_550 : vector<16xf32>
        %broadcast_in_dim3A_552 = arith.constant 76 : i32
        %broadcast_in_dim3A_553 = vector.broadcast %broadcast_in_dim3A_552 : i32 to vector<16xi32>
        %gather3A_554 = tpu.vector_load_idx %arg13[%add3A_69, %broadcast_in_dim3A_553] : memref<128x128xf32, #tpu.memory_space<vmem>>[vector<16xi32>, vector<16xi32>], vector<16xf32>,
        %gather3A_555 = tpu.vector_load_idx %arg14[%add3A_69, %broadcast_in_dim3A_553] : memref<128x128xf32, #tpu.memory_space<vmem>>[vector<16xi32>, vector<16xi32>], vector<16xf32>,
        %mul3A_556 = arith.mulf %gather3A_554, %gather3A_555 : vector<16xf32>
        %add3A_557 = arith.addf %add3A_551, %mul3A_556 : vector<16xf32>
        %broadcast_in_dim3A_558 = arith.constant 77 : i32
        %broadcast_in_dim3A_559 = vector.broadcast %broadcast_in_dim3A_558 : i32 to vector<16xi32>
        %gather3A_560 = tpu.vector_load_idx %arg13[%add3A_69, %broadcast_in_dim3A_559] : memref<128x128xf32, #tpu.memory_space<vmem>>[vector<16xi32>, vector<16xi32>], vector<16xf32>,
        %gather3A_561 = tpu.vector_load_idx %arg14[%add3A_69, %broadcast_in_dim3A_559] : memref<128x128xf32, #tpu.memory_space<vmem>>[vector<16xi32>, vector<16xi32>], vector<16xf32>,
        %mul3A_562 = arith.mulf %gather3A_560, %gather3A_561 : vector<16xf32>
        %add3A_563 = arith.addf %add3A_557, %mul3A_562 : vector<16xf32>
        %broadcast_in_dim3A_564 = arith.constant 78 : i32
        %broadcast_in_dim3A_565 = vector.broadcast %broadcast_in_dim3A_564 : i32 to vector<16xi32>
        %gather3A_566 = tpu.vector_load_idx %arg13[%add3A_69, %broadcast_in_dim3A_565] : memref<128x128xf32, #tpu.memory_space<vmem>>[vector<16xi32>, vector<16xi32>], vector<16xf32>,
        %gather3A_567 = tpu.vector_load_idx %arg14[%add3A_69, %broadcast_in_dim3A_565] : memref<128x128xf32, #tpu.memory_space<vmem>>[vector<16xi32>, vector<16xi32>], vector<16xf32>,
        %mul3A_568 = arith.mulf %gather3A_566, %gather3A_567 : vector<16xf32>
        %add3A_569 = arith.addf %add3A_563, %mul3A_568 : vector<16xf32>
        %broadcast_in_dim3A_570 = arith.constant 79 : i32
        %broadcast_in_dim3A_571 = vector.broadcast %broadcast_in_dim3A_570 : i32 to vector<16xi32>
        %gather3A_572 = tpu.vector_load_idx %arg13[%add3A_69, %broadcast_in_dim3A_571] : memref<128x128xf32, #tpu.memory_space<vmem>>[vector<16xi32>, vector<16xi32>], vector<16xf32>,
        %gather3A_573 = tpu.vector_load_idx %arg14[%add3A_69, %broadcast_in_dim3A_571] : memref<128x128xf32, #tpu.memory_space<vmem>>[vector<16xi32>, vector<16xi32>], vector<16xf32>,
        %mul3A_574 = arith.mulf %gather3A_572, %gather3A_573 : vector<16xf32>
        %add3A_575 = arith.addf %add3A_569, %mul3A_574 : vector<16xf32>
        %exp3A_576 = math.exp %add3A_575 : vector<16xf32>
        tpu.vector_store_idx %arg17[%broadcast_in_dim3A_476, %add3A_69], %exp3A_576 : memref<8x128xf32, #tpu.memory_space<vmem>>[vector<16xi32>, vector<16xi32>], vector<16xf32>,
        %broadcast_in_dim3A_577 = arith.constant 5 : i32
        %broadcast_in_dim3A_578 = vector.broadcast %broadcast_in_dim3A_577 : i32 to vector<16xi32>
        %gather3A_579 = tpu.vector_load_idx %arg15[%broadcast_in_dim3A_578, %add3A_69] : memref<8x128xf32, #tpu.memory_space<vmem>>[vector<16xi32>, vector<16xi32>], vector<16xf32>,
        %gather3A_580 = tpu.vector_load_idx %arg16[%broadcast_in_dim3A_578, %add3A_69] : memref<8x128xf32, #tpu.memory_space<vmem>>[vector<16xi32>, vector<16xi32>], vector<16xf32>,
        %add3A_581 = arith.addf %gather3A_579, %gather3A_580 : vector<16xf32>
        %broadcast_in_dim3A_582 = arith.constant 80 : i32
        %broadcast_in_dim3A_583 = vector.broadcast %broadcast_in_dim3A_582 : i32 to vector<16xi32>
        %gather3A_584 = tpu.vector_load_idx %arg13[%add3A_69, %broadcast_in_dim3A_583] : memref<128x128xf32, #tpu.memory_space<vmem>>[vector<16xi32>, vector<16xi32>], vector<16xf32>,
        %gather3A_585 = tpu.vector_load_idx %arg14[%add3A_69, %broadcast_in_dim3A_583] : memref<128x128xf32, #tpu.memory_space<vmem>>[vector<16xi32>, vector<16xi32>], vector<16xf32>,
        %mul3A_586 = arith.mulf %gather3A_584, %gather3A_585 : vector<16xf32>
        %add3A_587 = arith.addf %add3A_581, %mul3A_586 : vector<16xf32>
        %broadcast_in_dim3A_588 = arith.constant 81 : i32
        %broadcast_in_dim3A_589 = vector.broadcast %broadcast_in_dim3A_588 : i32 to vector<16xi32>
        %gather3A_590 = tpu.vector_load_idx %arg13[%add3A_69, %broadcast_in_dim3A_589] : memref<128x128xf32, #tpu.memory_space<vmem>>[vector<16xi32>, vector<16xi32>], vector<16xf32>,
        %gather3A_591 = tpu.vector_load_idx %arg14[%add3A_69, %broadcast_in_dim3A_589] : memref<128x128xf32, #tpu.memory_space<vmem>>[vector<16xi32>, vector<16xi32>], vector<16xf32>,
        %mul3A_592 = arith.mulf %gather3A_590, %gather3A_591 : vector<16xf32>
        %add3A_593 = arith.addf %add3A_587, %mul3A_592 : vector<16xf32>
        %broadcast_in_dim3A_594 = arith.constant 82 : i32
        %broadcast_in_dim3A_595 = vector.broadcast %broadcast_in_dim3A_594 : i32 to vector<16xi32>
        %gather3A_596 = tpu.vector_load_idx %arg13[%add3A_69, %broadcast_in_dim3A_595] : memref<128x128xf32, #tpu.memory_space<vmem>>[vector<16xi32>, vector<16xi32>], vector<16xf32>,
        %gather3A_597 = tpu.vector_load_idx %arg14[%add3A_69, %broadcast_in_dim3A_595] : memref<128x128xf32, #tpu.memory_space<vmem>>[vector<16xi32>, vector<16xi32>], vector<16xf32>,
        %mul3A_598 = arith.mulf %gather3A_596, %gather3A_597 : vector<16xf32>
        %add3A_599 = arith.addf %add3A_593, %mul3A_598 : vector<16xf32>
        %broadcast_in_dim3A_600 = arith.constant 83 : i32
        %broadcast_in_dim3A_601 = vector.broadcast %broadcast_in_dim3A_600 : i32 to vector<16xi32>
        %gather3A_602 = tpu.vector_load_idx %arg13[%add3A_69, %broadcast_in_dim3A_601] : memref<128x128xf32, #tpu.memory_space<vmem>>[vector<16xi32>, vector<16xi32>], vector<16xf32>,
        %gather3A_603 = tpu.vector_load_idx %arg14[%add3A_69, %broadcast_in_dim3A_601] : memref<128x128xf32, #tpu.memory_space<vmem>>[vector<16xi32>, vector<16xi32>], vector<16xf32>,
        %mul3A_604 = arith.mulf %gather3A_602, %gather3A_603 : vector<16xf32>
        %add3A_605 = arith.addf %add3A_599, %mul3A_604 : vector<16xf32>
        %broadcast_in_dim3A_606 = arith.constant 84 : i32
        %broadcast_in_dim3A_607 = vector.broadcast %broadcast_in_dim3A_606 : i32 to vector<16xi32>
        %gather3A_608 = tpu.vector_load_idx %arg13[%add3A_69, %broadcast_in_dim3A_607] : memref<128x128xf32, #tpu.memory_space<vmem>>[vector<16xi32>, vector<16xi32>], vector<16xf32>,
        %gather3A_609 = tpu.vector_load_idx %arg14[%add3A_69, %broadcast_in_dim3A_607] : memref<128x128xf32, #tpu.memory_space<vmem>>[vector<16xi32>, vector<16xi32>], vector<16xf32>,
        %mul3A_610 = arith.mulf %gather3A_608, %gather3A_609 : vector<16xf32>
        %add3A_611 = arith.addf %add3A_605, %mul3A_610 : vector<16xf32>
        %broadcast_in_dim3A_612 = arith.constant 85 : i32
        %broadcast_in_dim3A_613 = vector.broadcast %broadcast_in_dim3A_612 : i32 to vector<16xi32>
        %gather3A_614 = tpu.vector_load_idx %arg13[%add3A_69, %broadcast_in_dim3A_613] : memref<128x128xf32, #tpu.memory_space<vmem>>[vector<16xi32>, vector<16xi32>], vector<16xf32>,
        %gather3A_615 = tpu.vector_load_idx %arg14[%add3A_69, %broadcast_in_dim3A_613] : memref<128x128xf32, #tpu.memory_space<vmem>>[vector<16xi32>, vector<16xi32>], vector<16xf32>,
        %mul3A_616 = arith.mulf %gather3A_614, %gather3A_615 : vector<16xf32>
        %add3A_617 = arith.addf %add3A_611, %mul3A_616 : vector<16xf32>
        %broadcast_in_dim3A_618 = arith.constant 86 : i32
        %broadcast_in_dim3A_619 = vector.broadcast %broadcast_in_dim3A_618 : i32 to vector<16xi32>
        %gather3A_620 = tpu.vector_load_idx %arg13[%add3A_69, %broadcast_in_dim3A_619] : memref<128x128xf32, #tpu.memory_space<vmem>>[vector<16xi32>, vector<16xi32>], vector<16xf32>,
        %gather3A_621 = tpu.vector_load_idx %arg14[%add3A_69, %broadcast_in_dim3A_619] : memref<128x128xf32, #tpu.memory_space<vmem>>[vector<16xi32>, vector<16xi32>], vector<16xf32>,
        %mul3A_622 = arith.mulf %gather3A_620, %gather3A_621 : vector<16xf32>
        %add3A_623 = arith.addf %add3A_617, %mul3A_622 : vector<16xf32>
        %broadcast_in_dim3A_624 = arith.constant 87 : i32
        %broadcast_in_dim3A_625 = vector.broadcast %broadcast_in_dim3A_624 : i32 to vector<16xi32>
        %gather3A_626 = tpu.vector_load_idx %arg13[%add3A_69, %broadcast_in_dim3A_625] : memref<128x128xf32, #tpu.memory_space<vmem>>[vector<16xi32>, vector<16xi32>], vector<16xf32>,
        %gather3A_627 = tpu.vector_load_idx %arg14[%add3A_69, %broadcast_in_dim3A_625] : memref<128x128xf32, #tpu.memory_space<vmem>>[vector<16xi32>, vector<16xi32>], vector<16xf32>,
        %mul3A_628 = arith.mulf %gather3A_626, %gather3A_627 : vector<16xf32>
        %add3A_629 = arith.addf %add3A_623, %mul3A_628 : vector<16xf32>
        %broadcast_in_dim3A_630 = arith.constant 88 : i32
        %broadcast_in_dim3A_631 = vector.broadcast %broadcast_in_dim3A_630 : i32 to vector<16xi32>
        %gather3A_632 = tpu.vector_load_idx %arg13[%add3A_69, %broadcast_in_dim3A_631] : memref<128x128xf32, #tpu.memory_space<vmem>>[vector<16xi32>, vector<16xi32>], vector<16xf32>,
        %gather3A_633 = tpu.vector_load_idx %arg14[%add3A_69, %broadcast_in_dim3A_631] : memref<128x128xf32, #tpu.memory_space<vmem>>[vector<16xi32>, vector<16xi32>], vector<16xf32>,
        %mul3A_634 = arith.mulf %gather3A_632, %gather3A_633 : vector<16xf32>
        %add3A_635 = arith.addf %add3A_629, %mul3A_634 : vector<16xf32>
        %broadcast_in_dim3A_636 = arith.constant 89 : i32
        %broadcast_in_dim3A_637 = vector.broadcast %broadcast_in_dim3A_636 : i32 to vector<16xi32>
        %gather3A_638 = tpu.vector_load_idx %arg13[%add3A_69, %broadcast_in_dim3A_637] : memref<128x128xf32, #tpu.memory_space<vmem>>[vector<16xi32>, vector<16xi32>], vector<16xf32>,
        %gather3A_639 = tpu.vector_load_idx %arg14[%add3A_69, %broadcast_in_dim3A_637] : memref<128x128xf32, #tpu.memory_space<vmem>>[vector<16xi32>, vector<16xi32>], vector<16xf32>,
        %mul3A_640 = arith.mulf %gather3A_638, %gather3A_639 : vector<16xf32>
        %add3A_641 = arith.addf %add3A_635, %mul3A_640 : vector<16xf32>
        %broadcast_in_dim3A_642 = arith.constant 90 : i32
        %broadcast_in_dim3A_643 = vector.broadcast %broadcast_in_dim3A_642 : i32 to vector<16xi32>
        %gather3A_644 = tpu.vector_load_idx %arg13[%add3A_69, %broadcast_in_dim3A_643] : memref<128x128xf32, #tpu.memory_space<vmem>>[vector<16xi32>, vector<16xi32>], vector<16xf32>,
        %gather3A_645 = tpu.vector_load_idx %arg14[%add3A_69, %broadcast_in_dim3A_643] : memref<128x128xf32, #tpu.memory_space<vmem>>[vector<16xi32>, vector<16xi32>], vector<16xf32>,
        %mul3A_646 = arith.mulf %gather3A_644, %gather3A_645 : vector<16xf32>
        %add3A_647 = arith.addf %add3A_641, %mul3A_646 : vector<16xf32>
        %broadcast_in_dim3A_648 = arith.constant 91 : i32
        %broadcast_in_dim3A_649 = vector.broadcast %broadcast_in_dim3A_648 : i32 to vector<16xi32>
        %gather3A_650 = tpu.vector_load_idx %arg13[%add3A_69, %broadcast_in_dim3A_649] : memref<128x128xf32, #tpu.memory_space<vmem>>[vector<16xi32>, vector<16xi32>], vector<16xf32>,
        %gather3A_651 = tpu.vector_load_idx %arg14[%add3A_69, %broadcast_in_dim3A_649] : memref<128x128xf32, #tpu.memory_space<vmem>>[vector<16xi32>, vector<16xi32>], vector<16xf32>,
        %mul3A_652 = arith.mulf %gather3A_650, %gather3A_651 : vector<16xf32>
        %add3A_653 = arith.addf %add3A_647, %mul3A_652 : vector<16xf32>
        %broadcast_in_dim3A_654 = arith.constant 92 : i32
        %broadcast_in_dim3A_655 = vector.broadcast %broadcast_in_dim3A_654 : i32 to vector<16xi32>
        %gather3A_656 = tpu.vector_load_idx %arg13[%add3A_69, %broadcast_in_dim3A_655] : memref<128x128xf32, #tpu.memory_space<vmem>>[vector<16xi32>, vector<16xi32>], vector<16xf32>,
        %gather3A_657 = tpu.vector_load_idx %arg14[%add3A_69, %broadcast_in_dim3A_655] : memref<128x128xf32, #tpu.memory_space<vmem>>[vector<16xi32>, vector<16xi32>], vector<16xf32>,
        %mul3A_658 = arith.mulf %gather3A_656, %gather3A_657 : vector<16xf32>
        %add3A_659 = arith.addf %add3A_653, %mul3A_658 : vector<16xf32>
        %broadcast_in_dim3A_660 = arith.constant 93 : i32
        %broadcast_in_dim3A_661 = vector.broadcast %broadcast_in_dim3A_660 : i32 to vector<16xi32>
        %gather3A_662 = tpu.vector_load_idx %arg13[%add3A_69, %broadcast_in_dim3A_661] : memref<128x128xf32, #tpu.memory_space<vmem>>[vector<16xi32>, vector<16xi32>], vector<16xf32>,
        %gather3A_663 = tpu.vector_load_idx %arg14[%add3A_69, %broadcast_in_dim3A_661] : memref<128x128xf32, #tpu.memory_space<vmem>>[vector<16xi32>, vector<16xi32>], vector<16xf32>,
        %mul3A_664 = arith.mulf %gather3A_662, %gather3A_663 : vector<16xf32>
        %add3A_665 = arith.addf %add3A_659, %mul3A_664 : vector<16xf32>
        %broadcast_in_dim3A_666 = arith.constant 94 : i32
        %broadcast_in_dim3A_667 = vector.broadcast %broadcast_in_dim3A_666 : i32 to vector<16xi32>
        %gather3A_668 = tpu.vector_load_idx %arg13[%add3A_69, %broadcast_in_dim3A_667] : memref<128x128xf32, #tpu.memory_space<vmem>>[vector<16xi32>, vector<16xi32>], vector<16xf32>,
        %gather3A_669 = tpu.vector_load_idx %arg14[%add3A_69, %broadcast_in_dim3A_667] : memref<128x128xf32, #tpu.memory_space<vmem>>[vector<16xi32>, vector<16xi32>], vector<16xf32>,
        %mul3A_670 = arith.mulf %gather3A_668, %gather3A_669 : vector<16xf32>
        %add3A_671 = arith.addf %add3A_665, %mul3A_670 : vector<16xf32>
        %broadcast_in_dim3A_672 = arith.constant 95 : i32
        %broadcast_in_dim3A_673 = vector.broadcast %broadcast_in_dim3A_672 : i32 to vector<16xi32>
        %gather3A_674 = tpu.vector_load_idx %arg13[%add3A_69, %broadcast_in_dim3A_673] : memref<128x128xf32, #tpu.memory_space<vmem>>[vector<16xi32>, vector<16xi32>], vector<16xf32>,
        %gather3A_675 = tpu.vector_load_idx %arg14[%add3A_69, %broadcast_in_dim3A_673] : memref<128x128xf32, #tpu.memory_space<vmem>>[vector<16xi32>, vector<16xi32>], vector<16xf32>,
        %mul3A_676 = arith.mulf %gather3A_674, %gather3A_675 : vector<16xf32>
        %add3A_677 = arith.addf %add3A_671, %mul3A_676 : vector<16xf32>
        %exp3A_678 = math.exp %add3A_677 : vector<16xf32>
        tpu.vector_store_idx %arg17[%broadcast_in_dim3A_578, %add3A_69], %exp3A_678 : memref<8x128xf32, #tpu.memory_space<vmem>>[vector<16xi32>, vector<16xi32>], vector<16xf32>,
        %broadcast_in_dim3A_679 = arith.constant 6 : i32
        %broadcast_in_dim3A_680 = vector.broadcast %broadcast_in_dim3A_679 : i32 to vector<16xi32>
        %gather3A_681 = tpu.vector_load_idx %arg15[%broadcast_in_dim3A_680, %add3A_69] : memref<8x128xf32, #tpu.memory_space<vmem>>[vector<16xi32>, vector<16xi32>], vector<16xf32>,
        %gather3A_682 = tpu.vector_load_idx %arg16[%broadcast_in_dim3A_680, %add3A_69] : memref<8x128xf32, #tpu.memory_space<vmem>>[vector<16xi32>, vector<16xi32>], vector<16xf32>,
        %add3A_683 = arith.addf %gather3A_681, %gather3A_682 : vector<16xf32>
        %broadcast_in_dim3A_684 = arith.constant 96 : i32
        %broadcast_in_dim3A_685 = vector.broadcast %broadcast_in_dim3A_684 : i32 to vector<16xi32>
        %gather3A_686 = tpu.vector_load_idx %arg13[%add3A_69, %broadcast_in_dim3A_685] : memref<128x128xf32, #tpu.memory_space<vmem>>[vector<16xi32>, vector<16xi32>], vector<16xf32>,
        %gather3A_687 = tpu.vector_load_idx %arg14[%add3A_69, %broadcast_in_dim3A_685] : memref<128x128xf32, #tpu.memory_space<vmem>>[vector<16xi32>, vector<16xi32>], vector<16xf32>,
        %mul3A_688 = arith.mulf %gather3A_686, %gather3A_687 : vector<16xf32>
        %add3A_689 = arith.addf %add3A_683, %mul3A_688 : vector<16xf32>
        %broadcast_in_dim3A_690 = arith.constant 97 : i32
        %broadcast_in_dim3A_691 = vector.broadcast %broadcast_in_dim3A_690 : i32 to vector<16xi32>
        %gather3A_692 = tpu.vector_load_idx %arg13[%add3A_69, %broadcast_in_dim3A_691] : memref<128x128xf32, #tpu.memory_space<vmem>>[vector<16xi32>, vector<16xi32>], vector<16xf32>,
        %gather3A_693 = tpu.vector_load_idx %arg14[%add3A_69, %broadcast_in_dim3A_691] : memref<128x128xf32, #tpu.memory_space<vmem>>[vector<16xi32>, vector<16xi32>], vector<16xf32>,
        %mul3A_694 = arith.mulf %gather3A_692, %gather3A_693 : vector<16xf32>
        %add3A_695 = arith.addf %add3A_689, %mul3A_694 : vector<16xf32>
        %broadcast_in_dim3A_696 = arith.constant 98 : i32
        %broadcast_in_dim3A_697 = vector.broadcast %broadcast_in_dim3A_696 : i32 to vector<16xi32>
        %gather3A_698 = tpu.vector_load_idx %arg13[%add3A_69, %broadcast_in_dim3A_697] : memref<128x128xf32, #tpu.memory_space<vmem>>[vector<16xi32>, vector<16xi32>], vector<16xf32>,
        %gather3A_699 = tpu.vector_load_idx %arg14[%add3A_69, %broadcast_in_dim3A_697] : memref<128x128xf32, #tpu.memory_space<vmem>>[vector<16xi32>, vector<16xi32>], vector<16xf32>,
        %mul3A_700 = arith.mulf %gather3A_698, %gather3A_699 : vector<16xf32>
        %add3A_701 = arith.addf %add3A_695, %mul3A_700 : vector<16xf32>
        %broadcast_in_dim3A_702 = arith.constant 99 : i32
        %broadcast_in_dim3A_703 = vector.broadcast %broadcast_in_dim3A_702 : i32 to vector<16xi32>
        %gather3A_704 = tpu.vector_load_idx %arg13[%add3A_69, %broadcast_in_dim3A_703] : memref<128x128xf32, #tpu.memory_space<vmem>>[vector<16xi32>, vector<16xi32>], vector<16xf32>,
        %gather3A_705 = tpu.vector_load_idx %arg14[%add3A_69, %broadcast_in_dim3A_703] : memref<128x128xf32, #tpu.memory_space<vmem>>[vector<16xi32>, vector<16xi32>], vector<16xf32>,
        %mul3A_706 = arith.mulf %gather3A_704, %gather3A_705 : vector<16xf32>
        %add3A_707 = arith.addf %add3A_701, %mul3A_706 : vector<16xf32>
        %broadcast_in_dim3A_708 = arith.constant 100 : i32
        %broadcast_in_dim3A_709 = vector.broadcast %broadcast_in_dim3A_708 : i32 to vector<16xi32>
        %gather3A_710 = tpu.vector_load_idx %arg13[%add3A_69, %broadcast_in_dim3A_709] : memref<128x128xf32, #tpu.memory_space<vmem>>[vector<16xi32>, vector<16xi32>], vector<16xf32>,
        %gather3A_711 = tpu.vector_load_idx %arg14[%add3A_69, %broadcast_in_dim3A_709] : memref<128x128xf32, #tpu.memory_space<vmem>>[vector<16xi32>, vector<16xi32>], vector<16xf32>,
        %mul3A_712 = arith.mulf %gather3A_710, %gather3A_711 : vector<16xf32>
        %add3A_713 = arith.addf %add3A_707, %mul3A_712 : vector<16xf32>
        %broadcast_in_dim3A_714 = arith.constant 101 : i32
        %broadcast_in_dim3A_715 = vector.broadcast %broadcast_in_dim3A_714 : i32 to vector<16xi32>
        %gather3A_716 = tpu.vector_load_idx %arg13[%add3A_69, %broadcast_in_dim3A_715] : memref<128x128xf32, #tpu.memory_space<vmem>>[vector<16xi32>, vector<16xi32>], vector<16xf32>,
        %gather3A_717 = tpu.vector_load_idx %arg14[%add3A_69, %broadcast_in_dim3A_715] : memref<128x128xf32, #tpu.memory_space<vmem>>[vector<16xi32>, vector<16xi32>], vector<16xf32>,
        %mul3A_718 = arith.mulf %gather3A_716, %gather3A_717 : vector<16xf32>
        %add3A_719 = arith.addf %add3A_713, %mul3A_718 : vector<16xf32>
        %broadcast_in_dim3A_720 = arith.constant 102 : i32
        %broadcast_in_dim3A_721 = vector.broadcast %broadcast_in_dim3A_720 : i32 to vector<16xi32>
        %gather3A_722 = tpu.vector_load_idx %arg13[%add3A_69, %broadcast_in_dim3A_721] : memref<128x128xf32, #tpu.memory_space<vmem>>[vector<16xi32>, vector<16xi32>], vector<16xf32>,
        %gather3A_723 = tpu.vector_load_idx %arg14[%add3A_69, %broadcast_in_dim3A_721] : memref<128x128xf32, #tpu.memory_space<vmem>>[vector<16xi32>, vector<16xi32>], vector<16xf32>,
        %mul3A_724 = arith.mulf %gather3A_722, %gather3A_723 : vector<16xf32>
        %add3A_725 = arith.addf %add3A_719, %mul3A_724 : vector<16xf32>
        %broadcast_in_dim3A_726 = arith.constant 103 : i32
        %broadcast_in_dim3A_727 = vector.broadcast %broadcast_in_dim3A_726 : i32 to vector<16xi32>
        %gather3A_728 = tpu.vector_load_idx %arg13[%add3A_69, %broadcast_in_dim3A_727] : memref<128x128xf32, #tpu.memory_space<vmem>>[vector<16xi32>, vector<16xi32>], vector<16xf32>,
        %gather3A_729 = tpu.vector_load_idx %arg14[%add3A_69, %broadcast_in_dim3A_727] : memref<128x128xf32, #tpu.memory_space<vmem>>[vector<16xi32>, vector<16xi32>], vector<16xf32>,
        %mul3A_730 = arith.mulf %gather3A_728, %gather3A_729 : vector<16xf32>
        %add3A_731 = arith.addf %add3A_725, %mul3A_730 : vector<16xf32>
        %broadcast_in_dim3A_732 = arith.constant 104 : i32
        %broadcast_in_dim3A_733 = vector.broadcast %broadcast_in_dim3A_732 : i32 to vector<16xi32>
        %gather3A_734 = tpu.vector_load_idx %arg13[%add3A_69, %broadcast_in_dim3A_733] : memref<128x128xf32, #tpu.memory_space<vmem>>[vector<16xi32>, vector<16xi32>], vector<16xf32>,
        %gather3A_735 = tpu.vector_load_idx %arg14[%add3A_69, %broadcast_in_dim3A_733] : memref<128x128xf32, #tpu.memory_space<vmem>>[vector<16xi32>, vector<16xi32>], vector<16xf32>,
        %mul3A_736 = arith.mulf %gather3A_734, %gather3A_735 : vector<16xf32>
        %add3A_737 = arith.addf %add3A_731, %mul3A_736 : vector<16xf32>
        %broadcast_in_dim3A_738 = arith.constant 105 : i32
        %broadcast_in_dim3A_739 = vector.broadcast %broadcast_in_dim3A_738 : i32 to vector<16xi32>
        %gather3A_740 = tpu.vector_load_idx %arg13[%add3A_69, %broadcast_in_dim3A_739] : memref<128x128xf32, #tpu.memory_space<vmem>>[vector<16xi32>, vector<16xi32>], vector<16xf32>,
        %gather3A_741 = tpu.vector_load_idx %arg14[%add3A_69, %broadcast_in_dim3A_739] : memref<128x128xf32, #tpu.memory_space<vmem>>[vector<16xi32>, vector<16xi32>], vector<16xf32>,
        %mul3A_742 = arith.mulf %gather3A_740, %gather3A_741 : vector<16xf32>
        %add3A_743 = arith.addf %add3A_737, %mul3A_742 : vector<16xf32>
        %broadcast_in_dim3A_744 = arith.constant 106 : i32
        %broadcast_in_dim3A_745 = vector.broadcast %broadcast_in_dim3A_744 : i32 to vector<16xi32>
        %gather3A_746 = tpu.vector_load_idx %arg13[%add3A_69, %broadcast_in_dim3A_745] : memref<128x128xf32, #tpu.memory_space<vmem>>[vector<16xi32>, vector<16xi32>], vector<16xf32>,
        %gather3A_747 = tpu.vector_load_idx %arg14[%add3A_69, %broadcast_in_dim3A_745] : memref<128x128xf32, #tpu.memory_space<vmem>>[vector<16xi32>, vector<16xi32>], vector<16xf32>,
        %mul3A_748 = arith.mulf %gather3A_746, %gather3A_747 : vector<16xf32>
        %add3A_749 = arith.addf %add3A_743, %mul3A_748 : vector<16xf32>
        %broadcast_in_dim3A_750 = arith.constant 107 : i32
        %broadcast_in_dim3A_751 = vector.broadcast %broadcast_in_dim3A_750 : i32 to vector<16xi32>
        %gather3A_752 = tpu.vector_load_idx %arg13[%add3A_69, %broadcast_in_dim3A_751] : memref<128x128xf32, #tpu.memory_space<vmem>>[vector<16xi32>, vector<16xi32>], vector<16xf32>,
        %gather3A_753 = tpu.vector_load_idx %arg14[%add3A_69, %broadcast_in_dim3A_751] : memref<128x128xf32, #tpu.memory_space<vmem>>[vector<16xi32>, vector<16xi32>], vector<16xf32>,
        %mul3A_754 = arith.mulf %gather3A_752, %gather3A_753 : vector<16xf32>
        %add3A_755 = arith.addf %add3A_749, %mul3A_754 : vector<16xf32>
        %broadcast_in_dim3A_756 = arith.constant 108 : i32
        %broadcast_in_dim3A_757 = vector.broadcast %broadcast_in_dim3A_756 : i32 to vector<16xi32>
        %gather3A_758 = tpu.vector_load_idx %arg13[%add3A_69, %broadcast_in_dim3A_757] : memref<128x128xf32, #tpu.memory_space<vmem>>[vector<16xi32>, vector<16xi32>], vector<16xf32>,
        %gather3A_759 = tpu.vector_load_idx %arg14[%add3A_69, %broadcast_in_dim3A_757] : memref<128x128xf32, #tpu.memory_space<vmem>>[vector<16xi32>, vector<16xi32>], vector<16xf32>,
        %mul3A_760 = arith.mulf %gather3A_758, %gather3A_759 : vector<16xf32>
        %add3A_761 = arith.addf %add3A_755, %mul3A_760 : vector<16xf32>
        %broadcast_in_dim3A_762 = arith.constant 109 : i32
        %broadcast_in_dim3A_763 = vector.broadcast %broadcast_in_dim3A_762 : i32 to vector<16xi32>
        %gather3A_764 = tpu.vector_load_idx %arg13[%add3A_69, %broadcast_in_dim3A_763] : memref<128x128xf32, #tpu.memory_space<vmem>>[vector<16xi32>, vector<16xi32>], vector<16xf32>,
        %gather3A_765 = tpu.vector_load_idx %arg14[%add3A_69, %broadcast_in_dim3A_763] : memref<128x128xf32, #tpu.memory_space<vmem>>[vector<16xi32>, vector<16xi32>], vector<16xf32>,
        %mul3A_766 = arith.mulf %gather3A_764, %gather3A_765 : vector<16xf32>
        %add3A_767 = arith.addf %add3A_761, %mul3A_766 : vector<16xf32>
        %broadcast_in_dim3A_768 = arith.constant 110 : i32
        %broadcast_in_dim3A_769 = vector.broadcast %broadcast_in_dim3A_768 : i32 to vector<16xi32>
        %gather3A_770 = tpu.vector_load_idx %arg13[%add3A_69, %broadcast_in_dim3A_769] : memref<128x128xf32, #tpu.memory_space<vmem>>[vector<16xi32>, vector<16xi32>], vector<16xf32>,
        %gather3A_771 = tpu.vector_load_idx %arg14[%add3A_69, %broadcast_in_dim3A_769] : memref<128x128xf32, #tpu.memory_space<vmem>>[vector<16xi32>, vector<16xi32>], vector<16xf32>,
        %mul3A_772 = arith.mulf %gather3A_770, %gather3A_771 : vector<16xf32>
        %add3A_773 = arith.addf %add3A_767, %mul3A_772 : vector<16xf32>
        %broadcast_in_dim3A_774 = arith.constant 111 : i32
        %broadcast_in_dim3A_775 = vector.broadcast %broadcast_in_dim3A_774 : i32 to vector<16xi32>
        %gather3A_776 = tpu.vector_load_idx %arg13[%add3A_69, %broadcast_in_dim3A_775] : memref<128x128xf32, #tpu.memory_space<vmem>>[vector<16xi32>, vector<16xi32>], vector<16xf32>,
        %gather3A_777 = tpu.vector_load_idx %arg14[%add3A_69, %broadcast_in_dim3A_775] : memref<128x128xf32, #tpu.memory_space<vmem>>[vector<16xi32>, vector<16xi32>], vector<16xf32>,
        %mul3A_778 = arith.mulf %gather3A_776, %gather3A_777 : vector<16xf32>
        %add3A_779 = arith.addf %add3A_773, %mul3A_778 : vector<16xf32>
        %exp3A_780 = math.exp %add3A_779 : vector<16xf32>
        tpu.vector_store_idx %arg17[%broadcast_in_dim3A_680, %add3A_69], %exp3A_780 : memref<8x128xf32, #tpu.memory_space<vmem>>[vector<16xi32>, vector<16xi32>], vector<16xf32>,
        %broadcast_in_dim3A_781 = arith.constant 7 : i32
        %broadcast_in_dim3A_782 = vector.broadcast %broadcast_in_dim3A_781 : i32 to vector<16xi32>
        %gather3A_783 = tpu.vector_load_idx %arg15[%broadcast_in_dim3A_782, %add3A_69] : memref<8x128xf32, #tpu.memory_space<vmem>>[vector<16xi32>, vector<16xi32>], vector<16xf32>,
        %gather3A_784 = tpu.vector_load_idx %arg16[%broadcast_in_dim3A_782, %add3A_69] : memref<8x128xf32, #tpu.memory_space<vmem>>[vector<16xi32>, vector<16xi32>], vector<16xf32>,
        %add3A_785 = arith.addf %gather3A_783, %gather3A_784 : vector<16xf32>
        %broadcast_in_dim3A_786 = arith.constant 112 : i32
        %broadcast_in_dim3A_787 = vector.broadcast %broadcast_in_dim3A_786 : i32 to vector<16xi32>
        %gather3A_788 = tpu.vector_load_idx %arg13[%add3A_69, %broadcast_in_dim3A_787] : memref<128x128xf32, #tpu.memory_space<vmem>>[vector<16xi32>, vector<16xi32>], vector<16xf32>,
        %gather3A_789 = tpu.vector_load_idx %arg14[%add3A_69, %broadcast_in_dim3A_787] : memref<128x128xf32, #tpu.memory_space<vmem>>[vector<16xi32>, vector<16xi32>], vector<16xf32>,
        %mul3A_790 = arith.mulf %gather3A_788, %gather3A_789 : vector<16xf32>
        %add3A_791 = arith.addf %add3A_785, %mul3A_790 : vector<16xf32>
        %broadcast_in_dim3A_792 = arith.constant 113 : i32
        %broadcast_in_dim3A_793 = vector.broadcast %broadcast_in_dim3A_792 : i32 to vector<16xi32>
        %gather3A_794 = tpu.vector_load_idx %arg13[%add3A_69, %broadcast_in_dim3A_793] : memref<128x128xf32, #tpu.memory_space<vmem>>[vector<16xi32>, vector<16xi32>], vector<16xf32>,
        %gather3A_795 = tpu.vector_load_idx %arg14[%add3A_69, %broadcast_in_dim3A_793] : memref<128x128xf32, #tpu.memory_space<vmem>>[vector<16xi32>, vector<16xi32>], vector<16xf32>,
        %mul3A_796 = arith.mulf %gather3A_794, %gather3A_795 : vector<16xf32>
        %add3A_797 = arith.addf %add3A_791, %mul3A_796 : vector<16xf32>
        %broadcast_in_dim3A_798 = arith.constant 114 : i32
        %broadcast_in_dim3A_799 = vector.broadcast %broadcast_in_dim3A_798 : i32 to vector<16xi32>
        %gather3A_800 = tpu.vector_load_idx %arg13[%add3A_69, %broadcast_in_dim3A_799] : memref<128x128xf32, #tpu.memory_space<vmem>>[vector<16xi32>, vector<16xi32>], vector<16xf32>,
        %gather3A_801 = tpu.vector_load_idx %arg14[%add3A_69, %broadcast_in_dim3A_799] : memref<128x128xf32, #tpu.memory_space<vmem>>[vector<16xi32>, vector<16xi32>], vector<16xf32>,
        %mul3A_802 = arith.mulf %gather3A_800, %gather3A_801 : vector<16xf32>
        %add3A_803 = arith.addf %add3A_797, %mul3A_802 : vector<16xf32>
        %broadcast_in_dim3A_804 = arith.constant 115 : i32
        %broadcast_in_dim3A_805 = vector.broadcast %broadcast_in_dim3A_804 : i32 to vector<16xi32>
        %gather3A_806 = tpu.vector_load_idx %arg13[%add3A_69, %broadcast_in_dim3A_805] : memref<128x128xf32, #tpu.memory_space<vmem>>[vector<16xi32>, vector<16xi32>], vector<16xf32>,
        %gather3A_807 = tpu.vector_load_idx %arg14[%add3A_69, %broadcast_in_dim3A_805] : memref<128x128xf32, #tpu.memory_space<vmem>>[vector<16xi32>, vector<16xi32>], vector<16xf32>,
        %mul3A_808 = arith.mulf %gather3A_806, %gather3A_807 : vector<16xf32>
        %add3A_809 = arith.addf %add3A_803, %mul3A_808 : vector<16xf32>
        %broadcast_in_dim3A_810 = arith.constant 116 : i32
        %broadcast_in_dim3A_811 = vector.broadcast %broadcast_in_dim3A_810 : i32 to vector<16xi32>
        %gather3A_812 = tpu.vector_load_idx %arg13[%add3A_69, %broadcast_in_dim3A_811] : memref<128x128xf32, #tpu.memory_space<vmem>>[vector<16xi32>, vector<16xi32>], vector<16xf32>,
        %gather3A_813 = tpu.vector_load_idx %arg14[%add3A_69, %broadcast_in_dim3A_811] : memref<128x128xf32, #tpu.memory_space<vmem>>[vector<16xi32>, vector<16xi32>], vector<16xf32>,
        %mul3A_814 = arith.mulf %gather3A_812, %gather3A_813 : vector<16xf32>
        %add3A_815 = arith.addf %add3A_809, %mul3A_814 : vector<16xf32>
        %broadcast_in_dim3A_816 = arith.constant 117 : i32
        %broadcast_in_dim3A_817 = vector.broadcast %broadcast_in_dim3A_816 : i32 to vector<16xi32>
        %gather3A_818 = tpu.vector_load_idx %arg13[%add3A_69, %broadcast_in_dim3A_817] : memref<128x128xf32, #tpu.memory_space<vmem>>[vector<16xi32>, vector<16xi32>], vector<16xf32>,
        %gather3A_819 = tpu.vector_load_idx %arg14[%add3A_69, %broadcast_in_dim3A_817] : memref<128x128xf32, #tpu.memory_space<vmem>>[vector<16xi32>, vector<16xi32>], vector<16xf32>,
        %mul3A_820 = arith.mulf %gather3A_818, %gather3A_819 : vector<16xf32>
        %add3A_821 = arith.addf %add3A_815, %mul3A_820 : vector<16xf32>
        %broadcast_in_dim3A_822 = arith.constant 118 : i32
        %broadcast_in_dim3A_823 = vector.broadcast %broadcast_in_dim3A_822 : i32 to vector<16xi32>
        %gather3A_824 = tpu.vector_load_idx %arg13[%add3A_69, %broadcast_in_dim3A_823] : memref<128x128xf32, #tpu.memory_space<vmem>>[vector<16xi32>, vector<16xi32>], vector<16xf32>,
        %gather3A_825 = tpu.vector_load_idx %arg14[%add3A_69, %broadcast_in_dim3A_823] : memref<128x128xf32, #tpu.memory_space<vmem>>[vector<16xi32>, vector<16xi32>], vector<16xf32>,
        %mul3A_826 = arith.mulf %gather3A_824, %gather3A_825 : vector<16xf32>
        %add3A_827 = arith.addf %add3A_821, %mul3A_826 : vector<16xf32>
        %broadcast_in_dim3A_828 = arith.constant 119 : i32
        %broadcast_in_dim3A_829 = vector.broadcast %broadcast_in_dim3A_828 : i32 to vector<16xi32>
        %gather3A_830 = tpu.vector_load_idx %arg13[%add3A_69, %broadcast_in_dim3A_829] : memref<128x128xf32, #tpu.memory_space<vmem>>[vector<16xi32>, vector<16xi32>], vector<16xf32>,
        %gather3A_831 = tpu.vector_load_idx %arg14[%add3A_69, %broadcast_in_dim3A_829] : memref<128x128xf32, #tpu.memory_space<vmem>>[vector<16xi32>, vector<16xi32>], vector<16xf32>,
        %mul3A_832 = arith.mulf %gather3A_830, %gather3A_831 : vector<16xf32>
        %add3A_833 = arith.addf %add3A_827, %mul3A_832 : vector<16xf32>
        %broadcast_in_dim3A_834 = arith.constant 120 : i32
        %broadcast_in_dim3A_835 = vector.broadcast %broadcast_in_dim3A_834 : i32 to vector<16xi32>
        %gather3A_836 = tpu.vector_load_idx %arg13[%add3A_69, %broadcast_in_dim3A_835] : memref<128x128xf32, #tpu.memory_space<vmem>>[vector<16xi32>, vector<16xi32>], vector<16xf32>,
        %gather3A_837 = tpu.vector_load_idx %arg14[%add3A_69, %broadcast_in_dim3A_835] : memref<128x128xf32, #tpu.memory_space<vmem>>[vector<16xi32>, vector<16xi32>], vector<16xf32>,
        %mul3A_838 = arith.mulf %gather3A_836, %gather3A_837 : vector<16xf32>
        %add3A_839 = arith.addf %add3A_833, %mul3A_838 : vector<16xf32>
        %broadcast_in_dim3A_840 = arith.constant 121 : i32
        %broadcast_in_dim3A_841 = vector.broadcast %broadcast_in_dim3A_840 : i32 to vector<16xi32>
        %gather3A_842 = tpu.vector_load_idx %arg13[%add3A_69, %broadcast_in_dim3A_841] : memref<128x128xf32, #tpu.memory_space<vmem>>[vector<16xi32>, vector<16xi32>], vector<16xf32>,
        %gather3A_843 = tpu.vector_load_idx %arg14[%add3A_69, %broadcast_in_dim3A_841] : memref<128x128xf32, #tpu.memory_space<vmem>>[vector<16xi32>, vector<16xi32>], vector<16xf32>,
        %mul3A_844 = arith.mulf %gather3A_842, %gather3A_843 : vector<16xf32>
        %add3A_845 = arith.addf %add3A_839, %mul3A_844 : vector<16xf32>
        %broadcast_in_dim3A_846 = arith.constant 122 : i32
        %broadcast_in_dim3A_847 = vector.broadcast %broadcast_in_dim3A_846 : i32 to vector<16xi32>
        %gather3A_848 = tpu.vector_load_idx %arg13[%add3A_69, %broadcast_in_dim3A_847] : memref<128x128xf32, #tpu.memory_space<vmem>>[vector<16xi32>, vector<16xi32>], vector<16xf32>,
        %gather3A_849 = tpu.vector_load_idx %arg14[%add3A_69, %broadcast_in_dim3A_847] : memref<128x128xf32, #tpu.memory_space<vmem>>[vector<16xi32>, vector<16xi32>], vector<16xf32>,
        %mul3A_850 = arith.mulf %gather3A_848, %gather3A_849 : vector<16xf32>
        %add3A_851 = arith.addf %add3A_845, %mul3A_850 : vector<16xf32>
        %broadcast_in_dim3A_852 = arith.constant 123 : i32
        %broadcast_in_dim3A_853 = vector.broadcast %broadcast_in_dim3A_852 : i32 to vector<16xi32>
        %gather3A_854 = tpu.vector_load_idx %arg13[%add3A_69, %broadcast_in_dim3A_853] : memref<128x128xf32, #tpu.memory_space<vmem>>[vector<16xi32>, vector<16xi32>], vector<16xf32>,
        %gather3A_855 = tpu.vector_load_idx %arg14[%add3A_69, %broadcast_in_dim3A_853] : memref<128x128xf32, #tpu.memory_space<vmem>>[vector<16xi32>, vector<16xi32>], vector<16xf32>,
        %mul3A_856 = arith.mulf %gather3A_854, %gather3A_855 : vector<16xf32>
        %add3A_857 = arith.addf %add3A_851, %mul3A_856 : vector<16xf32>
        %broadcast_in_dim3A_858 = arith.constant 124 : i32
        %broadcast_in_dim3A_859 = vector.broadcast %broadcast_in_dim3A_858 : i32 to vector<16xi32>
        %gather3A_860 = tpu.vector_load_idx %arg13[%add3A_69, %broadcast_in_dim3A_859] : memref<128x128xf32, #tpu.memory_space<vmem>>[vector<16xi32>, vector<16xi32>], vector<16xf32>,
        %gather3A_861 = tpu.vector_load_idx %arg14[%add3A_69, %broadcast_in_dim3A_859] : memref<128x128xf32, #tpu.memory_space<vmem>>[vector<16xi32>, vector<16xi32>], vector<16xf32>,
        %mul3A_862 = arith.mulf %gather3A_860, %gather3A_861 : vector<16xf32>
        %add3A_863 = arith.addf %add3A_857, %mul3A_862 : vector<16xf32>
        %broadcast_in_dim3A_864 = arith.constant 125 : i32
        %broadcast_in_dim3A_865 = vector.broadcast %broadcast_in_dim3A_864 : i32 to vector<16xi32>
        %gather3A_866 = tpu.vector_load_idx %arg13[%add3A_69, %broadcast_in_dim3A_865] : memref<128x128xf32, #tpu.memory_space<vmem>>[vector<16xi32>, vector<16xi32>], vector<16xf32>,
        %gather3A_867 = tpu.vector_load_idx %arg14[%add3A_69, %broadcast_in_dim3A_865] : memref<128x128xf32, #tpu.memory_space<vmem>>[vector<16xi32>, vector<16xi32>], vector<16xf32>,
        %mul3A_868 = arith.mulf %gather3A_866, %gather3A_867 : vector<16xf32>
        %add3A_869 = arith.addf %add3A_863, %mul3A_868 : vector<16xf32>
        %broadcast_in_dim3A_870 = arith.constant 126 : i32
        %broadcast_in_dim3A_871 = vector.broadcast %broadcast_in_dim3A_870 : i32 to vector<16xi32>
        %gather3A_872 = tpu.vector_load_idx %arg13[%add3A_69, %broadcast_in_dim3A_871] : memref<128x128xf32, #tpu.memory_space<vmem>>[vector<16xi32>, vector<16xi32>], vector<16xf32>,
        %gather3A_873 = tpu.vector_load_idx %arg14[%add3A_69, %broadcast_in_dim3A_871] : memref<128x128xf32, #tpu.memory_space<vmem>>[vector<16xi32>, vector<16xi32>], vector<16xf32>,
        %mul3A_874 = arith.mulf %gather3A_872, %gather3A_873 : vector<16xf32>
        %add3A_875 = arith.addf %add3A_869, %mul3A_874 : vector<16xf32>
        %broadcast_in_dim3A_876 = arith.constant 127 : i32
        %broadcast_in_dim3A_877 = vector.broadcast %broadcast_in_dim3A_876 : i32 to vector<16xi32>
        %gather3A_878 = tpu.vector_load_idx %arg13[%add3A_69, %broadcast_in_dim3A_877] : memref<128x128xf32, #tpu.memory_space<vmem>>[vector<16xi32>, vector<16xi32>], vector<16xf32>,
        %gather3A_879 = tpu.vector_load_idx %arg14[%add3A_69, %broadcast_in_dim3A_877] : memref<128x128xf32, #tpu.memory_space<vmem>>[vector<16xi32>, vector<16xi32>], vector<16xf32>,
        %mul3A_880 = arith.mulf %gather3A_878, %gather3A_879 : vector<16xf32>
        %add3A_881 = arith.addf %add3A_875, %mul3A_880 : vector<16xf32>
        %exp3A_882 = math.exp %add3A_881 : vector<16xf32>
        tpu.vector_store_idx %arg17[%broadcast_in_dim3A_782, %add3A_69], %exp3A_882 : memref<8x128xf32, #tpu.memory_space<vmem>>[vector<16xi32>, vector<16xi32>], vector<16xf32>,
      }
      %scan3A_49 = arith.constant 8 : i32
      "tpu.region"() ({
        %run_scoped3A_65 = tpu.sem_alloc : memref<!tpu.dma_semaphore, #tpu.memory_space<semaphore_mem>>
        %dma_start3A_66 = arith.constant 0 : i32
        %dma_start3A_67 = arith.constant 0 : i32
        %dma_start3A_68 = tpu.memref_slice %arg8[%add3A, %scan3A_22, %dma_start3A_66, %dma_start3A_67] : memref<32x80x8x128xf32, #tpu.memory_space<hbm>> -> memref<1x1x8x128xf32, #tpu.memory_space<hbm>>
        %dma_start3A_69 = tpu.memref_squeeze %dma_start3A_68 : memref<1x1x8x128xf32, #tpu.memory_space<hbm>> -> memref<8x128xf32, #tpu.memory_space<hbm>>
        %dma_start3A_70 = arith.constant 0 : i32
        %dma_start3A_71 = arith.constant 0 : i32
        %dma_start3A_72 = tpu.memref_slice %arg8[%add3A, %scan3A_22, %dma_start3A_70, %dma_start3A_71] : memref<32x80x8x128xf32, #tpu.memory_space<hbm>> -> memref<1x1x8x128xf32, #tpu.memory_space<hbm>>
        %dma_start3A_73 = tpu.memref_squeeze %dma_start3A_72 : memref<1x1x8x128xf32, #tpu.memory_space<hbm>> -> memref<8x128xf32, #tpu.memory_space<hbm>>
        tpu.enqueue_dma source(%arg17 : memref<8x128xf32, #tpu.memory_space<vmem>>) target(%dma_start3A_73 : memref<8x128xf32, #tpu.memory_space<hbm>>) target_semaphore(%run_scoped3A_65 : memref<!tpu.dma_semaphore, #tpu.memory_space<semaphore_mem>>)
        %dma_wait3A_74 = arith.constant 0 : i32
        %dma_wait3A_75 = arith.constant 0 : i32
        %dma_wait3A_76 = tpu.memref_slice %arg8[%add3A, %scan3A_22, %dma_wait3A_74, %dma_wait3A_75] : memref<32x80x8x128xf32, #tpu.memory_space<hbm>> -> memref<1x1x8x128xf32, #tpu.memory_space<hbm>>
        %dma_wait3A_77 = tpu.memref_squeeze %dma_wait3A_76 : memref<1x1x8x128xf32, #tpu.memory_space<hbm>> -> memref<8x128xf32, #tpu.memory_space<hbm>>
        %dma_wait3A_78 = arith.constant 0 : i32
        %dma_wait3A_79 = arith.constant 0 : i32
        %dma_wait3A_80 = tpu.memref_slice %arg8[%add3A, %scan3A_22, %dma_wait3A_78, %dma_wait3A_79] : memref<32x80x8x128xf32, #tpu.memory_space<hbm>> -> memref<1x1x8x128xf32, #tpu.memory_space<hbm>>
        %dma_wait3A_81 = tpu.memref_squeeze %dma_wait3A_80 : memref<1x1x8x128xf32, #tpu.memory_space<hbm>> -> memref<8x128xf32, #tpu.memory_space<hbm>>
        tpu.wait_dma2 semaphore(%run_scoped3A_65 : memref<!tpu.dma_semaphore, #tpu.memory_space<semaphore_mem>>) src(%arg17 : memref<8x128xf32, #tpu.memory_space<vmem>>) dst(%dma_wait3A_81 : memref<8x128xf32, #tpu.memory_space<hbm>>)
        tpu.yield
      }) : () -> ()
      %run_scoped3A = arith.constant 0 : i32
      %run_scoped3A_50 = arith.constant 0 : i32
      "tpu.region"() ({
        %run_scoped3A_65 = tpu.sem_alloc : memref<!tpu.dma_semaphore, #tpu.memory_space<semaphore_mem>>
        %dma_start3A_66 = arith.constant 0 : i32
        %dma_start3A_67 = tpu.memref_slice %arg17[%run_scoped3A, %dma_start3A_66] : memref<8x128xf32, #tpu.memory_space<vmem>> -> memref<1x128xf32, #tpu.memory_space<vmem>>
        %dma_start3A_68 = tpu.memref_squeeze %dma_start3A_67 : memref<1x128xf32, #tpu.memory_space<vmem>> -> memref<128xf32, #tpu.memory_space<vmem>>
        %dma_start3A_69 = arith.constant 0 : i32
        %dma_start3A_70 = tpu.memref_slice %arg12[%run_scoped3A_50, %dma_start3A_69] : memref<8x128xi32, #tpu.memory_space<vmem>> -> memref<1x128xi32, #tpu.memory_space<vmem>>
        %dma_start3A_71 = tpu.memref_squeeze %dma_start3A_70 : memref<1x128xi32, #tpu.memory_space<vmem>> -> memref<128xi32, #tpu.memory_space<vmem>>
        %dma_start3A_72 = arith.constant 0 : i32
        %dma_start3A_73 = tpu.memref_slice %arg19[%dma_start3A_72] : memref<81920xf32, #tpu.memory_space<vmem_shared>> -> memref<81920xf32, #tpu.memory_space<vmem_shared>>
        tpu.enqueue_indirect_dma source(%dma_start3A_68 : memref<128xf32, #tpu.memory_space<vmem>>) target(%dma_start3A_73 : memref<81920xf32, #tpu.memory_space<vmem_shared>>) offsets(%dma_start3A_71 : memref<128xi32, #tpu.memory_space<vmem>>) semaphore(%run_scoped3A_65 : memref<!tpu.dma_semaphore, #tpu.memory_space<semaphore_mem>>) {add = true}
        %dma_wait3A_74 = arith.constant 0 : i32
        %dma_wait3A_75 = tpu.memref_slice %arg17[%run_scoped3A, %dma_wait3A_74] : memref<8x128xf32, #tpu.memory_space<vmem>> -> memref<1x128xf32, #tpu.memory_space<vmem>>
        %dma_wait3A_76 = tpu.memref_squeeze %dma_wait3A_75 : memref<1x128xf32, #tpu.memory_space<vmem>> -> memref<128xf32, #tpu.memory_space<vmem>>
        %dma_wait3A_77 = arith.constant 0 : i32
        %dma_wait3A_78 = tpu.memref_slice %arg12[%run_scoped3A_50, %dma_wait3A_77] : memref<8x128xi32, #tpu.memory_space<vmem>> -> memref<1x128xi32, #tpu.memory_space<vmem>>
        %dma_wait3A_79 = tpu.memref_squeeze %dma_wait3A_78 : memref<1x128xi32, #tpu.memory_space<vmem>> -> memref<128xi32, #tpu.memory_space<vmem>>
        %dma_wait3A_80 = arith.constant 0 : i32
        %dma_wait3A_81 = tpu.memref_slice %arg19[%dma_wait3A_80] : memref<81920xf32, #tpu.memory_space<vmem_shared>> -> memref<81920xf32, #tpu.memory_space<vmem_shared>>
        tpu.wait_indirect_dma semaphore(%run_scoped3A_65 : memref<!tpu.dma_semaphore, #tpu.memory_space<semaphore_mem>>) src(%dma_wait3A_76 : memref<128xf32, #tpu.memory_space<vmem>>) dst(%dma_wait3A_81 : memref<81920xf32, #tpu.memory_space<vmem_shared>>)
        tpu.yield
      }) : () -> ()
      %run_scoped3A_51 = arith.constant 1 : i32
      %run_scoped3A_52 = arith.constant 1 : i32
      "tpu.region"() ({
        %run_scoped3A_65 = tpu.sem_alloc : memref<!tpu.dma_semaphore, #tpu.memory_space<semaphore_mem>>
        %dma_start3A_66 = arith.constant 0 : i32
        %dma_start3A_67 = tpu.memref_slice %arg17[%run_scoped3A_51, %dma_start3A_66] : memref<8x128xf32, #tpu.memory_space<vmem>> -> memref<1x128xf32, #tpu.memory_space<vmem>>
        %dma_start3A_68 = tpu.memref_squeeze %dma_start3A_67 : memref<1x128xf32, #tpu.memory_space<vmem>> -> memref<128xf32, #tpu.memory_space<vmem>>
        %dma_start3A_69 = arith.constant 0 : i32
        %dma_start3A_70 = tpu.memref_slice %arg12[%run_scoped3A_52, %dma_start3A_69] : memref<8x128xi32, #tpu.memory_space<vmem>> -> memref<1x128xi32, #tpu.memory_space<vmem>>
        %dma_start3A_71 = tpu.memref_squeeze %dma_start3A_70 : memref<1x128xi32, #tpu.memory_space<vmem>> -> memref<128xi32, #tpu.memory_space<vmem>>
        %dma_start3A_72 = arith.constant 0 : i32
        %dma_start3A_73 = tpu.memref_slice %arg19[%dma_start3A_72] : memref<81920xf32, #tpu.memory_space<vmem_shared>> -> memref<81920xf32, #tpu.memory_space<vmem_shared>>
        tpu.enqueue_indirect_dma source(%dma_start3A_68 : memref<128xf32, #tpu.memory_space<vmem>>) target(%dma_start3A_73 : memref<81920xf32, #tpu.memory_space<vmem_shared>>) offsets(%dma_start3A_71 : memref<128xi32, #tpu.memory_space<vmem>>) semaphore(%run_scoped3A_65 : memref<!tpu.dma_semaphore, #tpu.memory_space<semaphore_mem>>) {add = true}
        %dma_wait3A_74 = arith.constant 0 : i32
        %dma_wait3A_75 = tpu.memref_slice %arg17[%run_scoped3A_51, %dma_wait3A_74] : memref<8x128xf32, #tpu.memory_space<vmem>> -> memref<1x128xf32, #tpu.memory_space<vmem>>
        %dma_wait3A_76 = tpu.memref_squeeze %dma_wait3A_75 : memref<1x128xf32, #tpu.memory_space<vmem>> -> memref<128xf32, #tpu.memory_space<vmem>>
        %dma_wait3A_77 = arith.constant 0 : i32
        %dma_wait3A_78 = tpu.memref_slice %arg12[%run_scoped3A_52, %dma_wait3A_77] : memref<8x128xi32, #tpu.memory_space<vmem>> -> memref<1x128xi32, #tpu.memory_space<vmem>>
        %dma_wait3A_79 = tpu.memref_squeeze %dma_wait3A_78 : memref<1x128xi32, #tpu.memory_space<vmem>> -> memref<128xi32, #tpu.memory_space<vmem>>
        %dma_wait3A_80 = arith.constant 0 : i32
        %dma_wait3A_81 = tpu.memref_slice %arg19[%dma_wait3A_80] : memref<81920xf32, #tpu.memory_space<vmem_shared>> -> memref<81920xf32, #tpu.memory_space<vmem_shared>>
        tpu.wait_indirect_dma semaphore(%run_scoped3A_65 : memref<!tpu.dma_semaphore, #tpu.memory_space<semaphore_mem>>) src(%dma_wait3A_76 : memref<128xf32, #tpu.memory_space<vmem>>) dst(%dma_wait3A_81 : memref<81920xf32, #tpu.memory_space<vmem_shared>>)
        tpu.yield
      }) : () -> ()
      %run_scoped3A_53 = arith.constant 2 : i32
      %run_scoped3A_54 = arith.constant 2 : i32
      "tpu.region"() ({
        %run_scoped3A_65 = tpu.sem_alloc : memref<!tpu.dma_semaphore, #tpu.memory_space<semaphore_mem>>
        %dma_start3A_66 = arith.constant 0 : i32
        %dma_start3A_67 = tpu.memref_slice %arg17[%run_scoped3A_53, %dma_start3A_66] : memref<8x128xf32, #tpu.memory_space<vmem>> -> memref<1x128xf32, #tpu.memory_space<vmem>>
        %dma_start3A_68 = tpu.memref_squeeze %dma_start3A_67 : memref<1x128xf32, #tpu.memory_space<vmem>> -> memref<128xf32, #tpu.memory_space<vmem>>
        %dma_start3A_69 = arith.constant 0 : i32
        %dma_start3A_70 = tpu.memref_slice %arg12[%run_scoped3A_54, %dma_start3A_69] : memref<8x128xi32, #tpu.memory_space<vmem>> -> memref<1x128xi32, #tpu.memory_space<vmem>>
        %dma_start3A_71 = tpu.memref_squeeze %dma_start3A_70 : memref<1x128xi32, #tpu.memory_space<vmem>> -> memref<128xi32, #tpu.memory_space<vmem>>
        %dma_start3A_72 = arith.constant 0 : i32
        %dma_start3A_73 = tpu.memref_slice %arg19[%dma_start3A_72] : memref<81920xf32, #tpu.memory_space<vmem_shared>> -> memref<81920xf32, #tpu.memory_space<vmem_shared>>
        tpu.enqueue_indirect_dma source(%dma_start3A_68 : memref<128xf32, #tpu.memory_space<vmem>>) target(%dma_start3A_73 : memref<81920xf32, #tpu.memory_space<vmem_shared>>) offsets(%dma_start3A_71 : memref<128xi32, #tpu.memory_space<vmem>>) semaphore(%run_scoped3A_65 : memref<!tpu.dma_semaphore, #tpu.memory_space<semaphore_mem>>) {add = true}
        %dma_wait3A_74 = arith.constant 0 : i32
        %dma_wait3A_75 = tpu.memref_slice %arg17[%run_scoped3A_53, %dma_wait3A_74] : memref<8x128xf32, #tpu.memory_space<vmem>> -> memref<1x128xf32, #tpu.memory_space<vmem>>
        %dma_wait3A_76 = tpu.memref_squeeze %dma_wait3A_75 : memref<1x128xf32, #tpu.memory_space<vmem>> -> memref<128xf32, #tpu.memory_space<vmem>>
        %dma_wait3A_77 = arith.constant 0 : i32
        %dma_wait3A_78 = tpu.memref_slice %arg12[%run_scoped3A_54, %dma_wait3A_77] : memref<8x128xi32, #tpu.memory_space<vmem>> -> memref<1x128xi32, #tpu.memory_space<vmem>>
        %dma_wait3A_79 = tpu.memref_squeeze %dma_wait3A_78 : memref<1x128xi32, #tpu.memory_space<vmem>> -> memref<128xi32, #tpu.memory_space<vmem>>
        %dma_wait3A_80 = arith.constant 0 : i32
        %dma_wait3A_81 = tpu.memref_slice %arg19[%dma_wait3A_80] : memref<81920xf32, #tpu.memory_space<vmem_shared>> -> memref<81920xf32, #tpu.memory_space<vmem_shared>>
        tpu.wait_indirect_dma semaphore(%run_scoped3A_65 : memref<!tpu.dma_semaphore, #tpu.memory_space<semaphore_mem>>) src(%dma_wait3A_76 : memref<128xf32, #tpu.memory_space<vmem>>) dst(%dma_wait3A_81 : memref<81920xf32, #tpu.memory_space<vmem_shared>>)
        tpu.yield
      }) : () -> ()
      %run_scoped3A_55 = arith.constant 3 : i32
      %run_scoped3A_56 = arith.constant 3 : i32
      "tpu.region"() ({
        %run_scoped3A_65 = tpu.sem_alloc : memref<!tpu.dma_semaphore, #tpu.memory_space<semaphore_mem>>
        %dma_start3A_66 = arith.constant 0 : i32
        %dma_start3A_67 = tpu.memref_slice %arg17[%run_scoped3A_55, %dma_start3A_66] : memref<8x128xf32, #tpu.memory_space<vmem>> -> memref<1x128xf32, #tpu.memory_space<vmem>>
        %dma_start3A_68 = tpu.memref_squeeze %dma_start3A_67 : memref<1x128xf32, #tpu.memory_space<vmem>> -> memref<128xf32, #tpu.memory_space<vmem>>
        %dma_start3A_69 = arith.constant 0 : i32
        %dma_start3A_70 = tpu.memref_slice %arg12[%run_scoped3A_56, %dma_start3A_69] : memref<8x128xi32, #tpu.memory_space<vmem>> -> memref<1x128xi32, #tpu.memory_space<vmem>>
        %dma_start3A_71 = tpu.memref_squeeze %dma_start3A_70 : memref<1x128xi32, #tpu.memory_space<vmem>> -> memref<128xi32, #tpu.memory_space<vmem>>
        %dma_start3A_72 = arith.constant 0 : i32
        %dma_start3A_73 = tpu.memref_slice %arg19[%dma_start3A_72] : memref<81920xf32, #tpu.memory_space<vmem_shared>> -> memref<81920xf32, #tpu.memory_space<vmem_shared>>
        tpu.enqueue_indirect_dma source(%dma_start3A_68 : memref<128xf32, #tpu.memory_space<vmem>>) target(%dma_start3A_73 : memref<81920xf32, #tpu.memory_space<vmem_shared>>) offsets(%dma_start3A_71 : memref<128xi32, #tpu.memory_space<vmem>>) semaphore(%run_scoped3A_65 : memref<!tpu.dma_semaphore, #tpu.memory_space<semaphore_mem>>) {add = true}
        %dma_wait3A_74 = arith.constant 0 : i32
        %dma_wait3A_75 = tpu.memref_slice %arg17[%run_scoped3A_55, %dma_wait3A_74] : memref<8x128xf32, #tpu.memory_space<vmem>> -> memref<1x128xf32, #tpu.memory_space<vmem>>
        %dma_wait3A_76 = tpu.memref_squeeze %dma_wait3A_75 : memref<1x128xf32, #tpu.memory_space<vmem>> -> memref<128xf32, #tpu.memory_space<vmem>>
        %dma_wait3A_77 = arith.constant 0 : i32
        %dma_wait3A_78 = tpu.memref_slice %arg12[%run_scoped3A_56, %dma_wait3A_77] : memref<8x128xi32, #tpu.memory_space<vmem>> -> memref<1x128xi32, #tpu.memory_space<vmem>>
        %dma_wait3A_79 = tpu.memref_squeeze %dma_wait3A_78 : memref<1x128xi32, #tpu.memory_space<vmem>> -> memref<128xi32, #tpu.memory_space<vmem>>
        %dma_wait3A_80 = arith.constant 0 : i32
        %dma_wait3A_81 = tpu.memref_slice %arg19[%dma_wait3A_80] : memref<81920xf32, #tpu.memory_space<vmem_shared>> -> memref<81920xf32, #tpu.memory_space<vmem_shared>>
        tpu.wait_indirect_dma semaphore(%run_scoped3A_65 : memref<!tpu.dma_semaphore, #tpu.memory_space<semaphore_mem>>) src(%dma_wait3A_76 : memref<128xf32, #tpu.memory_space<vmem>>) dst(%dma_wait3A_81 : memref<81920xf32, #tpu.memory_space<vmem_shared>>)
        tpu.yield
      }) : () -> ()
      %run_scoped3A_57 = arith.constant 4 : i32
      %run_scoped3A_58 = arith.constant 4 : i32
      "tpu.region"() ({
        %run_scoped3A_65 = tpu.sem_alloc : memref<!tpu.dma_semaphore, #tpu.memory_space<semaphore_mem>>
        %dma_start3A_66 = arith.constant 0 : i32
        %dma_start3A_67 = tpu.memref_slice %arg17[%run_scoped3A_57, %dma_start3A_66] : memref<8x128xf32, #tpu.memory_space<vmem>> -> memref<1x128xf32, #tpu.memory_space<vmem>>
        %dma_start3A_68 = tpu.memref_squeeze %dma_start3A_67 : memref<1x128xf32, #tpu.memory_space<vmem>> -> memref<128xf32, #tpu.memory_space<vmem>>
        %dma_start3A_69 = arith.constant 0 : i32
        %dma_start3A_70 = tpu.memref_slice %arg12[%run_scoped3A_58, %dma_start3A_69] : memref<8x128xi32, #tpu.memory_space<vmem>> -> memref<1x128xi32, #tpu.memory_space<vmem>>
        %dma_start3A_71 = tpu.memref_squeeze %dma_start3A_70 : memref<1x128xi32, #tpu.memory_space<vmem>> -> memref<128xi32, #tpu.memory_space<vmem>>
        %dma_start3A_72 = arith.constant 0 : i32
        %dma_start3A_73 = tpu.memref_slice %arg19[%dma_start3A_72] : memref<81920xf32, #tpu.memory_space<vmem_shared>> -> memref<81920xf32, #tpu.memory_space<vmem_shared>>
        tpu.enqueue_indirect_dma source(%dma_start3A_68 : memref<128xf32, #tpu.memory_space<vmem>>) target(%dma_start3A_73 : memref<81920xf32, #tpu.memory_space<vmem_shared>>) offsets(%dma_start3A_71 : memref<128xi32, #tpu.memory_space<vmem>>) semaphore(%run_scoped3A_65 : memref<!tpu.dma_semaphore, #tpu.memory_space<semaphore_mem>>) {add = true}
        %dma_wait3A_74 = arith.constant 0 : i32
        %dma_wait3A_75 = tpu.memref_slice %arg17[%run_scoped3A_57, %dma_wait3A_74] : memref<8x128xf32, #tpu.memory_space<vmem>> -> memref<1x128xf32, #tpu.memory_space<vmem>>
        %dma_wait3A_76 = tpu.memref_squeeze %dma_wait3A_75 : memref<1x128xf32, #tpu.memory_space<vmem>> -> memref<128xf32, #tpu.memory_space<vmem>>
        %dma_wait3A_77 = arith.constant 0 : i32
        %dma_wait3A_78 = tpu.memref_slice %arg12[%run_scoped3A_58, %dma_wait3A_77] : memref<8x128xi32, #tpu.memory_space<vmem>> -> memref<1x128xi32, #tpu.memory_space<vmem>>
        %dma_wait3A_79 = tpu.memref_squeeze %dma_wait3A_78 : memref<1x128xi32, #tpu.memory_space<vmem>> -> memref<128xi32, #tpu.memory_space<vmem>>
        %dma_wait3A_80 = arith.constant 0 : i32
        %dma_wait3A_81 = tpu.memref_slice %arg19[%dma_wait3A_80] : memref<81920xf32, #tpu.memory_space<vmem_shared>> -> memref<81920xf32, #tpu.memory_space<vmem_shared>>
        tpu.wait_indirect_dma semaphore(%run_scoped3A_65 : memref<!tpu.dma_semaphore, #tpu.memory_space<semaphore_mem>>) src(%dma_wait3A_76 : memref<128xf32, #tpu.memory_space<vmem>>) dst(%dma_wait3A_81 : memref<81920xf32, #tpu.memory_space<vmem_shared>>)
        tpu.yield
      }) : () -> ()
      %run_scoped3A_59 = arith.constant 5 : i32
      %run_scoped3A_60 = arith.constant 5 : i32
      "tpu.region"() ({
        %run_scoped3A_65 = tpu.sem_alloc : memref<!tpu.dma_semaphore, #tpu.memory_space<semaphore_mem>>
        %dma_start3A_66 = arith.constant 0 : i32
        %dma_start3A_67 = tpu.memref_slice %arg17[%run_scoped3A_59, %dma_start3A_66] : memref<8x128xf32, #tpu.memory_space<vmem>> -> memref<1x128xf32, #tpu.memory_space<vmem>>
        %dma_start3A_68 = tpu.memref_squeeze %dma_start3A_67 : memref<1x128xf32, #tpu.memory_space<vmem>> -> memref<128xf32, #tpu.memory_space<vmem>>
        %dma_start3A_69 = arith.constant 0 : i32
        %dma_start3A_70 = tpu.memref_slice %arg12[%run_scoped3A_60, %dma_start3A_69] : memref<8x128xi32, #tpu.memory_space<vmem>> -> memref<1x128xi32, #tpu.memory_space<vmem>>
        %dma_start3A_71 = tpu.memref_squeeze %dma_start3A_70 : memref<1x128xi32, #tpu.memory_space<vmem>> -> memref<128xi32, #tpu.memory_space<vmem>>
        %dma_start3A_72 = arith.constant 0 : i32
        %dma_start3A_73 = tpu.memref_slice %arg19[%dma_start3A_72] : memref<81920xf32, #tpu.memory_space<vmem_shared>> -> memref<81920xf32, #tpu.memory_space<vmem_shared>>
        tpu.enqueue_indirect_dma source(%dma_start3A_68 : memref<128xf32, #tpu.memory_space<vmem>>) target(%dma_start3A_73 : memref<81920xf32, #tpu.memory_space<vmem_shared>>) offsets(%dma_start3A_71 : memref<128xi32, #tpu.memory_space<vmem>>) semaphore(%run_scoped3A_65 : memref<!tpu.dma_semaphore, #tpu.memory_space<semaphore_mem>>) {add = true}
        %dma_wait3A_74 = arith.constant 0 : i32
        %dma_wait3A_75 = tpu.memref_slice %arg17[%run_scoped3A_59, %dma_wait3A_74] : memref<8x128xf32, #tpu.memory_space<vmem>> -> memref<1x128xf32, #tpu.memory_space<vmem>>
        %dma_wait3A_76 = tpu.memref_squeeze %dma_wait3A_75 : memref<1x128xf32, #tpu.memory_space<vmem>> -> memref<128xf32, #tpu.memory_space<vmem>>
        %dma_wait3A_77 = arith.constant 0 : i32
        %dma_wait3A_78 = tpu.memref_slice %arg12[%run_scoped3A_60, %dma_wait3A_77] : memref<8x128xi32, #tpu.memory_space<vmem>> -> memref<1x128xi32, #tpu.memory_space<vmem>>
        %dma_wait3A_79 = tpu.memref_squeeze %dma_wait3A_78 : memref<1x128xi32, #tpu.memory_space<vmem>> -> memref<128xi32, #tpu.memory_space<vmem>>
        %dma_wait3A_80 = arith.constant 0 : i32
        %dma_wait3A_81 = tpu.memref_slice %arg19[%dma_wait3A_80] : memref<81920xf32, #tpu.memory_space<vmem_shared>> -> memref<81920xf32, #tpu.memory_space<vmem_shared>>
        tpu.wait_indirect_dma semaphore(%run_scoped3A_65 : memref<!tpu.dma_semaphore, #tpu.memory_space<semaphore_mem>>) src(%dma_wait3A_76 : memref<128xf32, #tpu.memory_space<vmem>>) dst(%dma_wait3A_81 : memref<81920xf32, #tpu.memory_space<vmem_shared>>)
        tpu.yield
      }) : () -> ()
      %run_scoped3A_61 = arith.constant 6 : i32
      %run_scoped3A_62 = arith.constant 6 : i32
      "tpu.region"() ({
        %run_scoped3A_65 = tpu.sem_alloc : memref<!tpu.dma_semaphore, #tpu.memory_space<semaphore_mem>>
        %dma_start3A_66 = arith.constant 0 : i32
        %dma_start3A_67 = tpu.memref_slice %arg17[%run_scoped3A_61, %dma_start3A_66] : memref<8x128xf32, #tpu.memory_space<vmem>> -> memref<1x128xf32, #tpu.memory_space<vmem>>
        %dma_start3A_68 = tpu.memref_squeeze %dma_start3A_67 : memref<1x128xf32, #tpu.memory_space<vmem>> -> memref<128xf32, #tpu.memory_space<vmem>>
        %dma_start3A_69 = arith.constant 0 : i32
        %dma_start3A_70 = tpu.memref_slice %arg12[%run_scoped3A_62, %dma_start3A_69] : memref<8x128xi32, #tpu.memory_space<vmem>> -> memref<1x128xi32, #tpu.memory_space<vmem>>
        %dma_start3A_71 = tpu.memref_squeeze %dma_start3A_70 : memref<1x128xi32, #tpu.memory_space<vmem>> -> memref<128xi32, #tpu.memory_space<vmem>>
        %dma_start3A_72 = arith.constant 0 : i32
        %dma_start3A_73 = tpu.memref_slice %arg19[%dma_start3A_72] : memref<81920xf32, #tpu.memory_space<vmem_shared>> -> memref<81920xf32, #tpu.memory_space<vmem_shared>>
        tpu.enqueue_indirect_dma source(%dma_start3A_68 : memref<128xf32, #tpu.memory_space<vmem>>) target(%dma_start3A_73 : memref<81920xf32, #tpu.memory_space<vmem_shared>>) offsets(%dma_start3A_71 : memref<128xi32, #tpu.memory_space<vmem>>) semaphore(%run_scoped3A_65 : memref<!tpu.dma_semaphore, #tpu.memory_space<semaphore_mem>>) {add = true}
        %dma_wait3A_74 = arith.constant 0 : i32
        %dma_wait3A_75 = tpu.memref_slice %arg17[%run_scoped3A_61, %dma_wait3A_74] : memref<8x128xf32, #tpu.memory_space<vmem>> -> memref<1x128xf32, #tpu.memory_space<vmem>>
        %dma_wait3A_76 = tpu.memref_squeeze %dma_wait3A_75 : memref<1x128xf32, #tpu.memory_space<vmem>> -> memref<128xf32, #tpu.memory_space<vmem>>
        %dma_wait3A_77 = arith.constant 0 : i32
        %dma_wait3A_78 = tpu.memref_slice %arg12[%run_scoped3A_62, %dma_wait3A_77] : memref<8x128xi32, #tpu.memory_space<vmem>> -> memref<1x128xi32, #tpu.memory_space<vmem>>
        %dma_wait3A_79 = tpu.memref_squeeze %dma_wait3A_78 : memref<1x128xi32, #tpu.memory_space<vmem>> -> memref<128xi32, #tpu.memory_space<vmem>>
        %dma_wait3A_80 = arith.constant 0 : i32
        %dma_wait3A_81 = tpu.memref_slice %arg19[%dma_wait3A_80] : memref<81920xf32, #tpu.memory_space<vmem_shared>> -> memref<81920xf32, #tpu.memory_space<vmem_shared>>
        tpu.wait_indirect_dma semaphore(%run_scoped3A_65 : memref<!tpu.dma_semaphore, #tpu.memory_space<semaphore_mem>>) src(%dma_wait3A_76 : memref<128xf32, #tpu.memory_space<vmem>>) dst(%dma_wait3A_81 : memref<81920xf32, #tpu.memory_space<vmem_shared>>)
        tpu.yield
      }) : () -> ()
      %run_scoped3A_63 = arith.constant 7 : i32
      %run_scoped3A_64 = arith.constant 7 : i32
      "tpu.region"() ({
        %run_scoped3A_65 = tpu.sem_alloc : memref<!tpu.dma_semaphore, #tpu.memory_space<semaphore_mem>>
        %dma_start3A_66 = arith.constant 0 : i32
        %dma_start3A_67 = tpu.memref_slice %arg17[%run_scoped3A_63, %dma_start3A_66] : memref<8x128xf32, #tpu.memory_space<vmem>> -> memref<1x128xf32, #tpu.memory_space<vmem>>
        %dma_start3A_68 = tpu.memref_squeeze %dma_start3A_67 : memref<1x128xf32, #tpu.memory_space<vmem>> -> memref<128xf32, #tpu.memory_space<vmem>>
        %dma_start3A_69 = arith.constant 0 : i32
        %dma_start3A_70 = tpu.memref_slice %arg12[%run_scoped3A_64, %dma_start3A_69] : memref<8x128xi32, #tpu.memory_space<vmem>> -> memref<1x128xi32, #tpu.memory_space<vmem>>
        %dma_start3A_71 = tpu.memref_squeeze %dma_start3A_70 : memref<1x128xi32, #tpu.memory_space<vmem>> -> memref<128xi32, #tpu.memory_space<vmem>>
        %dma_start3A_72 = arith.constant 0 : i32
        %dma_start3A_73 = tpu.memref_slice %arg19[%dma_start3A_72] : memref<81920xf32, #tpu.memory_space<vmem_shared>> -> memref<81920xf32, #tpu.memory_space<vmem_shared>>
        tpu.enqueue_indirect_dma source(%dma_start3A_68 : memref<128xf32, #tpu.memory_space<vmem>>) target(%dma_start3A_73 : memref<81920xf32, #tpu.memory_space<vmem_shared>>) offsets(%dma_start3A_71 : memref<128xi32, #tpu.memory_space<vmem>>) semaphore(%run_scoped3A_65 : memref<!tpu.dma_semaphore, #tpu.memory_space<semaphore_mem>>) {add = true}
        %dma_wait3A_74 = arith.constant 0 : i32
        %dma_wait3A_75 = tpu.memref_slice %arg17[%run_scoped3A_63, %dma_wait3A_74] : memref<8x128xf32, #tpu.memory_space<vmem>> -> memref<1x128xf32, #tpu.memory_space<vmem>>
        %dma_wait3A_76 = tpu.memref_squeeze %dma_wait3A_75 : memref<1x128xf32, #tpu.memory_space<vmem>> -> memref<128xf32, #tpu.memory_space<vmem>>
        %dma_wait3A_77 = arith.constant 0 : i32
        %dma_wait3A_78 = tpu.memref_slice %arg12[%run_scoped3A_64, %dma_wait3A_77] : memref<8x128xi32, #tpu.memory_space<vmem>> -> memref<1x128xi32, #tpu.memory_space<vmem>>
        %dma_wait3A_79 = tpu.memref_squeeze %dma_wait3A_78 : memref<1x128xi32, #tpu.memory_space<vmem>> -> memref<128xi32, #tpu.memory_space<vmem>>
        %dma_wait3A_80 = arith.constant 0 : i32
        %dma_wait3A_81 = tpu.memref_slice %arg19[%dma_wait3A_80] : memref<81920xf32, #tpu.memory_space<vmem_shared>> -> memref<81920xf32, #tpu.memory_space<vmem_shared>>
        tpu.wait_indirect_dma semaphore(%run_scoped3A_65 : memref<!tpu.dma_semaphore, #tpu.memory_space<semaphore_mem>>) src(%dma_wait3A_76 : memref<128xf32, #tpu.memory_space<vmem>>) dst(%dma_wait3A_81 : memref<81920xf32, #tpu.memory_space<vmem_shared>>)
        tpu.yield
      }) : () -> ()
    }
    %scan3A_13 = arith.constant 80 : i32
    %barrier3A_14 = arith.constant 0 : index
    tpu.barrier barrier_id(%barrier3A_14)
    %mul3A_15 = arith.constant 5120 : i32
    %mul3A_16 = arith.muli %arg1, %mul3A_15 : i32
    "tpu.region"() ({
      %run_scoped3A = tpu.sem_alloc : memref<!tpu.dma_semaphore, #tpu.memory_space<semaphore_mem>>
      %dma_start3A = tpu.memref_slice %arg19[%mul3A_16] : memref<81920xf32, #tpu.memory_space<vmem_shared>> -> memref<5120xf32, #tpu.memory_space<vmem_shared>>
      %dma_start3A_22 = tpu.memref_slice %arg19[%mul3A_16] : memref<81920xf32, #tpu.memory_space<vmem_shared>> -> memref<5120xf32, #tpu.memory_space<vmem_shared>>
      tpu.enqueue_dma source(%dma_start3A_22 : memref<5120xf32, #tpu.memory_space<vmem_shared>>) target(%arg18 : memref<5120xf32, #tpu.memory_space<vmem>>) target_semaphore(%run_scoped3A : memref<!tpu.dma_semaphore, #tpu.memory_space<semaphore_mem>>)
      %dma_wait3A = tpu.memref_slice %arg19[%mul3A_16] : memref<81920xf32, #tpu.memory_space<vmem_shared>> -> memref<5120xf32, #tpu.memory_space<vmem_shared>>
      %dma_wait3A_23 = tpu.memref_slice %arg19[%mul3A_16] : memref<81920xf32, #tpu.memory_space<vmem_shared>> -> memref<5120xf32, #tpu.memory_space<vmem_shared>>
      tpu.wait_dma2 semaphore(%run_scoped3A : memref<!tpu.dma_semaphore, #tpu.memory_space<semaphore_mem>>) src(%dma_wait3A_23 : memref<5120xf32, #tpu.memory_space<vmem_shared>>) dst(%arg18 : memref<5120xf32, #tpu.memory_space<vmem>>)
      tpu.yield
    }) : () -> ()
    %mul3A_17 = arith.constant 16 : i32
    %mul3A_18 = arith.muli %arg0, %mul3A_17 : i32
    %add3A_19 = arith.addi %mul3A_18, %arg1 : i32
    %mul3A_20 = arith.constant 5120 : i32
    %mul3A_21 = arith.muli %add3A_19, %mul3A_20 : i32
    "tpu.region"() ({
      %run_scoped3A = tpu.sem_alloc : memref<!tpu.dma_semaphore, #tpu.memory_space<semaphore_mem>>
      %dma_start3A = tpu.memref_slice %arg9[%mul3A_21] : memref<163840xf32, #tpu.memory_space<hbm>> -> memref<5120xf32, #tpu.memory_space<hbm>>
      %dma_start3A_22 = tpu.memref_slice %arg9[%mul3A_21] : memref<163840xf32, #tpu.memory_space<hbm>> -> memref<5120xf32, #tpu.memory_space<hbm>>
      tpu.enqueue_dma source(%arg18 : memref<5120xf32, #tpu.memory_space<vmem>>) target(%dma_start3A_22 : memref<5120xf32, #tpu.memory_space<hbm>>) target_semaphore(%run_scoped3A : memref<!tpu.dma_semaphore, #tpu.memory_space<semaphore_mem>>)
      %dma_wait3A = tpu.memref_slice %arg9[%mul3A_21] : memref<163840xf32, #tpu.memory_space<hbm>> -> memref<5120xf32, #tpu.memory_space<hbm>>
      %dma_wait3A_23 = tpu.memref_slice %arg9[%mul3A_21] : memref<163840xf32, #tpu.memory_space<hbm>> -> memref<5120xf32, #tpu.memory_space<hbm>>
      tpu.wait_dma2 semaphore(%run_scoped3A : memref<!tpu.dma_semaphore, #tpu.memory_space<semaphore_mem>>) src(%arg18 : memref<5120xf32, #tpu.memory_space<vmem>>) dst(%dma_wait3A_23 : memref<5120xf32, #tpu.memory_space<hbm>>)
      tpu.yield
    }) : () -> ()
    return
  }
}

#map = affine_map<(d0, d1) -> (0, 0)>
#map1 = affine_map<(d0, d1) -> (0)>
#map2 = affine_map<(d0, d1) -> (0, 0, 0, 0)>
module attributes {stable_mosaic.version = 14 : i64} {
  func.func @_edge_agg(%arg0: i32, %arg1: i32, %arg2: memref<10240x128xf32, #tpu.memory_space<hbm>>, %arg3: memref<327680xi32, #tpu.memory_space<hbm>>, %arg4: memref<327680xi32, #tpu.memory_space<hbm>>, %arg5: memref<32x80x8x128xf32, #tpu.memory_space<hbm>>, %arg6: memref<2x16x640x128xf32, #tpu.memory_space<hbm>>, %arg7: memref<128xi32, #tpu.memory_space<vmem>>, %arg8: memref<1x128xi32, #tpu.memory_space<vmem>>, %arg9: memref<1x128xi32, #tpu.memory_space<vmem>>, %arg10: memref<128x128xf32, #tpu.memory_space<vmem>>, %arg11: memref<8x128xf32, #tpu.memory_space<vmem>>, %arg12: memref<10240x128xf32, #tpu.memory_space<vmem_shared>>, %arg13: memref<!tpu.dma_semaphore, #tpu.memory_space<semaphore_mem>>) attributes {dimension_semantics = [#tpu.dimension_semantics<core_parallel>, #tpu.dimension_semantics<subcore_parallel>], iteration_bounds = array<i64: 2, 16>, scalar_prefetch = 0 : i64, scratch_operands = 7 : i64, tpu.core_type = #tpu.core_type<sc_vector_subcore>, window_params = [{transform_indices = #map}, {transform_indices = #map1}, {transform_indices = #map1}, {transform_indices = #map2}, {transform_indices = #map2}]} {
    %mul3A = arith.constant 2 : i32
    %mul3A_0 = arith.muli %arg1, %mul3A : i32
    %add3A = arith.addi %mul3A_0, %arg0 : i32
    %scan3A = arith.constant 0 : i32
    %scan3A_1 = arith.constant 0 : i32
    %scan3A_2 = arith.constant 128 : i32
    %scan3A_3 = arith.addi %scan3A_1, %scan3A_2 : i32
    %scan3A_4 = arith.constant 1 : i32
    scf.for %scan3A_82 = %scan3A_1 to %scan3A_3 step %scan3A_4  : i32 {
      %broadcast_in_dim3A = arith.constant 0.000000e+00 : f32
      %broadcast_in_dim3A_83 = vector.broadcast %broadcast_in_dim3A : f32 to vector<16xf32>
      %swap3A = arith.index_cast %scan3A_82 : i32 to index
      %swap3A_84 = arith.constant 0 : index
      %swap3A_85 = tpu.vector_load %arg10[%swap3A, %swap3A_84] {strides = array<i32>} : memref<128x128xf32, #tpu.memory_space<vmem>>, vector<16xf32>,
      tpu.vector_store %arg10[%swap3A, %swap3A_84], %broadcast_in_dim3A_83 {strides = array<i32>} : memref<128x128xf32, #tpu.memory_space<vmem>>, vector<16xf32>,
      %broadcast_in_dim3A_86 = arith.constant 0.000000e+00 : f32
      %broadcast_in_dim3A_87 = vector.broadcast %broadcast_in_dim3A_86 : f32 to vector<16xf32>
      %swap3A_88 = arith.index_cast %scan3A_82 : i32 to index
      %swap3A_89 = arith.constant 16 : index
      %swap3A_90 = tpu.vector_load %arg10[%swap3A_88, %swap3A_89] {strides = array<i32>} : memref<128x128xf32, #tpu.memory_space<vmem>>, vector<16xf32>,
      tpu.vector_store %arg10[%swap3A_88, %swap3A_89], %broadcast_in_dim3A_87 {strides = array<i32>} : memref<128x128xf32, #tpu.memory_space<vmem>>, vector<16xf32>,
      %broadcast_in_dim3A_91 = arith.constant 0.000000e+00 : f32
      %broadcast_in_dim3A_92 = vector.broadcast %broadcast_in_dim3A_91 : f32 to vector<16xf32>
      %swap3A_93 = arith.index_cast %scan3A_82 : i32 to index
      %swap3A_94 = arith.constant 32 : index
      %swap3A_95 = tpu.vector_load %arg10[%swap3A_93, %swap3A_94] {strides = array<i32>} : memref<128x128xf32, #tpu.memory_space<vmem>>, vector<16xf32>,
      tpu.vector_store %arg10[%swap3A_93, %swap3A_94], %broadcast_in_dim3A_92 {strides = array<i32>} : memref<128x128xf32, #tpu.memory_space<vmem>>, vector<16xf32>,
      %broadcast_in_dim3A_96 = arith.constant 0.000000e+00 : f32
      %broadcast_in_dim3A_97 = vector.broadcast %broadcast_in_dim3A_96 : f32 to vector<16xf32>
      %swap3A_98 = arith.index_cast %scan3A_82 : i32 to index
      %swap3A_99 = arith.constant 48 : index
      %swap3A_100 = tpu.vector_load %arg10[%swap3A_98, %swap3A_99] {strides = array<i32>} : memref<128x128xf32, #tpu.memory_space<vmem>>, vector<16xf32>,
      tpu.vector_store %arg10[%swap3A_98, %swap3A_99], %broadcast_in_dim3A_97 {strides = array<i32>} : memref<128x128xf32, #tpu.memory_space<vmem>>, vector<16xf32>,
      %broadcast_in_dim3A_101 = arith.constant 0.000000e+00 : f32
      %broadcast_in_dim3A_102 = vector.broadcast %broadcast_in_dim3A_101 : f32 to vector<16xf32>
      %swap3A_103 = arith.index_cast %scan3A_82 : i32 to index
      %swap3A_104 = arith.constant 64 : index
      %swap3A_105 = tpu.vector_load %arg10[%swap3A_103, %swap3A_104] {strides = array<i32>} : memref<128x128xf32, #tpu.memory_space<vmem>>, vector<16xf32>,
      tpu.vector_store %arg10[%swap3A_103, %swap3A_104], %broadcast_in_dim3A_102 {strides = array<i32>} : memref<128x128xf32, #tpu.memory_space<vmem>>, vector<16xf32>,
      %broadcast_in_dim3A_106 = arith.constant 0.000000e+00 : f32
      %broadcast_in_dim3A_107 = vector.broadcast %broadcast_in_dim3A_106 : f32 to vector<16xf32>
      %swap3A_108 = arith.index_cast %scan3A_82 : i32 to index
      %swap3A_109 = arith.constant 80 : index
      %swap3A_110 = tpu.vector_load %arg10[%swap3A_108, %swap3A_109] {strides = array<i32>} : memref<128x128xf32, #tpu.memory_space<vmem>>, vector<16xf32>,
      tpu.vector_store %arg10[%swap3A_108, %swap3A_109], %broadcast_in_dim3A_107 {strides = array<i32>} : memref<128x128xf32, #tpu.memory_space<vmem>>, vector<16xf32>,
      %broadcast_in_dim3A_111 = arith.constant 0.000000e+00 : f32
      %broadcast_in_dim3A_112 = vector.broadcast %broadcast_in_dim3A_111 : f32 to vector<16xf32>
      %swap3A_113 = arith.index_cast %scan3A_82 : i32 to index
      %swap3A_114 = arith.constant 96 : index
      %swap3A_115 = tpu.vector_load %arg10[%swap3A_113, %swap3A_114] {strides = array<i32>} : memref<128x128xf32, #tpu.memory_space<vmem>>, vector<16xf32>,
      tpu.vector_store %arg10[%swap3A_113, %swap3A_114], %broadcast_in_dim3A_112 {strides = array<i32>} : memref<128x128xf32, #tpu.memory_space<vmem>>, vector<16xf32>,
      %broadcast_in_dim3A_116 = arith.constant 0.000000e+00 : f32
      %broadcast_in_dim3A_117 = vector.broadcast %broadcast_in_dim3A_116 : f32 to vector<16xf32>
      %swap3A_118 = arith.index_cast %scan3A_82 : i32 to index
      %swap3A_119 = arith.constant 112 : index
      %swap3A_120 = tpu.vector_load %arg10[%swap3A_118, %swap3A_119] {strides = array<i32>} : memref<128x128xf32, #tpu.memory_space<vmem>>, vector<16xf32>,
      tpu.vector_store %arg10[%swap3A_118, %swap3A_119], %broadcast_in_dim3A_117 {strides = array<i32>} : memref<128x128xf32, #tpu.memory_space<vmem>>, vector<16xf32>,
    }
    %scan3A_5 = arith.constant 128 : i32
    %scan3A_6 = arith.constant 0 : i32
    %scan3A_7 = arith.constant 0 : i32
    %scan3A_8 = arith.constant 8 : i32
    %scan3A_9 = arith.addi %scan3A_7, %scan3A_8 : i32
    %scan3A_10 = arith.constant 1 : i32
    scf.for %scan3A_82 = %scan3A_7 to %scan3A_9 step %scan3A_10  : i32 {
      %mul3A_83 = arith.constant 640 : i32
      %mul3A_84 = arith.muli %arg1, %mul3A_83 : i32
      %add3A_85 = arith.constant 0 : i32
      %add3A_86 = arith.addi %mul3A_84, %add3A_85 : i32
      %mul3A_87 = arith.constant 16 : i32
      %mul3A_88 = arith.muli %scan3A_82, %mul3A_87 : i32
      %add3A_89 = arith.addi %add3A_86, %mul3A_88 : i32
      %iota3A = tpu.iota {dimensions = array<i32: 0>} : vector<16xi32>
      %add3A_90 = vector.broadcast %add3A_89 : i32 to vector<16xi32>
      %add3A_91 = arith.addi %add3A_90, %iota3A : vector<16xi32>
      %mul3A_92 = arith.constant 16 : i32
      %mul3A_93 = arith.muli %scan3A_82, %mul3A_92 : i32
      %swap3A = arith.constant 0 : i32
      %swap3A_94 = arith.index_cast %swap3A : i32 to index
      %swap3A_95 = arith.index_cast %mul3A_93 : i32 to index
      %swap3A_96 = tpu.vector_load %arg9[%swap3A_94, %swap3A_95] {strides = array<i32>} : memref<1x128xi32, #tpu.memory_space<vmem>>, vector<16xi32>,
      tpu.vector_store %arg9[%swap3A_94, %swap3A_95], %add3A_91 {strides = array<i32>} : memref<1x128xi32, #tpu.memory_space<vmem>>, vector<16xi32>,
    }
    %scan3A_11 = arith.constant 8 : i32
    %run_scoped3A = arith.constant 0 : i32
    "tpu.region"() ({
      %run_scoped3A_82 = tpu.sem_alloc : memref<!tpu.dma_semaphore, #tpu.memory_space<semaphore_mem>>
      %dma_start3A = arith.constant 0 : i32
      %dma_start3A_83 = tpu.memref_slice %arg9[%run_scoped3A, %dma_start3A] : memref<1x128xi32, #tpu.memory_space<vmem>> -> memref<1x128xi32, #tpu.memory_space<vmem>>
      %dma_start3A_84 = tpu.memref_squeeze %dma_start3A_83 : memref<1x128xi32, #tpu.memory_space<vmem>> -> memref<128xi32, #tpu.memory_space<vmem>>
      %dma_start3A_85 = arith.constant 0 : i32
      %dma_start3A_86 = arith.constant 0 : i32
      %dma_start3A_87 = tpu.memref_slice %arg12[%dma_start3A_85, %dma_start3A_86] : memref<10240x128xf32, #tpu.memory_space<vmem_shared>> -> memref<10240x128xf32, #tpu.memory_space<vmem_shared>>
      tpu.enqueue_indirect_dma source(%arg10 : memref<128x128xf32, #tpu.memory_space<vmem>>) target(%dma_start3A_87 : memref<10240x128xf32, #tpu.memory_space<vmem_shared>>) offsets(%dma_start3A_84 : memref<128xi32, #tpu.memory_space<vmem>>) semaphore(%run_scoped3A_82 : memref<!tpu.dma_semaphore, #tpu.memory_space<semaphore_mem>>)
      %dma_wait3A = arith.constant 0 : i32
      %dma_wait3A_88 = tpu.memref_slice %arg9[%run_scoped3A, %dma_wait3A] : memref<1x128xi32, #tpu.memory_space<vmem>> -> memref<1x128xi32, #tpu.memory_space<vmem>>
      %dma_wait3A_89 = tpu.memref_squeeze %dma_wait3A_88 : memref<1x128xi32, #tpu.memory_space<vmem>> -> memref<128xi32, #tpu.memory_space<vmem>>
      %dma_wait3A_90 = arith.constant 0 : i32
      %dma_wait3A_91 = arith.constant 0 : i32
      %dma_wait3A_92 = tpu.memref_slice %arg12[%dma_wait3A_90, %dma_wait3A_91] : memref<10240x128xf32, #tpu.memory_space<vmem_shared>> -> memref<10240x128xf32, #tpu.memory_space<vmem_shared>>
      tpu.wait_indirect_dma semaphore(%run_scoped3A_82 : memref<!tpu.dma_semaphore, #tpu.memory_space<semaphore_mem>>) src(%arg10 : memref<128x128xf32, #tpu.memory_space<vmem>>) dst(%dma_wait3A_92 : memref<10240x128xf32, #tpu.memory_space<vmem_shared>>)
      tpu.yield
    }) : () -> ()
    %scan3A_12 = arith.constant 0 : i32
    %scan3A_13 = arith.constant 0 : i32
    %scan3A_14 = arith.constant 8 : i32
    %scan3A_15 = arith.addi %scan3A_13, %scan3A_14 : i32
    %scan3A_16 = arith.constant 1 : i32
    scf.for %scan3A_82 = %scan3A_13 to %scan3A_15 step %scan3A_16  : i32 {
      %mul3A_83 = arith.constant 640 : i32
      %mul3A_84 = arith.muli %arg1, %mul3A_83 : i32
      %add3A_85 = arith.constant 128 : i32
      %add3A_86 = arith.addi %mul3A_84, %add3A_85 : i32
      %mul3A_87 = arith.constant 16 : i32
      %mul3A_88 = arith.muli %scan3A_82, %mul3A_87 : i32
      %add3A_89 = arith.addi %add3A_86, %mul3A_88 : i32
      %iota3A = tpu.iota {dimensions = array<i32: 0>} : vector<16xi32>
      %add3A_90 = vector.broadcast %add3A_89 : i32 to vector<16xi32>
      %add3A_91 = arith.addi %add3A_90, %iota3A : vector<16xi32>
      %mul3A_92 = arith.constant 16 : i32
      %mul3A_93 = arith.muli %scan3A_82, %mul3A_92 : i32
      %swap3A = arith.constant 0 : i32
      %swap3A_94 = arith.index_cast %swap3A : i32 to index
      %swap3A_95 = arith.index_cast %mul3A_93 : i32 to index
      %swap3A_96 = tpu.vector_load %arg9[%swap3A_94, %swap3A_95] {strides = array<i32>} : memref<1x128xi32, #tpu.memory_space<vmem>>, vector<16xi32>,
      tpu.vector_store %arg9[%swap3A_94, %swap3A_95], %add3A_91 {strides = array<i32>} : memref<1x128xi32, #tpu.memory_space<vmem>>, vector<16xi32>,
    }
    %scan3A_17 = arith.constant 8 : i32
    %run_scoped3A_18 = arith.constant 0 : i32
    "tpu.region"() ({
      %run_scoped3A_82 = tpu.sem_alloc : memref<!tpu.dma_semaphore, #tpu.memory_space<semaphore_mem>>
      %dma_start3A = arith.constant 0 : i32
      %dma_start3A_83 = tpu.memref_slice %arg9[%run_scoped3A_18, %dma_start3A] : memref<1x128xi32, #tpu.memory_space<vmem>> -> memref<1x128xi32, #tpu.memory_space<vmem>>
      %dma_start3A_84 = tpu.memref_squeeze %dma_start3A_83 : memref<1x128xi32, #tpu.memory_space<vmem>> -> memref<128xi32, #tpu.memory_space<vmem>>
      %dma_start3A_85 = arith.constant 0 : i32
      %dma_start3A_86 = arith.constant 0 : i32
      %dma_start3A_87 = tpu.memref_slice %arg12[%dma_start3A_85, %dma_start3A_86] : memref<10240x128xf32, #tpu.memory_space<vmem_shared>> -> memref<10240x128xf32, #tpu.memory_space<vmem_shared>>
      tpu.enqueue_indirect_dma source(%arg10 : memref<128x128xf32, #tpu.memory_space<vmem>>) target(%dma_start3A_87 : memref<10240x128xf32, #tpu.memory_space<vmem_shared>>) offsets(%dma_start3A_84 : memref<128xi32, #tpu.memory_space<vmem>>) semaphore(%run_scoped3A_82 : memref<!tpu.dma_semaphore, #tpu.memory_space<semaphore_mem>>)
      %dma_wait3A = arith.constant 0 : i32
      %dma_wait3A_88 = tpu.memref_slice %arg9[%run_scoped3A_18, %dma_wait3A] : memref<1x128xi32, #tpu.memory_space<vmem>> -> memref<1x128xi32, #tpu.memory_space<vmem>>
      %dma_wait3A_89 = tpu.memref_squeeze %dma_wait3A_88 : memref<1x128xi32, #tpu.memory_space<vmem>> -> memref<128xi32, #tpu.memory_space<vmem>>
      %dma_wait3A_90 = arith.constant 0 : i32
      %dma_wait3A_91 = arith.constant 0 : i32
      %dma_wait3A_92 = tpu.memref_slice %arg12[%dma_wait3A_90, %dma_wait3A_91] : memref<10240x128xf32, #tpu.memory_space<vmem_shared>> -> memref<10240x128xf32, #tpu.memory_space<vmem_shared>>
      tpu.wait_indirect_dma semaphore(%run_scoped3A_82 : memref<!tpu.dma_semaphore, #tpu.memory_space<semaphore_mem>>) src(%arg10 : memref<128x128xf32, #tpu.memory_space<vmem>>) dst(%dma_wait3A_92 : memref<10240x128xf32, #tpu.memory_space<vmem_shared>>)
      tpu.yield
    }) : () -> ()
    %scan3A_19 = arith.constant 0 : i32
    %scan3A_20 = arith.constant 0 : i32
    %scan3A_21 = arith.constant 8 : i32
    %scan3A_22 = arith.addi %scan3A_20, %scan3A_21 : i32
    %scan3A_23 = arith.constant 1 : i32
    scf.for %scan3A_82 = %scan3A_20 to %scan3A_22 step %scan3A_23  : i32 {
      %mul3A_83 = arith.constant 640 : i32
      %mul3A_84 = arith.muli %arg1, %mul3A_83 : i32
      %add3A_85 = arith.constant 256 : i32
      %add3A_86 = arith.addi %mul3A_84, %add3A_85 : i32
      %mul3A_87 = arith.constant 16 : i32
      %mul3A_88 = arith.muli %scan3A_82, %mul3A_87 : i32
      %add3A_89 = arith.addi %add3A_86, %mul3A_88 : i32
      %iota3A = tpu.iota {dimensions = array<i32: 0>} : vector<16xi32>
      %add3A_90 = vector.broadcast %add3A_89 : i32 to vector<16xi32>
      %add3A_91 = arith.addi %add3A_90, %iota3A : vector<16xi32>
      %mul3A_92 = arith.constant 16 : i32
      %mul3A_93 = arith.muli %scan3A_82, %mul3A_92 : i32
      %swap3A = arith.constant 0 : i32
      %swap3A_94 = arith.index_cast %swap3A : i32 to index
      %swap3A_95 = arith.index_cast %mul3A_93 : i32 to index
      %swap3A_96 = tpu.vector_load %arg9[%swap3A_94, %swap3A_95] {strides = array<i32>} : memref<1x128xi32, #tpu.memory_space<vmem>>, vector<16xi32>,
      tpu.vector_store %arg9[%swap3A_94, %swap3A_95], %add3A_91 {strides = array<i32>} : memref<1x128xi32, #tpu.memory_space<vmem>>, vector<16xi32>,
    }
    %scan3A_24 = arith.constant 8 : i32
    %run_scoped3A_25 = arith.constant 0 : i32
    "tpu.region"() ({
      %run_scoped3A_82 = tpu.sem_alloc : memref<!tpu.dma_semaphore, #tpu.memory_space<semaphore_mem>>
      %dma_start3A = arith.constant 0 : i32
      %dma_start3A_83 = tpu.memref_slice %arg9[%run_scoped3A_25, %dma_start3A] : memref<1x128xi32, #tpu.memory_space<vmem>> -> memref<1x128xi32, #tpu.memory_space<vmem>>
      %dma_start3A_84 = tpu.memref_squeeze %dma_start3A_83 : memref<1x128xi32, #tpu.memory_space<vmem>> -> memref<128xi32, #tpu.memory_space<vmem>>
      %dma_start3A_85 = arith.constant 0 : i32
      %dma_start3A_86 = arith.constant 0 : i32
      %dma_start3A_87 = tpu.memref_slice %arg12[%dma_start3A_85, %dma_start3A_86] : memref<10240x128xf32, #tpu.memory_space<vmem_shared>> -> memref<10240x128xf32, #tpu.memory_space<vmem_shared>>
      tpu.enqueue_indirect_dma source(%arg10 : memref<128x128xf32, #tpu.memory_space<vmem>>) target(%dma_start3A_87 : memref<10240x128xf32, #tpu.memory_space<vmem_shared>>) offsets(%dma_start3A_84 : memref<128xi32, #tpu.memory_space<vmem>>) semaphore(%run_scoped3A_82 : memref<!tpu.dma_semaphore, #tpu.memory_space<semaphore_mem>>)
      %dma_wait3A = arith.constant 0 : i32
      %dma_wait3A_88 = tpu.memref_slice %arg9[%run_scoped3A_25, %dma_wait3A] : memref<1x128xi32, #tpu.memory_space<vmem>> -> memref<1x128xi32, #tpu.memory_space<vmem>>
      %dma_wait3A_89 = tpu.memref_squeeze %dma_wait3A_88 : memref<1x128xi32, #tpu.memory_space<vmem>> -> memref<128xi32, #tpu.memory_space<vmem>>
      %dma_wait3A_90 = arith.constant 0 : i32
      %dma_wait3A_91 = arith.constant 0 : i32
      %dma_wait3A_92 = tpu.memref_slice %arg12[%dma_wait3A_90, %dma_wait3A_91] : memref<10240x128xf32, #tpu.memory_space<vmem_shared>> -> memref<10240x128xf32, #tpu.memory_space<vmem_shared>>
      tpu.wait_indirect_dma semaphore(%run_scoped3A_82 : memref<!tpu.dma_semaphore, #tpu.memory_space<semaphore_mem>>) src(%arg10 : memref<128x128xf32, #tpu.memory_space<vmem>>) dst(%dma_wait3A_92 : memref<10240x128xf32, #tpu.memory_space<vmem_shared>>)
      tpu.yield
    }) : () -> ()
    %scan3A_26 = arith.constant 0 : i32
    %scan3A_27 = arith.constant 0 : i32
    %scan3A_28 = arith.constant 8 : i32
    %scan3A_29 = arith.addi %scan3A_27, %scan3A_28 : i32
    %scan3A_30 = arith.constant 1 : i32
    scf.for %scan3A_82 = %scan3A_27 to %scan3A_29 step %scan3A_30  : i32 {
      %mul3A_83 = arith.constant 640 : i32
      %mul3A_84 = arith.muli %arg1, %mul3A_83 : i32
      %add3A_85 = arith.constant 384 : i32
      %add3A_86 = arith.addi %mul3A_84, %add3A_85 : i32
      %mul3A_87 = arith.constant 16 : i32
      %mul3A_88 = arith.muli %scan3A_82, %mul3A_87 : i32
      %add3A_89 = arith.addi %add3A_86, %mul3A_88 : i32
      %iota3A = tpu.iota {dimensions = array<i32: 0>} : vector<16xi32>
      %add3A_90 = vector.broadcast %add3A_89 : i32 to vector<16xi32>
      %add3A_91 = arith.addi %add3A_90, %iota3A : vector<16xi32>
      %mul3A_92 = arith.constant 16 : i32
      %mul3A_93 = arith.muli %scan3A_82, %mul3A_92 : i32
      %swap3A = arith.constant 0 : i32
      %swap3A_94 = arith.index_cast %swap3A : i32 to index
      %swap3A_95 = arith.index_cast %mul3A_93 : i32 to index
      %swap3A_96 = tpu.vector_load %arg9[%swap3A_94, %swap3A_95] {strides = array<i32>} : memref<1x128xi32, #tpu.memory_space<vmem>>, vector<16xi32>,
      tpu.vector_store %arg9[%swap3A_94, %swap3A_95], %add3A_91 {strides = array<i32>} : memref<1x128xi32, #tpu.memory_space<vmem>>, vector<16xi32>,
    }
    %scan3A_31 = arith.constant 8 : i32
    %run_scoped3A_32 = arith.constant 0 : i32
    "tpu.region"() ({
      %run_scoped3A_82 = tpu.sem_alloc : memref<!tpu.dma_semaphore, #tpu.memory_space<semaphore_mem>>
      %dma_start3A = arith.constant 0 : i32
      %dma_start3A_83 = tpu.memref_slice %arg9[%run_scoped3A_32, %dma_start3A] : memref<1x128xi32, #tpu.memory_space<vmem>> -> memref<1x128xi32, #tpu.memory_space<vmem>>
      %dma_start3A_84 = tpu.memref_squeeze %dma_start3A_83 : memref<1x128xi32, #tpu.memory_space<vmem>> -> memref<128xi32, #tpu.memory_space<vmem>>
      %dma_start3A_85 = arith.constant 0 : i32
      %dma_start3A_86 = arith.constant 0 : i32
      %dma_start3A_87 = tpu.memref_slice %arg12[%dma_start3A_85, %dma_start3A_86] : memref<10240x128xf32, #tpu.memory_space<vmem_shared>> -> memref<10240x128xf32, #tpu.memory_space<vmem_shared>>
      tpu.enqueue_indirect_dma source(%arg10 : memref<128x128xf32, #tpu.memory_space<vmem>>) target(%dma_start3A_87 : memref<10240x128xf32, #tpu.memory_space<vmem_shared>>) offsets(%dma_start3A_84 : memref<128xi32, #tpu.memory_space<vmem>>) semaphore(%run_scoped3A_82 : memref<!tpu.dma_semaphore, #tpu.memory_space<semaphore_mem>>)
      %dma_wait3A = arith.constant 0 : i32
      %dma_wait3A_88 = tpu.memref_slice %arg9[%run_scoped3A_32, %dma_wait3A] : memref<1x128xi32, #tpu.memory_space<vmem>> -> memref<1x128xi32, #tpu.memory_space<vmem>>
      %dma_wait3A_89 = tpu.memref_squeeze %dma_wait3A_88 : memref<1x128xi32, #tpu.memory_space<vmem>> -> memref<128xi32, #tpu.memory_space<vmem>>
      %dma_wait3A_90 = arith.constant 0 : i32
      %dma_wait3A_91 = arith.constant 0 : i32
      %dma_wait3A_92 = tpu.memref_slice %arg12[%dma_wait3A_90, %dma_wait3A_91] : memref<10240x128xf32, #tpu.memory_space<vmem_shared>> -> memref<10240x128xf32, #tpu.memory_space<vmem_shared>>
      tpu.wait_indirect_dma semaphore(%run_scoped3A_82 : memref<!tpu.dma_semaphore, #tpu.memory_space<semaphore_mem>>) src(%arg10 : memref<128x128xf32, #tpu.memory_space<vmem>>) dst(%dma_wait3A_92 : memref<10240x128xf32, #tpu.memory_space<vmem_shared>>)
      tpu.yield
    }) : () -> ()
    %scan3A_33 = arith.constant 0 : i32
    %scan3A_34 = arith.constant 0 : i32
    %scan3A_35 = arith.constant 8 : i32
    %scan3A_36 = arith.addi %scan3A_34, %scan3A_35 : i32
    %scan3A_37 = arith.constant 1 : i32
    scf.for %scan3A_82 = %scan3A_34 to %scan3A_36 step %scan3A_37  : i32 {
      %mul3A_83 = arith.constant 640 : i32
      %mul3A_84 = arith.muli %arg1, %mul3A_83 : i32
      %add3A_85 = arith.constant 512 : i32
      %add3A_86 = arith.addi %mul3A_84, %add3A_85 : i32
      %mul3A_87 = arith.constant 16 : i32
      %mul3A_88 = arith.muli %scan3A_82, %mul3A_87 : i32
      %add3A_89 = arith.addi %add3A_86, %mul3A_88 : i32
      %iota3A = tpu.iota {dimensions = array<i32: 0>} : vector<16xi32>
      %add3A_90 = vector.broadcast %add3A_89 : i32 to vector<16xi32>
      %add3A_91 = arith.addi %add3A_90, %iota3A : vector<16xi32>
      %mul3A_92 = arith.constant 16 : i32
      %mul3A_93 = arith.muli %scan3A_82, %mul3A_92 : i32
      %swap3A = arith.constant 0 : i32
      %swap3A_94 = arith.index_cast %swap3A : i32 to index
      %swap3A_95 = arith.index_cast %mul3A_93 : i32 to index
      %swap3A_96 = tpu.vector_load %arg9[%swap3A_94, %swap3A_95] {strides = array<i32>} : memref<1x128xi32, #tpu.memory_space<vmem>>, vector<16xi32>,
      tpu.vector_store %arg9[%swap3A_94, %swap3A_95], %add3A_91 {strides = array<i32>} : memref<1x128xi32, #tpu.memory_space<vmem>>, vector<16xi32>,
    }
    %scan3A_38 = arith.constant 8 : i32
    %run_scoped3A_39 = arith.constant 0 : i32
    "tpu.region"() ({
      %run_scoped3A_82 = tpu.sem_alloc : memref<!tpu.dma_semaphore, #tpu.memory_space<semaphore_mem>>
      %dma_start3A = arith.constant 0 : i32
      %dma_start3A_83 = tpu.memref_slice %arg9[%run_scoped3A_39, %dma_start3A] : memref<1x128xi32, #tpu.memory_space<vmem>> -> memref<1x128xi32, #tpu.memory_space<vmem>>
      %dma_start3A_84 = tpu.memref_squeeze %dma_start3A_83 : memref<1x128xi32, #tpu.memory_space<vmem>> -> memref<128xi32, #tpu.memory_space<vmem>>
      %dma_start3A_85 = arith.constant 0 : i32
      %dma_start3A_86 = arith.constant 0 : i32
      %dma_start3A_87 = tpu.memref_slice %arg12[%dma_start3A_85, %dma_start3A_86] : memref<10240x128xf32, #tpu.memory_space<vmem_shared>> -> memref<10240x128xf32, #tpu.memory_space<vmem_shared>>
      tpu.enqueue_indirect_dma source(%arg10 : memref<128x128xf32, #tpu.memory_space<vmem>>) target(%dma_start3A_87 : memref<10240x128xf32, #tpu.memory_space<vmem_shared>>) offsets(%dma_start3A_84 : memref<128xi32, #tpu.memory_space<vmem>>) semaphore(%run_scoped3A_82 : memref<!tpu.dma_semaphore, #tpu.memory_space<semaphore_mem>>)
      %dma_wait3A = arith.constant 0 : i32
      %dma_wait3A_88 = tpu.memref_slice %arg9[%run_scoped3A_39, %dma_wait3A] : memref<1x128xi32, #tpu.memory_space<vmem>> -> memref<1x128xi32, #tpu.memory_space<vmem>>
      %dma_wait3A_89 = tpu.memref_squeeze %dma_wait3A_88 : memref<1x128xi32, #tpu.memory_space<vmem>> -> memref<128xi32, #tpu.memory_space<vmem>>
      %dma_wait3A_90 = arith.constant 0 : i32
      %dma_wait3A_91 = arith.constant 0 : i32
      %dma_wait3A_92 = tpu.memref_slice %arg12[%dma_wait3A_90, %dma_wait3A_91] : memref<10240x128xf32, #tpu.memory_space<vmem_shared>> -> memref<10240x128xf32, #tpu.memory_space<vmem_shared>>
      tpu.wait_indirect_dma semaphore(%run_scoped3A_82 : memref<!tpu.dma_semaphore, #tpu.memory_space<semaphore_mem>>) src(%arg10 : memref<128x128xf32, #tpu.memory_space<vmem>>) dst(%dma_wait3A_92 : memref<10240x128xf32, #tpu.memory_space<vmem_shared>>)
      tpu.yield
    }) : () -> ()
    %barrier3A = arith.constant 0 : index
    tpu.barrier barrier_id(%barrier3A)
    %scan3A_40 = arith.constant 0 : i32
    %scan3A_41 = arith.constant 0 : i32
    %scan3A_42 = arith.constant 80 : i32
    %scan3A_43 = arith.addi %scan3A_41, %scan3A_42 : i32
    %scan3A_44 = arith.constant 1 : i32
    scf.for %scan3A_82 = %scan3A_41 to %scan3A_43 step %scan3A_44  : i32 {
      %mul3A_83 = arith.constant 10240 : i32
      %mul3A_84 = arith.muli %add3A, %mul3A_83 : i32
      %mul3A_85 = arith.constant 128 : i32
      %mul3A_86 = arith.muli %scan3A_82, %mul3A_85 : i32
      %add3A_87 = arith.addi %mul3A_84, %mul3A_86 : i32
      "tpu.region"() ({
        %run_scoped3A_100 = tpu.sem_alloc : memref<!tpu.dma_semaphore, #tpu.memory_space<semaphore_mem>>
        %dma_start3A_101 = tpu.memref_slice %arg3[%add3A_87] : memref<327680xi32, #tpu.memory_space<hbm>> -> memref<128xi32, #tpu.memory_space<hbm>>
        %dma_start3A_102 = tpu.memref_slice %arg3[%add3A_87] : memref<327680xi32, #tpu.memory_space<hbm>> -> memref<128xi32, #tpu.memory_space<hbm>>
        tpu.enqueue_dma source(%dma_start3A_102 : memref<128xi32, #tpu.memory_space<hbm>>) target(%arg7 : memref<128xi32, #tpu.memory_space<vmem>>) target_semaphore(%run_scoped3A_100 : memref<!tpu.dma_semaphore, #tpu.memory_space<semaphore_mem>>)
        %dma_wait3A_103 = tpu.memref_slice %arg3[%add3A_87] : memref<327680xi32, #tpu.memory_space<hbm>> -> memref<128xi32, #tpu.memory_space<hbm>>
        %dma_wait3A_104 = tpu.memref_slice %arg3[%add3A_87] : memref<327680xi32, #tpu.memory_space<hbm>> -> memref<128xi32, #tpu.memory_space<hbm>>
        tpu.wait_dma2 semaphore(%run_scoped3A_100 : memref<!tpu.dma_semaphore, #tpu.memory_space<semaphore_mem>>) src(%dma_wait3A_104 : memref<128xi32, #tpu.memory_space<hbm>>) dst(%arg7 : memref<128xi32, #tpu.memory_space<vmem>>)
        tpu.yield
      }) : () -> ()
      %run_scoped3A_88 = arith.constant 0 : i32
      "tpu.region"() ({
        %run_scoped3A_100 = tpu.sem_alloc : memref<!tpu.dma_semaphore, #tpu.memory_space<semaphore_mem>>
        %dma_start3A_101 = arith.constant 0 : i32
        %dma_start3A_102 = tpu.memref_slice %arg8[%run_scoped3A_88, %dma_start3A_101] : memref<1x128xi32, #tpu.memory_space<vmem>> -> memref<1x128xi32, #tpu.memory_space<vmem>>
        %dma_start3A_103 = tpu.memref_squeeze %dma_start3A_102 : memref<1x128xi32, #tpu.memory_space<vmem>> -> memref<128xi32, #tpu.memory_space<vmem>>
        %dma_start3A_104 = tpu.memref_slice %arg4[%add3A_87] : memref<327680xi32, #tpu.memory_space<hbm>> -> memref<128xi32, #tpu.memory_space<hbm>>
        %dma_start3A_105 = arith.constant 0 : i32
        %dma_start3A_106 = tpu.memref_slice %arg8[%run_scoped3A_88, %dma_start3A_105] : memref<1x128xi32, #tpu.memory_space<vmem>> -> memref<1x128xi32, #tpu.memory_space<vmem>>
        %dma_start3A_107 = tpu.memref_squeeze %dma_start3A_106 : memref<1x128xi32, #tpu.memory_space<vmem>> -> memref<128xi32, #tpu.memory_space<vmem>>
        %dma_start3A_108 = tpu.memref_slice %arg4[%add3A_87] : memref<327680xi32, #tpu.memory_space<hbm>> -> memref<128xi32, #tpu.memory_space<hbm>>
        tpu.enqueue_dma source(%dma_start3A_108 : memref<128xi32, #tpu.memory_space<hbm>>) target(%dma_start3A_107 : memref<128xi32, #tpu.memory_space<vmem>>) target_semaphore(%run_scoped3A_100 : memref<!tpu.dma_semaphore, #tpu.memory_space<semaphore_mem>>)
        %dma_wait3A_109 = arith.constant 0 : i32
        %dma_wait3A_110 = tpu.memref_slice %arg8[%run_scoped3A_88, %dma_wait3A_109] : memref<1x128xi32, #tpu.memory_space<vmem>> -> memref<1x128xi32, #tpu.memory_space<vmem>>
        %dma_wait3A_111 = tpu.memref_squeeze %dma_wait3A_110 : memref<1x128xi32, #tpu.memory_space<vmem>> -> memref<128xi32, #tpu.memory_space<vmem>>
        %dma_wait3A_112 = tpu.memref_slice %arg4[%add3A_87] : memref<327680xi32, #tpu.memory_space<hbm>> -> memref<128xi32, #tpu.memory_space<hbm>>
        %dma_wait3A_113 = arith.constant 0 : i32
        %dma_wait3A_114 = tpu.memref_slice %arg8[%run_scoped3A_88, %dma_wait3A_113] : memref<1x128xi32, #tpu.memory_space<vmem>> -> memref<1x128xi32, #tpu.memory_space<vmem>>
        %dma_wait3A_115 = tpu.memref_squeeze %dma_wait3A_114 : memref<1x128xi32, #tpu.memory_space<vmem>> -> memref<128xi32, #tpu.memory_space<vmem>>
        %dma_wait3A_116 = tpu.memref_slice %arg4[%add3A_87] : memref<327680xi32, #tpu.memory_space<hbm>> -> memref<128xi32, #tpu.memory_space<hbm>>
        tpu.wait_dma2 semaphore(%run_scoped3A_100 : memref<!tpu.dma_semaphore, #tpu.memory_space<semaphore_mem>>) src(%dma_wait3A_116 : memref<128xi32, #tpu.memory_space<hbm>>) dst(%dma_wait3A_115 : memref<128xi32, #tpu.memory_space<vmem>>)
        tpu.yield
      }) : () -> ()
      "tpu.region"() ({
        %run_scoped3A_100 = tpu.sem_alloc : memref<!tpu.dma_semaphore, #tpu.memory_space<semaphore_mem>>
        %dma_start3A_101 = arith.constant 0 : i32
        %dma_start3A_102 = arith.constant 0 : i32
        %dma_start3A_103 = tpu.memref_slice %arg5[%add3A, %scan3A_82, %dma_start3A_101, %dma_start3A_102] : memref<32x80x8x128xf32, #tpu.memory_space<hbm>> -> memref<1x1x8x128xf32, #tpu.memory_space<hbm>>
        %dma_start3A_104 = tpu.memref_squeeze %dma_start3A_103 : memref<1x1x8x128xf32, #tpu.memory_space<hbm>> -> memref<8x128xf32, #tpu.memory_space<hbm>>
        %dma_start3A_105 = arith.constant 0 : i32
        %dma_start3A_106 = arith.constant 0 : i32
        %dma_start3A_107 = tpu.memref_slice %arg5[%add3A, %scan3A_82, %dma_start3A_105, %dma_start3A_106] : memref<32x80x8x128xf32, #tpu.memory_space<hbm>> -> memref<1x1x8x128xf32, #tpu.memory_space<hbm>>
        %dma_start3A_108 = tpu.memref_squeeze %dma_start3A_107 : memref<1x1x8x128xf32, #tpu.memory_space<hbm>> -> memref<8x128xf32, #tpu.memory_space<hbm>>
        tpu.enqueue_dma source(%dma_start3A_108 : memref<8x128xf32, #tpu.memory_space<hbm>>) target(%arg11 : memref<8x128xf32, #tpu.memory_space<vmem>>) target_semaphore(%run_scoped3A_100 : memref<!tpu.dma_semaphore, #tpu.memory_space<semaphore_mem>>)
        %dma_wait3A_109 = arith.constant 0 : i32
        %dma_wait3A_110 = arith.constant 0 : i32
        %dma_wait3A_111 = tpu.memref_slice %arg5[%add3A, %scan3A_82, %dma_wait3A_109, %dma_wait3A_110] : memref<32x80x8x128xf32, #tpu.memory_space<hbm>> -> memref<1x1x8x128xf32, #tpu.memory_space<hbm>>
        %dma_wait3A_112 = tpu.memref_squeeze %dma_wait3A_111 : memref<1x1x8x128xf32, #tpu.memory_space<hbm>> -> memref<8x128xf32, #tpu.memory_space<hbm>>
        %dma_wait3A_113 = arith.constant 0 : i32
        %dma_wait3A_114 = arith.constant 0 : i32
        %dma_wait3A_115 = tpu.memref_slice %arg5[%add3A, %scan3A_82, %dma_wait3A_113, %dma_wait3A_114] : memref<32x80x8x128xf32, #tpu.memory_space<hbm>> -> memref<1x1x8x128xf32, #tpu.memory_space<hbm>>
        %dma_wait3A_116 = tpu.memref_squeeze %dma_wait3A_115 : memref<1x1x8x128xf32, #tpu.memory_space<hbm>> -> memref<8x128xf32, #tpu.memory_space<hbm>>
        tpu.wait_dma2 semaphore(%run_scoped3A_100 : memref<!tpu.dma_semaphore, #tpu.memory_space<semaphore_mem>>) src(%dma_wait3A_116 : memref<8x128xf32, #tpu.memory_space<hbm>>) dst(%arg11 : memref<8x128xf32, #tpu.memory_space<vmem>>)
        tpu.yield
      }) : () -> ()
      %dma_start3A = arith.constant 0 : i32
      %dma_start3A_89 = arith.constant 0 : i32
      %dma_start3A_90 = tpu.memref_slice %arg2[%dma_start3A, %dma_start3A_89] : memref<10240x128xf32, #tpu.memory_space<hbm>> -> memref<10240x128xf32, #tpu.memory_space<hbm>>
      tpu.enqueue_indirect_dma source(%dma_start3A_90 : memref<10240x128xf32, #tpu.memory_space<hbm>>) target(%arg10 : memref<128x128xf32, #tpu.memory_space<vmem>>) offsets(%arg7 : memref<128xi32, #tpu.memory_space<vmem>>) semaphore(%arg13 : memref<!tpu.dma_semaphore, #tpu.memory_space<semaphore_mem>>)
      %dma_wait3A = arith.constant 0 : i32
      %dma_wait3A_91 = arith.constant 0 : i32
      %dma_wait3A_92 = tpu.memref_slice %arg2[%dma_wait3A, %dma_wait3A_91] : memref<10240x128xf32, #tpu.memory_space<hbm>> -> memref<10240x128xf32, #tpu.memory_space<hbm>>
      tpu.wait_indirect_dma semaphore(%arg13 : memref<!tpu.dma_semaphore, #tpu.memory_space<semaphore_mem>>) src(%dma_wait3A_92 : memref<10240x128xf32, #tpu.memory_space<hbm>>) dst(%arg10 : memref<128x128xf32, #tpu.memory_space<vmem>>)
      %scan3A_93 = arith.constant 0 : i32
      %scan3A_94 = arith.constant 0 : i32
      %scan3A_95 = arith.constant 8 : i32
      %scan3A_96 = arith.addi %scan3A_94, %scan3A_95 : i32
      %scan3A_97 = arith.constant 1 : i32
      scf.for %scan3A_100 = %scan3A_94 to %scan3A_96 step %scan3A_97  : i32 {
        %mul3A_101 = arith.constant 16 : i32
        %mul3A_102 = arith.muli %scan3A_100, %mul3A_101 : i32
        %add3A_103 = arith.constant 0 : i32
        %add3A_104 = arith.addi %mul3A_102, %add3A_103 : i32
        %broadcast_in_dim3A = arith.constant 0 : i32
        %broadcast_in_dim3A_105 = vector.broadcast %broadcast_in_dim3A : i32 to vector<16xi32>
        %broadcast_in_dim3A_106 = arith.constant 0 : i32
        %broadcast_in_dim3A_107 = vector.broadcast %broadcast_in_dim3A_106 : i32 to vector<16xi32>
        %add3A_108 = vector.broadcast %add3A_104 : i32 to vector<16xi32>
        %add3A_109 = arith.addi %broadcast_in_dim3A_107, %add3A_108 : vector<16xi32>
        %gather3A = tpu.vector_load_idx %arg11[%broadcast_in_dim3A_105, %add3A_109] : memref<8x128xf32, #tpu.memory_space<vmem>>[vector<16xi32>, vector<16xi32>], vector<16xf32>,
        %get3A = arith.index_cast %add3A_104 : i32 to index
        %get3A_110 = arith.constant 0 : index
        %get3A_111 = tpu.vector_load %arg10[%get3A, %get3A_110] {strides = array<i32>} : memref<128x128xf32, #tpu.memory_space<vmem>>, vector<16xf32>,
        %mul3A_112 = arith.mulf %get3A_111, %gather3A : vector<16xf32>
        %swap3A = arith.index_cast %add3A_104 : i32 to index
        %swap3A_113 = arith.constant 0 : index
        %swap3A_114 = tpu.vector_load %arg10[%swap3A, %swap3A_113] {strides = array<i32>} : memref<128x128xf32, #tpu.memory_space<vmem>>, vector<16xf32>,
        tpu.vector_store %arg10[%swap3A, %swap3A_113], %mul3A_112 {strides = array<i32>} : memref<128x128xf32, #tpu.memory_space<vmem>>, vector<16xf32>,
        %broadcast_in_dim3A_115 = arith.constant 1 : i32
        %broadcast_in_dim3A_116 = vector.broadcast %broadcast_in_dim3A_115 : i32 to vector<16xi32>
        %broadcast_in_dim3A_117 = arith.constant 0 : i32
        %broadcast_in_dim3A_118 = vector.broadcast %broadcast_in_dim3A_117 : i32 to vector<16xi32>
        %add3A_119 = vector.broadcast %add3A_104 : i32 to vector<16xi32>
        %add3A_120 = arith.addi %broadcast_in_dim3A_118, %add3A_119 : vector<16xi32>
        %gather3A_121 = tpu.vector_load_idx %arg11[%broadcast_in_dim3A_116, %add3A_120] : memref<8x128xf32, #tpu.memory_space<vmem>>[vector<16xi32>, vector<16xi32>], vector<16xf32>,
        %get3A_122 = arith.index_cast %add3A_104 : i32 to index
        %get3A_123 = arith.constant 16 : index
        %get3A_124 = tpu.vector_load %arg10[%get3A_122, %get3A_123] {strides = array<i32>} : memref<128x128xf32, #tpu.memory_space<vmem>>, vector<16xf32>,
        %mul3A_125 = arith.mulf %get3A_124, %gather3A_121 : vector<16xf32>
        %swap3A_126 = arith.index_cast %add3A_104 : i32 to index
        %swap3A_127 = arith.constant 16 : index
        %swap3A_128 = tpu.vector_load %arg10[%swap3A_126, %swap3A_127] {strides = array<i32>} : memref<128x128xf32, #tpu.memory_space<vmem>>, vector<16xf32>,
        tpu.vector_store %arg10[%swap3A_126, %swap3A_127], %mul3A_125 {strides = array<i32>} : memref<128x128xf32, #tpu.memory_space<vmem>>, vector<16xf32>,
        %broadcast_in_dim3A_129 = arith.constant 2 : i32
        %broadcast_in_dim3A_130 = vector.broadcast %broadcast_in_dim3A_129 : i32 to vector<16xi32>
        %broadcast_in_dim3A_131 = arith.constant 0 : i32
        %broadcast_in_dim3A_132 = vector.broadcast %broadcast_in_dim3A_131 : i32 to vector<16xi32>
        %add3A_133 = vector.broadcast %add3A_104 : i32 to vector<16xi32>
        %add3A_134 = arith.addi %broadcast_in_dim3A_132, %add3A_133 : vector<16xi32>
        %gather3A_135 = tpu.vector_load_idx %arg11[%broadcast_in_dim3A_130, %add3A_134] : memref<8x128xf32, #tpu.memory_space<vmem>>[vector<16xi32>, vector<16xi32>], vector<16xf32>,
        %get3A_136 = arith.index_cast %add3A_104 : i32 to index
        %get3A_137 = arith.constant 32 : index
        %get3A_138 = tpu.vector_load %arg10[%get3A_136, %get3A_137] {strides = array<i32>} : memref<128x128xf32, #tpu.memory_space<vmem>>, vector<16xf32>,
        %mul3A_139 = arith.mulf %get3A_138, %gather3A_135 : vector<16xf32>
        %swap3A_140 = arith.index_cast %add3A_104 : i32 to index
        %swap3A_141 = arith.constant 32 : index
        %swap3A_142 = tpu.vector_load %arg10[%swap3A_140, %swap3A_141] {strides = array<i32>} : memref<128x128xf32, #tpu.memory_space<vmem>>, vector<16xf32>,
        tpu.vector_store %arg10[%swap3A_140, %swap3A_141], %mul3A_139 {strides = array<i32>} : memref<128x128xf32, #tpu.memory_space<vmem>>, vector<16xf32>,
        %broadcast_in_dim3A_143 = arith.constant 3 : i32
        %broadcast_in_dim3A_144 = vector.broadcast %broadcast_in_dim3A_143 : i32 to vector<16xi32>
        %broadcast_in_dim3A_145 = arith.constant 0 : i32
        %broadcast_in_dim3A_146 = vector.broadcast %broadcast_in_dim3A_145 : i32 to vector<16xi32>
        %add3A_147 = vector.broadcast %add3A_104 : i32 to vector<16xi32>
        %add3A_148 = arith.addi %broadcast_in_dim3A_146, %add3A_147 : vector<16xi32>
        %gather3A_149 = tpu.vector_load_idx %arg11[%broadcast_in_dim3A_144, %add3A_148] : memref<8x128xf32, #tpu.memory_space<vmem>>[vector<16xi32>, vector<16xi32>], vector<16xf32>,
        %get3A_150 = arith.index_cast %add3A_104 : i32 to index
        %get3A_151 = arith.constant 48 : index
        %get3A_152 = tpu.vector_load %arg10[%get3A_150, %get3A_151] {strides = array<i32>} : memref<128x128xf32, #tpu.memory_space<vmem>>, vector<16xf32>,
        %mul3A_153 = arith.mulf %get3A_152, %gather3A_149 : vector<16xf32>
        %swap3A_154 = arith.index_cast %add3A_104 : i32 to index
        %swap3A_155 = arith.constant 48 : index
        %swap3A_156 = tpu.vector_load %arg10[%swap3A_154, %swap3A_155] {strides = array<i32>} : memref<128x128xf32, #tpu.memory_space<vmem>>, vector<16xf32>,
        tpu.vector_store %arg10[%swap3A_154, %swap3A_155], %mul3A_153 {strides = array<i32>} : memref<128x128xf32, #tpu.memory_space<vmem>>, vector<16xf32>,
        %broadcast_in_dim3A_157 = arith.constant 4 : i32
        %broadcast_in_dim3A_158 = vector.broadcast %broadcast_in_dim3A_157 : i32 to vector<16xi32>
        %broadcast_in_dim3A_159 = arith.constant 0 : i32
        %broadcast_in_dim3A_160 = vector.broadcast %broadcast_in_dim3A_159 : i32 to vector<16xi32>
        %add3A_161 = vector.broadcast %add3A_104 : i32 to vector<16xi32>
        %add3A_162 = arith.addi %broadcast_in_dim3A_160, %add3A_161 : vector<16xi32>
        %gather3A_163 = tpu.vector_load_idx %arg11[%broadcast_in_dim3A_158, %add3A_162] : memref<8x128xf32, #tpu.memory_space<vmem>>[vector<16xi32>, vector<16xi32>], vector<16xf32>,
        %get3A_164 = arith.index_cast %add3A_104 : i32 to index
        %get3A_165 = arith.constant 64 : index
        %get3A_166 = tpu.vector_load %arg10[%get3A_164, %get3A_165] {strides = array<i32>} : memref<128x128xf32, #tpu.memory_space<vmem>>, vector<16xf32>,
        %mul3A_167 = arith.mulf %get3A_166, %gather3A_163 : vector<16xf32>
        %swap3A_168 = arith.index_cast %add3A_104 : i32 to index
        %swap3A_169 = arith.constant 64 : index
        %swap3A_170 = tpu.vector_load %arg10[%swap3A_168, %swap3A_169] {strides = array<i32>} : memref<128x128xf32, #tpu.memory_space<vmem>>, vector<16xf32>,
        tpu.vector_store %arg10[%swap3A_168, %swap3A_169], %mul3A_167 {strides = array<i32>} : memref<128x128xf32, #tpu.memory_space<vmem>>, vector<16xf32>,
        %broadcast_in_dim3A_171 = arith.constant 5 : i32
        %broadcast_in_dim3A_172 = vector.broadcast %broadcast_in_dim3A_171 : i32 to vector<16xi32>
        %broadcast_in_dim3A_173 = arith.constant 0 : i32
        %broadcast_in_dim3A_174 = vector.broadcast %broadcast_in_dim3A_173 : i32 to vector<16xi32>
        %add3A_175 = vector.broadcast %add3A_104 : i32 to vector<16xi32>
        %add3A_176 = arith.addi %broadcast_in_dim3A_174, %add3A_175 : vector<16xi32>
        %gather3A_177 = tpu.vector_load_idx %arg11[%broadcast_in_dim3A_172, %add3A_176] : memref<8x128xf32, #tpu.memory_space<vmem>>[vector<16xi32>, vector<16xi32>], vector<16xf32>,
        %get3A_178 = arith.index_cast %add3A_104 : i32 to index
        %get3A_179 = arith.constant 80 : index
        %get3A_180 = tpu.vector_load %arg10[%get3A_178, %get3A_179] {strides = array<i32>} : memref<128x128xf32, #tpu.memory_space<vmem>>, vector<16xf32>,
        %mul3A_181 = arith.mulf %get3A_180, %gather3A_177 : vector<16xf32>
        %swap3A_182 = arith.index_cast %add3A_104 : i32 to index
        %swap3A_183 = arith.constant 80 : index
        %swap3A_184 = tpu.vector_load %arg10[%swap3A_182, %swap3A_183] {strides = array<i32>} : memref<128x128xf32, #tpu.memory_space<vmem>>, vector<16xf32>,
        tpu.vector_store %arg10[%swap3A_182, %swap3A_183], %mul3A_181 {strides = array<i32>} : memref<128x128xf32, #tpu.memory_space<vmem>>, vector<16xf32>,
        %broadcast_in_dim3A_185 = arith.constant 6 : i32
        %broadcast_in_dim3A_186 = vector.broadcast %broadcast_in_dim3A_185 : i32 to vector<16xi32>
        %broadcast_in_dim3A_187 = arith.constant 0 : i32
        %broadcast_in_dim3A_188 = vector.broadcast %broadcast_in_dim3A_187 : i32 to vector<16xi32>
        %add3A_189 = vector.broadcast %add3A_104 : i32 to vector<16xi32>
        %add3A_190 = arith.addi %broadcast_in_dim3A_188, %add3A_189 : vector<16xi32>
        %gather3A_191 = tpu.vector_load_idx %arg11[%broadcast_in_dim3A_186, %add3A_190] : memref<8x128xf32, #tpu.memory_space<vmem>>[vector<16xi32>, vector<16xi32>], vector<16xf32>,
        %get3A_192 = arith.index_cast %add3A_104 : i32 to index
        %get3A_193 = arith.constant 96 : index
        %get3A_194 = tpu.vector_load %arg10[%get3A_192, %get3A_193] {strides = array<i32>} : memref<128x128xf32, #tpu.memory_space<vmem>>, vector<16xf32>,
        %mul3A_195 = arith.mulf %get3A_194, %gather3A_191 : vector<16xf32>
        %swap3A_196 = arith.index_cast %add3A_104 : i32 to index
        %swap3A_197 = arith.constant 96 : index
        %swap3A_198 = tpu.vector_load %arg10[%swap3A_196, %swap3A_197] {strides = array<i32>} : memref<128x128xf32, #tpu.memory_space<vmem>>, vector<16xf32>,
        tpu.vector_store %arg10[%swap3A_196, %swap3A_197], %mul3A_195 {strides = array<i32>} : memref<128x128xf32, #tpu.memory_space<vmem>>, vector<16xf32>,
        %broadcast_in_dim3A_199 = arith.constant 7 : i32
        %broadcast_in_dim3A_200 = vector.broadcast %broadcast_in_dim3A_199 : i32 to vector<16xi32>
        %broadcast_in_dim3A_201 = arith.constant 0 : i32
        %broadcast_in_dim3A_202 = vector.broadcast %broadcast_in_dim3A_201 : i32 to vector<16xi32>
        %add3A_203 = vector.broadcast %add3A_104 : i32 to vector<16xi32>
        %add3A_204 = arith.addi %broadcast_in_dim3A_202, %add3A_203 : vector<16xi32>
        %gather3A_205 = tpu.vector_load_idx %arg11[%broadcast_in_dim3A_200, %add3A_204] : memref<8x128xf32, #tpu.memory_space<vmem>>[vector<16xi32>, vector<16xi32>], vector<16xf32>,
        %get3A_206 = arith.index_cast %add3A_104 : i32 to index
        %get3A_207 = arith.constant 112 : index
        %get3A_208 = tpu.vector_load %arg10[%get3A_206, %get3A_207] {strides = array<i32>} : memref<128x128xf32, #tpu.memory_space<vmem>>, vector<16xf32>,
        %mul3A_209 = arith.mulf %get3A_208, %gather3A_205 : vector<16xf32>
        %swap3A_210 = arith.index_cast %add3A_104 : i32 to index
        %swap3A_211 = arith.constant 112 : index
        %swap3A_212 = tpu.vector_load %arg10[%swap3A_210, %swap3A_211] {strides = array<i32>} : memref<128x128xf32, #tpu.memory_space<vmem>>, vector<16xf32>,
        tpu.vector_store %arg10[%swap3A_210, %swap3A_211], %mul3A_209 {strides = array<i32>} : memref<128x128xf32, #tpu.memory_space<vmem>>, vector<16xf32>,
        %mul3A_213 = arith.constant 16 : i32
        %mul3A_214 = arith.muli %scan3A_100, %mul3A_213 : i32
        %add3A_215 = arith.constant 1 : i32
        %add3A_216 = arith.addi %mul3A_214, %add3A_215 : i32
        %broadcast_in_dim3A_217 = arith.constant 0 : i32
        %broadcast_in_dim3A_218 = vector.broadcast %broadcast_in_dim3A_217 : i32 to vector<16xi32>
        %broadcast_in_dim3A_219 = arith.constant 0 : i32
        %broadcast_in_dim3A_220 = vector.broadcast %broadcast_in_dim3A_219 : i32 to vector<16xi32>
        %add3A_221 = vector.broadcast %add3A_216 : i32 to vector<16xi32>
        %add3A_222 = arith.addi %broadcast_in_dim3A_220, %add3A_221 : vector<16xi32>
        %gather3A_223 = tpu.vector_load_idx %arg11[%broadcast_in_dim3A_218, %add3A_222] : memref<8x128xf32, #tpu.memory_space<vmem>>[vector<16xi32>, vector<16xi32>], vector<16xf32>,
        %get3A_224 = arith.index_cast %add3A_216 : i32 to index
        %get3A_225 = arith.constant 0 : index
        %get3A_226 = tpu.vector_load %arg10[%get3A_224, %get3A_225] {strides = array<i32>} : memref<128x128xf32, #tpu.memory_space<vmem>>, vector<16xf32>,
        %mul3A_227 = arith.mulf %get3A_226, %gather3A_223 : vector<16xf32>
        %swap3A_228 = arith.index_cast %add3A_216 : i32 to index
        %swap3A_229 = arith.constant 0 : index
        %swap3A_230 = tpu.vector_load %arg10[%swap3A_228, %swap3A_229] {strides = array<i32>} : memref<128x128xf32, #tpu.memory_space<vmem>>, vector<16xf32>,
        tpu.vector_store %arg10[%swap3A_228, %swap3A_229], %mul3A_227 {strides = array<i32>} : memref<128x128xf32, #tpu.memory_space<vmem>>, vector<16xf32>,
        %broadcast_in_dim3A_231 = arith.constant 1 : i32
        %broadcast_in_dim3A_232 = vector.broadcast %broadcast_in_dim3A_231 : i32 to vector<16xi32>
        %broadcast_in_dim3A_233 = arith.constant 0 : i32
        %broadcast_in_dim3A_234 = vector.broadcast %broadcast_in_dim3A_233 : i32 to vector<16xi32>
        %add3A_235 = vector.broadcast %add3A_216 : i32 to vector<16xi32>
        %add3A_236 = arith.addi %broadcast_in_dim3A_234, %add3A_235 : vector<16xi32>
        %gather3A_237 = tpu.vector_load_idx %arg11[%broadcast_in_dim3A_232, %add3A_236] : memref<8x128xf32, #tpu.memory_space<vmem>>[vector<16xi32>, vector<16xi32>], vector<16xf32>,
        %get3A_238 = arith.index_cast %add3A_216 : i32 to index
        %get3A_239 = arith.constant 16 : index
        %get3A_240 = tpu.vector_load %arg10[%get3A_238, %get3A_239] {strides = array<i32>} : memref<128x128xf32, #tpu.memory_space<vmem>>, vector<16xf32>,
        %mul3A_241 = arith.mulf %get3A_240, %gather3A_237 : vector<16xf32>
        %swap3A_242 = arith.index_cast %add3A_216 : i32 to index
        %swap3A_243 = arith.constant 16 : index
        %swap3A_244 = tpu.vector_load %arg10[%swap3A_242, %swap3A_243] {strides = array<i32>} : memref<128x128xf32, #tpu.memory_space<vmem>>, vector<16xf32>,
        tpu.vector_store %arg10[%swap3A_242, %swap3A_243], %mul3A_241 {strides = array<i32>} : memref<128x128xf32, #tpu.memory_space<vmem>>, vector<16xf32>,
        %broadcast_in_dim3A_245 = arith.constant 2 : i32
        %broadcast_in_dim3A_246 = vector.broadcast %broadcast_in_dim3A_245 : i32 to vector<16xi32>
        %broadcast_in_dim3A_247 = arith.constant 0 : i32
        %broadcast_in_dim3A_248 = vector.broadcast %broadcast_in_dim3A_247 : i32 to vector<16xi32>
        %add3A_249 = vector.broadcast %add3A_216 : i32 to vector<16xi32>
        %add3A_250 = arith.addi %broadcast_in_dim3A_248, %add3A_249 : vector<16xi32>
        %gather3A_251 = tpu.vector_load_idx %arg11[%broadcast_in_dim3A_246, %add3A_250] : memref<8x128xf32, #tpu.memory_space<vmem>>[vector<16xi32>, vector<16xi32>], vector<16xf32>,
        %get3A_252 = arith.index_cast %add3A_216 : i32 to index
        %get3A_253 = arith.constant 32 : index
        %get3A_254 = tpu.vector_load %arg10[%get3A_252, %get3A_253] {strides = array<i32>} : memref<128x128xf32, #tpu.memory_space<vmem>>, vector<16xf32>,
        %mul3A_255 = arith.mulf %get3A_254, %gather3A_251 : vector<16xf32>
        %swap3A_256 = arith.index_cast %add3A_216 : i32 to index
        %swap3A_257 = arith.constant 32 : index
        %swap3A_258 = tpu.vector_load %arg10[%swap3A_256, %swap3A_257] {strides = array<i32>} : memref<128x128xf32, #tpu.memory_space<vmem>>, vector<16xf32>,
        tpu.vector_store %arg10[%swap3A_256, %swap3A_257], %mul3A_255 {strides = array<i32>} : memref<128x128xf32, #tpu.memory_space<vmem>>, vector<16xf32>,
        %broadcast_in_dim3A_259 = arith.constant 3 : i32
        %broadcast_in_dim3A_260 = vector.broadcast %broadcast_in_dim3A_259 : i32 to vector<16xi32>
        %broadcast_in_dim3A_261 = arith.constant 0 : i32
        %broadcast_in_dim3A_262 = vector.broadcast %broadcast_in_dim3A_261 : i32 to vector<16xi32>
        %add3A_263 = vector.broadcast %add3A_216 : i32 to vector<16xi32>
        %add3A_264 = arith.addi %broadcast_in_dim3A_262, %add3A_263 : vector<16xi32>
        %gather3A_265 = tpu.vector_load_idx %arg11[%broadcast_in_dim3A_260, %add3A_264] : memref<8x128xf32, #tpu.memory_space<vmem>>[vector<16xi32>, vector<16xi32>], vector<16xf32>,
        %get3A_266 = arith.index_cast %add3A_216 : i32 to index
        %get3A_267 = arith.constant 48 : index
        %get3A_268 = tpu.vector_load %arg10[%get3A_266, %get3A_267] {strides = array<i32>} : memref<128x128xf32, #tpu.memory_space<vmem>>, vector<16xf32>,
        %mul3A_269 = arith.mulf %get3A_268, %gather3A_265 : vector<16xf32>
        %swap3A_270 = arith.index_cast %add3A_216 : i32 to index
        %swap3A_271 = arith.constant 48 : index
        %swap3A_272 = tpu.vector_load %arg10[%swap3A_270, %swap3A_271] {strides = array<i32>} : memref<128x128xf32, #tpu.memory_space<vmem>>, vector<16xf32>,
        tpu.vector_store %arg10[%swap3A_270, %swap3A_271], %mul3A_269 {strides = array<i32>} : memref<128x128xf32, #tpu.memory_space<vmem>>, vector<16xf32>,
        %broadcast_in_dim3A_273 = arith.constant 4 : i32
        %broadcast_in_dim3A_274 = vector.broadcast %broadcast_in_dim3A_273 : i32 to vector<16xi32>
        %broadcast_in_dim3A_275 = arith.constant 0 : i32
        %broadcast_in_dim3A_276 = vector.broadcast %broadcast_in_dim3A_275 : i32 to vector<16xi32>
        %add3A_277 = vector.broadcast %add3A_216 : i32 to vector<16xi32>
        %add3A_278 = arith.addi %broadcast_in_dim3A_276, %add3A_277 : vector<16xi32>
        %gather3A_279 = tpu.vector_load_idx %arg11[%broadcast_in_dim3A_274, %add3A_278] : memref<8x128xf32, #tpu.memory_space<vmem>>[vector<16xi32>, vector<16xi32>], vector<16xf32>,
        %get3A_280 = arith.index_cast %add3A_216 : i32 to index
        %get3A_281 = arith.constant 64 : index
        %get3A_282 = tpu.vector_load %arg10[%get3A_280, %get3A_281] {strides = array<i32>} : memref<128x128xf32, #tpu.memory_space<vmem>>, vector<16xf32>,
        %mul3A_283 = arith.mulf %get3A_282, %gather3A_279 : vector<16xf32>
        %swap3A_284 = arith.index_cast %add3A_216 : i32 to index
        %swap3A_285 = arith.constant 64 : index
        %swap3A_286 = tpu.vector_load %arg10[%swap3A_284, %swap3A_285] {strides = array<i32>} : memref<128x128xf32, #tpu.memory_space<vmem>>, vector<16xf32>,
        tpu.vector_store %arg10[%swap3A_284, %swap3A_285], %mul3A_283 {strides = array<i32>} : memref<128x128xf32, #tpu.memory_space<vmem>>, vector<16xf32>,
        %broadcast_in_dim3A_287 = arith.constant 5 : i32
        %broadcast_in_dim3A_288 = vector.broadcast %broadcast_in_dim3A_287 : i32 to vector<16xi32>
        %broadcast_in_dim3A_289 = arith.constant 0 : i32
        %broadcast_in_dim3A_290 = vector.broadcast %broadcast_in_dim3A_289 : i32 to vector<16xi32>
        %add3A_291 = vector.broadcast %add3A_216 : i32 to vector<16xi32>
        %add3A_292 = arith.addi %broadcast_in_dim3A_290, %add3A_291 : vector<16xi32>
        %gather3A_293 = tpu.vector_load_idx %arg11[%broadcast_in_dim3A_288, %add3A_292] : memref<8x128xf32, #tpu.memory_space<vmem>>[vector<16xi32>, vector<16xi32>], vector<16xf32>,
        %get3A_294 = arith.index_cast %add3A_216 : i32 to index
        %get3A_295 = arith.constant 80 : index
        %get3A_296 = tpu.vector_load %arg10[%get3A_294, %get3A_295] {strides = array<i32>} : memref<128x128xf32, #tpu.memory_space<vmem>>, vector<16xf32>,
        %mul3A_297 = arith.mulf %get3A_296, %gather3A_293 : vector<16xf32>
        %swap3A_298 = arith.index_cast %add3A_216 : i32 to index
        %swap3A_299 = arith.constant 80 : index
        %swap3A_300 = tpu.vector_load %arg10[%swap3A_298, %swap3A_299] {strides = array<i32>} : memref<128x128xf32, #tpu.memory_space<vmem>>, vector<16xf32>,
        tpu.vector_store %arg10[%swap3A_298, %swap3A_299], %mul3A_297 {strides = array<i32>} : memref<128x128xf32, #tpu.memory_space<vmem>>, vector<16xf32>,
        %broadcast_in_dim3A_301 = arith.constant 6 : i32
        %broadcast_in_dim3A_302 = vector.broadcast %broadcast_in_dim3A_301 : i32 to vector<16xi32>
        %broadcast_in_dim3A_303 = arith.constant 0 : i32
        %broadcast_in_dim3A_304 = vector.broadcast %broadcast_in_dim3A_303 : i32 to vector<16xi32>
        %add3A_305 = vector.broadcast %add3A_216 : i32 to vector<16xi32>
        %add3A_306 = arith.addi %broadcast_in_dim3A_304, %add3A_305 : vector<16xi32>
        %gather3A_307 = tpu.vector_load_idx %arg11[%broadcast_in_dim3A_302, %add3A_306] : memref<8x128xf32, #tpu.memory_space<vmem>>[vector<16xi32>, vector<16xi32>], vector<16xf32>,
        %get3A_308 = arith.index_cast %add3A_216 : i32 to index
        %get3A_309 = arith.constant 96 : index
        %get3A_310 = tpu.vector_load %arg10[%get3A_308, %get3A_309] {strides = array<i32>} : memref<128x128xf32, #tpu.memory_space<vmem>>, vector<16xf32>,
        %mul3A_311 = arith.mulf %get3A_310, %gather3A_307 : vector<16xf32>
        %swap3A_312 = arith.index_cast %add3A_216 : i32 to index
        %swap3A_313 = arith.constant 96 : index
        %swap3A_314 = tpu.vector_load %arg10[%swap3A_312, %swap3A_313] {strides = array<i32>} : memref<128x128xf32, #tpu.memory_space<vmem>>, vector<16xf32>,
        tpu.vector_store %arg10[%swap3A_312, %swap3A_313], %mul3A_311 {strides = array<i32>} : memref<128x128xf32, #tpu.memory_space<vmem>>, vector<16xf32>,
        %broadcast_in_dim3A_315 = arith.constant 7 : i32
        %broadcast_in_dim3A_316 = vector.broadcast %broadcast_in_dim3A_315 : i32 to vector<16xi32>
        %broadcast_in_dim3A_317 = arith.constant 0 : i32
        %broadcast_in_dim3A_318 = vector.broadcast %broadcast_in_dim3A_317 : i32 to vector<16xi32>
        %add3A_319 = vector.broadcast %add3A_216 : i32 to vector<16xi32>
        %add3A_320 = arith.addi %broadcast_in_dim3A_318, %add3A_319 : vector<16xi32>
        %gather3A_321 = tpu.vector_load_idx %arg11[%broadcast_in_dim3A_316, %add3A_320] : memref<8x128xf32, #tpu.memory_space<vmem>>[vector<16xi32>, vector<16xi32>], vector<16xf32>,
        %get3A_322 = arith.index_cast %add3A_216 : i32 to index
        %get3A_323 = arith.constant 112 : index
        %get3A_324 = tpu.vector_load %arg10[%get3A_322, %get3A_323] {strides = array<i32>} : memref<128x128xf32, #tpu.memory_space<vmem>>, vector<16xf32>,
        %mul3A_325 = arith.mulf %get3A_324, %gather3A_321 : vector<16xf32>
        %swap3A_326 = arith.index_cast %add3A_216 : i32 to index
        %swap3A_327 = arith.constant 112 : index
        %swap3A_328 = tpu.vector_load %arg10[%swap3A_326, %swap3A_327] {strides = array<i32>} : memref<128x128xf32, #tpu.memory_space<vmem>>, vector<16xf32>,
        tpu.vector_store %arg10[%swap3A_326, %swap3A_327], %mul3A_325 {strides = array<i32>} : memref<128x128xf32, #tpu.memory_space<vmem>>, vector<16xf32>,
        %mul3A_329 = arith.constant 16 : i32
        %mul3A_330 = arith.muli %scan3A_100, %mul3A_329 : i32
        %add3A_331 = arith.constant 2 : i32
        %add3A_332 = arith.addi %mul3A_330, %add3A_331 : i32
        %broadcast_in_dim3A_333 = arith.constant 0 : i32
        %broadcast_in_dim3A_334 = vector.broadcast %broadcast_in_dim3A_333 : i32 to vector<16xi32>
        %broadcast_in_dim3A_335 = arith.constant 0 : i32
        %broadcast_in_dim3A_336 = vector.broadcast %broadcast_in_dim3A_335 : i32 to vector<16xi32>
        %add3A_337 = vector.broadcast %add3A_332 : i32 to vector<16xi32>
        %add3A_338 = arith.addi %broadcast_in_dim3A_336, %add3A_337 : vector<16xi32>
        %gather3A_339 = tpu.vector_load_idx %arg11[%broadcast_in_dim3A_334, %add3A_338] : memref<8x128xf32, #tpu.memory_space<vmem>>[vector<16xi32>, vector<16xi32>], vector<16xf32>,
        %get3A_340 = arith.index_cast %add3A_332 : i32 to index
        %get3A_341 = arith.constant 0 : index
        %get3A_342 = tpu.vector_load %arg10[%get3A_340, %get3A_341] {strides = array<i32>} : memref<128x128xf32, #tpu.memory_space<vmem>>, vector<16xf32>,
        %mul3A_343 = arith.mulf %get3A_342, %gather3A_339 : vector<16xf32>
        %swap3A_344 = arith.index_cast %add3A_332 : i32 to index
        %swap3A_345 = arith.constant 0 : index
        %swap3A_346 = tpu.vector_load %arg10[%swap3A_344, %swap3A_345] {strides = array<i32>} : memref<128x128xf32, #tpu.memory_space<vmem>>, vector<16xf32>,
        tpu.vector_store %arg10[%swap3A_344, %swap3A_345], %mul3A_343 {strides = array<i32>} : memref<128x128xf32, #tpu.memory_space<vmem>>, vector<16xf32>,
        %broadcast_in_dim3A_347 = arith.constant 1 : i32
        %broadcast_in_dim3A_348 = vector.broadcast %broadcast_in_dim3A_347 : i32 to vector<16xi32>
        %broadcast_in_dim3A_349 = arith.constant 0 : i32
        %broadcast_in_dim3A_350 = vector.broadcast %broadcast_in_dim3A_349 : i32 to vector<16xi32>
        %add3A_351 = vector.broadcast %add3A_332 : i32 to vector<16xi32>
        %add3A_352 = arith.addi %broadcast_in_dim3A_350, %add3A_351 : vector<16xi32>
        %gather3A_353 = tpu.vector_load_idx %arg11[%broadcast_in_dim3A_348, %add3A_352] : memref<8x128xf32, #tpu.memory_space<vmem>>[vector<16xi32>, vector<16xi32>], vector<16xf32>,
        %get3A_354 = arith.index_cast %add3A_332 : i32 to index
        %get3A_355 = arith.constant 16 : index
        %get3A_356 = tpu.vector_load %arg10[%get3A_354, %get3A_355] {strides = array<i32>} : memref<128x128xf32, #tpu.memory_space<vmem>>, vector<16xf32>,
        %mul3A_357 = arith.mulf %get3A_356, %gather3A_353 : vector<16xf32>
        %swap3A_358 = arith.index_cast %add3A_332 : i32 to index
        %swap3A_359 = arith.constant 16 : index
        %swap3A_360 = tpu.vector_load %arg10[%swap3A_358, %swap3A_359] {strides = array<i32>} : memref<128x128xf32, #tpu.memory_space<vmem>>, vector<16xf32>,
        tpu.vector_store %arg10[%swap3A_358, %swap3A_359], %mul3A_357 {strides = array<i32>} : memref<128x128xf32, #tpu.memory_space<vmem>>, vector<16xf32>,
        %broadcast_in_dim3A_361 = arith.constant 2 : i32
        %broadcast_in_dim3A_362 = vector.broadcast %broadcast_in_dim3A_361 : i32 to vector<16xi32>
        %broadcast_in_dim3A_363 = arith.constant 0 : i32
        %broadcast_in_dim3A_364 = vector.broadcast %broadcast_in_dim3A_363 : i32 to vector<16xi32>
        %add3A_365 = vector.broadcast %add3A_332 : i32 to vector<16xi32>
        %add3A_366 = arith.addi %broadcast_in_dim3A_364, %add3A_365 : vector<16xi32>
        %gather3A_367 = tpu.vector_load_idx %arg11[%broadcast_in_dim3A_362, %add3A_366] : memref<8x128xf32, #tpu.memory_space<vmem>>[vector<16xi32>, vector<16xi32>], vector<16xf32>,
        %get3A_368 = arith.index_cast %add3A_332 : i32 to index
        %get3A_369 = arith.constant 32 : index
        %get3A_370 = tpu.vector_load %arg10[%get3A_368, %get3A_369] {strides = array<i32>} : memref<128x128xf32, #tpu.memory_space<vmem>>, vector<16xf32>,
        %mul3A_371 = arith.mulf %get3A_370, %gather3A_367 : vector<16xf32>
        %swap3A_372 = arith.index_cast %add3A_332 : i32 to index
        %swap3A_373 = arith.constant 32 : index
        %swap3A_374 = tpu.vector_load %arg10[%swap3A_372, %swap3A_373] {strides = array<i32>} : memref<128x128xf32, #tpu.memory_space<vmem>>, vector<16xf32>,
        tpu.vector_store %arg10[%swap3A_372, %swap3A_373], %mul3A_371 {strides = array<i32>} : memref<128x128xf32, #tpu.memory_space<vmem>>, vector<16xf32>,
        %broadcast_in_dim3A_375 = arith.constant 3 : i32
        %broadcast_in_dim3A_376 = vector.broadcast %broadcast_in_dim3A_375 : i32 to vector<16xi32>
        %broadcast_in_dim3A_377 = arith.constant 0 : i32
        %broadcast_in_dim3A_378 = vector.broadcast %broadcast_in_dim3A_377 : i32 to vector<16xi32>
        %add3A_379 = vector.broadcast %add3A_332 : i32 to vector<16xi32>
        %add3A_380 = arith.addi %broadcast_in_dim3A_378, %add3A_379 : vector<16xi32>
        %gather3A_381 = tpu.vector_load_idx %arg11[%broadcast_in_dim3A_376, %add3A_380] : memref<8x128xf32, #tpu.memory_space<vmem>>[vector<16xi32>, vector<16xi32>], vector<16xf32>,
        %get3A_382 = arith.index_cast %add3A_332 : i32 to index
        %get3A_383 = arith.constant 48 : index
        %get3A_384 = tpu.vector_load %arg10[%get3A_382, %get3A_383] {strides = array<i32>} : memref<128x128xf32, #tpu.memory_space<vmem>>, vector<16xf32>,
        %mul3A_385 = arith.mulf %get3A_384, %gather3A_381 : vector<16xf32>
        %swap3A_386 = arith.index_cast %add3A_332 : i32 to index
        %swap3A_387 = arith.constant 48 : index
        %swap3A_388 = tpu.vector_load %arg10[%swap3A_386, %swap3A_387] {strides = array<i32>} : memref<128x128xf32, #tpu.memory_space<vmem>>, vector<16xf32>,
        tpu.vector_store %arg10[%swap3A_386, %swap3A_387], %mul3A_385 {strides = array<i32>} : memref<128x128xf32, #tpu.memory_space<vmem>>, vector<16xf32>,
        %broadcast_in_dim3A_389 = arith.constant 4 : i32
        %broadcast_in_dim3A_390 = vector.broadcast %broadcast_in_dim3A_389 : i32 to vector<16xi32>
        %broadcast_in_dim3A_391 = arith.constant 0 : i32
        %broadcast_in_dim3A_392 = vector.broadcast %broadcast_in_dim3A_391 : i32 to vector<16xi32>
        %add3A_393 = vector.broadcast %add3A_332 : i32 to vector<16xi32>
        %add3A_394 = arith.addi %broadcast_in_dim3A_392, %add3A_393 : vector<16xi32>
        %gather3A_395 = tpu.vector_load_idx %arg11[%broadcast_in_dim3A_390, %add3A_394] : memref<8x128xf32, #tpu.memory_space<vmem>>[vector<16xi32>, vector<16xi32>], vector<16xf32>,
        %get3A_396 = arith.index_cast %add3A_332 : i32 to index
        %get3A_397 = arith.constant 64 : index
        %get3A_398 = tpu.vector_load %arg10[%get3A_396, %get3A_397] {strides = array<i32>} : memref<128x128xf32, #tpu.memory_space<vmem>>, vector<16xf32>,
        %mul3A_399 = arith.mulf %get3A_398, %gather3A_395 : vector<16xf32>
        %swap3A_400 = arith.index_cast %add3A_332 : i32 to index
        %swap3A_401 = arith.constant 64 : index
        %swap3A_402 = tpu.vector_load %arg10[%swap3A_400, %swap3A_401] {strides = array<i32>} : memref<128x128xf32, #tpu.memory_space<vmem>>, vector<16xf32>,
        tpu.vector_store %arg10[%swap3A_400, %swap3A_401], %mul3A_399 {strides = array<i32>} : memref<128x128xf32, #tpu.memory_space<vmem>>, vector<16xf32>,
        %broadcast_in_dim3A_403 = arith.constant 5 : i32
        %broadcast_in_dim3A_404 = vector.broadcast %broadcast_in_dim3A_403 : i32 to vector<16xi32>
        %broadcast_in_dim3A_405 = arith.constant 0 : i32
        %broadcast_in_dim3A_406 = vector.broadcast %broadcast_in_dim3A_405 : i32 to vector<16xi32>
        %add3A_407 = vector.broadcast %add3A_332 : i32 to vector<16xi32>
        %add3A_408 = arith.addi %broadcast_in_dim3A_406, %add3A_407 : vector<16xi32>
        %gather3A_409 = tpu.vector_load_idx %arg11[%broadcast_in_dim3A_404, %add3A_408] : memref<8x128xf32, #tpu.memory_space<vmem>>[vector<16xi32>, vector<16xi32>], vector<16xf32>,
        %get3A_410 = arith.index_cast %add3A_332 : i32 to index
        %get3A_411 = arith.constant 80 : index
        %get3A_412 = tpu.vector_load %arg10[%get3A_410, %get3A_411] {strides = array<i32>} : memref<128x128xf32, #tpu.memory_space<vmem>>, vector<16xf32>,
        %mul3A_413 = arith.mulf %get3A_412, %gather3A_409 : vector<16xf32>
        %swap3A_414 = arith.index_cast %add3A_332 : i32 to index
        %swap3A_415 = arith.constant 80 : index
        %swap3A_416 = tpu.vector_load %arg10[%swap3A_414, %swap3A_415] {strides = array<i32>} : memref<128x128xf32, #tpu.memory_space<vmem>>, vector<16xf32>,
        tpu.vector_store %arg10[%swap3A_414, %swap3A_415], %mul3A_413 {strides = array<i32>} : memref<128x128xf32, #tpu.memory_space<vmem>>, vector<16xf32>,
        %broadcast_in_dim3A_417 = arith.constant 6 : i32
        %broadcast_in_dim3A_418 = vector.broadcast %broadcast_in_dim3A_417 : i32 to vector<16xi32>
        %broadcast_in_dim3A_419 = arith.constant 0 : i32
        %broadcast_in_dim3A_420 = vector.broadcast %broadcast_in_dim3A_419 : i32 to vector<16xi32>
        %add3A_421 = vector.broadcast %add3A_332 : i32 to vector<16xi32>
        %add3A_422 = arith.addi %broadcast_in_dim3A_420, %add3A_421 : vector<16xi32>
        %gather3A_423 = tpu.vector_load_idx %arg11[%broadcast_in_dim3A_418, %add3A_422] : memref<8x128xf32, #tpu.memory_space<vmem>>[vector<16xi32>, vector<16xi32>], vector<16xf32>,
        %get3A_424 = arith.index_cast %add3A_332 : i32 to index
        %get3A_425 = arith.constant 96 : index
        %get3A_426 = tpu.vector_load %arg10[%get3A_424, %get3A_425] {strides = array<i32>} : memref<128x128xf32, #tpu.memory_space<vmem>>, vector<16xf32>,
        %mul3A_427 = arith.mulf %get3A_426, %gather3A_423 : vector<16xf32>
        %swap3A_428 = arith.index_cast %add3A_332 : i32 to index
        %swap3A_429 = arith.constant 96 : index
        %swap3A_430 = tpu.vector_load %arg10[%swap3A_428, %swap3A_429] {strides = array<i32>} : memref<128x128xf32, #tpu.memory_space<vmem>>, vector<16xf32>,
        tpu.vector_store %arg10[%swap3A_428, %swap3A_429], %mul3A_427 {strides = array<i32>} : memref<128x128xf32, #tpu.memory_space<vmem>>, vector<16xf32>,
        %broadcast_in_dim3A_431 = arith.constant 7 : i32
        %broadcast_in_dim3A_432 = vector.broadcast %broadcast_in_dim3A_431 : i32 to vector<16xi32>
        %broadcast_in_dim3A_433 = arith.constant 0 : i32
        %broadcast_in_dim3A_434 = vector.broadcast %broadcast_in_dim3A_433 : i32 to vector<16xi32>
        %add3A_435 = vector.broadcast %add3A_332 : i32 to vector<16xi32>
        %add3A_436 = arith.addi %broadcast_in_dim3A_434, %add3A_435 : vector<16xi32>
        %gather3A_437 = tpu.vector_load_idx %arg11[%broadcast_in_dim3A_432, %add3A_436] : memref<8x128xf32, #tpu.memory_space<vmem>>[vector<16xi32>, vector<16xi32>], vector<16xf32>,
        %get3A_438 = arith.index_cast %add3A_332 : i32 to index
        %get3A_439 = arith.constant 112 : index
        %get3A_440 = tpu.vector_load %arg10[%get3A_438, %get3A_439] {strides = array<i32>} : memref<128x128xf32, #tpu.memory_space<vmem>>, vector<16xf32>,
        %mul3A_441 = arith.mulf %get3A_440, %gather3A_437 : vector<16xf32>
        %swap3A_442 = arith.index_cast %add3A_332 : i32 to index
        %swap3A_443 = arith.constant 112 : index
        %swap3A_444 = tpu.vector_load %arg10[%swap3A_442, %swap3A_443] {strides = array<i32>} : memref<128x128xf32, #tpu.memory_space<vmem>>, vector<16xf32>,
        tpu.vector_store %arg10[%swap3A_442, %swap3A_443], %mul3A_441 {strides = array<i32>} : memref<128x128xf32, #tpu.memory_space<vmem>>, vector<16xf32>,
        %mul3A_445 = arith.constant 16 : i32
        %mul3A_446 = arith.muli %scan3A_100, %mul3A_445 : i32
        %add3A_447 = arith.constant 3 : i32
        %add3A_448 = arith.addi %mul3A_446, %add3A_447 : i32
        %broadcast_in_dim3A_449 = arith.constant 0 : i32
        %broadcast_in_dim3A_450 = vector.broadcast %broadcast_in_dim3A_449 : i32 to vector<16xi32>
        %broadcast_in_dim3A_451 = arith.constant 0 : i32
        %broadcast_in_dim3A_452 = vector.broadcast %broadcast_in_dim3A_451 : i32 to vector<16xi32>
        %add3A_453 = vector.broadcast %add3A_448 : i32 to vector<16xi32>
        %add3A_454 = arith.addi %broadcast_in_dim3A_452, %add3A_453 : vector<16xi32>
        %gather3A_455 = tpu.vector_load_idx %arg11[%broadcast_in_dim3A_450, %add3A_454] : memref<8x128xf32, #tpu.memory_space<vmem>>[vector<16xi32>, vector<16xi32>], vector<16xf32>,
        %get3A_456 = arith.index_cast %add3A_448 : i32 to index
        %get3A_457 = arith.constant 0 : index
        %get3A_458 = tpu.vector_load %arg10[%get3A_456, %get3A_457] {strides = array<i32>} : memref<128x128xf32, #tpu.memory_space<vmem>>, vector<16xf32>,
        %mul3A_459 = arith.mulf %get3A_458, %gather3A_455 : vector<16xf32>
        %swap3A_460 = arith.index_cast %add3A_448 : i32 to index
        %swap3A_461 = arith.constant 0 : index
        %swap3A_462 = tpu.vector_load %arg10[%swap3A_460, %swap3A_461] {strides = array<i32>} : memref<128x128xf32, #tpu.memory_space<vmem>>, vector<16xf32>,
        tpu.vector_store %arg10[%swap3A_460, %swap3A_461], %mul3A_459 {strides = array<i32>} : memref<128x128xf32, #tpu.memory_space<vmem>>, vector<16xf32>,
        %broadcast_in_dim3A_463 = arith.constant 1 : i32
        %broadcast_in_dim3A_464 = vector.broadcast %broadcast_in_dim3A_463 : i32 to vector<16xi32>
        %broadcast_in_dim3A_465 = arith.constant 0 : i32
        %broadcast_in_dim3A_466 = vector.broadcast %broadcast_in_dim3A_465 : i32 to vector<16xi32>
        %add3A_467 = vector.broadcast %add3A_448 : i32 to vector<16xi32>
        %add3A_468 = arith.addi %broadcast_in_dim3A_466, %add3A_467 : vector<16xi32>
        %gather3A_469 = tpu.vector_load_idx %arg11[%broadcast_in_dim3A_464, %add3A_468] : memref<8x128xf32, #tpu.memory_space<vmem>>[vector<16xi32>, vector<16xi32>], vector<16xf32>,
        %get3A_470 = arith.index_cast %add3A_448 : i32 to index
        %get3A_471 = arith.constant 16 : index
        %get3A_472 = tpu.vector_load %arg10[%get3A_470, %get3A_471] {strides = array<i32>} : memref<128x128xf32, #tpu.memory_space<vmem>>, vector<16xf32>,
        %mul3A_473 = arith.mulf %get3A_472, %gather3A_469 : vector<16xf32>
        %swap3A_474 = arith.index_cast %add3A_448 : i32 to index
        %swap3A_475 = arith.constant 16 : index
        %swap3A_476 = tpu.vector_load %arg10[%swap3A_474, %swap3A_475] {strides = array<i32>} : memref<128x128xf32, #tpu.memory_space<vmem>>, vector<16xf32>,
        tpu.vector_store %arg10[%swap3A_474, %swap3A_475], %mul3A_473 {strides = array<i32>} : memref<128x128xf32, #tpu.memory_space<vmem>>, vector<16xf32>,
        %broadcast_in_dim3A_477 = arith.constant 2 : i32
        %broadcast_in_dim3A_478 = vector.broadcast %broadcast_in_dim3A_477 : i32 to vector<16xi32>
        %broadcast_in_dim3A_479 = arith.constant 0 : i32
        %broadcast_in_dim3A_480 = vector.broadcast %broadcast_in_dim3A_479 : i32 to vector<16xi32>
        %add3A_481 = vector.broadcast %add3A_448 : i32 to vector<16xi32>
        %add3A_482 = arith.addi %broadcast_in_dim3A_480, %add3A_481 : vector<16xi32>
        %gather3A_483 = tpu.vector_load_idx %arg11[%broadcast_in_dim3A_478, %add3A_482] : memref<8x128xf32, #tpu.memory_space<vmem>>[vector<16xi32>, vector<16xi32>], vector<16xf32>,
        %get3A_484 = arith.index_cast %add3A_448 : i32 to index
        %get3A_485 = arith.constant 32 : index
        %get3A_486 = tpu.vector_load %arg10[%get3A_484, %get3A_485] {strides = array<i32>} : memref<128x128xf32, #tpu.memory_space<vmem>>, vector<16xf32>,
        %mul3A_487 = arith.mulf %get3A_486, %gather3A_483 : vector<16xf32>
        %swap3A_488 = arith.index_cast %add3A_448 : i32 to index
        %swap3A_489 = arith.constant 32 : index
        %swap3A_490 = tpu.vector_load %arg10[%swap3A_488, %swap3A_489] {strides = array<i32>} : memref<128x128xf32, #tpu.memory_space<vmem>>, vector<16xf32>,
        tpu.vector_store %arg10[%swap3A_488, %swap3A_489], %mul3A_487 {strides = array<i32>} : memref<128x128xf32, #tpu.memory_space<vmem>>, vector<16xf32>,
        %broadcast_in_dim3A_491 = arith.constant 3 : i32
        %broadcast_in_dim3A_492 = vector.broadcast %broadcast_in_dim3A_491 : i32 to vector<16xi32>
        %broadcast_in_dim3A_493 = arith.constant 0 : i32
        %broadcast_in_dim3A_494 = vector.broadcast %broadcast_in_dim3A_493 : i32 to vector<16xi32>
        %add3A_495 = vector.broadcast %add3A_448 : i32 to vector<16xi32>
        %add3A_496 = arith.addi %broadcast_in_dim3A_494, %add3A_495 : vector<16xi32>
        %gather3A_497 = tpu.vector_load_idx %arg11[%broadcast_in_dim3A_492, %add3A_496] : memref<8x128xf32, #tpu.memory_space<vmem>>[vector<16xi32>, vector<16xi32>], vector<16xf32>,
        %get3A_498 = arith.index_cast %add3A_448 : i32 to index
        %get3A_499 = arith.constant 48 : index
        %get3A_500 = tpu.vector_load %arg10[%get3A_498, %get3A_499] {strides = array<i32>} : memref<128x128xf32, #tpu.memory_space<vmem>>, vector<16xf32>,
        %mul3A_501 = arith.mulf %get3A_500, %gather3A_497 : vector<16xf32>
        %swap3A_502 = arith.index_cast %add3A_448 : i32 to index
        %swap3A_503 = arith.constant 48 : index
        %swap3A_504 = tpu.vector_load %arg10[%swap3A_502, %swap3A_503] {strides = array<i32>} : memref<128x128xf32, #tpu.memory_space<vmem>>, vector<16xf32>,
        tpu.vector_store %arg10[%swap3A_502, %swap3A_503], %mul3A_501 {strides = array<i32>} : memref<128x128xf32, #tpu.memory_space<vmem>>, vector<16xf32>,
        %broadcast_in_dim3A_505 = arith.constant 4 : i32
        %broadcast_in_dim3A_506 = vector.broadcast %broadcast_in_dim3A_505 : i32 to vector<16xi32>
        %broadcast_in_dim3A_507 = arith.constant 0 : i32
        %broadcast_in_dim3A_508 = vector.broadcast %broadcast_in_dim3A_507 : i32 to vector<16xi32>
        %add3A_509 = vector.broadcast %add3A_448 : i32 to vector<16xi32>
        %add3A_510 = arith.addi %broadcast_in_dim3A_508, %add3A_509 : vector<16xi32>
        %gather3A_511 = tpu.vector_load_idx %arg11[%broadcast_in_dim3A_506, %add3A_510] : memref<8x128xf32, #tpu.memory_space<vmem>>[vector<16xi32>, vector<16xi32>], vector<16xf32>,
        %get3A_512 = arith.index_cast %add3A_448 : i32 to index
        %get3A_513 = arith.constant 64 : index
        %get3A_514 = tpu.vector_load %arg10[%get3A_512, %get3A_513] {strides = array<i32>} : memref<128x128xf32, #tpu.memory_space<vmem>>, vector<16xf32>,
        %mul3A_515 = arith.mulf %get3A_514, %gather3A_511 : vector<16xf32>
        %swap3A_516 = arith.index_cast %add3A_448 : i32 to index
        %swap3A_517 = arith.constant 64 : index
        %swap3A_518 = tpu.vector_load %arg10[%swap3A_516, %swap3A_517] {strides = array<i32>} : memref<128x128xf32, #tpu.memory_space<vmem>>, vector<16xf32>,
        tpu.vector_store %arg10[%swap3A_516, %swap3A_517], %mul3A_515 {strides = array<i32>} : memref<128x128xf32, #tpu.memory_space<vmem>>, vector<16xf32>,
        %broadcast_in_dim3A_519 = arith.constant 5 : i32
        %broadcast_in_dim3A_520 = vector.broadcast %broadcast_in_dim3A_519 : i32 to vector<16xi32>
        %broadcast_in_dim3A_521 = arith.constant 0 : i32
        %broadcast_in_dim3A_522 = vector.broadcast %broadcast_in_dim3A_521 : i32 to vector<16xi32>
        %add3A_523 = vector.broadcast %add3A_448 : i32 to vector<16xi32>
        %add3A_524 = arith.addi %broadcast_in_dim3A_522, %add3A_523 : vector<16xi32>
        %gather3A_525 = tpu.vector_load_idx %arg11[%broadcast_in_dim3A_520, %add3A_524] : memref<8x128xf32, #tpu.memory_space<vmem>>[vector<16xi32>, vector<16xi32>], vector<16xf32>,
        %get3A_526 = arith.index_cast %add3A_448 : i32 to index
        %get3A_527 = arith.constant 80 : index
        %get3A_528 = tpu.vector_load %arg10[%get3A_526, %get3A_527] {strides = array<i32>} : memref<128x128xf32, #tpu.memory_space<vmem>>, vector<16xf32>,
        %mul3A_529 = arith.mulf %get3A_528, %gather3A_525 : vector<16xf32>
        %swap3A_530 = arith.index_cast %add3A_448 : i32 to index
        %swap3A_531 = arith.constant 80 : index
        %swap3A_532 = tpu.vector_load %arg10[%swap3A_530, %swap3A_531] {strides = array<i32>} : memref<128x128xf32, #tpu.memory_space<vmem>>, vector<16xf32>,
        tpu.vector_store %arg10[%swap3A_530, %swap3A_531], %mul3A_529 {strides = array<i32>} : memref<128x128xf32, #tpu.memory_space<vmem>>, vector<16xf32>,
        %broadcast_in_dim3A_533 = arith.constant 6 : i32
        %broadcast_in_dim3A_534 = vector.broadcast %broadcast_in_dim3A_533 : i32 to vector<16xi32>
        %broadcast_in_dim3A_535 = arith.constant 0 : i32
        %broadcast_in_dim3A_536 = vector.broadcast %broadcast_in_dim3A_535 : i32 to vector<16xi32>
        %add3A_537 = vector.broadcast %add3A_448 : i32 to vector<16xi32>
        %add3A_538 = arith.addi %broadcast_in_dim3A_536, %add3A_537 : vector<16xi32>
        %gather3A_539 = tpu.vector_load_idx %arg11[%broadcast_in_dim3A_534, %add3A_538] : memref<8x128xf32, #tpu.memory_space<vmem>>[vector<16xi32>, vector<16xi32>], vector<16xf32>,
        %get3A_540 = arith.index_cast %add3A_448 : i32 to index
        %get3A_541 = arith.constant 96 : index
        %get3A_542 = tpu.vector_load %arg10[%get3A_540, %get3A_541] {strides = array<i32>} : memref<128x128xf32, #tpu.memory_space<vmem>>, vector<16xf32>,
        %mul3A_543 = arith.mulf %get3A_542, %gather3A_539 : vector<16xf32>
        %swap3A_544 = arith.index_cast %add3A_448 : i32 to index
        %swap3A_545 = arith.constant 96 : index
        %swap3A_546 = tpu.vector_load %arg10[%swap3A_544, %swap3A_545] {strides = array<i32>} : memref<128x128xf32, #tpu.memory_space<vmem>>, vector<16xf32>,
        tpu.vector_store %arg10[%swap3A_544, %swap3A_545], %mul3A_543 {strides = array<i32>} : memref<128x128xf32, #tpu.memory_space<vmem>>, vector<16xf32>,
        %broadcast_in_dim3A_547 = arith.constant 7 : i32
        %broadcast_in_dim3A_548 = vector.broadcast %broadcast_in_dim3A_547 : i32 to vector<16xi32>
        %broadcast_in_dim3A_549 = arith.constant 0 : i32
        %broadcast_in_dim3A_550 = vector.broadcast %broadcast_in_dim3A_549 : i32 to vector<16xi32>
        %add3A_551 = vector.broadcast %add3A_448 : i32 to vector<16xi32>
        %add3A_552 = arith.addi %broadcast_in_dim3A_550, %add3A_551 : vector<16xi32>
        %gather3A_553 = tpu.vector_load_idx %arg11[%broadcast_in_dim3A_548, %add3A_552] : memref<8x128xf32, #tpu.memory_space<vmem>>[vector<16xi32>, vector<16xi32>], vector<16xf32>,
        %get3A_554 = arith.index_cast %add3A_448 : i32 to index
        %get3A_555 = arith.constant 112 : index
        %get3A_556 = tpu.vector_load %arg10[%get3A_554, %get3A_555] {strides = array<i32>} : memref<128x128xf32, #tpu.memory_space<vmem>>, vector<16xf32>,
        %mul3A_557 = arith.mulf %get3A_556, %gather3A_553 : vector<16xf32>
        %swap3A_558 = arith.index_cast %add3A_448 : i32 to index
        %swap3A_559 = arith.constant 112 : index
        %swap3A_560 = tpu.vector_load %arg10[%swap3A_558, %swap3A_559] {strides = array<i32>} : memref<128x128xf32, #tpu.memory_space<vmem>>, vector<16xf32>,
        tpu.vector_store %arg10[%swap3A_558, %swap3A_559], %mul3A_557 {strides = array<i32>} : memref<128x128xf32, #tpu.memory_space<vmem>>, vector<16xf32>,
        %mul3A_561 = arith.constant 16 : i32
        %mul3A_562 = arith.muli %scan3A_100, %mul3A_561 : i32
        %add3A_563 = arith.constant 4 : i32
        %add3A_564 = arith.addi %mul3A_562, %add3A_563 : i32
        %broadcast_in_dim3A_565 = arith.constant 0 : i32
        %broadcast_in_dim3A_566 = vector.broadcast %broadcast_in_dim3A_565 : i32 to vector<16xi32>
        %broadcast_in_dim3A_567 = arith.constant 0 : i32
        %broadcast_in_dim3A_568 = vector.broadcast %broadcast_in_dim3A_567 : i32 to vector<16xi32>
        %add3A_569 = vector.broadcast %add3A_564 : i32 to vector<16xi32>
        %add3A_570 = arith.addi %broadcast_in_dim3A_568, %add3A_569 : vector<16xi32>
        %gather3A_571 = tpu.vector_load_idx %arg11[%broadcast_in_dim3A_566, %add3A_570] : memref<8x128xf32, #tpu.memory_space<vmem>>[vector<16xi32>, vector<16xi32>], vector<16xf32>,
        %get3A_572 = arith.index_cast %add3A_564 : i32 to index
        %get3A_573 = arith.constant 0 : index
        %get3A_574 = tpu.vector_load %arg10[%get3A_572, %get3A_573] {strides = array<i32>} : memref<128x128xf32, #tpu.memory_space<vmem>>, vector<16xf32>,
        %mul3A_575 = arith.mulf %get3A_574, %gather3A_571 : vector<16xf32>
        %swap3A_576 = arith.index_cast %add3A_564 : i32 to index
        %swap3A_577 = arith.constant 0 : index
        %swap3A_578 = tpu.vector_load %arg10[%swap3A_576, %swap3A_577] {strides = array<i32>} : memref<128x128xf32, #tpu.memory_space<vmem>>, vector<16xf32>,
        tpu.vector_store %arg10[%swap3A_576, %swap3A_577], %mul3A_575 {strides = array<i32>} : memref<128x128xf32, #tpu.memory_space<vmem>>, vector<16xf32>,
        %broadcast_in_dim3A_579 = arith.constant 1 : i32
        %broadcast_in_dim3A_580 = vector.broadcast %broadcast_in_dim3A_579 : i32 to vector<16xi32>
        %broadcast_in_dim3A_581 = arith.constant 0 : i32
        %broadcast_in_dim3A_582 = vector.broadcast %broadcast_in_dim3A_581 : i32 to vector<16xi32>
        %add3A_583 = vector.broadcast %add3A_564 : i32 to vector<16xi32>
        %add3A_584 = arith.addi %broadcast_in_dim3A_582, %add3A_583 : vector<16xi32>
        %gather3A_585 = tpu.vector_load_idx %arg11[%broadcast_in_dim3A_580, %add3A_584] : memref<8x128xf32, #tpu.memory_space<vmem>>[vector<16xi32>, vector<16xi32>], vector<16xf32>,
        %get3A_586 = arith.index_cast %add3A_564 : i32 to index
        %get3A_587 = arith.constant 16 : index
        %get3A_588 = tpu.vector_load %arg10[%get3A_586, %get3A_587] {strides = array<i32>} : memref<128x128xf32, #tpu.memory_space<vmem>>, vector<16xf32>,
        %mul3A_589 = arith.mulf %get3A_588, %gather3A_585 : vector<16xf32>
        %swap3A_590 = arith.index_cast %add3A_564 : i32 to index
        %swap3A_591 = arith.constant 16 : index
        %swap3A_592 = tpu.vector_load %arg10[%swap3A_590, %swap3A_591] {strides = array<i32>} : memref<128x128xf32, #tpu.memory_space<vmem>>, vector<16xf32>,
        tpu.vector_store %arg10[%swap3A_590, %swap3A_591], %mul3A_589 {strides = array<i32>} : memref<128x128xf32, #tpu.memory_space<vmem>>, vector<16xf32>,
        %broadcast_in_dim3A_593 = arith.constant 2 : i32
        %broadcast_in_dim3A_594 = vector.broadcast %broadcast_in_dim3A_593 : i32 to vector<16xi32>
        %broadcast_in_dim3A_595 = arith.constant 0 : i32
        %broadcast_in_dim3A_596 = vector.broadcast %broadcast_in_dim3A_595 : i32 to vector<16xi32>
        %add3A_597 = vector.broadcast %add3A_564 : i32 to vector<16xi32>
        %add3A_598 = arith.addi %broadcast_in_dim3A_596, %add3A_597 : vector<16xi32>
        %gather3A_599 = tpu.vector_load_idx %arg11[%broadcast_in_dim3A_594, %add3A_598] : memref<8x128xf32, #tpu.memory_space<vmem>>[vector<16xi32>, vector<16xi32>], vector<16xf32>,
        %get3A_600 = arith.index_cast %add3A_564 : i32 to index
        %get3A_601 = arith.constant 32 : index
        %get3A_602 = tpu.vector_load %arg10[%get3A_600, %get3A_601] {strides = array<i32>} : memref<128x128xf32, #tpu.memory_space<vmem>>, vector<16xf32>,
        %mul3A_603 = arith.mulf %get3A_602, %gather3A_599 : vector<16xf32>
        %swap3A_604 = arith.index_cast %add3A_564 : i32 to index
        %swap3A_605 = arith.constant 32 : index
        %swap3A_606 = tpu.vector_load %arg10[%swap3A_604, %swap3A_605] {strides = array<i32>} : memref<128x128xf32, #tpu.memory_space<vmem>>, vector<16xf32>,
        tpu.vector_store %arg10[%swap3A_604, %swap3A_605], %mul3A_603 {strides = array<i32>} : memref<128x128xf32, #tpu.memory_space<vmem>>, vector<16xf32>,
        %broadcast_in_dim3A_607 = arith.constant 3 : i32
        %broadcast_in_dim3A_608 = vector.broadcast %broadcast_in_dim3A_607 : i32 to vector<16xi32>
        %broadcast_in_dim3A_609 = arith.constant 0 : i32
        %broadcast_in_dim3A_610 = vector.broadcast %broadcast_in_dim3A_609 : i32 to vector<16xi32>
        %add3A_611 = vector.broadcast %add3A_564 : i32 to vector<16xi32>
        %add3A_612 = arith.addi %broadcast_in_dim3A_610, %add3A_611 : vector<16xi32>
        %gather3A_613 = tpu.vector_load_idx %arg11[%broadcast_in_dim3A_608, %add3A_612] : memref<8x128xf32, #tpu.memory_space<vmem>>[vector<16xi32>, vector<16xi32>], vector<16xf32>,
        %get3A_614 = arith.index_cast %add3A_564 : i32 to index
        %get3A_615 = arith.constant 48 : index
        %get3A_616 = tpu.vector_load %arg10[%get3A_614, %get3A_615] {strides = array<i32>} : memref<128x128xf32, #tpu.memory_space<vmem>>, vector<16xf32>,
        %mul3A_617 = arith.mulf %get3A_616, %gather3A_613 : vector<16xf32>
        %swap3A_618 = arith.index_cast %add3A_564 : i32 to index
        %swap3A_619 = arith.constant 48 : index
        %swap3A_620 = tpu.vector_load %arg10[%swap3A_618, %swap3A_619] {strides = array<i32>} : memref<128x128xf32, #tpu.memory_space<vmem>>, vector<16xf32>,
        tpu.vector_store %arg10[%swap3A_618, %swap3A_619], %mul3A_617 {strides = array<i32>} : memref<128x128xf32, #tpu.memory_space<vmem>>, vector<16xf32>,
        %broadcast_in_dim3A_621 = arith.constant 4 : i32
        %broadcast_in_dim3A_622 = vector.broadcast %broadcast_in_dim3A_621 : i32 to vector<16xi32>
        %broadcast_in_dim3A_623 = arith.constant 0 : i32
        %broadcast_in_dim3A_624 = vector.broadcast %broadcast_in_dim3A_623 : i32 to vector<16xi32>
        %add3A_625 = vector.broadcast %add3A_564 : i32 to vector<16xi32>
        %add3A_626 = arith.addi %broadcast_in_dim3A_624, %add3A_625 : vector<16xi32>
        %gather3A_627 = tpu.vector_load_idx %arg11[%broadcast_in_dim3A_622, %add3A_626] : memref<8x128xf32, #tpu.memory_space<vmem>>[vector<16xi32>, vector<16xi32>], vector<16xf32>,
        %get3A_628 = arith.index_cast %add3A_564 : i32 to index
        %get3A_629 = arith.constant 64 : index
        %get3A_630 = tpu.vector_load %arg10[%get3A_628, %get3A_629] {strides = array<i32>} : memref<128x128xf32, #tpu.memory_space<vmem>>, vector<16xf32>,
        %mul3A_631 = arith.mulf %get3A_630, %gather3A_627 : vector<16xf32>
        %swap3A_632 = arith.index_cast %add3A_564 : i32 to index
        %swap3A_633 = arith.constant 64 : index
        %swap3A_634 = tpu.vector_load %arg10[%swap3A_632, %swap3A_633] {strides = array<i32>} : memref<128x128xf32, #tpu.memory_space<vmem>>, vector<16xf32>,
        tpu.vector_store %arg10[%swap3A_632, %swap3A_633], %mul3A_631 {strides = array<i32>} : memref<128x128xf32, #tpu.memory_space<vmem>>, vector<16xf32>,
        %broadcast_in_dim3A_635 = arith.constant 5 : i32
        %broadcast_in_dim3A_636 = vector.broadcast %broadcast_in_dim3A_635 : i32 to vector<16xi32>
        %broadcast_in_dim3A_637 = arith.constant 0 : i32
        %broadcast_in_dim3A_638 = vector.broadcast %broadcast_in_dim3A_637 : i32 to vector<16xi32>
        %add3A_639 = vector.broadcast %add3A_564 : i32 to vector<16xi32>
        %add3A_640 = arith.addi %broadcast_in_dim3A_638, %add3A_639 : vector<16xi32>
        %gather3A_641 = tpu.vector_load_idx %arg11[%broadcast_in_dim3A_636, %add3A_640] : memref<8x128xf32, #tpu.memory_space<vmem>>[vector<16xi32>, vector<16xi32>], vector<16xf32>,
        %get3A_642 = arith.index_cast %add3A_564 : i32 to index
        %get3A_643 = arith.constant 80 : index
        %get3A_644 = tpu.vector_load %arg10[%get3A_642, %get3A_643] {strides = array<i32>} : memref<128x128xf32, #tpu.memory_space<vmem>>, vector<16xf32>,
        %mul3A_645 = arith.mulf %get3A_644, %gather3A_641 : vector<16xf32>
        %swap3A_646 = arith.index_cast %add3A_564 : i32 to index
        %swap3A_647 = arith.constant 80 : index
        %swap3A_648 = tpu.vector_load %arg10[%swap3A_646, %swap3A_647] {strides = array<i32>} : memref<128x128xf32, #tpu.memory_space<vmem>>, vector<16xf32>,
        tpu.vector_store %arg10[%swap3A_646, %swap3A_647], %mul3A_645 {strides = array<i32>} : memref<128x128xf32, #tpu.memory_space<vmem>>, vector<16xf32>,
        %broadcast_in_dim3A_649 = arith.constant 6 : i32
        %broadcast_in_dim3A_650 = vector.broadcast %broadcast_in_dim3A_649 : i32 to vector<16xi32>
        %broadcast_in_dim3A_651 = arith.constant 0 : i32
        %broadcast_in_dim3A_652 = vector.broadcast %broadcast_in_dim3A_651 : i32 to vector<16xi32>
        %add3A_653 = vector.broadcast %add3A_564 : i32 to vector<16xi32>
        %add3A_654 = arith.addi %broadcast_in_dim3A_652, %add3A_653 : vector<16xi32>
        %gather3A_655 = tpu.vector_load_idx %arg11[%broadcast_in_dim3A_650, %add3A_654] : memref<8x128xf32, #tpu.memory_space<vmem>>[vector<16xi32>, vector<16xi32>], vector<16xf32>,
        %get3A_656 = arith.index_cast %add3A_564 : i32 to index
        %get3A_657 = arith.constant 96 : index
        %get3A_658 = tpu.vector_load %arg10[%get3A_656, %get3A_657] {strides = array<i32>} : memref<128x128xf32, #tpu.memory_space<vmem>>, vector<16xf32>,
        %mul3A_659 = arith.mulf %get3A_658, %gather3A_655 : vector<16xf32>
        %swap3A_660 = arith.index_cast %add3A_564 : i32 to index
        %swap3A_661 = arith.constant 96 : index
        %swap3A_662 = tpu.vector_load %arg10[%swap3A_660, %swap3A_661] {strides = array<i32>} : memref<128x128xf32, #tpu.memory_space<vmem>>, vector<16xf32>,
        tpu.vector_store %arg10[%swap3A_660, %swap3A_661], %mul3A_659 {strides = array<i32>} : memref<128x128xf32, #tpu.memory_space<vmem>>, vector<16xf32>,
        %broadcast_in_dim3A_663 = arith.constant 7 : i32
        %broadcast_in_dim3A_664 = vector.broadcast %broadcast_in_dim3A_663 : i32 to vector<16xi32>
        %broadcast_in_dim3A_665 = arith.constant 0 : i32
        %broadcast_in_dim3A_666 = vector.broadcast %broadcast_in_dim3A_665 : i32 to vector<16xi32>
        %add3A_667 = vector.broadcast %add3A_564 : i32 to vector<16xi32>
        %add3A_668 = arith.addi %broadcast_in_dim3A_666, %add3A_667 : vector<16xi32>
        %gather3A_669 = tpu.vector_load_idx %arg11[%broadcast_in_dim3A_664, %add3A_668] : memref<8x128xf32, #tpu.memory_space<vmem>>[vector<16xi32>, vector<16xi32>], vector<16xf32>,
        %get3A_670 = arith.index_cast %add3A_564 : i32 to index
        %get3A_671 = arith.constant 112 : index
        %get3A_672 = tpu.vector_load %arg10[%get3A_670, %get3A_671] {strides = array<i32>} : memref<128x128xf32, #tpu.memory_space<vmem>>, vector<16xf32>,
        %mul3A_673 = arith.mulf %get3A_672, %gather3A_669 : vector<16xf32>
        %swap3A_674 = arith.index_cast %add3A_564 : i32 to index
        %swap3A_675 = arith.constant 112 : index
        %swap3A_676 = tpu.vector_load %arg10[%swap3A_674, %swap3A_675] {strides = array<i32>} : memref<128x128xf32, #tpu.memory_space<vmem>>, vector<16xf32>,
        tpu.vector_store %arg10[%swap3A_674, %swap3A_675], %mul3A_673 {strides = array<i32>} : memref<128x128xf32, #tpu.memory_space<vmem>>, vector<16xf32>,
        %mul3A_677 = arith.constant 16 : i32
        %mul3A_678 = arith.muli %scan3A_100, %mul3A_677 : i32
        %add3A_679 = arith.constant 5 : i32
        %add3A_680 = arith.addi %mul3A_678, %add3A_679 : i32
        %broadcast_in_dim3A_681 = arith.constant 0 : i32
        %broadcast_in_dim3A_682 = vector.broadcast %broadcast_in_dim3A_681 : i32 to vector<16xi32>
        %broadcast_in_dim3A_683 = arith.constant 0 : i32
        %broadcast_in_dim3A_684 = vector.broadcast %broadcast_in_dim3A_683 : i32 to vector<16xi32>
        %add3A_685 = vector.broadcast %add3A_680 : i32 to vector<16xi32>
        %add3A_686 = arith.addi %broadcast_in_dim3A_684, %add3A_685 : vector<16xi32>
        %gather3A_687 = tpu.vector_load_idx %arg11[%broadcast_in_dim3A_682, %add3A_686] : memref<8x128xf32, #tpu.memory_space<vmem>>[vector<16xi32>, vector<16xi32>], vector<16xf32>,
        %get3A_688 = arith.index_cast %add3A_680 : i32 to index
        %get3A_689 = arith.constant 0 : index
        %get3A_690 = tpu.vector_load %arg10[%get3A_688, %get3A_689] {strides = array<i32>} : memref<128x128xf32, #tpu.memory_space<vmem>>, vector<16xf32>,
        %mul3A_691 = arith.mulf %get3A_690, %gather3A_687 : vector<16xf32>
        %swap3A_692 = arith.index_cast %add3A_680 : i32 to index
        %swap3A_693 = arith.constant 0 : index
        %swap3A_694 = tpu.vector_load %arg10[%swap3A_692, %swap3A_693] {strides = array<i32>} : memref<128x128xf32, #tpu.memory_space<vmem>>, vector<16xf32>,
        tpu.vector_store %arg10[%swap3A_692, %swap3A_693], %mul3A_691 {strides = array<i32>} : memref<128x128xf32, #tpu.memory_space<vmem>>, vector<16xf32>,
        %broadcast_in_dim3A_695 = arith.constant 1 : i32
        %broadcast_in_dim3A_696 = vector.broadcast %broadcast_in_dim3A_695 : i32 to vector<16xi32>
        %broadcast_in_dim3A_697 = arith.constant 0 : i32
        %broadcast_in_dim3A_698 = vector.broadcast %broadcast_in_dim3A_697 : i32 to vector<16xi32>
        %add3A_699 = vector.broadcast %add3A_680 : i32 to vector<16xi32>
        %add3A_700 = arith.addi %broadcast_in_dim3A_698, %add3A_699 : vector<16xi32>
        %gather3A_701 = tpu.vector_load_idx %arg11[%broadcast_in_dim3A_696, %add3A_700] : memref<8x128xf32, #tpu.memory_space<vmem>>[vector<16xi32>, vector<16xi32>], vector<16xf32>,
        %get3A_702 = arith.index_cast %add3A_680 : i32 to index
        %get3A_703 = arith.constant 16 : index
        %get3A_704 = tpu.vector_load %arg10[%get3A_702, %get3A_703] {strides = array<i32>} : memref<128x128xf32, #tpu.memory_space<vmem>>, vector<16xf32>,
        %mul3A_705 = arith.mulf %get3A_704, %gather3A_701 : vector<16xf32>
        %swap3A_706 = arith.index_cast %add3A_680 : i32 to index
        %swap3A_707 = arith.constant 16 : index
        %swap3A_708 = tpu.vector_load %arg10[%swap3A_706, %swap3A_707] {strides = array<i32>} : memref<128x128xf32, #tpu.memory_space<vmem>>, vector<16xf32>,
        tpu.vector_store %arg10[%swap3A_706, %swap3A_707], %mul3A_705 {strides = array<i32>} : memref<128x128xf32, #tpu.memory_space<vmem>>, vector<16xf32>,
        %broadcast_in_dim3A_709 = arith.constant 2 : i32
        %broadcast_in_dim3A_710 = vector.broadcast %broadcast_in_dim3A_709 : i32 to vector<16xi32>
        %broadcast_in_dim3A_711 = arith.constant 0 : i32
        %broadcast_in_dim3A_712 = vector.broadcast %broadcast_in_dim3A_711 : i32 to vector<16xi32>
        %add3A_713 = vector.broadcast %add3A_680 : i32 to vector<16xi32>
        %add3A_714 = arith.addi %broadcast_in_dim3A_712, %add3A_713 : vector<16xi32>
        %gather3A_715 = tpu.vector_load_idx %arg11[%broadcast_in_dim3A_710, %add3A_714] : memref<8x128xf32, #tpu.memory_space<vmem>>[vector<16xi32>, vector<16xi32>], vector<16xf32>,
        %get3A_716 = arith.index_cast %add3A_680 : i32 to index
        %get3A_717 = arith.constant 32 : index
        %get3A_718 = tpu.vector_load %arg10[%get3A_716, %get3A_717] {strides = array<i32>} : memref<128x128xf32, #tpu.memory_space<vmem>>, vector<16xf32>,
        %mul3A_719 = arith.mulf %get3A_718, %gather3A_715 : vector<16xf32>
        %swap3A_720 = arith.index_cast %add3A_680 : i32 to index
        %swap3A_721 = arith.constant 32 : index
        %swap3A_722 = tpu.vector_load %arg10[%swap3A_720, %swap3A_721] {strides = array<i32>} : memref<128x128xf32, #tpu.memory_space<vmem>>, vector<16xf32>,
        tpu.vector_store %arg10[%swap3A_720, %swap3A_721], %mul3A_719 {strides = array<i32>} : memref<128x128xf32, #tpu.memory_space<vmem>>, vector<16xf32>,
        %broadcast_in_dim3A_723 = arith.constant 3 : i32
        %broadcast_in_dim3A_724 = vector.broadcast %broadcast_in_dim3A_723 : i32 to vector<16xi32>
        %broadcast_in_dim3A_725 = arith.constant 0 : i32
        %broadcast_in_dim3A_726 = vector.broadcast %broadcast_in_dim3A_725 : i32 to vector<16xi32>
        %add3A_727 = vector.broadcast %add3A_680 : i32 to vector<16xi32>
        %add3A_728 = arith.addi %broadcast_in_dim3A_726, %add3A_727 : vector<16xi32>
        %gather3A_729 = tpu.vector_load_idx %arg11[%broadcast_in_dim3A_724, %add3A_728] : memref<8x128xf32, #tpu.memory_space<vmem>>[vector<16xi32>, vector<16xi32>], vector<16xf32>,
        %get3A_730 = arith.index_cast %add3A_680 : i32 to index
        %get3A_731 = arith.constant 48 : index
        %get3A_732 = tpu.vector_load %arg10[%get3A_730, %get3A_731] {strides = array<i32>} : memref<128x128xf32, #tpu.memory_space<vmem>>, vector<16xf32>,
        %mul3A_733 = arith.mulf %get3A_732, %gather3A_729 : vector<16xf32>
        %swap3A_734 = arith.index_cast %add3A_680 : i32 to index
        %swap3A_735 = arith.constant 48 : index
        %swap3A_736 = tpu.vector_load %arg10[%swap3A_734, %swap3A_735] {strides = array<i32>} : memref<128x128xf32, #tpu.memory_space<vmem>>, vector<16xf32>,
        tpu.vector_store %arg10[%swap3A_734, %swap3A_735], %mul3A_733 {strides = array<i32>} : memref<128x128xf32, #tpu.memory_space<vmem>>, vector<16xf32>,
        %broadcast_in_dim3A_737 = arith.constant 4 : i32
        %broadcast_in_dim3A_738 = vector.broadcast %broadcast_in_dim3A_737 : i32 to vector<16xi32>
        %broadcast_in_dim3A_739 = arith.constant 0 : i32
        %broadcast_in_dim3A_740 = vector.broadcast %broadcast_in_dim3A_739 : i32 to vector<16xi32>
        %add3A_741 = vector.broadcast %add3A_680 : i32 to vector<16xi32>
        %add3A_742 = arith.addi %broadcast_in_dim3A_740, %add3A_741 : vector<16xi32>
        %gather3A_743 = tpu.vector_load_idx %arg11[%broadcast_in_dim3A_738, %add3A_742] : memref<8x128xf32, #tpu.memory_space<vmem>>[vector<16xi32>, vector<16xi32>], vector<16xf32>,
        %get3A_744 = arith.index_cast %add3A_680 : i32 to index
        %get3A_745 = arith.constant 64 : index
        %get3A_746 = tpu.vector_load %arg10[%get3A_744, %get3A_745] {strides = array<i32>} : memref<128x128xf32, #tpu.memory_space<vmem>>, vector<16xf32>,
        %mul3A_747 = arith.mulf %get3A_746, %gather3A_743 : vector<16xf32>
        %swap3A_748 = arith.index_cast %add3A_680 : i32 to index
        %swap3A_749 = arith.constant 64 : index
        %swap3A_750 = tpu.vector_load %arg10[%swap3A_748, %swap3A_749] {strides = array<i32>} : memref<128x128xf32, #tpu.memory_space<vmem>>, vector<16xf32>,
        tpu.vector_store %arg10[%swap3A_748, %swap3A_749], %mul3A_747 {strides = array<i32>} : memref<128x128xf32, #tpu.memory_space<vmem>>, vector<16xf32>,
        %broadcast_in_dim3A_751 = arith.constant 5 : i32
        %broadcast_in_dim3A_752 = vector.broadcast %broadcast_in_dim3A_751 : i32 to vector<16xi32>
        %broadcast_in_dim3A_753 = arith.constant 0 : i32
        %broadcast_in_dim3A_754 = vector.broadcast %broadcast_in_dim3A_753 : i32 to vector<16xi32>
        %add3A_755 = vector.broadcast %add3A_680 : i32 to vector<16xi32>
        %add3A_756 = arith.addi %broadcast_in_dim3A_754, %add3A_755 : vector<16xi32>
        %gather3A_757 = tpu.vector_load_idx %arg11[%broadcast_in_dim3A_752, %add3A_756] : memref<8x128xf32, #tpu.memory_space<vmem>>[vector<16xi32>, vector<16xi32>], vector<16xf32>,
        %get3A_758 = arith.index_cast %add3A_680 : i32 to index
        %get3A_759 = arith.constant 80 : index
        %get3A_760 = tpu.vector_load %arg10[%get3A_758, %get3A_759] {strides = array<i32>} : memref<128x128xf32, #tpu.memory_space<vmem>>, vector<16xf32>,
        %mul3A_761 = arith.mulf %get3A_760, %gather3A_757 : vector<16xf32>
        %swap3A_762 = arith.index_cast %add3A_680 : i32 to index
        %swap3A_763 = arith.constant 80 : index
        %swap3A_764 = tpu.vector_load %arg10[%swap3A_762, %swap3A_763] {strides = array<i32>} : memref<128x128xf32, #tpu.memory_space<vmem>>, vector<16xf32>,
        tpu.vector_store %arg10[%swap3A_762, %swap3A_763], %mul3A_761 {strides = array<i32>} : memref<128x128xf32, #tpu.memory_space<vmem>>, vector<16xf32>,
        %broadcast_in_dim3A_765 = arith.constant 6 : i32
        %broadcast_in_dim3A_766 = vector.broadcast %broadcast_in_dim3A_765 : i32 to vector<16xi32>
        %broadcast_in_dim3A_767 = arith.constant 0 : i32
        %broadcast_in_dim3A_768 = vector.broadcast %broadcast_in_dim3A_767 : i32 to vector<16xi32>
        %add3A_769 = vector.broadcast %add3A_680 : i32 to vector<16xi32>
        %add3A_770 = arith.addi %broadcast_in_dim3A_768, %add3A_769 : vector<16xi32>
        %gather3A_771 = tpu.vector_load_idx %arg11[%broadcast_in_dim3A_766, %add3A_770] : memref<8x128xf32, #tpu.memory_space<vmem>>[vector<16xi32>, vector<16xi32>], vector<16xf32>,
        %get3A_772 = arith.index_cast %add3A_680 : i32 to index
        %get3A_773 = arith.constant 96 : index
        %get3A_774 = tpu.vector_load %arg10[%get3A_772, %get3A_773] {strides = array<i32>} : memref<128x128xf32, #tpu.memory_space<vmem>>, vector<16xf32>,
        %mul3A_775 = arith.mulf %get3A_774, %gather3A_771 : vector<16xf32>
        %swap3A_776 = arith.index_cast %add3A_680 : i32 to index
        %swap3A_777 = arith.constant 96 : index
        %swap3A_778 = tpu.vector_load %arg10[%swap3A_776, %swap3A_777] {strides = array<i32>} : memref<128x128xf32, #tpu.memory_space<vmem>>, vector<16xf32>,
        tpu.vector_store %arg10[%swap3A_776, %swap3A_777], %mul3A_775 {strides = array<i32>} : memref<128x128xf32, #tpu.memory_space<vmem>>, vector<16xf32>,
        %broadcast_in_dim3A_779 = arith.constant 7 : i32
        %broadcast_in_dim3A_780 = vector.broadcast %broadcast_in_dim3A_779 : i32 to vector<16xi32>
        %broadcast_in_dim3A_781 = arith.constant 0 : i32
        %broadcast_in_dim3A_782 = vector.broadcast %broadcast_in_dim3A_781 : i32 to vector<16xi32>
        %add3A_783 = vector.broadcast %add3A_680 : i32 to vector<16xi32>
        %add3A_784 = arith.addi %broadcast_in_dim3A_782, %add3A_783 : vector<16xi32>
        %gather3A_785 = tpu.vector_load_idx %arg11[%broadcast_in_dim3A_780, %add3A_784] : memref<8x128xf32, #tpu.memory_space<vmem>>[vector<16xi32>, vector<16xi32>], vector<16xf32>,
        %get3A_786 = arith.index_cast %add3A_680 : i32 to index
        %get3A_787 = arith.constant 112 : index
        %get3A_788 = tpu.vector_load %arg10[%get3A_786, %get3A_787] {strides = array<i32>} : memref<128x128xf32, #tpu.memory_space<vmem>>, vector<16xf32>,
        %mul3A_789 = arith.mulf %get3A_788, %gather3A_785 : vector<16xf32>
        %swap3A_790 = arith.index_cast %add3A_680 : i32 to index
        %swap3A_791 = arith.constant 112 : index
        %swap3A_792 = tpu.vector_load %arg10[%swap3A_790, %swap3A_791] {strides = array<i32>} : memref<128x128xf32, #tpu.memory_space<vmem>>, vector<16xf32>,
        tpu.vector_store %arg10[%swap3A_790, %swap3A_791], %mul3A_789 {strides = array<i32>} : memref<128x128xf32, #tpu.memory_space<vmem>>, vector<16xf32>,
        %mul3A_793 = arith.constant 16 : i32
        %mul3A_794 = arith.muli %scan3A_100, %mul3A_793 : i32
        %add3A_795 = arith.constant 6 : i32
        %add3A_796 = arith.addi %mul3A_794, %add3A_795 : i32
        %broadcast_in_dim3A_797 = arith.constant 0 : i32
        %broadcast_in_dim3A_798 = vector.broadcast %broadcast_in_dim3A_797 : i32 to vector<16xi32>
        %broadcast_in_dim3A_799 = arith.constant 0 : i32
        %broadcast_in_dim3A_800 = vector.broadcast %broadcast_in_dim3A_799 : i32 to vector<16xi32>
        %add3A_801 = vector.broadcast %add3A_796 : i32 to vector<16xi32>
        %add3A_802 = arith.addi %broadcast_in_dim3A_800, %add3A_801 : vector<16xi32>
        %gather3A_803 = tpu.vector_load_idx %arg11[%broadcast_in_dim3A_798, %add3A_802] : memref<8x128xf32, #tpu.memory_space<vmem>>[vector<16xi32>, vector<16xi32>], vector<16xf32>,
        %get3A_804 = arith.index_cast %add3A_796 : i32 to index
        %get3A_805 = arith.constant 0 : index
        %get3A_806 = tpu.vector_load %arg10[%get3A_804, %get3A_805] {strides = array<i32>} : memref<128x128xf32, #tpu.memory_space<vmem>>, vector<16xf32>,
        %mul3A_807 = arith.mulf %get3A_806, %gather3A_803 : vector<16xf32>
        %swap3A_808 = arith.index_cast %add3A_796 : i32 to index
        %swap3A_809 = arith.constant 0 : index
        %swap3A_810 = tpu.vector_load %arg10[%swap3A_808, %swap3A_809] {strides = array<i32>} : memref<128x128xf32, #tpu.memory_space<vmem>>, vector<16xf32>,
        tpu.vector_store %arg10[%swap3A_808, %swap3A_809], %mul3A_807 {strides = array<i32>} : memref<128x128xf32, #tpu.memory_space<vmem>>, vector<16xf32>,
        %broadcast_in_dim3A_811 = arith.constant 1 : i32
        %broadcast_in_dim3A_812 = vector.broadcast %broadcast_in_dim3A_811 : i32 to vector<16xi32>
        %broadcast_in_dim3A_813 = arith.constant 0 : i32
        %broadcast_in_dim3A_814 = vector.broadcast %broadcast_in_dim3A_813 : i32 to vector<16xi32>
        %add3A_815 = vector.broadcast %add3A_796 : i32 to vector<16xi32>
        %add3A_816 = arith.addi %broadcast_in_dim3A_814, %add3A_815 : vector<16xi32>
        %gather3A_817 = tpu.vector_load_idx %arg11[%broadcast_in_dim3A_812, %add3A_816] : memref<8x128xf32, #tpu.memory_space<vmem>>[vector<16xi32>, vector<16xi32>], vector<16xf32>,
        %get3A_818 = arith.index_cast %add3A_796 : i32 to index
        %get3A_819 = arith.constant 16 : index
        %get3A_820 = tpu.vector_load %arg10[%get3A_818, %get3A_819] {strides = array<i32>} : memref<128x128xf32, #tpu.memory_space<vmem>>, vector<16xf32>,
        %mul3A_821 = arith.mulf %get3A_820, %gather3A_817 : vector<16xf32>
        %swap3A_822 = arith.index_cast %add3A_796 : i32 to index
        %swap3A_823 = arith.constant 16 : index
        %swap3A_824 = tpu.vector_load %arg10[%swap3A_822, %swap3A_823] {strides = array<i32>} : memref<128x128xf32, #tpu.memory_space<vmem>>, vector<16xf32>,
        tpu.vector_store %arg10[%swap3A_822, %swap3A_823], %mul3A_821 {strides = array<i32>} : memref<128x128xf32, #tpu.memory_space<vmem>>, vector<16xf32>,
        %broadcast_in_dim3A_825 = arith.constant 2 : i32
        %broadcast_in_dim3A_826 = vector.broadcast %broadcast_in_dim3A_825 : i32 to vector<16xi32>
        %broadcast_in_dim3A_827 = arith.constant 0 : i32
        %broadcast_in_dim3A_828 = vector.broadcast %broadcast_in_dim3A_827 : i32 to vector<16xi32>
        %add3A_829 = vector.broadcast %add3A_796 : i32 to vector<16xi32>
        %add3A_830 = arith.addi %broadcast_in_dim3A_828, %add3A_829 : vector<16xi32>
        %gather3A_831 = tpu.vector_load_idx %arg11[%broadcast_in_dim3A_826, %add3A_830] : memref<8x128xf32, #tpu.memory_space<vmem>>[vector<16xi32>, vector<16xi32>], vector<16xf32>,
        %get3A_832 = arith.index_cast %add3A_796 : i32 to index
        %get3A_833 = arith.constant 32 : index
        %get3A_834 = tpu.vector_load %arg10[%get3A_832, %get3A_833] {strides = array<i32>} : memref<128x128xf32, #tpu.memory_space<vmem>>, vector<16xf32>,
        %mul3A_835 = arith.mulf %get3A_834, %gather3A_831 : vector<16xf32>
        %swap3A_836 = arith.index_cast %add3A_796 : i32 to index
        %swap3A_837 = arith.constant 32 : index
        %swap3A_838 = tpu.vector_load %arg10[%swap3A_836, %swap3A_837] {strides = array<i32>} : memref<128x128xf32, #tpu.memory_space<vmem>>, vector<16xf32>,
        tpu.vector_store %arg10[%swap3A_836, %swap3A_837], %mul3A_835 {strides = array<i32>} : memref<128x128xf32, #tpu.memory_space<vmem>>, vector<16xf32>,
        %broadcast_in_dim3A_839 = arith.constant 3 : i32
        %broadcast_in_dim3A_840 = vector.broadcast %broadcast_in_dim3A_839 : i32 to vector<16xi32>
        %broadcast_in_dim3A_841 = arith.constant 0 : i32
        %broadcast_in_dim3A_842 = vector.broadcast %broadcast_in_dim3A_841 : i32 to vector<16xi32>
        %add3A_843 = vector.broadcast %add3A_796 : i32 to vector<16xi32>
        %add3A_844 = arith.addi %broadcast_in_dim3A_842, %add3A_843 : vector<16xi32>
        %gather3A_845 = tpu.vector_load_idx %arg11[%broadcast_in_dim3A_840, %add3A_844] : memref<8x128xf32, #tpu.memory_space<vmem>>[vector<16xi32>, vector<16xi32>], vector<16xf32>,
        %get3A_846 = arith.index_cast %add3A_796 : i32 to index
        %get3A_847 = arith.constant 48 : index
        %get3A_848 = tpu.vector_load %arg10[%get3A_846, %get3A_847] {strides = array<i32>} : memref<128x128xf32, #tpu.memory_space<vmem>>, vector<16xf32>,
        %mul3A_849 = arith.mulf %get3A_848, %gather3A_845 : vector<16xf32>
        %swap3A_850 = arith.index_cast %add3A_796 : i32 to index
        %swap3A_851 = arith.constant 48 : index
        %swap3A_852 = tpu.vector_load %arg10[%swap3A_850, %swap3A_851] {strides = array<i32>} : memref<128x128xf32, #tpu.memory_space<vmem>>, vector<16xf32>,
        tpu.vector_store %arg10[%swap3A_850, %swap3A_851], %mul3A_849 {strides = array<i32>} : memref<128x128xf32, #tpu.memory_space<vmem>>, vector<16xf32>,
        %broadcast_in_dim3A_853 = arith.constant 4 : i32
        %broadcast_in_dim3A_854 = vector.broadcast %broadcast_in_dim3A_853 : i32 to vector<16xi32>
        %broadcast_in_dim3A_855 = arith.constant 0 : i32
        %broadcast_in_dim3A_856 = vector.broadcast %broadcast_in_dim3A_855 : i32 to vector<16xi32>
        %add3A_857 = vector.broadcast %add3A_796 : i32 to vector<16xi32>
        %add3A_858 = arith.addi %broadcast_in_dim3A_856, %add3A_857 : vector<16xi32>
        %gather3A_859 = tpu.vector_load_idx %arg11[%broadcast_in_dim3A_854, %add3A_858] : memref<8x128xf32, #tpu.memory_space<vmem>>[vector<16xi32>, vector<16xi32>], vector<16xf32>,
        %get3A_860 = arith.index_cast %add3A_796 : i32 to index
        %get3A_861 = arith.constant 64 : index
        %get3A_862 = tpu.vector_load %arg10[%get3A_860, %get3A_861] {strides = array<i32>} : memref<128x128xf32, #tpu.memory_space<vmem>>, vector<16xf32>,
        %mul3A_863 = arith.mulf %get3A_862, %gather3A_859 : vector<16xf32>
        %swap3A_864 = arith.index_cast %add3A_796 : i32 to index
        %swap3A_865 = arith.constant 64 : index
        %swap3A_866 = tpu.vector_load %arg10[%swap3A_864, %swap3A_865] {strides = array<i32>} : memref<128x128xf32, #tpu.memory_space<vmem>>, vector<16xf32>,
        tpu.vector_store %arg10[%swap3A_864, %swap3A_865], %mul3A_863 {strides = array<i32>} : memref<128x128xf32, #tpu.memory_space<vmem>>, vector<16xf32>,
        %broadcast_in_dim3A_867 = arith.constant 5 : i32
        %broadcast_in_dim3A_868 = vector.broadcast %broadcast_in_dim3A_867 : i32 to vector<16xi32>
        %broadcast_in_dim3A_869 = arith.constant 0 : i32
        %broadcast_in_dim3A_870 = vector.broadcast %broadcast_in_dim3A_869 : i32 to vector<16xi32>
        %add3A_871 = vector.broadcast %add3A_796 : i32 to vector<16xi32>
        %add3A_872 = arith.addi %broadcast_in_dim3A_870, %add3A_871 : vector<16xi32>
        %gather3A_873 = tpu.vector_load_idx %arg11[%broadcast_in_dim3A_868, %add3A_872] : memref<8x128xf32, #tpu.memory_space<vmem>>[vector<16xi32>, vector<16xi32>], vector<16xf32>,
        %get3A_874 = arith.index_cast %add3A_796 : i32 to index
        %get3A_875 = arith.constant 80 : index
        %get3A_876 = tpu.vector_load %arg10[%get3A_874, %get3A_875] {strides = array<i32>} : memref<128x128xf32, #tpu.memory_space<vmem>>, vector<16xf32>,
        %mul3A_877 = arith.mulf %get3A_876, %gather3A_873 : vector<16xf32>
        %swap3A_878 = arith.index_cast %add3A_796 : i32 to index
        %swap3A_879 = arith.constant 80 : index
        %swap3A_880 = tpu.vector_load %arg10[%swap3A_878, %swap3A_879] {strides = array<i32>} : memref<128x128xf32, #tpu.memory_space<vmem>>, vector<16xf32>,
        tpu.vector_store %arg10[%swap3A_878, %swap3A_879], %mul3A_877 {strides = array<i32>} : memref<128x128xf32, #tpu.memory_space<vmem>>, vector<16xf32>,
        %broadcast_in_dim3A_881 = arith.constant 6 : i32
        %broadcast_in_dim3A_882 = vector.broadcast %broadcast_in_dim3A_881 : i32 to vector<16xi32>
        %broadcast_in_dim3A_883 = arith.constant 0 : i32
        %broadcast_in_dim3A_884 = vector.broadcast %broadcast_in_dim3A_883 : i32 to vector<16xi32>
        %add3A_885 = vector.broadcast %add3A_796 : i32 to vector<16xi32>
        %add3A_886 = arith.addi %broadcast_in_dim3A_884, %add3A_885 : vector<16xi32>
        %gather3A_887 = tpu.vector_load_idx %arg11[%broadcast_in_dim3A_882, %add3A_886] : memref<8x128xf32, #tpu.memory_space<vmem>>[vector<16xi32>, vector<16xi32>], vector<16xf32>,
        %get3A_888 = arith.index_cast %add3A_796 : i32 to index
        %get3A_889 = arith.constant 96 : index
        %get3A_890 = tpu.vector_load %arg10[%get3A_888, %get3A_889] {strides = array<i32>} : memref<128x128xf32, #tpu.memory_space<vmem>>, vector<16xf32>,
        %mul3A_891 = arith.mulf %get3A_890, %gather3A_887 : vector<16xf32>
        %swap3A_892 = arith.index_cast %add3A_796 : i32 to index
        %swap3A_893 = arith.constant 96 : index
        %swap3A_894 = tpu.vector_load %arg10[%swap3A_892, %swap3A_893] {strides = array<i32>} : memref<128x128xf32, #tpu.memory_space<vmem>>, vector<16xf32>,
        tpu.vector_store %arg10[%swap3A_892, %swap3A_893], %mul3A_891 {strides = array<i32>} : memref<128x128xf32, #tpu.memory_space<vmem>>, vector<16xf32>,
        %broadcast_in_dim3A_895 = arith.constant 7 : i32
        %broadcast_in_dim3A_896 = vector.broadcast %broadcast_in_dim3A_895 : i32 to vector<16xi32>
        %broadcast_in_dim3A_897 = arith.constant 0 : i32
        %broadcast_in_dim3A_898 = vector.broadcast %broadcast_in_dim3A_897 : i32 to vector<16xi32>
        %add3A_899 = vector.broadcast %add3A_796 : i32 to vector<16xi32>
        %add3A_900 = arith.addi %broadcast_in_dim3A_898, %add3A_899 : vector<16xi32>
        %gather3A_901 = tpu.vector_load_idx %arg11[%broadcast_in_dim3A_896, %add3A_900] : memref<8x128xf32, #tpu.memory_space<vmem>>[vector<16xi32>, vector<16xi32>], vector<16xf32>,
        %get3A_902 = arith.index_cast %add3A_796 : i32 to index
        %get3A_903 = arith.constant 112 : index
        %get3A_904 = tpu.vector_load %arg10[%get3A_902, %get3A_903] {strides = array<i32>} : memref<128x128xf32, #tpu.memory_space<vmem>>, vector<16xf32>,
        %mul3A_905 = arith.mulf %get3A_904, %gather3A_901 : vector<16xf32>
        %swap3A_906 = arith.index_cast %add3A_796 : i32 to index
        %swap3A_907 = arith.constant 112 : index
        %swap3A_908 = tpu.vector_load %arg10[%swap3A_906, %swap3A_907] {strides = array<i32>} : memref<128x128xf32, #tpu.memory_space<vmem>>, vector<16xf32>,
        tpu.vector_store %arg10[%swap3A_906, %swap3A_907], %mul3A_905 {strides = array<i32>} : memref<128x128xf32, #tpu.memory_space<vmem>>, vector<16xf32>,
        %mul3A_909 = arith.constant 16 : i32
        %mul3A_910 = arith.muli %scan3A_100, %mul3A_909 : i32
        %add3A_911 = arith.constant 7 : i32
        %add3A_912 = arith.addi %mul3A_910, %add3A_911 : i32
        %broadcast_in_dim3A_913 = arith.constant 0 : i32
        %broadcast_in_dim3A_914 = vector.broadcast %broadcast_in_dim3A_913 : i32 to vector<16xi32>
        %broadcast_in_dim3A_915 = arith.constant 0 : i32
        %broadcast_in_dim3A_916 = vector.broadcast %broadcast_in_dim3A_915 : i32 to vector<16xi32>
        %add3A_917 = vector.broadcast %add3A_912 : i32 to vector<16xi32>
        %add3A_918 = arith.addi %broadcast_in_dim3A_916, %add3A_917 : vector<16xi32>
        %gather3A_919 = tpu.vector_load_idx %arg11[%broadcast_in_dim3A_914, %add3A_918] : memref<8x128xf32, #tpu.memory_space<vmem>>[vector<16xi32>, vector<16xi32>], vector<16xf32>,
        %get3A_920 = arith.index_cast %add3A_912 : i32 to index
        %get3A_921 = arith.constant 0 : index
        %get3A_922 = tpu.vector_load %arg10[%get3A_920, %get3A_921] {strides = array<i32>} : memref<128x128xf32, #tpu.memory_space<vmem>>, vector<16xf32>,
        %mul3A_923 = arith.mulf %get3A_922, %gather3A_919 : vector<16xf32>
        %swap3A_924 = arith.index_cast %add3A_912 : i32 to index
        %swap3A_925 = arith.constant 0 : index
        %swap3A_926 = tpu.vector_load %arg10[%swap3A_924, %swap3A_925] {strides = array<i32>} : memref<128x128xf32, #tpu.memory_space<vmem>>, vector<16xf32>,
        tpu.vector_store %arg10[%swap3A_924, %swap3A_925], %mul3A_923 {strides = array<i32>} : memref<128x128xf32, #tpu.memory_space<vmem>>, vector<16xf32>,
        %broadcast_in_dim3A_927 = arith.constant 1 : i32
        %broadcast_in_dim3A_928 = vector.broadcast %broadcast_in_dim3A_927 : i32 to vector<16xi32>
        %broadcast_in_dim3A_929 = arith.constant 0 : i32
        %broadcast_in_dim3A_930 = vector.broadcast %broadcast_in_dim3A_929 : i32 to vector<16xi32>
        %add3A_931 = vector.broadcast %add3A_912 : i32 to vector<16xi32>
        %add3A_932 = arith.addi %broadcast_in_dim3A_930, %add3A_931 : vector<16xi32>
        %gather3A_933 = tpu.vector_load_idx %arg11[%broadcast_in_dim3A_928, %add3A_932] : memref<8x128xf32, #tpu.memory_space<vmem>>[vector<16xi32>, vector<16xi32>], vector<16xf32>,
        %get3A_934 = arith.index_cast %add3A_912 : i32 to index
        %get3A_935 = arith.constant 16 : index
        %get3A_936 = tpu.vector_load %arg10[%get3A_934, %get3A_935] {strides = array<i32>} : memref<128x128xf32, #tpu.memory_space<vmem>>, vector<16xf32>,
        %mul3A_937 = arith.mulf %get3A_936, %gather3A_933 : vector<16xf32>
        %swap3A_938 = arith.index_cast %add3A_912 : i32 to index
        %swap3A_939 = arith.constant 16 : index
        %swap3A_940 = tpu.vector_load %arg10[%swap3A_938, %swap3A_939] {strides = array<i32>} : memref<128x128xf32, #tpu.memory_space<vmem>>, vector<16xf32>,
        tpu.vector_store %arg10[%swap3A_938, %swap3A_939], %mul3A_937 {strides = array<i32>} : memref<128x128xf32, #tpu.memory_space<vmem>>, vector<16xf32>,
        %broadcast_in_dim3A_941 = arith.constant 2 : i32
        %broadcast_in_dim3A_942 = vector.broadcast %broadcast_in_dim3A_941 : i32 to vector<16xi32>
        %broadcast_in_dim3A_943 = arith.constant 0 : i32
        %broadcast_in_dim3A_944 = vector.broadcast %broadcast_in_dim3A_943 : i32 to vector<16xi32>
        %add3A_945 = vector.broadcast %add3A_912 : i32 to vector<16xi32>
        %add3A_946 = arith.addi %broadcast_in_dim3A_944, %add3A_945 : vector<16xi32>
        %gather3A_947 = tpu.vector_load_idx %arg11[%broadcast_in_dim3A_942, %add3A_946] : memref<8x128xf32, #tpu.memory_space<vmem>>[vector<16xi32>, vector<16xi32>], vector<16xf32>,
        %get3A_948 = arith.index_cast %add3A_912 : i32 to index
        %get3A_949 = arith.constant 32 : index
        %get3A_950 = tpu.vector_load %arg10[%get3A_948, %get3A_949] {strides = array<i32>} : memref<128x128xf32, #tpu.memory_space<vmem>>, vector<16xf32>,
        %mul3A_951 = arith.mulf %get3A_950, %gather3A_947 : vector<16xf32>
        %swap3A_952 = arith.index_cast %add3A_912 : i32 to index
        %swap3A_953 = arith.constant 32 : index
        %swap3A_954 = tpu.vector_load %arg10[%swap3A_952, %swap3A_953] {strides = array<i32>} : memref<128x128xf32, #tpu.memory_space<vmem>>, vector<16xf32>,
        tpu.vector_store %arg10[%swap3A_952, %swap3A_953], %mul3A_951 {strides = array<i32>} : memref<128x128xf32, #tpu.memory_space<vmem>>, vector<16xf32>,
        %broadcast_in_dim3A_955 = arith.constant 3 : i32
        %broadcast_in_dim3A_956 = vector.broadcast %broadcast_in_dim3A_955 : i32 to vector<16xi32>
        %broadcast_in_dim3A_957 = arith.constant 0 : i32
        %broadcast_in_dim3A_958 = vector.broadcast %broadcast_in_dim3A_957 : i32 to vector<16xi32>
        %add3A_959 = vector.broadcast %add3A_912 : i32 to vector<16xi32>
        %add3A_960 = arith.addi %broadcast_in_dim3A_958, %add3A_959 : vector<16xi32>
        %gather3A_961 = tpu.vector_load_idx %arg11[%broadcast_in_dim3A_956, %add3A_960] : memref<8x128xf32, #tpu.memory_space<vmem>>[vector<16xi32>, vector<16xi32>], vector<16xf32>,
        %get3A_962 = arith.index_cast %add3A_912 : i32 to index
        %get3A_963 = arith.constant 48 : index
        %get3A_964 = tpu.vector_load %arg10[%get3A_962, %get3A_963] {strides = array<i32>} : memref<128x128xf32, #tpu.memory_space<vmem>>, vector<16xf32>,
        %mul3A_965 = arith.mulf %get3A_964, %gather3A_961 : vector<16xf32>
        %swap3A_966 = arith.index_cast %add3A_912 : i32 to index
        %swap3A_967 = arith.constant 48 : index
        %swap3A_968 = tpu.vector_load %arg10[%swap3A_966, %swap3A_967] {strides = array<i32>} : memref<128x128xf32, #tpu.memory_space<vmem>>, vector<16xf32>,
        tpu.vector_store %arg10[%swap3A_966, %swap3A_967], %mul3A_965 {strides = array<i32>} : memref<128x128xf32, #tpu.memory_space<vmem>>, vector<16xf32>,
        %broadcast_in_dim3A_969 = arith.constant 4 : i32
        %broadcast_in_dim3A_970 = vector.broadcast %broadcast_in_dim3A_969 : i32 to vector<16xi32>
        %broadcast_in_dim3A_971 = arith.constant 0 : i32
        %broadcast_in_dim3A_972 = vector.broadcast %broadcast_in_dim3A_971 : i32 to vector<16xi32>
        %add3A_973 = vector.broadcast %add3A_912 : i32 to vector<16xi32>
        %add3A_974 = arith.addi %broadcast_in_dim3A_972, %add3A_973 : vector<16xi32>
        %gather3A_975 = tpu.vector_load_idx %arg11[%broadcast_in_dim3A_970, %add3A_974] : memref<8x128xf32, #tpu.memory_space<vmem>>[vector<16xi32>, vector<16xi32>], vector<16xf32>,
        %get3A_976 = arith.index_cast %add3A_912 : i32 to index
        %get3A_977 = arith.constant 64 : index
        %get3A_978 = tpu.vector_load %arg10[%get3A_976, %get3A_977] {strides = array<i32>} : memref<128x128xf32, #tpu.memory_space<vmem>>, vector<16xf32>,
        %mul3A_979 = arith.mulf %get3A_978, %gather3A_975 : vector<16xf32>
        %swap3A_980 = arith.index_cast %add3A_912 : i32 to index
        %swap3A_981 = arith.constant 64 : index
        %swap3A_982 = tpu.vector_load %arg10[%swap3A_980, %swap3A_981] {strides = array<i32>} : memref<128x128xf32, #tpu.memory_space<vmem>>, vector<16xf32>,
        tpu.vector_store %arg10[%swap3A_980, %swap3A_981], %mul3A_979 {strides = array<i32>} : memref<128x128xf32, #tpu.memory_space<vmem>>, vector<16xf32>,
        %broadcast_in_dim3A_983 = arith.constant 5 : i32
        %broadcast_in_dim3A_984 = vector.broadcast %broadcast_in_dim3A_983 : i32 to vector<16xi32>
        %broadcast_in_dim3A_985 = arith.constant 0 : i32
        %broadcast_in_dim3A_986 = vector.broadcast %broadcast_in_dim3A_985 : i32 to vector<16xi32>
        %add3A_987 = vector.broadcast %add3A_912 : i32 to vector<16xi32>
        %add3A_988 = arith.addi %broadcast_in_dim3A_986, %add3A_987 : vector<16xi32>
        %gather3A_989 = tpu.vector_load_idx %arg11[%broadcast_in_dim3A_984, %add3A_988] : memref<8x128xf32, #tpu.memory_space<vmem>>[vector<16xi32>, vector<16xi32>], vector<16xf32>,
        %get3A_990 = arith.index_cast %add3A_912 : i32 to index
        %get3A_991 = arith.constant 80 : index
        %get3A_992 = tpu.vector_load %arg10[%get3A_990, %get3A_991] {strides = array<i32>} : memref<128x128xf32, #tpu.memory_space<vmem>>, vector<16xf32>,
        %mul3A_993 = arith.mulf %get3A_992, %gather3A_989 : vector<16xf32>
        %swap3A_994 = arith.index_cast %add3A_912 : i32 to index
        %swap3A_995 = arith.constant 80 : index
        %swap3A_996 = tpu.vector_load %arg10[%swap3A_994, %swap3A_995] {strides = array<i32>} : memref<128x128xf32, #tpu.memory_space<vmem>>, vector<16xf32>,
        tpu.vector_store %arg10[%swap3A_994, %swap3A_995], %mul3A_993 {strides = array<i32>} : memref<128x128xf32, #tpu.memory_space<vmem>>, vector<16xf32>,
        %broadcast_in_dim3A_997 = arith.constant 6 : i32
        %broadcast_in_dim3A_998 = vector.broadcast %broadcast_in_dim3A_997 : i32 to vector<16xi32>
        %broadcast_in_dim3A_999 = arith.constant 0 : i32
        %broadcast_in_dim3A_1000 = vector.broadcast %broadcast_in_dim3A_999 : i32 to vector<16xi32>
        %add3A_1001 = vector.broadcast %add3A_912 : i32 to vector<16xi32>
        %add3A_1002 = arith.addi %broadcast_in_dim3A_1000, %add3A_1001 : vector<16xi32>
        %gather3A_1003 = tpu.vector_load_idx %arg11[%broadcast_in_dim3A_998, %add3A_1002] : memref<8x128xf32, #tpu.memory_space<vmem>>[vector<16xi32>, vector<16xi32>], vector<16xf32>,
        %get3A_1004 = arith.index_cast %add3A_912 : i32 to index
        %get3A_1005 = arith.constant 96 : index
        %get3A_1006 = tpu.vector_load %arg10[%get3A_1004, %get3A_1005] {strides = array<i32>} : memref<128x128xf32, #tpu.memory_space<vmem>>, vector<16xf32>,
        %mul3A_1007 = arith.mulf %get3A_1006, %gather3A_1003 : vector<16xf32>
        %swap3A_1008 = arith.index_cast %add3A_912 : i32 to index
        %swap3A_1009 = arith.constant 96 : index
        %swap3A_1010 = tpu.vector_load %arg10[%swap3A_1008, %swap3A_1009] {strides = array<i32>} : memref<128x128xf32, #tpu.memory_space<vmem>>, vector<16xf32>,
        tpu.vector_store %arg10[%swap3A_1008, %swap3A_1009], %mul3A_1007 {strides = array<i32>} : memref<128x128xf32, #tpu.memory_space<vmem>>, vector<16xf32>,
        %broadcast_in_dim3A_1011 = arith.constant 7 : i32
        %broadcast_in_dim3A_1012 = vector.broadcast %broadcast_in_dim3A_1011 : i32 to vector<16xi32>
        %broadcast_in_dim3A_1013 = arith.constant 0 : i32
        %broadcast_in_dim3A_1014 = vector.broadcast %broadcast_in_dim3A_1013 : i32 to vector<16xi32>
        %add3A_1015 = vector.broadcast %add3A_912 : i32 to vector<16xi32>
        %add3A_1016 = arith.addi %broadcast_in_dim3A_1014, %add3A_1015 : vector<16xi32>
        %gather3A_1017 = tpu.vector_load_idx %arg11[%broadcast_in_dim3A_1012, %add3A_1016] : memref<8x128xf32, #tpu.memory_space<vmem>>[vector<16xi32>, vector<16xi32>], vector<16xf32>,
        %get3A_1018 = arith.index_cast %add3A_912 : i32 to index
        %get3A_1019 = arith.constant 112 : index
        %get3A_1020 = tpu.vector_load %arg10[%get3A_1018, %get3A_1019] {strides = array<i32>} : memref<128x128xf32, #tpu.memory_space<vmem>>, vector<16xf32>,
        %mul3A_1021 = arith.mulf %get3A_1020, %gather3A_1017 : vector<16xf32>
        %swap3A_1022 = arith.index_cast %add3A_912 : i32 to index
        %swap3A_1023 = arith.constant 112 : index
        %swap3A_1024 = tpu.vector_load %arg10[%swap3A_1022, %swap3A_1023] {strides = array<i32>} : memref<128x128xf32, #tpu.memory_space<vmem>>, vector<16xf32>,
        tpu.vector_store %arg10[%swap3A_1022, %swap3A_1023], %mul3A_1021 {strides = array<i32>} : memref<128x128xf32, #tpu.memory_space<vmem>>, vector<16xf32>,
        %mul3A_1025 = arith.constant 16 : i32
        %mul3A_1026 = arith.muli %scan3A_100, %mul3A_1025 : i32
        %add3A_1027 = arith.constant 8 : i32
        %add3A_1028 = arith.addi %mul3A_1026, %add3A_1027 : i32
        %broadcast_in_dim3A_1029 = arith.constant 0 : i32
        %broadcast_in_dim3A_1030 = vector.broadcast %broadcast_in_dim3A_1029 : i32 to vector<16xi32>
        %broadcast_in_dim3A_1031 = arith.constant 0 : i32
        %broadcast_in_dim3A_1032 = vector.broadcast %broadcast_in_dim3A_1031 : i32 to vector<16xi32>
        %add3A_1033 = vector.broadcast %add3A_1028 : i32 to vector<16xi32>
        %add3A_1034 = arith.addi %broadcast_in_dim3A_1032, %add3A_1033 : vector<16xi32>
        %gather3A_1035 = tpu.vector_load_idx %arg11[%broadcast_in_dim3A_1030, %add3A_1034] : memref<8x128xf32, #tpu.memory_space<vmem>>[vector<16xi32>, vector<16xi32>], vector<16xf32>,
        %get3A_1036 = arith.index_cast %add3A_1028 : i32 to index
        %get3A_1037 = arith.constant 0 : index
        %get3A_1038 = tpu.vector_load %arg10[%get3A_1036, %get3A_1037] {strides = array<i32>} : memref<128x128xf32, #tpu.memory_space<vmem>>, vector<16xf32>,
        %mul3A_1039 = arith.mulf %get3A_1038, %gather3A_1035 : vector<16xf32>
        %swap3A_1040 = arith.index_cast %add3A_1028 : i32 to index
        %swap3A_1041 = arith.constant 0 : index
        %swap3A_1042 = tpu.vector_load %arg10[%swap3A_1040, %swap3A_1041] {strides = array<i32>} : memref<128x128xf32, #tpu.memory_space<vmem>>, vector<16xf32>,
        tpu.vector_store %arg10[%swap3A_1040, %swap3A_1041], %mul3A_1039 {strides = array<i32>} : memref<128x128xf32, #tpu.memory_space<vmem>>, vector<16xf32>,
        %broadcast_in_dim3A_1043 = arith.constant 1 : i32
        %broadcast_in_dim3A_1044 = vector.broadcast %broadcast_in_dim3A_1043 : i32 to vector<16xi32>
        %broadcast_in_dim3A_1045 = arith.constant 0 : i32
        %broadcast_in_dim3A_1046 = vector.broadcast %broadcast_in_dim3A_1045 : i32 to vector<16xi32>
        %add3A_1047 = vector.broadcast %add3A_1028 : i32 to vector<16xi32>
        %add3A_1048 = arith.addi %broadcast_in_dim3A_1046, %add3A_1047 : vector<16xi32>
        %gather3A_1049 = tpu.vector_load_idx %arg11[%broadcast_in_dim3A_1044, %add3A_1048] : memref<8x128xf32, #tpu.memory_space<vmem>>[vector<16xi32>, vector<16xi32>], vector<16xf32>,
        %get3A_1050 = arith.index_cast %add3A_1028 : i32 to index
        %get3A_1051 = arith.constant 16 : index
        %get3A_1052 = tpu.vector_load %arg10[%get3A_1050, %get3A_1051] {strides = array<i32>} : memref<128x128xf32, #tpu.memory_space<vmem>>, vector<16xf32>,
        %mul3A_1053 = arith.mulf %get3A_1052, %gather3A_1049 : vector<16xf32>
        %swap3A_1054 = arith.index_cast %add3A_1028 : i32 to index
        %swap3A_1055 = arith.constant 16 : index
        %swap3A_1056 = tpu.vector_load %arg10[%swap3A_1054, %swap3A_1055] {strides = array<i32>} : memref<128x128xf32, #tpu.memory_space<vmem>>, vector<16xf32>,
        tpu.vector_store %arg10[%swap3A_1054, %swap3A_1055], %mul3A_1053 {strides = array<i32>} : memref<128x128xf32, #tpu.memory_space<vmem>>, vector<16xf32>,
        %broadcast_in_dim3A_1057 = arith.constant 2 : i32
        %broadcast_in_dim3A_1058 = vector.broadcast %broadcast_in_dim3A_1057 : i32 to vector<16xi32>
        %broadcast_in_dim3A_1059 = arith.constant 0 : i32
        %broadcast_in_dim3A_1060 = vector.broadcast %broadcast_in_dim3A_1059 : i32 to vector<16xi32>
        %add3A_1061 = vector.broadcast %add3A_1028 : i32 to vector<16xi32>
        %add3A_1062 = arith.addi %broadcast_in_dim3A_1060, %add3A_1061 : vector<16xi32>
        %gather3A_1063 = tpu.vector_load_idx %arg11[%broadcast_in_dim3A_1058, %add3A_1062] : memref<8x128xf32, #tpu.memory_space<vmem>>[vector<16xi32>, vector<16xi32>], vector<16xf32>,
        %get3A_1064 = arith.index_cast %add3A_1028 : i32 to index
        %get3A_1065 = arith.constant 32 : index
        %get3A_1066 = tpu.vector_load %arg10[%get3A_1064, %get3A_1065] {strides = array<i32>} : memref<128x128xf32, #tpu.memory_space<vmem>>, vector<16xf32>,
        %mul3A_1067 = arith.mulf %get3A_1066, %gather3A_1063 : vector<16xf32>
        %swap3A_1068 = arith.index_cast %add3A_1028 : i32 to index
        %swap3A_1069 = arith.constant 32 : index
        %swap3A_1070 = tpu.vector_load %arg10[%swap3A_1068, %swap3A_1069] {strides = array<i32>} : memref<128x128xf32, #tpu.memory_space<vmem>>, vector<16xf32>,
        tpu.vector_store %arg10[%swap3A_1068, %swap3A_1069], %mul3A_1067 {strides = array<i32>} : memref<128x128xf32, #tpu.memory_space<vmem>>, vector<16xf32>,
        %broadcast_in_dim3A_1071 = arith.constant 3 : i32
        %broadcast_in_dim3A_1072 = vector.broadcast %broadcast_in_dim3A_1071 : i32 to vector<16xi32>
        %broadcast_in_dim3A_1073 = arith.constant 0 : i32
        %broadcast_in_dim3A_1074 = vector.broadcast %broadcast_in_dim3A_1073 : i32 to vector<16xi32>
        %add3A_1075 = vector.broadcast %add3A_1028 : i32 to vector<16xi32>
        %add3A_1076 = arith.addi %broadcast_in_dim3A_1074, %add3A_1075 : vector<16xi32>
        %gather3A_1077 = tpu.vector_load_idx %arg11[%broadcast_in_dim3A_1072, %add3A_1076] : memref<8x128xf32, #tpu.memory_space<vmem>>[vector<16xi32>, vector<16xi32>], vector<16xf32>,
        %get3A_1078 = arith.index_cast %add3A_1028 : i32 to index
        %get3A_1079 = arith.constant 48 : index
        %get3A_1080 = tpu.vector_load %arg10[%get3A_1078, %get3A_1079] {strides = array<i32>} : memref<128x128xf32, #tpu.memory_space<vmem>>, vector<16xf32>,
        %mul3A_1081 = arith.mulf %get3A_1080, %gather3A_1077 : vector<16xf32>
        %swap3A_1082 = arith.index_cast %add3A_1028 : i32 to index
        %swap3A_1083 = arith.constant 48 : index
        %swap3A_1084 = tpu.vector_load %arg10[%swap3A_1082, %swap3A_1083] {strides = array<i32>} : memref<128x128xf32, #tpu.memory_space<vmem>>, vector<16xf32>,
        tpu.vector_store %arg10[%swap3A_1082, %swap3A_1083], %mul3A_1081 {strides = array<i32>} : memref<128x128xf32, #tpu.memory_space<vmem>>, vector<16xf32>,
        %broadcast_in_dim3A_1085 = arith.constant 4 : i32
        %broadcast_in_dim3A_1086 = vector.broadcast %broadcast_in_dim3A_1085 : i32 to vector<16xi32>
        %broadcast_in_dim3A_1087 = arith.constant 0 : i32
        %broadcast_in_dim3A_1088 = vector.broadcast %broadcast_in_dim3A_1087 : i32 to vector<16xi32>
        %add3A_1089 = vector.broadcast %add3A_1028 : i32 to vector<16xi32>
        %add3A_1090 = arith.addi %broadcast_in_dim3A_1088, %add3A_1089 : vector<16xi32>
        %gather3A_1091 = tpu.vector_load_idx %arg11[%broadcast_in_dim3A_1086, %add3A_1090] : memref<8x128xf32, #tpu.memory_space<vmem>>[vector<16xi32>, vector<16xi32>], vector<16xf32>,
        %get3A_1092 = arith.index_cast %add3A_1028 : i32 to index
        %get3A_1093 = arith.constant 64 : index
        %get3A_1094 = tpu.vector_load %arg10[%get3A_1092, %get3A_1093] {strides = array<i32>} : memref<128x128xf32, #tpu.memory_space<vmem>>, vector<16xf32>,
        %mul3A_1095 = arith.mulf %get3A_1094, %gather3A_1091 : vector<16xf32>
        %swap3A_1096 = arith.index_cast %add3A_1028 : i32 to index
        %swap3A_1097 = arith.constant 64 : index
        %swap3A_1098 = tpu.vector_load %arg10[%swap3A_1096, %swap3A_1097] {strides = array<i32>} : memref<128x128xf32, #tpu.memory_space<vmem>>, vector<16xf32>,
        tpu.vector_store %arg10[%swap3A_1096, %swap3A_1097], %mul3A_1095 {strides = array<i32>} : memref<128x128xf32, #tpu.memory_space<vmem>>, vector<16xf32>,
        %broadcast_in_dim3A_1099 = arith.constant 5 : i32
        %broadcast_in_dim3A_1100 = vector.broadcast %broadcast_in_dim3A_1099 : i32 to vector<16xi32>
        %broadcast_in_dim3A_1101 = arith.constant 0 : i32
        %broadcast_in_dim3A_1102 = vector.broadcast %broadcast_in_dim3A_1101 : i32 to vector<16xi32>
        %add3A_1103 = vector.broadcast %add3A_1028 : i32 to vector<16xi32>
        %add3A_1104 = arith.addi %broadcast_in_dim3A_1102, %add3A_1103 : vector<16xi32>
        %gather3A_1105 = tpu.vector_load_idx %arg11[%broadcast_in_dim3A_1100, %add3A_1104] : memref<8x128xf32, #tpu.memory_space<vmem>>[vector<16xi32>, vector<16xi32>], vector<16xf32>,
        %get3A_1106 = arith.index_cast %add3A_1028 : i32 to index
        %get3A_1107 = arith.constant 80 : index
        %get3A_1108 = tpu.vector_load %arg10[%get3A_1106, %get3A_1107] {strides = array<i32>} : memref<128x128xf32, #tpu.memory_space<vmem>>, vector<16xf32>,
        %mul3A_1109 = arith.mulf %get3A_1108, %gather3A_1105 : vector<16xf32>
        %swap3A_1110 = arith.index_cast %add3A_1028 : i32 to index
        %swap3A_1111 = arith.constant 80 : index
        %swap3A_1112 = tpu.vector_load %arg10[%swap3A_1110, %swap3A_1111] {strides = array<i32>} : memref<128x128xf32, #tpu.memory_space<vmem>>, vector<16xf32>,
        tpu.vector_store %arg10[%swap3A_1110, %swap3A_1111], %mul3A_1109 {strides = array<i32>} : memref<128x128xf32, #tpu.memory_space<vmem>>, vector<16xf32>,
        %broadcast_in_dim3A_1113 = arith.constant 6 : i32
        %broadcast_in_dim3A_1114 = vector.broadcast %broadcast_in_dim3A_1113 : i32 to vector<16xi32>
        %broadcast_in_dim3A_1115 = arith.constant 0 : i32
        %broadcast_in_dim3A_1116 = vector.broadcast %broadcast_in_dim3A_1115 : i32 to vector<16xi32>
        %add3A_1117 = vector.broadcast %add3A_1028 : i32 to vector<16xi32>
        %add3A_1118 = arith.addi %broadcast_in_dim3A_1116, %add3A_1117 : vector<16xi32>
        %gather3A_1119 = tpu.vector_load_idx %arg11[%broadcast_in_dim3A_1114, %add3A_1118] : memref<8x128xf32, #tpu.memory_space<vmem>>[vector<16xi32>, vector<16xi32>], vector<16xf32>,
        %get3A_1120 = arith.index_cast %add3A_1028 : i32 to index
        %get3A_1121 = arith.constant 96 : index
        %get3A_1122 = tpu.vector_load %arg10[%get3A_1120, %get3A_1121] {strides = array<i32>} : memref<128x128xf32, #tpu.memory_space<vmem>>, vector<16xf32>,
        %mul3A_1123 = arith.mulf %get3A_1122, %gather3A_1119 : vector<16xf32>
        %swap3A_1124 = arith.index_cast %add3A_1028 : i32 to index
        %swap3A_1125 = arith.constant 96 : index
        %swap3A_1126 = tpu.vector_load %arg10[%swap3A_1124, %swap3A_1125] {strides = array<i32>} : memref<128x128xf32, #tpu.memory_space<vmem>>, vector<16xf32>,
        tpu.vector_store %arg10[%swap3A_1124, %swap3A_1125], %mul3A_1123 {strides = array<i32>} : memref<128x128xf32, #tpu.memory_space<vmem>>, vector<16xf32>,
        %broadcast_in_dim3A_1127 = arith.constant 7 : i32
        %broadcast_in_dim3A_1128 = vector.broadcast %broadcast_in_dim3A_1127 : i32 to vector<16xi32>
        %broadcast_in_dim3A_1129 = arith.constant 0 : i32
        %broadcast_in_dim3A_1130 = vector.broadcast %broadcast_in_dim3A_1129 : i32 to vector<16xi32>
        %add3A_1131 = vector.broadcast %add3A_1028 : i32 to vector<16xi32>
        %add3A_1132 = arith.addi %broadcast_in_dim3A_1130, %add3A_1131 : vector<16xi32>
        %gather3A_1133 = tpu.vector_load_idx %arg11[%broadcast_in_dim3A_1128, %add3A_1132] : memref<8x128xf32, #tpu.memory_space<vmem>>[vector<16xi32>, vector<16xi32>], vector<16xf32>,
        %get3A_1134 = arith.index_cast %add3A_1028 : i32 to index
        %get3A_1135 = arith.constant 112 : index
        %get3A_1136 = tpu.vector_load %arg10[%get3A_1134, %get3A_1135] {strides = array<i32>} : memref<128x128xf32, #tpu.memory_space<vmem>>, vector<16xf32>,
        %mul3A_1137 = arith.mulf %get3A_1136, %gather3A_1133 : vector<16xf32>
        %swap3A_1138 = arith.index_cast %add3A_1028 : i32 to index
        %swap3A_1139 = arith.constant 112 : index
        %swap3A_1140 = tpu.vector_load %arg10[%swap3A_1138, %swap3A_1139] {strides = array<i32>} : memref<128x128xf32, #tpu.memory_space<vmem>>, vector<16xf32>,
        tpu.vector_store %arg10[%swap3A_1138, %swap3A_1139], %mul3A_1137 {strides = array<i32>} : memref<128x128xf32, #tpu.memory_space<vmem>>, vector<16xf32>,
        %mul3A_1141 = arith.constant 16 : i32
        %mul3A_1142 = arith.muli %scan3A_100, %mul3A_1141 : i32
        %add3A_1143 = arith.constant 9 : i32
        %add3A_1144 = arith.addi %mul3A_1142, %add3A_1143 : i32
        %broadcast_in_dim3A_1145 = arith.constant 0 : i32
        %broadcast_in_dim3A_1146 = vector.broadcast %broadcast_in_dim3A_1145 : i32 to vector<16xi32>
        %broadcast_in_dim3A_1147 = arith.constant 0 : i32
        %broadcast_in_dim3A_1148 = vector.broadcast %broadcast_in_dim3A_1147 : i32 to vector<16xi32>
        %add3A_1149 = vector.broadcast %add3A_1144 : i32 to vector<16xi32>
        %add3A_1150 = arith.addi %broadcast_in_dim3A_1148, %add3A_1149 : vector<16xi32>
        %gather3A_1151 = tpu.vector_load_idx %arg11[%broadcast_in_dim3A_1146, %add3A_1150] : memref<8x128xf32, #tpu.memory_space<vmem>>[vector<16xi32>, vector<16xi32>], vector<16xf32>,
        %get3A_1152 = arith.index_cast %add3A_1144 : i32 to index
        %get3A_1153 = arith.constant 0 : index
        %get3A_1154 = tpu.vector_load %arg10[%get3A_1152, %get3A_1153] {strides = array<i32>} : memref<128x128xf32, #tpu.memory_space<vmem>>, vector<16xf32>,
        %mul3A_1155 = arith.mulf %get3A_1154, %gather3A_1151 : vector<16xf32>
        %swap3A_1156 = arith.index_cast %add3A_1144 : i32 to index
        %swap3A_1157 = arith.constant 0 : index
        %swap3A_1158 = tpu.vector_load %arg10[%swap3A_1156, %swap3A_1157] {strides = array<i32>} : memref<128x128xf32, #tpu.memory_space<vmem>>, vector<16xf32>,
        tpu.vector_store %arg10[%swap3A_1156, %swap3A_1157], %mul3A_1155 {strides = array<i32>} : memref<128x128xf32, #tpu.memory_space<vmem>>, vector<16xf32>,
        %broadcast_in_dim3A_1159 = arith.constant 1 : i32
        %broadcast_in_dim3A_1160 = vector.broadcast %broadcast_in_dim3A_1159 : i32 to vector<16xi32>
        %broadcast_in_dim3A_1161 = arith.constant 0 : i32
        %broadcast_in_dim3A_1162 = vector.broadcast %broadcast_in_dim3A_1161 : i32 to vector<16xi32>
        %add3A_1163 = vector.broadcast %add3A_1144 : i32 to vector<16xi32>
        %add3A_1164 = arith.addi %broadcast_in_dim3A_1162, %add3A_1163 : vector<16xi32>
        %gather3A_1165 = tpu.vector_load_idx %arg11[%broadcast_in_dim3A_1160, %add3A_1164] : memref<8x128xf32, #tpu.memory_space<vmem>>[vector<16xi32>, vector<16xi32>], vector<16xf32>,
        %get3A_1166 = arith.index_cast %add3A_1144 : i32 to index
        %get3A_1167 = arith.constant 16 : index
        %get3A_1168 = tpu.vector_load %arg10[%get3A_1166, %get3A_1167] {strides = array<i32>} : memref<128x128xf32, #tpu.memory_space<vmem>>, vector<16xf32>,
        %mul3A_1169 = arith.mulf %get3A_1168, %gather3A_1165 : vector<16xf32>
        %swap3A_1170 = arith.index_cast %add3A_1144 : i32 to index
        %swap3A_1171 = arith.constant 16 : index
        %swap3A_1172 = tpu.vector_load %arg10[%swap3A_1170, %swap3A_1171] {strides = array<i32>} : memref<128x128xf32, #tpu.memory_space<vmem>>, vector<16xf32>,
        tpu.vector_store %arg10[%swap3A_1170, %swap3A_1171], %mul3A_1169 {strides = array<i32>} : memref<128x128xf32, #tpu.memory_space<vmem>>, vector<16xf32>,
        %broadcast_in_dim3A_1173 = arith.constant 2 : i32
        %broadcast_in_dim3A_1174 = vector.broadcast %broadcast_in_dim3A_1173 : i32 to vector<16xi32>
        %broadcast_in_dim3A_1175 = arith.constant 0 : i32
        %broadcast_in_dim3A_1176 = vector.broadcast %broadcast_in_dim3A_1175 : i32 to vector<16xi32>
        %add3A_1177 = vector.broadcast %add3A_1144 : i32 to vector<16xi32>
        %add3A_1178 = arith.addi %broadcast_in_dim3A_1176, %add3A_1177 : vector<16xi32>
        %gather3A_1179 = tpu.vector_load_idx %arg11[%broadcast_in_dim3A_1174, %add3A_1178] : memref<8x128xf32, #tpu.memory_space<vmem>>[vector<16xi32>, vector<16xi32>], vector<16xf32>,
        %get3A_1180 = arith.index_cast %add3A_1144 : i32 to index
        %get3A_1181 = arith.constant 32 : index
        %get3A_1182 = tpu.vector_load %arg10[%get3A_1180, %get3A_1181] {strides = array<i32>} : memref<128x128xf32, #tpu.memory_space<vmem>>, vector<16xf32>,
        %mul3A_1183 = arith.mulf %get3A_1182, %gather3A_1179 : vector<16xf32>
        %swap3A_1184 = arith.index_cast %add3A_1144 : i32 to index
        %swap3A_1185 = arith.constant 32 : index
        %swap3A_1186 = tpu.vector_load %arg10[%swap3A_1184, %swap3A_1185] {strides = array<i32>} : memref<128x128xf32, #tpu.memory_space<vmem>>, vector<16xf32>,
        tpu.vector_store %arg10[%swap3A_1184, %swap3A_1185], %mul3A_1183 {strides = array<i32>} : memref<128x128xf32, #tpu.memory_space<vmem>>, vector<16xf32>,
        %broadcast_in_dim3A_1187 = arith.constant 3 : i32
        %broadcast_in_dim3A_1188 = vector.broadcast %broadcast_in_dim3A_1187 : i32 to vector<16xi32>
        %broadcast_in_dim3A_1189 = arith.constant 0 : i32
        %broadcast_in_dim3A_1190 = vector.broadcast %broadcast_in_dim3A_1189 : i32 to vector<16xi32>
        %add3A_1191 = vector.broadcast %add3A_1144 : i32 to vector<16xi32>
        %add3A_1192 = arith.addi %broadcast_in_dim3A_1190, %add3A_1191 : vector<16xi32>
        %gather3A_1193 = tpu.vector_load_idx %arg11[%broadcast_in_dim3A_1188, %add3A_1192] : memref<8x128xf32, #tpu.memory_space<vmem>>[vector<16xi32>, vector<16xi32>], vector<16xf32>,
        %get3A_1194 = arith.index_cast %add3A_1144 : i32 to index
        %get3A_1195 = arith.constant 48 : index
        %get3A_1196 = tpu.vector_load %arg10[%get3A_1194, %get3A_1195] {strides = array<i32>} : memref<128x128xf32, #tpu.memory_space<vmem>>, vector<16xf32>,
        %mul3A_1197 = arith.mulf %get3A_1196, %gather3A_1193 : vector<16xf32>
        %swap3A_1198 = arith.index_cast %add3A_1144 : i32 to index
        %swap3A_1199 = arith.constant 48 : index
        %swap3A_1200 = tpu.vector_load %arg10[%swap3A_1198, %swap3A_1199] {strides = array<i32>} : memref<128x128xf32, #tpu.memory_space<vmem>>, vector<16xf32>,
        tpu.vector_store %arg10[%swap3A_1198, %swap3A_1199], %mul3A_1197 {strides = array<i32>} : memref<128x128xf32, #tpu.memory_space<vmem>>, vector<16xf32>,
        %broadcast_in_dim3A_1201 = arith.constant 4 : i32
        %broadcast_in_dim3A_1202 = vector.broadcast %broadcast_in_dim3A_1201 : i32 to vector<16xi32>
        %broadcast_in_dim3A_1203 = arith.constant 0 : i32
        %broadcast_in_dim3A_1204 = vector.broadcast %broadcast_in_dim3A_1203 : i32 to vector<16xi32>
        %add3A_1205 = vector.broadcast %add3A_1144 : i32 to vector<16xi32>
        %add3A_1206 = arith.addi %broadcast_in_dim3A_1204, %add3A_1205 : vector<16xi32>
        %gather3A_1207 = tpu.vector_load_idx %arg11[%broadcast_in_dim3A_1202, %add3A_1206] : memref<8x128xf32, #tpu.memory_space<vmem>>[vector<16xi32>, vector<16xi32>], vector<16xf32>,
        %get3A_1208 = arith.index_cast %add3A_1144 : i32 to index
        %get3A_1209 = arith.constant 64 : index
        %get3A_1210 = tpu.vector_load %arg10[%get3A_1208, %get3A_1209] {strides = array<i32>} : memref<128x128xf32, #tpu.memory_space<vmem>>, vector<16xf32>,
        %mul3A_1211 = arith.mulf %get3A_1210, %gather3A_1207 : vector<16xf32>
        %swap3A_1212 = arith.index_cast %add3A_1144 : i32 to index
        %swap3A_1213 = arith.constant 64 : index
        %swap3A_1214 = tpu.vector_load %arg10[%swap3A_1212, %swap3A_1213] {strides = array<i32>} : memref<128x128xf32, #tpu.memory_space<vmem>>, vector<16xf32>,
        tpu.vector_store %arg10[%swap3A_1212, %swap3A_1213], %mul3A_1211 {strides = array<i32>} : memref<128x128xf32, #tpu.memory_space<vmem>>, vector<16xf32>,
        %broadcast_in_dim3A_1215 = arith.constant 5 : i32
        %broadcast_in_dim3A_1216 = vector.broadcast %broadcast_in_dim3A_1215 : i32 to vector<16xi32>
        %broadcast_in_dim3A_1217 = arith.constant 0 : i32
        %broadcast_in_dim3A_1218 = vector.broadcast %broadcast_in_dim3A_1217 : i32 to vector<16xi32>
        %add3A_1219 = vector.broadcast %add3A_1144 : i32 to vector<16xi32>
        %add3A_1220 = arith.addi %broadcast_in_dim3A_1218, %add3A_1219 : vector<16xi32>
        %gather3A_1221 = tpu.vector_load_idx %arg11[%broadcast_in_dim3A_1216, %add3A_1220] : memref<8x128xf32, #tpu.memory_space<vmem>>[vector<16xi32>, vector<16xi32>], vector<16xf32>,
        %get3A_1222 = arith.index_cast %add3A_1144 : i32 to index
        %get3A_1223 = arith.constant 80 : index
        %get3A_1224 = tpu.vector_load %arg10[%get3A_1222, %get3A_1223] {strides = array<i32>} : memref<128x128xf32, #tpu.memory_space<vmem>>, vector<16xf32>,
        %mul3A_1225 = arith.mulf %get3A_1224, %gather3A_1221 : vector<16xf32>
        %swap3A_1226 = arith.index_cast %add3A_1144 : i32 to index
        %swap3A_1227 = arith.constant 80 : index
        %swap3A_1228 = tpu.vector_load %arg10[%swap3A_1226, %swap3A_1227] {strides = array<i32>} : memref<128x128xf32, #tpu.memory_space<vmem>>, vector<16xf32>,
        tpu.vector_store %arg10[%swap3A_1226, %swap3A_1227], %mul3A_1225 {strides = array<i32>} : memref<128x128xf32, #tpu.memory_space<vmem>>, vector<16xf32>,
        %broadcast_in_dim3A_1229 = arith.constant 6 : i32
        %broadcast_in_dim3A_1230 = vector.broadcast %broadcast_in_dim3A_1229 : i32 to vector<16xi32>
        %broadcast_in_dim3A_1231 = arith.constant 0 : i32
        %broadcast_in_dim3A_1232 = vector.broadcast %broadcast_in_dim3A_1231 : i32 to vector<16xi32>
        %add3A_1233 = vector.broadcast %add3A_1144 : i32 to vector<16xi32>
        %add3A_1234 = arith.addi %broadcast_in_dim3A_1232, %add3A_1233 : vector<16xi32>
        %gather3A_1235 = tpu.vector_load_idx %arg11[%broadcast_in_dim3A_1230, %add3A_1234] : memref<8x128xf32, #tpu.memory_space<vmem>>[vector<16xi32>, vector<16xi32>], vector<16xf32>,
        %get3A_1236 = arith.index_cast %add3A_1144 : i32 to index
        %get3A_1237 = arith.constant 96 : index
        %get3A_1238 = tpu.vector_load %arg10[%get3A_1236, %get3A_1237] {strides = array<i32>} : memref<128x128xf32, #tpu.memory_space<vmem>>, vector<16xf32>,
        %mul3A_1239 = arith.mulf %get3A_1238, %gather3A_1235 : vector<16xf32>
        %swap3A_1240 = arith.index_cast %add3A_1144 : i32 to index
        %swap3A_1241 = arith.constant 96 : index
        %swap3A_1242 = tpu.vector_load %arg10[%swap3A_1240, %swap3A_1241] {strides = array<i32>} : memref<128x128xf32, #tpu.memory_space<vmem>>, vector<16xf32>,
        tpu.vector_store %arg10[%swap3A_1240, %swap3A_1241], %mul3A_1239 {strides = array<i32>} : memref<128x128xf32, #tpu.memory_space<vmem>>, vector<16xf32>,
        %broadcast_in_dim3A_1243 = arith.constant 7 : i32
        %broadcast_in_dim3A_1244 = vector.broadcast %broadcast_in_dim3A_1243 : i32 to vector<16xi32>
        %broadcast_in_dim3A_1245 = arith.constant 0 : i32
        %broadcast_in_dim3A_1246 = vector.broadcast %broadcast_in_dim3A_1245 : i32 to vector<16xi32>
        %add3A_1247 = vector.broadcast %add3A_1144 : i32 to vector<16xi32>
        %add3A_1248 = arith.addi %broadcast_in_dim3A_1246, %add3A_1247 : vector<16xi32>
        %gather3A_1249 = tpu.vector_load_idx %arg11[%broadcast_in_dim3A_1244, %add3A_1248] : memref<8x128xf32, #tpu.memory_space<vmem>>[vector<16xi32>, vector<16xi32>], vector<16xf32>,
        %get3A_1250 = arith.index_cast %add3A_1144 : i32 to index
        %get3A_1251 = arith.constant 112 : index
        %get3A_1252 = tpu.vector_load %arg10[%get3A_1250, %get3A_1251] {strides = array<i32>} : memref<128x128xf32, #tpu.memory_space<vmem>>, vector<16xf32>,
        %mul3A_1253 = arith.mulf %get3A_1252, %gather3A_1249 : vector<16xf32>
        %swap3A_1254 = arith.index_cast %add3A_1144 : i32 to index
        %swap3A_1255 = arith.constant 112 : index
        %swap3A_1256 = tpu.vector_load %arg10[%swap3A_1254, %swap3A_1255] {strides = array<i32>} : memref<128x128xf32, #tpu.memory_space<vmem>>, vector<16xf32>,
        tpu.vector_store %arg10[%swap3A_1254, %swap3A_1255], %mul3A_1253 {strides = array<i32>} : memref<128x128xf32, #tpu.memory_space<vmem>>, vector<16xf32>,
        %mul3A_1257 = arith.constant 16 : i32
        %mul3A_1258 = arith.muli %scan3A_100, %mul3A_1257 : i32
        %add3A_1259 = arith.constant 10 : i32
        %add3A_1260 = arith.addi %mul3A_1258, %add3A_1259 : i32
        %broadcast_in_dim3A_1261 = arith.constant 0 : i32
        %broadcast_in_dim3A_1262 = vector.broadcast %broadcast_in_dim3A_1261 : i32 to vector<16xi32>
        %broadcast_in_dim3A_1263 = arith.constant 0 : i32
        %broadcast_in_dim3A_1264 = vector.broadcast %broadcast_in_dim3A_1263 : i32 to vector<16xi32>
        %add3A_1265 = vector.broadcast %add3A_1260 : i32 to vector<16xi32>
        %add3A_1266 = arith.addi %broadcast_in_dim3A_1264, %add3A_1265 : vector<16xi32>
        %gather3A_1267 = tpu.vector_load_idx %arg11[%broadcast_in_dim3A_1262, %add3A_1266] : memref<8x128xf32, #tpu.memory_space<vmem>>[vector<16xi32>, vector<16xi32>], vector<16xf32>,
        %get3A_1268 = arith.index_cast %add3A_1260 : i32 to index
        %get3A_1269 = arith.constant 0 : index
        %get3A_1270 = tpu.vector_load %arg10[%get3A_1268, %get3A_1269] {strides = array<i32>} : memref<128x128xf32, #tpu.memory_space<vmem>>, vector<16xf32>,
        %mul3A_1271 = arith.mulf %get3A_1270, %gather3A_1267 : vector<16xf32>
        %swap3A_1272 = arith.index_cast %add3A_1260 : i32 to index
        %swap3A_1273 = arith.constant 0 : index
        %swap3A_1274 = tpu.vector_load %arg10[%swap3A_1272, %swap3A_1273] {strides = array<i32>} : memref<128x128xf32, #tpu.memory_space<vmem>>, vector<16xf32>,
        tpu.vector_store %arg10[%swap3A_1272, %swap3A_1273], %mul3A_1271 {strides = array<i32>} : memref<128x128xf32, #tpu.memory_space<vmem>>, vector<16xf32>,
        %broadcast_in_dim3A_1275 = arith.constant 1 : i32
        %broadcast_in_dim3A_1276 = vector.broadcast %broadcast_in_dim3A_1275 : i32 to vector<16xi32>
        %broadcast_in_dim3A_1277 = arith.constant 0 : i32
        %broadcast_in_dim3A_1278 = vector.broadcast %broadcast_in_dim3A_1277 : i32 to vector<16xi32>
        %add3A_1279 = vector.broadcast %add3A_1260 : i32 to vector<16xi32>
        %add3A_1280 = arith.addi %broadcast_in_dim3A_1278, %add3A_1279 : vector<16xi32>
        %gather3A_1281 = tpu.vector_load_idx %arg11[%broadcast_in_dim3A_1276, %add3A_1280] : memref<8x128xf32, #tpu.memory_space<vmem>>[vector<16xi32>, vector<16xi32>], vector<16xf32>,
        %get3A_1282 = arith.index_cast %add3A_1260 : i32 to index
        %get3A_1283 = arith.constant 16 : index
        %get3A_1284 = tpu.vector_load %arg10[%get3A_1282, %get3A_1283] {strides = array<i32>} : memref<128x128xf32, #tpu.memory_space<vmem>>, vector<16xf32>,
        %mul3A_1285 = arith.mulf %get3A_1284, %gather3A_1281 : vector<16xf32>
        %swap3A_1286 = arith.index_cast %add3A_1260 : i32 to index
        %swap3A_1287 = arith.constant 16 : index
        %swap3A_1288 = tpu.vector_load %arg10[%swap3A_1286, %swap3A_1287] {strides = array<i32>} : memref<128x128xf32, #tpu.memory_space<vmem>>, vector<16xf32>,
        tpu.vector_store %arg10[%swap3A_1286, %swap3A_1287], %mul3A_1285 {strides = array<i32>} : memref<128x128xf32, #tpu.memory_space<vmem>>, vector<16xf32>,
        %broadcast_in_dim3A_1289 = arith.constant 2 : i32
        %broadcast_in_dim3A_1290 = vector.broadcast %broadcast_in_dim3A_1289 : i32 to vector<16xi32>
        %broadcast_in_dim3A_1291 = arith.constant 0 : i32
        %broadcast_in_dim3A_1292 = vector.broadcast %broadcast_in_dim3A_1291 : i32 to vector<16xi32>
        %add3A_1293 = vector.broadcast %add3A_1260 : i32 to vector<16xi32>
        %add3A_1294 = arith.addi %broadcast_in_dim3A_1292, %add3A_1293 : vector<16xi32>
        %gather3A_1295 = tpu.vector_load_idx %arg11[%broadcast_in_dim3A_1290, %add3A_1294] : memref<8x128xf32, #tpu.memory_space<vmem>>[vector<16xi32>, vector<16xi32>], vector<16xf32>,
        %get3A_1296 = arith.index_cast %add3A_1260 : i32 to index
        %get3A_1297 = arith.constant 32 : index
        %get3A_1298 = tpu.vector_load %arg10[%get3A_1296, %get3A_1297] {strides = array<i32>} : memref<128x128xf32, #tpu.memory_space<vmem>>, vector<16xf32>,
        %mul3A_1299 = arith.mulf %get3A_1298, %gather3A_1295 : vector<16xf32>
        %swap3A_1300 = arith.index_cast %add3A_1260 : i32 to index
        %swap3A_1301 = arith.constant 32 : index
        %swap3A_1302 = tpu.vector_load %arg10[%swap3A_1300, %swap3A_1301] {strides = array<i32>} : memref<128x128xf32, #tpu.memory_space<vmem>>, vector<16xf32>,
        tpu.vector_store %arg10[%swap3A_1300, %swap3A_1301], %mul3A_1299 {strides = array<i32>} : memref<128x128xf32, #tpu.memory_space<vmem>>, vector<16xf32>,
        %broadcast_in_dim3A_1303 = arith.constant 3 : i32
        %broadcast_in_dim3A_1304 = vector.broadcast %broadcast_in_dim3A_1303 : i32 to vector<16xi32>
        %broadcast_in_dim3A_1305 = arith.constant 0 : i32
        %broadcast_in_dim3A_1306 = vector.broadcast %broadcast_in_dim3A_1305 : i32 to vector<16xi32>
        %add3A_1307 = vector.broadcast %add3A_1260 : i32 to vector<16xi32>
        %add3A_1308 = arith.addi %broadcast_in_dim3A_1306, %add3A_1307 : vector<16xi32>
        %gather3A_1309 = tpu.vector_load_idx %arg11[%broadcast_in_dim3A_1304, %add3A_1308] : memref<8x128xf32, #tpu.memory_space<vmem>>[vector<16xi32>, vector<16xi32>], vector<16xf32>,
        %get3A_1310 = arith.index_cast %add3A_1260 : i32 to index
        %get3A_1311 = arith.constant 48 : index
        %get3A_1312 = tpu.vector_load %arg10[%get3A_1310, %get3A_1311] {strides = array<i32>} : memref<128x128xf32, #tpu.memory_space<vmem>>, vector<16xf32>,
        %mul3A_1313 = arith.mulf %get3A_1312, %gather3A_1309 : vector<16xf32>
        %swap3A_1314 = arith.index_cast %add3A_1260 : i32 to index
        %swap3A_1315 = arith.constant 48 : index
        %swap3A_1316 = tpu.vector_load %arg10[%swap3A_1314, %swap3A_1315] {strides = array<i32>} : memref<128x128xf32, #tpu.memory_space<vmem>>, vector<16xf32>,
        tpu.vector_store %arg10[%swap3A_1314, %swap3A_1315], %mul3A_1313 {strides = array<i32>} : memref<128x128xf32, #tpu.memory_space<vmem>>, vector<16xf32>,
        %broadcast_in_dim3A_1317 = arith.constant 4 : i32
        %broadcast_in_dim3A_1318 = vector.broadcast %broadcast_in_dim3A_1317 : i32 to vector<16xi32>
        %broadcast_in_dim3A_1319 = arith.constant 0 : i32
        %broadcast_in_dim3A_1320 = vector.broadcast %broadcast_in_dim3A_1319 : i32 to vector<16xi32>
        %add3A_1321 = vector.broadcast %add3A_1260 : i32 to vector<16xi32>
        %add3A_1322 = arith.addi %broadcast_in_dim3A_1320, %add3A_1321 : vector<16xi32>
        %gather3A_1323 = tpu.vector_load_idx %arg11[%broadcast_in_dim3A_1318, %add3A_1322] : memref<8x128xf32, #tpu.memory_space<vmem>>[vector<16xi32>, vector<16xi32>], vector<16xf32>,
        %get3A_1324 = arith.index_cast %add3A_1260 : i32 to index
        %get3A_1325 = arith.constant 64 : index
        %get3A_1326 = tpu.vector_load %arg10[%get3A_1324, %get3A_1325] {strides = array<i32>} : memref<128x128xf32, #tpu.memory_space<vmem>>, vector<16xf32>,
        %mul3A_1327 = arith.mulf %get3A_1326, %gather3A_1323 : vector<16xf32>
        %swap3A_1328 = arith.index_cast %add3A_1260 : i32 to index
        %swap3A_1329 = arith.constant 64 : index
        %swap3A_1330 = tpu.vector_load %arg10[%swap3A_1328, %swap3A_1329] {strides = array<i32>} : memref<128x128xf32, #tpu.memory_space<vmem>>, vector<16xf32>,
        tpu.vector_store %arg10[%swap3A_1328, %swap3A_1329], %mul3A_1327 {strides = array<i32>} : memref<128x128xf32, #tpu.memory_space<vmem>>, vector<16xf32>,
        %broadcast_in_dim3A_1331 = arith.constant 5 : i32
        %broadcast_in_dim3A_1332 = vector.broadcast %broadcast_in_dim3A_1331 : i32 to vector<16xi32>
        %broadcast_in_dim3A_1333 = arith.constant 0 : i32
        %broadcast_in_dim3A_1334 = vector.broadcast %broadcast_in_dim3A_1333 : i32 to vector<16xi32>
        %add3A_1335 = vector.broadcast %add3A_1260 : i32 to vector<16xi32>
        %add3A_1336 = arith.addi %broadcast_in_dim3A_1334, %add3A_1335 : vector<16xi32>
        %gather3A_1337 = tpu.vector_load_idx %arg11[%broadcast_in_dim3A_1332, %add3A_1336] : memref<8x128xf32, #tpu.memory_space<vmem>>[vector<16xi32>, vector<16xi32>], vector<16xf32>,
        %get3A_1338 = arith.index_cast %add3A_1260 : i32 to index
        %get3A_1339 = arith.constant 80 : index
        %get3A_1340 = tpu.vector_load %arg10[%get3A_1338, %get3A_1339] {strides = array<i32>} : memref<128x128xf32, #tpu.memory_space<vmem>>, vector<16xf32>,
        %mul3A_1341 = arith.mulf %get3A_1340, %gather3A_1337 : vector<16xf32>
        %swap3A_1342 = arith.index_cast %add3A_1260 : i32 to index
        %swap3A_1343 = arith.constant 80 : index
        %swap3A_1344 = tpu.vector_load %arg10[%swap3A_1342, %swap3A_1343] {strides = array<i32>} : memref<128x128xf32, #tpu.memory_space<vmem>>, vector<16xf32>,
        tpu.vector_store %arg10[%swap3A_1342, %swap3A_1343], %mul3A_1341 {strides = array<i32>} : memref<128x128xf32, #tpu.memory_space<vmem>>, vector<16xf32>,
        %broadcast_in_dim3A_1345 = arith.constant 6 : i32
        %broadcast_in_dim3A_1346 = vector.broadcast %broadcast_in_dim3A_1345 : i32 to vector<16xi32>
        %broadcast_in_dim3A_1347 = arith.constant 0 : i32
        %broadcast_in_dim3A_1348 = vector.broadcast %broadcast_in_dim3A_1347 : i32 to vector<16xi32>
        %add3A_1349 = vector.broadcast %add3A_1260 : i32 to vector<16xi32>
        %add3A_1350 = arith.addi %broadcast_in_dim3A_1348, %add3A_1349 : vector<16xi32>
        %gather3A_1351 = tpu.vector_load_idx %arg11[%broadcast_in_dim3A_1346, %add3A_1350] : memref<8x128xf32, #tpu.memory_space<vmem>>[vector<16xi32>, vector<16xi32>], vector<16xf32>,
        %get3A_1352 = arith.index_cast %add3A_1260 : i32 to index
        %get3A_1353 = arith.constant 96 : index
        %get3A_1354 = tpu.vector_load %arg10[%get3A_1352, %get3A_1353] {strides = array<i32>} : memref<128x128xf32, #tpu.memory_space<vmem>>, vector<16xf32>,
        %mul3A_1355 = arith.mulf %get3A_1354, %gather3A_1351 : vector<16xf32>
        %swap3A_1356 = arith.index_cast %add3A_1260 : i32 to index
        %swap3A_1357 = arith.constant 96 : index
        %swap3A_1358 = tpu.vector_load %arg10[%swap3A_1356, %swap3A_1357] {strides = array<i32>} : memref<128x128xf32, #tpu.memory_space<vmem>>, vector<16xf32>,
        tpu.vector_store %arg10[%swap3A_1356, %swap3A_1357], %mul3A_1355 {strides = array<i32>} : memref<128x128xf32, #tpu.memory_space<vmem>>, vector<16xf32>,
        %broadcast_in_dim3A_1359 = arith.constant 7 : i32
        %broadcast_in_dim3A_1360 = vector.broadcast %broadcast_in_dim3A_1359 : i32 to vector<16xi32>
        %broadcast_in_dim3A_1361 = arith.constant 0 : i32
        %broadcast_in_dim3A_1362 = vector.broadcast %broadcast_in_dim3A_1361 : i32 to vector<16xi32>
        %add3A_1363 = vector.broadcast %add3A_1260 : i32 to vector<16xi32>
        %add3A_1364 = arith.addi %broadcast_in_dim3A_1362, %add3A_1363 : vector<16xi32>
        %gather3A_1365 = tpu.vector_load_idx %arg11[%broadcast_in_dim3A_1360, %add3A_1364] : memref<8x128xf32, #tpu.memory_space<vmem>>[vector<16xi32>, vector<16xi32>], vector<16xf32>,
        %get3A_1366 = arith.index_cast %add3A_1260 : i32 to index
        %get3A_1367 = arith.constant 112 : index
        %get3A_1368 = tpu.vector_load %arg10[%get3A_1366, %get3A_1367] {strides = array<i32>} : memref<128x128xf32, #tpu.memory_space<vmem>>, vector<16xf32>,
        %mul3A_1369 = arith.mulf %get3A_1368, %gather3A_1365 : vector<16xf32>
        %swap3A_1370 = arith.index_cast %add3A_1260 : i32 to index
        %swap3A_1371 = arith.constant 112 : index
        %swap3A_1372 = tpu.vector_load %arg10[%swap3A_1370, %swap3A_1371] {strides = array<i32>} : memref<128x128xf32, #tpu.memory_space<vmem>>, vector<16xf32>,
        tpu.vector_store %arg10[%swap3A_1370, %swap3A_1371], %mul3A_1369 {strides = array<i32>} : memref<128x128xf32, #tpu.memory_space<vmem>>, vector<16xf32>,
        %mul3A_1373 = arith.constant 16 : i32
        %mul3A_1374 = arith.muli %scan3A_100, %mul3A_1373 : i32
        %add3A_1375 = arith.constant 11 : i32
        %add3A_1376 = arith.addi %mul3A_1374, %add3A_1375 : i32
        %broadcast_in_dim3A_1377 = arith.constant 0 : i32
        %broadcast_in_dim3A_1378 = vector.broadcast %broadcast_in_dim3A_1377 : i32 to vector<16xi32>
        %broadcast_in_dim3A_1379 = arith.constant 0 : i32
        %broadcast_in_dim3A_1380 = vector.broadcast %broadcast_in_dim3A_1379 : i32 to vector<16xi32>
        %add3A_1381 = vector.broadcast %add3A_1376 : i32 to vector<16xi32>
        %add3A_1382 = arith.addi %broadcast_in_dim3A_1380, %add3A_1381 : vector<16xi32>
        %gather3A_1383 = tpu.vector_load_idx %arg11[%broadcast_in_dim3A_1378, %add3A_1382] : memref<8x128xf32, #tpu.memory_space<vmem>>[vector<16xi32>, vector<16xi32>], vector<16xf32>,
        %get3A_1384 = arith.index_cast %add3A_1376 : i32 to index
        %get3A_1385 = arith.constant 0 : index
        %get3A_1386 = tpu.vector_load %arg10[%get3A_1384, %get3A_1385] {strides = array<i32>} : memref<128x128xf32, #tpu.memory_space<vmem>>, vector<16xf32>,
        %mul3A_1387 = arith.mulf %get3A_1386, %gather3A_1383 : vector<16xf32>
        %swap3A_1388 = arith.index_cast %add3A_1376 : i32 to index
        %swap3A_1389 = arith.constant 0 : index
        %swap3A_1390 = tpu.vector_load %arg10[%swap3A_1388, %swap3A_1389] {strides = array<i32>} : memref<128x128xf32, #tpu.memory_space<vmem>>, vector<16xf32>,
        tpu.vector_store %arg10[%swap3A_1388, %swap3A_1389], %mul3A_1387 {strides = array<i32>} : memref<128x128xf32, #tpu.memory_space<vmem>>, vector<16xf32>,
        %broadcast_in_dim3A_1391 = arith.constant 1 : i32
        %broadcast_in_dim3A_1392 = vector.broadcast %broadcast_in_dim3A_1391 : i32 to vector<16xi32>
        %broadcast_in_dim3A_1393 = arith.constant 0 : i32
        %broadcast_in_dim3A_1394 = vector.broadcast %broadcast_in_dim3A_1393 : i32 to vector<16xi32>
        %add3A_1395 = vector.broadcast %add3A_1376 : i32 to vector<16xi32>
        %add3A_1396 = arith.addi %broadcast_in_dim3A_1394, %add3A_1395 : vector<16xi32>
        %gather3A_1397 = tpu.vector_load_idx %arg11[%broadcast_in_dim3A_1392, %add3A_1396] : memref<8x128xf32, #tpu.memory_space<vmem>>[vector<16xi32>, vector<16xi32>], vector<16xf32>,
        %get3A_1398 = arith.index_cast %add3A_1376 : i32 to index
        %get3A_1399 = arith.constant 16 : index
        %get3A_1400 = tpu.vector_load %arg10[%get3A_1398, %get3A_1399] {strides = array<i32>} : memref<128x128xf32, #tpu.memory_space<vmem>>, vector<16xf32>,
        %mul3A_1401 = arith.mulf %get3A_1400, %gather3A_1397 : vector<16xf32>
        %swap3A_1402 = arith.index_cast %add3A_1376 : i32 to index
        %swap3A_1403 = arith.constant 16 : index
        %swap3A_1404 = tpu.vector_load %arg10[%swap3A_1402, %swap3A_1403] {strides = array<i32>} : memref<128x128xf32, #tpu.memory_space<vmem>>, vector<16xf32>,
        tpu.vector_store %arg10[%swap3A_1402, %swap3A_1403], %mul3A_1401 {strides = array<i32>} : memref<128x128xf32, #tpu.memory_space<vmem>>, vector<16xf32>,
        %broadcast_in_dim3A_1405 = arith.constant 2 : i32
        %broadcast_in_dim3A_1406 = vector.broadcast %broadcast_in_dim3A_1405 : i32 to vector<16xi32>
        %broadcast_in_dim3A_1407 = arith.constant 0 : i32
        %broadcast_in_dim3A_1408 = vector.broadcast %broadcast_in_dim3A_1407 : i32 to vector<16xi32>
        %add3A_1409 = vector.broadcast %add3A_1376 : i32 to vector<16xi32>
        %add3A_1410 = arith.addi %broadcast_in_dim3A_1408, %add3A_1409 : vector<16xi32>
        %gather3A_1411 = tpu.vector_load_idx %arg11[%broadcast_in_dim3A_1406, %add3A_1410] : memref<8x128xf32, #tpu.memory_space<vmem>>[vector<16xi32>, vector<16xi32>], vector<16xf32>,
        %get3A_1412 = arith.index_cast %add3A_1376 : i32 to index
        %get3A_1413 = arith.constant 32 : index
        %get3A_1414 = tpu.vector_load %arg10[%get3A_1412, %get3A_1413] {strides = array<i32>} : memref<128x128xf32, #tpu.memory_space<vmem>>, vector<16xf32>,
        %mul3A_1415 = arith.mulf %get3A_1414, %gather3A_1411 : vector<16xf32>
        %swap3A_1416 = arith.index_cast %add3A_1376 : i32 to index
        %swap3A_1417 = arith.constant 32 : index
        %swap3A_1418 = tpu.vector_load %arg10[%swap3A_1416, %swap3A_1417] {strides = array<i32>} : memref<128x128xf32, #tpu.memory_space<vmem>>, vector<16xf32>,
        tpu.vector_store %arg10[%swap3A_1416, %swap3A_1417], %mul3A_1415 {strides = array<i32>} : memref<128x128xf32, #tpu.memory_space<vmem>>, vector<16xf32>,
        %broadcast_in_dim3A_1419 = arith.constant 3 : i32
        %broadcast_in_dim3A_1420 = vector.broadcast %broadcast_in_dim3A_1419 : i32 to vector<16xi32>
        %broadcast_in_dim3A_1421 = arith.constant 0 : i32
        %broadcast_in_dim3A_1422 = vector.broadcast %broadcast_in_dim3A_1421 : i32 to vector<16xi32>
        %add3A_1423 = vector.broadcast %add3A_1376 : i32 to vector<16xi32>
        %add3A_1424 = arith.addi %broadcast_in_dim3A_1422, %add3A_1423 : vector<16xi32>
        %gather3A_1425 = tpu.vector_load_idx %arg11[%broadcast_in_dim3A_1420, %add3A_1424] : memref<8x128xf32, #tpu.memory_space<vmem>>[vector<16xi32>, vector<16xi32>], vector<16xf32>,
        %get3A_1426 = arith.index_cast %add3A_1376 : i32 to index
        %get3A_1427 = arith.constant 48 : index
        %get3A_1428 = tpu.vector_load %arg10[%get3A_1426, %get3A_1427] {strides = array<i32>} : memref<128x128xf32, #tpu.memory_space<vmem>>, vector<16xf32>,
        %mul3A_1429 = arith.mulf %get3A_1428, %gather3A_1425 : vector<16xf32>
        %swap3A_1430 = arith.index_cast %add3A_1376 : i32 to index
        %swap3A_1431 = arith.constant 48 : index
        %swap3A_1432 = tpu.vector_load %arg10[%swap3A_1430, %swap3A_1431] {strides = array<i32>} : memref<128x128xf32, #tpu.memory_space<vmem>>, vector<16xf32>,
        tpu.vector_store %arg10[%swap3A_1430, %swap3A_1431], %mul3A_1429 {strides = array<i32>} : memref<128x128xf32, #tpu.memory_space<vmem>>, vector<16xf32>,
        %broadcast_in_dim3A_1433 = arith.constant 4 : i32
        %broadcast_in_dim3A_1434 = vector.broadcast %broadcast_in_dim3A_1433 : i32 to vector<16xi32>
        %broadcast_in_dim3A_1435 = arith.constant 0 : i32
        %broadcast_in_dim3A_1436 = vector.broadcast %broadcast_in_dim3A_1435 : i32 to vector<16xi32>
        %add3A_1437 = vector.broadcast %add3A_1376 : i32 to vector<16xi32>
        %add3A_1438 = arith.addi %broadcast_in_dim3A_1436, %add3A_1437 : vector<16xi32>
        %gather3A_1439 = tpu.vector_load_idx %arg11[%broadcast_in_dim3A_1434, %add3A_1438] : memref<8x128xf32, #tpu.memory_space<vmem>>[vector<16xi32>, vector<16xi32>], vector<16xf32>,
        %get3A_1440 = arith.index_cast %add3A_1376 : i32 to index
        %get3A_1441 = arith.constant 64 : index
        %get3A_1442 = tpu.vector_load %arg10[%get3A_1440, %get3A_1441] {strides = array<i32>} : memref<128x128xf32, #tpu.memory_space<vmem>>, vector<16xf32>,
        %mul3A_1443 = arith.mulf %get3A_1442, %gather3A_1439 : vector<16xf32>
        %swap3A_1444 = arith.index_cast %add3A_1376 : i32 to index
        %swap3A_1445 = arith.constant 64 : index
        %swap3A_1446 = tpu.vector_load %arg10[%swap3A_1444, %swap3A_1445] {strides = array<i32>} : memref<128x128xf32, #tpu.memory_space<vmem>>, vector<16xf32>,
        tpu.vector_store %arg10[%swap3A_1444, %swap3A_1445], %mul3A_1443 {strides = array<i32>} : memref<128x128xf32, #tpu.memory_space<vmem>>, vector<16xf32>,
        %broadcast_in_dim3A_1447 = arith.constant 5 : i32
        %broadcast_in_dim3A_1448 = vector.broadcast %broadcast_in_dim3A_1447 : i32 to vector<16xi32>
        %broadcast_in_dim3A_1449 = arith.constant 0 : i32
        %broadcast_in_dim3A_1450 = vector.broadcast %broadcast_in_dim3A_1449 : i32 to vector<16xi32>
        %add3A_1451 = vector.broadcast %add3A_1376 : i32 to vector<16xi32>
        %add3A_1452 = arith.addi %broadcast_in_dim3A_1450, %add3A_1451 : vector<16xi32>
        %gather3A_1453 = tpu.vector_load_idx %arg11[%broadcast_in_dim3A_1448, %add3A_1452] : memref<8x128xf32, #tpu.memory_space<vmem>>[vector<16xi32>, vector<16xi32>], vector<16xf32>,
        %get3A_1454 = arith.index_cast %add3A_1376 : i32 to index
        %get3A_1455 = arith.constant 80 : index
        %get3A_1456 = tpu.vector_load %arg10[%get3A_1454, %get3A_1455] {strides = array<i32>} : memref<128x128xf32, #tpu.memory_space<vmem>>, vector<16xf32>,
        %mul3A_1457 = arith.mulf %get3A_1456, %gather3A_1453 : vector<16xf32>
        %swap3A_1458 = arith.index_cast %add3A_1376 : i32 to index
        %swap3A_1459 = arith.constant 80 : index
        %swap3A_1460 = tpu.vector_load %arg10[%swap3A_1458, %swap3A_1459] {strides = array<i32>} : memref<128x128xf32, #tpu.memory_space<vmem>>, vector<16xf32>,
        tpu.vector_store %arg10[%swap3A_1458, %swap3A_1459], %mul3A_1457 {strides = array<i32>} : memref<128x128xf32, #tpu.memory_space<vmem>>, vector<16xf32>,
        %broadcast_in_dim3A_1461 = arith.constant 6 : i32
        %broadcast_in_dim3A_1462 = vector.broadcast %broadcast_in_dim3A_1461 : i32 to vector<16xi32>
        %broadcast_in_dim3A_1463 = arith.constant 0 : i32
        %broadcast_in_dim3A_1464 = vector.broadcast %broadcast_in_dim3A_1463 : i32 to vector<16xi32>
        %add3A_1465 = vector.broadcast %add3A_1376 : i32 to vector<16xi32>
        %add3A_1466 = arith.addi %broadcast_in_dim3A_1464, %add3A_1465 : vector<16xi32>
        %gather3A_1467 = tpu.vector_load_idx %arg11[%broadcast_in_dim3A_1462, %add3A_1466] : memref<8x128xf32, #tpu.memory_space<vmem>>[vector<16xi32>, vector<16xi32>], vector<16xf32>,
        %get3A_1468 = arith.index_cast %add3A_1376 : i32 to index
        %get3A_1469 = arith.constant 96 : index
        %get3A_1470 = tpu.vector_load %arg10[%get3A_1468, %get3A_1469] {strides = array<i32>} : memref<128x128xf32, #tpu.memory_space<vmem>>, vector<16xf32>,
        %mul3A_1471 = arith.mulf %get3A_1470, %gather3A_1467 : vector<16xf32>
        %swap3A_1472 = arith.index_cast %add3A_1376 : i32 to index
        %swap3A_1473 = arith.constant 96 : index
        %swap3A_1474 = tpu.vector_load %arg10[%swap3A_1472, %swap3A_1473] {strides = array<i32>} : memref<128x128xf32, #tpu.memory_space<vmem>>, vector<16xf32>,
        tpu.vector_store %arg10[%swap3A_1472, %swap3A_1473], %mul3A_1471 {strides = array<i32>} : memref<128x128xf32, #tpu.memory_space<vmem>>, vector<16xf32>,
        %broadcast_in_dim3A_1475 = arith.constant 7 : i32
        %broadcast_in_dim3A_1476 = vector.broadcast %broadcast_in_dim3A_1475 : i32 to vector<16xi32>
        %broadcast_in_dim3A_1477 = arith.constant 0 : i32
        %broadcast_in_dim3A_1478 = vector.broadcast %broadcast_in_dim3A_1477 : i32 to vector<16xi32>
        %add3A_1479 = vector.broadcast %add3A_1376 : i32 to vector<16xi32>
        %add3A_1480 = arith.addi %broadcast_in_dim3A_1478, %add3A_1479 : vector<16xi32>
        %gather3A_1481 = tpu.vector_load_idx %arg11[%broadcast_in_dim3A_1476, %add3A_1480] : memref<8x128xf32, #tpu.memory_space<vmem>>[vector<16xi32>, vector<16xi32>], vector<16xf32>,
        %get3A_1482 = arith.index_cast %add3A_1376 : i32 to index
        %get3A_1483 = arith.constant 112 : index
        %get3A_1484 = tpu.vector_load %arg10[%get3A_1482, %get3A_1483] {strides = array<i32>} : memref<128x128xf32, #tpu.memory_space<vmem>>, vector<16xf32>,
        %mul3A_1485 = arith.mulf %get3A_1484, %gather3A_1481 : vector<16xf32>
        %swap3A_1486 = arith.index_cast %add3A_1376 : i32 to index
        %swap3A_1487 = arith.constant 112 : index
        %swap3A_1488 = tpu.vector_load %arg10[%swap3A_1486, %swap3A_1487] {strides = array<i32>} : memref<128x128xf32, #tpu.memory_space<vmem>>, vector<16xf32>,
        tpu.vector_store %arg10[%swap3A_1486, %swap3A_1487], %mul3A_1485 {strides = array<i32>} : memref<128x128xf32, #tpu.memory_space<vmem>>, vector<16xf32>,
        %mul3A_1489 = arith.constant 16 : i32
        %mul3A_1490 = arith.muli %scan3A_100, %mul3A_1489 : i32
        %add3A_1491 = arith.constant 12 : i32
        %add3A_1492 = arith.addi %mul3A_1490, %add3A_1491 : i32
        %broadcast_in_dim3A_1493 = arith.constant 0 : i32
        %broadcast_in_dim3A_1494 = vector.broadcast %broadcast_in_dim3A_1493 : i32 to vector<16xi32>
        %broadcast_in_dim3A_1495 = arith.constant 0 : i32
        %broadcast_in_dim3A_1496 = vector.broadcast %broadcast_in_dim3A_1495 : i32 to vector<16xi32>
        %add3A_1497 = vector.broadcast %add3A_1492 : i32 to vector<16xi32>
        %add3A_1498 = arith.addi %broadcast_in_dim3A_1496, %add3A_1497 : vector<16xi32>
        %gather3A_1499 = tpu.vector_load_idx %arg11[%broadcast_in_dim3A_1494, %add3A_1498] : memref<8x128xf32, #tpu.memory_space<vmem>>[vector<16xi32>, vector<16xi32>], vector<16xf32>,
        %get3A_1500 = arith.index_cast %add3A_1492 : i32 to index
        %get3A_1501 = arith.constant 0 : index
        %get3A_1502 = tpu.vector_load %arg10[%get3A_1500, %get3A_1501] {strides = array<i32>} : memref<128x128xf32, #tpu.memory_space<vmem>>, vector<16xf32>,
        %mul3A_1503 = arith.mulf %get3A_1502, %gather3A_1499 : vector<16xf32>
        %swap3A_1504 = arith.index_cast %add3A_1492 : i32 to index
        %swap3A_1505 = arith.constant 0 : index
        %swap3A_1506 = tpu.vector_load %arg10[%swap3A_1504, %swap3A_1505] {strides = array<i32>} : memref<128x128xf32, #tpu.memory_space<vmem>>, vector<16xf32>,
        tpu.vector_store %arg10[%swap3A_1504, %swap3A_1505], %mul3A_1503 {strides = array<i32>} : memref<128x128xf32, #tpu.memory_space<vmem>>, vector<16xf32>,
        %broadcast_in_dim3A_1507 = arith.constant 1 : i32
        %broadcast_in_dim3A_1508 = vector.broadcast %broadcast_in_dim3A_1507 : i32 to vector<16xi32>
        %broadcast_in_dim3A_1509 = arith.constant 0 : i32
        %broadcast_in_dim3A_1510 = vector.broadcast %broadcast_in_dim3A_1509 : i32 to vector<16xi32>
        %add3A_1511 = vector.broadcast %add3A_1492 : i32 to vector<16xi32>
        %add3A_1512 = arith.addi %broadcast_in_dim3A_1510, %add3A_1511 : vector<16xi32>
        %gather3A_1513 = tpu.vector_load_idx %arg11[%broadcast_in_dim3A_1508, %add3A_1512] : memref<8x128xf32, #tpu.memory_space<vmem>>[vector<16xi32>, vector<16xi32>], vector<16xf32>,
        %get3A_1514 = arith.index_cast %add3A_1492 : i32 to index
        %get3A_1515 = arith.constant 16 : index
        %get3A_1516 = tpu.vector_load %arg10[%get3A_1514, %get3A_1515] {strides = array<i32>} : memref<128x128xf32, #tpu.memory_space<vmem>>, vector<16xf32>,
        %mul3A_1517 = arith.mulf %get3A_1516, %gather3A_1513 : vector<16xf32>
        %swap3A_1518 = arith.index_cast %add3A_1492 : i32 to index
        %swap3A_1519 = arith.constant 16 : index
        %swap3A_1520 = tpu.vector_load %arg10[%swap3A_1518, %swap3A_1519] {strides = array<i32>} : memref<128x128xf32, #tpu.memory_space<vmem>>, vector<16xf32>,
        tpu.vector_store %arg10[%swap3A_1518, %swap3A_1519], %mul3A_1517 {strides = array<i32>} : memref<128x128xf32, #tpu.memory_space<vmem>>, vector<16xf32>,
        %broadcast_in_dim3A_1521 = arith.constant 2 : i32
        %broadcast_in_dim3A_1522 = vector.broadcast %broadcast_in_dim3A_1521 : i32 to vector<16xi32>
        %broadcast_in_dim3A_1523 = arith.constant 0 : i32
        %broadcast_in_dim3A_1524 = vector.broadcast %broadcast_in_dim3A_1523 : i32 to vector<16xi32>
        %add3A_1525 = vector.broadcast %add3A_1492 : i32 to vector<16xi32>
        %add3A_1526 = arith.addi %broadcast_in_dim3A_1524, %add3A_1525 : vector<16xi32>
        %gather3A_1527 = tpu.vector_load_idx %arg11[%broadcast_in_dim3A_1522, %add3A_1526] : memref<8x128xf32, #tpu.memory_space<vmem>>[vector<16xi32>, vector<16xi32>], vector<16xf32>,
        %get3A_1528 = arith.index_cast %add3A_1492 : i32 to index
        %get3A_1529 = arith.constant 32 : index
        %get3A_1530 = tpu.vector_load %arg10[%get3A_1528, %get3A_1529] {strides = array<i32>} : memref<128x128xf32, #tpu.memory_space<vmem>>, vector<16xf32>,
        %mul3A_1531 = arith.mulf %get3A_1530, %gather3A_1527 : vector<16xf32>
        %swap3A_1532 = arith.index_cast %add3A_1492 : i32 to index
        %swap3A_1533 = arith.constant 32 : index
        %swap3A_1534 = tpu.vector_load %arg10[%swap3A_1532, %swap3A_1533] {strides = array<i32>} : memref<128x128xf32, #tpu.memory_space<vmem>>, vector<16xf32>,
        tpu.vector_store %arg10[%swap3A_1532, %swap3A_1533], %mul3A_1531 {strides = array<i32>} : memref<128x128xf32, #tpu.memory_space<vmem>>, vector<16xf32>,
        %broadcast_in_dim3A_1535 = arith.constant 3 : i32
        %broadcast_in_dim3A_1536 = vector.broadcast %broadcast_in_dim3A_1535 : i32 to vector<16xi32>
        %broadcast_in_dim3A_1537 = arith.constant 0 : i32
        %broadcast_in_dim3A_1538 = vector.broadcast %broadcast_in_dim3A_1537 : i32 to vector<16xi32>
        %add3A_1539 = vector.broadcast %add3A_1492 : i32 to vector<16xi32>
        %add3A_1540 = arith.addi %broadcast_in_dim3A_1538, %add3A_1539 : vector<16xi32>
        %gather3A_1541 = tpu.vector_load_idx %arg11[%broadcast_in_dim3A_1536, %add3A_1540] : memref<8x128xf32, #tpu.memory_space<vmem>>[vector<16xi32>, vector<16xi32>], vector<16xf32>,
        %get3A_1542 = arith.index_cast %add3A_1492 : i32 to index
        %get3A_1543 = arith.constant 48 : index
        %get3A_1544 = tpu.vector_load %arg10[%get3A_1542, %get3A_1543] {strides = array<i32>} : memref<128x128xf32, #tpu.memory_space<vmem>>, vector<16xf32>,
        %mul3A_1545 = arith.mulf %get3A_1544, %gather3A_1541 : vector<16xf32>
        %swap3A_1546 = arith.index_cast %add3A_1492 : i32 to index
        %swap3A_1547 = arith.constant 48 : index
        %swap3A_1548 = tpu.vector_load %arg10[%swap3A_1546, %swap3A_1547] {strides = array<i32>} : memref<128x128xf32, #tpu.memory_space<vmem>>, vector<16xf32>,
        tpu.vector_store %arg10[%swap3A_1546, %swap3A_1547], %mul3A_1545 {strides = array<i32>} : memref<128x128xf32, #tpu.memory_space<vmem>>, vector<16xf32>,
        %broadcast_in_dim3A_1549 = arith.constant 4 : i32
        %broadcast_in_dim3A_1550 = vector.broadcast %broadcast_in_dim3A_1549 : i32 to vector<16xi32>
        %broadcast_in_dim3A_1551 = arith.constant 0 : i32
        %broadcast_in_dim3A_1552 = vector.broadcast %broadcast_in_dim3A_1551 : i32 to vector<16xi32>
        %add3A_1553 = vector.broadcast %add3A_1492 : i32 to vector<16xi32>
        %add3A_1554 = arith.addi %broadcast_in_dim3A_1552, %add3A_1553 : vector<16xi32>
        %gather3A_1555 = tpu.vector_load_idx %arg11[%broadcast_in_dim3A_1550, %add3A_1554] : memref<8x128xf32, #tpu.memory_space<vmem>>[vector<16xi32>, vector<16xi32>], vector<16xf32>,
        %get3A_1556 = arith.index_cast %add3A_1492 : i32 to index
        %get3A_1557 = arith.constant 64 : index
        %get3A_1558 = tpu.vector_load %arg10[%get3A_1556, %get3A_1557] {strides = array<i32>} : memref<128x128xf32, #tpu.memory_space<vmem>>, vector<16xf32>,
        %mul3A_1559 = arith.mulf %get3A_1558, %gather3A_1555 : vector<16xf32>
        %swap3A_1560 = arith.index_cast %add3A_1492 : i32 to index
        %swap3A_1561 = arith.constant 64 : index
        %swap3A_1562 = tpu.vector_load %arg10[%swap3A_1560, %swap3A_1561] {strides = array<i32>} : memref<128x128xf32, #tpu.memory_space<vmem>>, vector<16xf32>,
        tpu.vector_store %arg10[%swap3A_1560, %swap3A_1561], %mul3A_1559 {strides = array<i32>} : memref<128x128xf32, #tpu.memory_space<vmem>>, vector<16xf32>,
        %broadcast_in_dim3A_1563 = arith.constant 5 : i32
        %broadcast_in_dim3A_1564 = vector.broadcast %broadcast_in_dim3A_1563 : i32 to vector<16xi32>
        %broadcast_in_dim3A_1565 = arith.constant 0 : i32
        %broadcast_in_dim3A_1566 = vector.broadcast %broadcast_in_dim3A_1565 : i32 to vector<16xi32>
        %add3A_1567 = vector.broadcast %add3A_1492 : i32 to vector<16xi32>
        %add3A_1568 = arith.addi %broadcast_in_dim3A_1566, %add3A_1567 : vector<16xi32>
        %gather3A_1569 = tpu.vector_load_idx %arg11[%broadcast_in_dim3A_1564, %add3A_1568] : memref<8x128xf32, #tpu.memory_space<vmem>>[vector<16xi32>, vector<16xi32>], vector<16xf32>,
        %get3A_1570 = arith.index_cast %add3A_1492 : i32 to index
        %get3A_1571 = arith.constant 80 : index
        %get3A_1572 = tpu.vector_load %arg10[%get3A_1570, %get3A_1571] {strides = array<i32>} : memref<128x128xf32, #tpu.memory_space<vmem>>, vector<16xf32>,
        %mul3A_1573 = arith.mulf %get3A_1572, %gather3A_1569 : vector<16xf32>
        %swap3A_1574 = arith.index_cast %add3A_1492 : i32 to index
        %swap3A_1575 = arith.constant 80 : index
        %swap3A_1576 = tpu.vector_load %arg10[%swap3A_1574, %swap3A_1575] {strides = array<i32>} : memref<128x128xf32, #tpu.memory_space<vmem>>, vector<16xf32>,
        tpu.vector_store %arg10[%swap3A_1574, %swap3A_1575], %mul3A_1573 {strides = array<i32>} : memref<128x128xf32, #tpu.memory_space<vmem>>, vector<16xf32>,
        %broadcast_in_dim3A_1577 = arith.constant 6 : i32
        %broadcast_in_dim3A_1578 = vector.broadcast %broadcast_in_dim3A_1577 : i32 to vector<16xi32>
        %broadcast_in_dim3A_1579 = arith.constant 0 : i32
        %broadcast_in_dim3A_1580 = vector.broadcast %broadcast_in_dim3A_1579 : i32 to vector<16xi32>
        %add3A_1581 = vector.broadcast %add3A_1492 : i32 to vector<16xi32>
        %add3A_1582 = arith.addi %broadcast_in_dim3A_1580, %add3A_1581 : vector<16xi32>
        %gather3A_1583 = tpu.vector_load_idx %arg11[%broadcast_in_dim3A_1578, %add3A_1582] : memref<8x128xf32, #tpu.memory_space<vmem>>[vector<16xi32>, vector<16xi32>], vector<16xf32>,
        %get3A_1584 = arith.index_cast %add3A_1492 : i32 to index
        %get3A_1585 = arith.constant 96 : index
        %get3A_1586 = tpu.vector_load %arg10[%get3A_1584, %get3A_1585] {strides = array<i32>} : memref<128x128xf32, #tpu.memory_space<vmem>>, vector<16xf32>,
        %mul3A_1587 = arith.mulf %get3A_1586, %gather3A_1583 : vector<16xf32>
        %swap3A_1588 = arith.index_cast %add3A_1492 : i32 to index
        %swap3A_1589 = arith.constant 96 : index
        %swap3A_1590 = tpu.vector_load %arg10[%swap3A_1588, %swap3A_1589] {strides = array<i32>} : memref<128x128xf32, #tpu.memory_space<vmem>>, vector<16xf32>,
        tpu.vector_store %arg10[%swap3A_1588, %swap3A_1589], %mul3A_1587 {strides = array<i32>} : memref<128x128xf32, #tpu.memory_space<vmem>>, vector<16xf32>,
        %broadcast_in_dim3A_1591 = arith.constant 7 : i32
        %broadcast_in_dim3A_1592 = vector.broadcast %broadcast_in_dim3A_1591 : i32 to vector<16xi32>
        %broadcast_in_dim3A_1593 = arith.constant 0 : i32
        %broadcast_in_dim3A_1594 = vector.broadcast %broadcast_in_dim3A_1593 : i32 to vector<16xi32>
        %add3A_1595 = vector.broadcast %add3A_1492 : i32 to vector<16xi32>
        %add3A_1596 = arith.addi %broadcast_in_dim3A_1594, %add3A_1595 : vector<16xi32>
        %gather3A_1597 = tpu.vector_load_idx %arg11[%broadcast_in_dim3A_1592, %add3A_1596] : memref<8x128xf32, #tpu.memory_space<vmem>>[vector<16xi32>, vector<16xi32>], vector<16xf32>,
        %get3A_1598 = arith.index_cast %add3A_1492 : i32 to index
        %get3A_1599 = arith.constant 112 : index
        %get3A_1600 = tpu.vector_load %arg10[%get3A_1598, %get3A_1599] {strides = array<i32>} : memref<128x128xf32, #tpu.memory_space<vmem>>, vector<16xf32>,
        %mul3A_1601 = arith.mulf %get3A_1600, %gather3A_1597 : vector<16xf32>
        %swap3A_1602 = arith.index_cast %add3A_1492 : i32 to index
        %swap3A_1603 = arith.constant 112 : index
        %swap3A_1604 = tpu.vector_load %arg10[%swap3A_1602, %swap3A_1603] {strides = array<i32>} : memref<128x128xf32, #tpu.memory_space<vmem>>, vector<16xf32>,
        tpu.vector_store %arg10[%swap3A_1602, %swap3A_1603], %mul3A_1601 {strides = array<i32>} : memref<128x128xf32, #tpu.memory_space<vmem>>, vector<16xf32>,
        %mul3A_1605 = arith.constant 16 : i32
        %mul3A_1606 = arith.muli %scan3A_100, %mul3A_1605 : i32
        %add3A_1607 = arith.constant 13 : i32
        %add3A_1608 = arith.addi %mul3A_1606, %add3A_1607 : i32
        %broadcast_in_dim3A_1609 = arith.constant 0 : i32
        %broadcast_in_dim3A_1610 = vector.broadcast %broadcast_in_dim3A_1609 : i32 to vector<16xi32>
        %broadcast_in_dim3A_1611 = arith.constant 0 : i32
        %broadcast_in_dim3A_1612 = vector.broadcast %broadcast_in_dim3A_1611 : i32 to vector<16xi32>
        %add3A_1613 = vector.broadcast %add3A_1608 : i32 to vector<16xi32>
        %add3A_1614 = arith.addi %broadcast_in_dim3A_1612, %add3A_1613 : vector<16xi32>
        %gather3A_1615 = tpu.vector_load_idx %arg11[%broadcast_in_dim3A_1610, %add3A_1614] : memref<8x128xf32, #tpu.memory_space<vmem>>[vector<16xi32>, vector<16xi32>], vector<16xf32>,
        %get3A_1616 = arith.index_cast %add3A_1608 : i32 to index
        %get3A_1617 = arith.constant 0 : index
        %get3A_1618 = tpu.vector_load %arg10[%get3A_1616, %get3A_1617] {strides = array<i32>} : memref<128x128xf32, #tpu.memory_space<vmem>>, vector<16xf32>,
        %mul3A_1619 = arith.mulf %get3A_1618, %gather3A_1615 : vector<16xf32>
        %swap3A_1620 = arith.index_cast %add3A_1608 : i32 to index
        %swap3A_1621 = arith.constant 0 : index
        %swap3A_1622 = tpu.vector_load %arg10[%swap3A_1620, %swap3A_1621] {strides = array<i32>} : memref<128x128xf32, #tpu.memory_space<vmem>>, vector<16xf32>,
        tpu.vector_store %arg10[%swap3A_1620, %swap3A_1621], %mul3A_1619 {strides = array<i32>} : memref<128x128xf32, #tpu.memory_space<vmem>>, vector<16xf32>,
        %broadcast_in_dim3A_1623 = arith.constant 1 : i32
        %broadcast_in_dim3A_1624 = vector.broadcast %broadcast_in_dim3A_1623 : i32 to vector<16xi32>
        %broadcast_in_dim3A_1625 = arith.constant 0 : i32
        %broadcast_in_dim3A_1626 = vector.broadcast %broadcast_in_dim3A_1625 : i32 to vector<16xi32>
        %add3A_1627 = vector.broadcast %add3A_1608 : i32 to vector<16xi32>
        %add3A_1628 = arith.addi %broadcast_in_dim3A_1626, %add3A_1627 : vector<16xi32>
        %gather3A_1629 = tpu.vector_load_idx %arg11[%broadcast_in_dim3A_1624, %add3A_1628] : memref<8x128xf32, #tpu.memory_space<vmem>>[vector<16xi32>, vector<16xi32>], vector<16xf32>,
        %get3A_1630 = arith.index_cast %add3A_1608 : i32 to index
        %get3A_1631 = arith.constant 16 : index
        %get3A_1632 = tpu.vector_load %arg10[%get3A_1630, %get3A_1631] {strides = array<i32>} : memref<128x128xf32, #tpu.memory_space<vmem>>, vector<16xf32>,
        %mul3A_1633 = arith.mulf %get3A_1632, %gather3A_1629 : vector<16xf32>
        %swap3A_1634 = arith.index_cast %add3A_1608 : i32 to index
        %swap3A_1635 = arith.constant 16 : index
        %swap3A_1636 = tpu.vector_load %arg10[%swap3A_1634, %swap3A_1635] {strides = array<i32>} : memref<128x128xf32, #tpu.memory_space<vmem>>, vector<16xf32>,
        tpu.vector_store %arg10[%swap3A_1634, %swap3A_1635], %mul3A_1633 {strides = array<i32>} : memref<128x128xf32, #tpu.memory_space<vmem>>, vector<16xf32>,
        %broadcast_in_dim3A_1637 = arith.constant 2 : i32
        %broadcast_in_dim3A_1638 = vector.broadcast %broadcast_in_dim3A_1637 : i32 to vector<16xi32>
        %broadcast_in_dim3A_1639 = arith.constant 0 : i32
        %broadcast_in_dim3A_1640 = vector.broadcast %broadcast_in_dim3A_1639 : i32 to vector<16xi32>
        %add3A_1641 = vector.broadcast %add3A_1608 : i32 to vector<16xi32>
        %add3A_1642 = arith.addi %broadcast_in_dim3A_1640, %add3A_1641 : vector<16xi32>
        %gather3A_1643 = tpu.vector_load_idx %arg11[%broadcast_in_dim3A_1638, %add3A_1642] : memref<8x128xf32, #tpu.memory_space<vmem>>[vector<16xi32>, vector<16xi32>], vector<16xf32>,
        %get3A_1644 = arith.index_cast %add3A_1608 : i32 to index
        %get3A_1645 = arith.constant 32 : index
        %get3A_1646 = tpu.vector_load %arg10[%get3A_1644, %get3A_1645] {strides = array<i32>} : memref<128x128xf32, #tpu.memory_space<vmem>>, vector<16xf32>,
        %mul3A_1647 = arith.mulf %get3A_1646, %gather3A_1643 : vector<16xf32>
        %swap3A_1648 = arith.index_cast %add3A_1608 : i32 to index
        %swap3A_1649 = arith.constant 32 : index
        %swap3A_1650 = tpu.vector_load %arg10[%swap3A_1648, %swap3A_1649] {strides = array<i32>} : memref<128x128xf32, #tpu.memory_space<vmem>>, vector<16xf32>,
        tpu.vector_store %arg10[%swap3A_1648, %swap3A_1649], %mul3A_1647 {strides = array<i32>} : memref<128x128xf32, #tpu.memory_space<vmem>>, vector<16xf32>,
        %broadcast_in_dim3A_1651 = arith.constant 3 : i32
        %broadcast_in_dim3A_1652 = vector.broadcast %broadcast_in_dim3A_1651 : i32 to vector<16xi32>
        %broadcast_in_dim3A_1653 = arith.constant 0 : i32
        %broadcast_in_dim3A_1654 = vector.broadcast %broadcast_in_dim3A_1653 : i32 to vector<16xi32>
        %add3A_1655 = vector.broadcast %add3A_1608 : i32 to vector<16xi32>
        %add3A_1656 = arith.addi %broadcast_in_dim3A_1654, %add3A_1655 : vector<16xi32>
        %gather3A_1657 = tpu.vector_load_idx %arg11[%broadcast_in_dim3A_1652, %add3A_1656] : memref<8x128xf32, #tpu.memory_space<vmem>>[vector<16xi32>, vector<16xi32>], vector<16xf32>,
        %get3A_1658 = arith.index_cast %add3A_1608 : i32 to index
        %get3A_1659 = arith.constant 48 : index
        %get3A_1660 = tpu.vector_load %arg10[%get3A_1658, %get3A_1659] {strides = array<i32>} : memref<128x128xf32, #tpu.memory_space<vmem>>, vector<16xf32>,
        %mul3A_1661 = arith.mulf %get3A_1660, %gather3A_1657 : vector<16xf32>
        %swap3A_1662 = arith.index_cast %add3A_1608 : i32 to index
        %swap3A_1663 = arith.constant 48 : index
        %swap3A_1664 = tpu.vector_load %arg10[%swap3A_1662, %swap3A_1663] {strides = array<i32>} : memref<128x128xf32, #tpu.memory_space<vmem>>, vector<16xf32>,
        tpu.vector_store %arg10[%swap3A_1662, %swap3A_1663], %mul3A_1661 {strides = array<i32>} : memref<128x128xf32, #tpu.memory_space<vmem>>, vector<16xf32>,
        %broadcast_in_dim3A_1665 = arith.constant 4 : i32
        %broadcast_in_dim3A_1666 = vector.broadcast %broadcast_in_dim3A_1665 : i32 to vector<16xi32>
        %broadcast_in_dim3A_1667 = arith.constant 0 : i32
        %broadcast_in_dim3A_1668 = vector.broadcast %broadcast_in_dim3A_1667 : i32 to vector<16xi32>
        %add3A_1669 = vector.broadcast %add3A_1608 : i32 to vector<16xi32>
        %add3A_1670 = arith.addi %broadcast_in_dim3A_1668, %add3A_1669 : vector<16xi32>
        %gather3A_1671 = tpu.vector_load_idx %arg11[%broadcast_in_dim3A_1666, %add3A_1670] : memref<8x128xf32, #tpu.memory_space<vmem>>[vector<16xi32>, vector<16xi32>], vector<16xf32>,
        %get3A_1672 = arith.index_cast %add3A_1608 : i32 to index
        %get3A_1673 = arith.constant 64 : index
        %get3A_1674 = tpu.vector_load %arg10[%get3A_1672, %get3A_1673] {strides = array<i32>} : memref<128x128xf32, #tpu.memory_space<vmem>>, vector<16xf32>,
        %mul3A_1675 = arith.mulf %get3A_1674, %gather3A_1671 : vector<16xf32>
        %swap3A_1676 = arith.index_cast %add3A_1608 : i32 to index
        %swap3A_1677 = arith.constant 64 : index
        %swap3A_1678 = tpu.vector_load %arg10[%swap3A_1676, %swap3A_1677] {strides = array<i32>} : memref<128x128xf32, #tpu.memory_space<vmem>>, vector<16xf32>,
        tpu.vector_store %arg10[%swap3A_1676, %swap3A_1677], %mul3A_1675 {strides = array<i32>} : memref<128x128xf32, #tpu.memory_space<vmem>>, vector<16xf32>,
        %broadcast_in_dim3A_1679 = arith.constant 5 : i32
        %broadcast_in_dim3A_1680 = vector.broadcast %broadcast_in_dim3A_1679 : i32 to vector<16xi32>
        %broadcast_in_dim3A_1681 = arith.constant 0 : i32
        %broadcast_in_dim3A_1682 = vector.broadcast %broadcast_in_dim3A_1681 : i32 to vector<16xi32>
        %add3A_1683 = vector.broadcast %add3A_1608 : i32 to vector<16xi32>
        %add3A_1684 = arith.addi %broadcast_in_dim3A_1682, %add3A_1683 : vector<16xi32>
        %gather3A_1685 = tpu.vector_load_idx %arg11[%broadcast_in_dim3A_1680, %add3A_1684] : memref<8x128xf32, #tpu.memory_space<vmem>>[vector<16xi32>, vector<16xi32>], vector<16xf32>,
        %get3A_1686 = arith.index_cast %add3A_1608 : i32 to index
        %get3A_1687 = arith.constant 80 : index
        %get3A_1688 = tpu.vector_load %arg10[%get3A_1686, %get3A_1687] {strides = array<i32>} : memref<128x128xf32, #tpu.memory_space<vmem>>, vector<16xf32>,
        %mul3A_1689 = arith.mulf %get3A_1688, %gather3A_1685 : vector<16xf32>
        %swap3A_1690 = arith.index_cast %add3A_1608 : i32 to index
        %swap3A_1691 = arith.constant 80 : index
        %swap3A_1692 = tpu.vector_load %arg10[%swap3A_1690, %swap3A_1691] {strides = array<i32>} : memref<128x128xf32, #tpu.memory_space<vmem>>, vector<16xf32>,
        tpu.vector_store %arg10[%swap3A_1690, %swap3A_1691], %mul3A_1689 {strides = array<i32>} : memref<128x128xf32, #tpu.memory_space<vmem>>, vector<16xf32>,
        %broadcast_in_dim3A_1693 = arith.constant 6 : i32
        %broadcast_in_dim3A_1694 = vector.broadcast %broadcast_in_dim3A_1693 : i32 to vector<16xi32>
        %broadcast_in_dim3A_1695 = arith.constant 0 : i32
        %broadcast_in_dim3A_1696 = vector.broadcast %broadcast_in_dim3A_1695 : i32 to vector<16xi32>
        %add3A_1697 = vector.broadcast %add3A_1608 : i32 to vector<16xi32>
        %add3A_1698 = arith.addi %broadcast_in_dim3A_1696, %add3A_1697 : vector<16xi32>
        %gather3A_1699 = tpu.vector_load_idx %arg11[%broadcast_in_dim3A_1694, %add3A_1698] : memref<8x128xf32, #tpu.memory_space<vmem>>[vector<16xi32>, vector<16xi32>], vector<16xf32>,
        %get3A_1700 = arith.index_cast %add3A_1608 : i32 to index
        %get3A_1701 = arith.constant 96 : index
        %get3A_1702 = tpu.vector_load %arg10[%get3A_1700, %get3A_1701] {strides = array<i32>} : memref<128x128xf32, #tpu.memory_space<vmem>>, vector<16xf32>,
        %mul3A_1703 = arith.mulf %get3A_1702, %gather3A_1699 : vector<16xf32>
        %swap3A_1704 = arith.index_cast %add3A_1608 : i32 to index
        %swap3A_1705 = arith.constant 96 : index
        %swap3A_1706 = tpu.vector_load %arg10[%swap3A_1704, %swap3A_1705] {strides = array<i32>} : memref<128x128xf32, #tpu.memory_space<vmem>>, vector<16xf32>,
        tpu.vector_store %arg10[%swap3A_1704, %swap3A_1705], %mul3A_1703 {strides = array<i32>} : memref<128x128xf32, #tpu.memory_space<vmem>>, vector<16xf32>,
        %broadcast_in_dim3A_1707 = arith.constant 7 : i32
        %broadcast_in_dim3A_1708 = vector.broadcast %broadcast_in_dim3A_1707 : i32 to vector<16xi32>
        %broadcast_in_dim3A_1709 = arith.constant 0 : i32
        %broadcast_in_dim3A_1710 = vector.broadcast %broadcast_in_dim3A_1709 : i32 to vector<16xi32>
        %add3A_1711 = vector.broadcast %add3A_1608 : i32 to vector<16xi32>
        %add3A_1712 = arith.addi %broadcast_in_dim3A_1710, %add3A_1711 : vector<16xi32>
        %gather3A_1713 = tpu.vector_load_idx %arg11[%broadcast_in_dim3A_1708, %add3A_1712] : memref<8x128xf32, #tpu.memory_space<vmem>>[vector<16xi32>, vector<16xi32>], vector<16xf32>,
        %get3A_1714 = arith.index_cast %add3A_1608 : i32 to index
        %get3A_1715 = arith.constant 112 : index
        %get3A_1716 = tpu.vector_load %arg10[%get3A_1714, %get3A_1715] {strides = array<i32>} : memref<128x128xf32, #tpu.memory_space<vmem>>, vector<16xf32>,
        %mul3A_1717 = arith.mulf %get3A_1716, %gather3A_1713 : vector<16xf32>
        %swap3A_1718 = arith.index_cast %add3A_1608 : i32 to index
        %swap3A_1719 = arith.constant 112 : index
        %swap3A_1720 = tpu.vector_load %arg10[%swap3A_1718, %swap3A_1719] {strides = array<i32>} : memref<128x128xf32, #tpu.memory_space<vmem>>, vector<16xf32>,
        tpu.vector_store %arg10[%swap3A_1718, %swap3A_1719], %mul3A_1717 {strides = array<i32>} : memref<128x128xf32, #tpu.memory_space<vmem>>, vector<16xf32>,
        %mul3A_1721 = arith.constant 16 : i32
        %mul3A_1722 = arith.muli %scan3A_100, %mul3A_1721 : i32
        %add3A_1723 = arith.constant 14 : i32
        %add3A_1724 = arith.addi %mul3A_1722, %add3A_1723 : i32
        %broadcast_in_dim3A_1725 = arith.constant 0 : i32
        %broadcast_in_dim3A_1726 = vector.broadcast %broadcast_in_dim3A_1725 : i32 to vector<16xi32>
        %broadcast_in_dim3A_1727 = arith.constant 0 : i32
        %broadcast_in_dim3A_1728 = vector.broadcast %broadcast_in_dim3A_1727 : i32 to vector<16xi32>
        %add3A_1729 = vector.broadcast %add3A_1724 : i32 to vector<16xi32>
        %add3A_1730 = arith.addi %broadcast_in_dim3A_1728, %add3A_1729 : vector<16xi32>
        %gather3A_1731 = tpu.vector_load_idx %arg11[%broadcast_in_dim3A_1726, %add3A_1730] : memref<8x128xf32, #tpu.memory_space<vmem>>[vector<16xi32>, vector<16xi32>], vector<16xf32>,
        %get3A_1732 = arith.index_cast %add3A_1724 : i32 to index
        %get3A_1733 = arith.constant 0 : index
        %get3A_1734 = tpu.vector_load %arg10[%get3A_1732, %get3A_1733] {strides = array<i32>} : memref<128x128xf32, #tpu.memory_space<vmem>>, vector<16xf32>,
        %mul3A_1735 = arith.mulf %get3A_1734, %gather3A_1731 : vector<16xf32>
        %swap3A_1736 = arith.index_cast %add3A_1724 : i32 to index
        %swap3A_1737 = arith.constant 0 : index
        %swap3A_1738 = tpu.vector_load %arg10[%swap3A_1736, %swap3A_1737] {strides = array<i32>} : memref<128x128xf32, #tpu.memory_space<vmem>>, vector<16xf32>,
        tpu.vector_store %arg10[%swap3A_1736, %swap3A_1737], %mul3A_1735 {strides = array<i32>} : memref<128x128xf32, #tpu.memory_space<vmem>>, vector<16xf32>,
        %broadcast_in_dim3A_1739 = arith.constant 1 : i32
        %broadcast_in_dim3A_1740 = vector.broadcast %broadcast_in_dim3A_1739 : i32 to vector<16xi32>
        %broadcast_in_dim3A_1741 = arith.constant 0 : i32
        %broadcast_in_dim3A_1742 = vector.broadcast %broadcast_in_dim3A_1741 : i32 to vector<16xi32>
        %add3A_1743 = vector.broadcast %add3A_1724 : i32 to vector<16xi32>
        %add3A_1744 = arith.addi %broadcast_in_dim3A_1742, %add3A_1743 : vector<16xi32>
        %gather3A_1745 = tpu.vector_load_idx %arg11[%broadcast_in_dim3A_1740, %add3A_1744] : memref<8x128xf32, #tpu.memory_space<vmem>>[vector<16xi32>, vector<16xi32>], vector<16xf32>,
        %get3A_1746 = arith.index_cast %add3A_1724 : i32 to index
        %get3A_1747 = arith.constant 16 : index
        %get3A_1748 = tpu.vector_load %arg10[%get3A_1746, %get3A_1747] {strides = array<i32>} : memref<128x128xf32, #tpu.memory_space<vmem>>, vector<16xf32>,
        %mul3A_1749 = arith.mulf %get3A_1748, %gather3A_1745 : vector<16xf32>
        %swap3A_1750 = arith.index_cast %add3A_1724 : i32 to index
        %swap3A_1751 = arith.constant 16 : index
        %swap3A_1752 = tpu.vector_load %arg10[%swap3A_1750, %swap3A_1751] {strides = array<i32>} : memref<128x128xf32, #tpu.memory_space<vmem>>, vector<16xf32>,
        tpu.vector_store %arg10[%swap3A_1750, %swap3A_1751], %mul3A_1749 {strides = array<i32>} : memref<128x128xf32, #tpu.memory_space<vmem>>, vector<16xf32>,
        %broadcast_in_dim3A_1753 = arith.constant 2 : i32
        %broadcast_in_dim3A_1754 = vector.broadcast %broadcast_in_dim3A_1753 : i32 to vector<16xi32>
        %broadcast_in_dim3A_1755 = arith.constant 0 : i32
        %broadcast_in_dim3A_1756 = vector.broadcast %broadcast_in_dim3A_1755 : i32 to vector<16xi32>
        %add3A_1757 = vector.broadcast %add3A_1724 : i32 to vector<16xi32>
        %add3A_1758 = arith.addi %broadcast_in_dim3A_1756, %add3A_1757 : vector<16xi32>
        %gather3A_1759 = tpu.vector_load_idx %arg11[%broadcast_in_dim3A_1754, %add3A_1758] : memref<8x128xf32, #tpu.memory_space<vmem>>[vector<16xi32>, vector<16xi32>], vector<16xf32>,
        %get3A_1760 = arith.index_cast %add3A_1724 : i32 to index
        %get3A_1761 = arith.constant 32 : index
        %get3A_1762 = tpu.vector_load %arg10[%get3A_1760, %get3A_1761] {strides = array<i32>} : memref<128x128xf32, #tpu.memory_space<vmem>>, vector<16xf32>,
        %mul3A_1763 = arith.mulf %get3A_1762, %gather3A_1759 : vector<16xf32>
        %swap3A_1764 = arith.index_cast %add3A_1724 : i32 to index
        %swap3A_1765 = arith.constant 32 : index
        %swap3A_1766 = tpu.vector_load %arg10[%swap3A_1764, %swap3A_1765] {strides = array<i32>} : memref<128x128xf32, #tpu.memory_space<vmem>>, vector<16xf32>,
        tpu.vector_store %arg10[%swap3A_1764, %swap3A_1765], %mul3A_1763 {strides = array<i32>} : memref<128x128xf32, #tpu.memory_space<vmem>>, vector<16xf32>,
        %broadcast_in_dim3A_1767 = arith.constant 3 : i32
        %broadcast_in_dim3A_1768 = vector.broadcast %broadcast_in_dim3A_1767 : i32 to vector<16xi32>
        %broadcast_in_dim3A_1769 = arith.constant 0 : i32
        %broadcast_in_dim3A_1770 = vector.broadcast %broadcast_in_dim3A_1769 : i32 to vector<16xi32>
        %add3A_1771 = vector.broadcast %add3A_1724 : i32 to vector<16xi32>
        %add3A_1772 = arith.addi %broadcast_in_dim3A_1770, %add3A_1771 : vector<16xi32>
        %gather3A_1773 = tpu.vector_load_idx %arg11[%broadcast_in_dim3A_1768, %add3A_1772] : memref<8x128xf32, #tpu.memory_space<vmem>>[vector<16xi32>, vector<16xi32>], vector<16xf32>,
        %get3A_1774 = arith.index_cast %add3A_1724 : i32 to index
        %get3A_1775 = arith.constant 48 : index
        %get3A_1776 = tpu.vector_load %arg10[%get3A_1774, %get3A_1775] {strides = array<i32>} : memref<128x128xf32, #tpu.memory_space<vmem>>, vector<16xf32>,
        %mul3A_1777 = arith.mulf %get3A_1776, %gather3A_1773 : vector<16xf32>
        %swap3A_1778 = arith.index_cast %add3A_1724 : i32 to index
        %swap3A_1779 = arith.constant 48 : index
        %swap3A_1780 = tpu.vector_load %arg10[%swap3A_1778, %swap3A_1779] {strides = array<i32>} : memref<128x128xf32, #tpu.memory_space<vmem>>, vector<16xf32>,
        tpu.vector_store %arg10[%swap3A_1778, %swap3A_1779], %mul3A_1777 {strides = array<i32>} : memref<128x128xf32, #tpu.memory_space<vmem>>, vector<16xf32>,
        %broadcast_in_dim3A_1781 = arith.constant 4 : i32
        %broadcast_in_dim3A_1782 = vector.broadcast %broadcast_in_dim3A_1781 : i32 to vector<16xi32>
        %broadcast_in_dim3A_1783 = arith.constant 0 : i32
        %broadcast_in_dim3A_1784 = vector.broadcast %broadcast_in_dim3A_1783 : i32 to vector<16xi32>
        %add3A_1785 = vector.broadcast %add3A_1724 : i32 to vector<16xi32>
        %add3A_1786 = arith.addi %broadcast_in_dim3A_1784, %add3A_1785 : vector<16xi32>
        %gather3A_1787 = tpu.vector_load_idx %arg11[%broadcast_in_dim3A_1782, %add3A_1786] : memref<8x128xf32, #tpu.memory_space<vmem>>[vector<16xi32>, vector<16xi32>], vector<16xf32>,
        %get3A_1788 = arith.index_cast %add3A_1724 : i32 to index
        %get3A_1789 = arith.constant 64 : index
        %get3A_1790 = tpu.vector_load %arg10[%get3A_1788, %get3A_1789] {strides = array<i32>} : memref<128x128xf32, #tpu.memory_space<vmem>>, vector<16xf32>,
        %mul3A_1791 = arith.mulf %get3A_1790, %gather3A_1787 : vector<16xf32>
        %swap3A_1792 = arith.index_cast %add3A_1724 : i32 to index
        %swap3A_1793 = arith.constant 64 : index
        %swap3A_1794 = tpu.vector_load %arg10[%swap3A_1792, %swap3A_1793] {strides = array<i32>} : memref<128x128xf32, #tpu.memory_space<vmem>>, vector<16xf32>,
        tpu.vector_store %arg10[%swap3A_1792, %swap3A_1793], %mul3A_1791 {strides = array<i32>} : memref<128x128xf32, #tpu.memory_space<vmem>>, vector<16xf32>,
        %broadcast_in_dim3A_1795 = arith.constant 5 : i32
        %broadcast_in_dim3A_1796 = vector.broadcast %broadcast_in_dim3A_1795 : i32 to vector<16xi32>
        %broadcast_in_dim3A_1797 = arith.constant 0 : i32
        %broadcast_in_dim3A_1798 = vector.broadcast %broadcast_in_dim3A_1797 : i32 to vector<16xi32>
        %add3A_1799 = vector.broadcast %add3A_1724 : i32 to vector<16xi32>
        %add3A_1800 = arith.addi %broadcast_in_dim3A_1798, %add3A_1799 : vector<16xi32>
        %gather3A_1801 = tpu.vector_load_idx %arg11[%broadcast_in_dim3A_1796, %add3A_1800] : memref<8x128xf32, #tpu.memory_space<vmem>>[vector<16xi32>, vector<16xi32>], vector<16xf32>,
        %get3A_1802 = arith.index_cast %add3A_1724 : i32 to index
        %get3A_1803 = arith.constant 80 : index
        %get3A_1804 = tpu.vector_load %arg10[%get3A_1802, %get3A_1803] {strides = array<i32>} : memref<128x128xf32, #tpu.memory_space<vmem>>, vector<16xf32>,
        %mul3A_1805 = arith.mulf %get3A_1804, %gather3A_1801 : vector<16xf32>
        %swap3A_1806 = arith.index_cast %add3A_1724 : i32 to index
        %swap3A_1807 = arith.constant 80 : index
        %swap3A_1808 = tpu.vector_load %arg10[%swap3A_1806, %swap3A_1807] {strides = array<i32>} : memref<128x128xf32, #tpu.memory_space<vmem>>, vector<16xf32>,
        tpu.vector_store %arg10[%swap3A_1806, %swap3A_1807], %mul3A_1805 {strides = array<i32>} : memref<128x128xf32, #tpu.memory_space<vmem>>, vector<16xf32>,
        %broadcast_in_dim3A_1809 = arith.constant 6 : i32
        %broadcast_in_dim3A_1810 = vector.broadcast %broadcast_in_dim3A_1809 : i32 to vector<16xi32>
        %broadcast_in_dim3A_1811 = arith.constant 0 : i32
        %broadcast_in_dim3A_1812 = vector.broadcast %broadcast_in_dim3A_1811 : i32 to vector<16xi32>
        %add3A_1813 = vector.broadcast %add3A_1724 : i32 to vector<16xi32>
        %add3A_1814 = arith.addi %broadcast_in_dim3A_1812, %add3A_1813 : vector<16xi32>
        %gather3A_1815 = tpu.vector_load_idx %arg11[%broadcast_in_dim3A_1810, %add3A_1814] : memref<8x128xf32, #tpu.memory_space<vmem>>[vector<16xi32>, vector<16xi32>], vector<16xf32>,
        %get3A_1816 = arith.index_cast %add3A_1724 : i32 to index
        %get3A_1817 = arith.constant 96 : index
        %get3A_1818 = tpu.vector_load %arg10[%get3A_1816, %get3A_1817] {strides = array<i32>} : memref<128x128xf32, #tpu.memory_space<vmem>>, vector<16xf32>,
        %mul3A_1819 = arith.mulf %get3A_1818, %gather3A_1815 : vector<16xf32>
        %swap3A_1820 = arith.index_cast %add3A_1724 : i32 to index
        %swap3A_1821 = arith.constant 96 : index
        %swap3A_1822 = tpu.vector_load %arg10[%swap3A_1820, %swap3A_1821] {strides = array<i32>} : memref<128x128xf32, #tpu.memory_space<vmem>>, vector<16xf32>,
        tpu.vector_store %arg10[%swap3A_1820, %swap3A_1821], %mul3A_1819 {strides = array<i32>} : memref<128x128xf32, #tpu.memory_space<vmem>>, vector<16xf32>,
        %broadcast_in_dim3A_1823 = arith.constant 7 : i32
        %broadcast_in_dim3A_1824 = vector.broadcast %broadcast_in_dim3A_1823 : i32 to vector<16xi32>
        %broadcast_in_dim3A_1825 = arith.constant 0 : i32
        %broadcast_in_dim3A_1826 = vector.broadcast %broadcast_in_dim3A_1825 : i32 to vector<16xi32>
        %add3A_1827 = vector.broadcast %add3A_1724 : i32 to vector<16xi32>
        %add3A_1828 = arith.addi %broadcast_in_dim3A_1826, %add3A_1827 : vector<16xi32>
        %gather3A_1829 = tpu.vector_load_idx %arg11[%broadcast_in_dim3A_1824, %add3A_1828] : memref<8x128xf32, #tpu.memory_space<vmem>>[vector<16xi32>, vector<16xi32>], vector<16xf32>,
        %get3A_1830 = arith.index_cast %add3A_1724 : i32 to index
        %get3A_1831 = arith.constant 112 : index
        %get3A_1832 = tpu.vector_load %arg10[%get3A_1830, %get3A_1831] {strides = array<i32>} : memref<128x128xf32, #tpu.memory_space<vmem>>, vector<16xf32>,
        %mul3A_1833 = arith.mulf %get3A_1832, %gather3A_1829 : vector<16xf32>
        %swap3A_1834 = arith.index_cast %add3A_1724 : i32 to index
        %swap3A_1835 = arith.constant 112 : index
        %swap3A_1836 = tpu.vector_load %arg10[%swap3A_1834, %swap3A_1835] {strides = array<i32>} : memref<128x128xf32, #tpu.memory_space<vmem>>, vector<16xf32>,
        tpu.vector_store %arg10[%swap3A_1834, %swap3A_1835], %mul3A_1833 {strides = array<i32>} : memref<128x128xf32, #tpu.memory_space<vmem>>, vector<16xf32>,
        %mul3A_1837 = arith.constant 16 : i32
        %mul3A_1838 = arith.muli %scan3A_100, %mul3A_1837 : i32
        %add3A_1839 = arith.constant 15 : i32
        %add3A_1840 = arith.addi %mul3A_1838, %add3A_1839 : i32
        %broadcast_in_dim3A_1841 = arith.constant 0 : i32
        %broadcast_in_dim3A_1842 = vector.broadcast %broadcast_in_dim3A_1841 : i32 to vector<16xi32>
        %broadcast_in_dim3A_1843 = arith.constant 0 : i32
        %broadcast_in_dim3A_1844 = vector.broadcast %broadcast_in_dim3A_1843 : i32 to vector<16xi32>
        %add3A_1845 = vector.broadcast %add3A_1840 : i32 to vector<16xi32>
        %add3A_1846 = arith.addi %broadcast_in_dim3A_1844, %add3A_1845 : vector<16xi32>
        %gather3A_1847 = tpu.vector_load_idx %arg11[%broadcast_in_dim3A_1842, %add3A_1846] : memref<8x128xf32, #tpu.memory_space<vmem>>[vector<16xi32>, vector<16xi32>], vector<16xf32>,
        %get3A_1848 = arith.index_cast %add3A_1840 : i32 to index
        %get3A_1849 = arith.constant 0 : index
        %get3A_1850 = tpu.vector_load %arg10[%get3A_1848, %get3A_1849] {strides = array<i32>} : memref<128x128xf32, #tpu.memory_space<vmem>>, vector<16xf32>,
        %mul3A_1851 = arith.mulf %get3A_1850, %gather3A_1847 : vector<16xf32>
        %swap3A_1852 = arith.index_cast %add3A_1840 : i32 to index
        %swap3A_1853 = arith.constant 0 : index
        %swap3A_1854 = tpu.vector_load %arg10[%swap3A_1852, %swap3A_1853] {strides = array<i32>} : memref<128x128xf32, #tpu.memory_space<vmem>>, vector<16xf32>,
        tpu.vector_store %arg10[%swap3A_1852, %swap3A_1853], %mul3A_1851 {strides = array<i32>} : memref<128x128xf32, #tpu.memory_space<vmem>>, vector<16xf32>,
        %broadcast_in_dim3A_1855 = arith.constant 1 : i32
        %broadcast_in_dim3A_1856 = vector.broadcast %broadcast_in_dim3A_1855 : i32 to vector<16xi32>
        %broadcast_in_dim3A_1857 = arith.constant 0 : i32
        %broadcast_in_dim3A_1858 = vector.broadcast %broadcast_in_dim3A_1857 : i32 to vector<16xi32>
        %add3A_1859 = vector.broadcast %add3A_1840 : i32 to vector<16xi32>
        %add3A_1860 = arith.addi %broadcast_in_dim3A_1858, %add3A_1859 : vector<16xi32>
        %gather3A_1861 = tpu.vector_load_idx %arg11[%broadcast_in_dim3A_1856, %add3A_1860] : memref<8x128xf32, #tpu.memory_space<vmem>>[vector<16xi32>, vector<16xi32>], vector<16xf32>,
        %get3A_1862 = arith.index_cast %add3A_1840 : i32 to index
        %get3A_1863 = arith.constant 16 : index
        %get3A_1864 = tpu.vector_load %arg10[%get3A_1862, %get3A_1863] {strides = array<i32>} : memref<128x128xf32, #tpu.memory_space<vmem>>, vector<16xf32>,
        %mul3A_1865 = arith.mulf %get3A_1864, %gather3A_1861 : vector<16xf32>
        %swap3A_1866 = arith.index_cast %add3A_1840 : i32 to index
        %swap3A_1867 = arith.constant 16 : index
        %swap3A_1868 = tpu.vector_load %arg10[%swap3A_1866, %swap3A_1867] {strides = array<i32>} : memref<128x128xf32, #tpu.memory_space<vmem>>, vector<16xf32>,
        tpu.vector_store %arg10[%swap3A_1866, %swap3A_1867], %mul3A_1865 {strides = array<i32>} : memref<128x128xf32, #tpu.memory_space<vmem>>, vector<16xf32>,
        %broadcast_in_dim3A_1869 = arith.constant 2 : i32
        %broadcast_in_dim3A_1870 = vector.broadcast %broadcast_in_dim3A_1869 : i32 to vector<16xi32>
        %broadcast_in_dim3A_1871 = arith.constant 0 : i32
        %broadcast_in_dim3A_1872 = vector.broadcast %broadcast_in_dim3A_1871 : i32 to vector<16xi32>
        %add3A_1873 = vector.broadcast %add3A_1840 : i32 to vector<16xi32>
        %add3A_1874 = arith.addi %broadcast_in_dim3A_1872, %add3A_1873 : vector<16xi32>
        %gather3A_1875 = tpu.vector_load_idx %arg11[%broadcast_in_dim3A_1870, %add3A_1874] : memref<8x128xf32, #tpu.memory_space<vmem>>[vector<16xi32>, vector<16xi32>], vector<16xf32>,
        %get3A_1876 = arith.index_cast %add3A_1840 : i32 to index
        %get3A_1877 = arith.constant 32 : index
        %get3A_1878 = tpu.vector_load %arg10[%get3A_1876, %get3A_1877] {strides = array<i32>} : memref<128x128xf32, #tpu.memory_space<vmem>>, vector<16xf32>,
        %mul3A_1879 = arith.mulf %get3A_1878, %gather3A_1875 : vector<16xf32>
        %swap3A_1880 = arith.index_cast %add3A_1840 : i32 to index
        %swap3A_1881 = arith.constant 32 : index
        %swap3A_1882 = tpu.vector_load %arg10[%swap3A_1880, %swap3A_1881] {strides = array<i32>} : memref<128x128xf32, #tpu.memory_space<vmem>>, vector<16xf32>,
        tpu.vector_store %arg10[%swap3A_1880, %swap3A_1881], %mul3A_1879 {strides = array<i32>} : memref<128x128xf32, #tpu.memory_space<vmem>>, vector<16xf32>,
        %broadcast_in_dim3A_1883 = arith.constant 3 : i32
        %broadcast_in_dim3A_1884 = vector.broadcast %broadcast_in_dim3A_1883 : i32 to vector<16xi32>
        %broadcast_in_dim3A_1885 = arith.constant 0 : i32
        %broadcast_in_dim3A_1886 = vector.broadcast %broadcast_in_dim3A_1885 : i32 to vector<16xi32>
        %add3A_1887 = vector.broadcast %add3A_1840 : i32 to vector<16xi32>
        %add3A_1888 = arith.addi %broadcast_in_dim3A_1886, %add3A_1887 : vector<16xi32>
        %gather3A_1889 = tpu.vector_load_idx %arg11[%broadcast_in_dim3A_1884, %add3A_1888] : memref<8x128xf32, #tpu.memory_space<vmem>>[vector<16xi32>, vector<16xi32>], vector<16xf32>,
        %get3A_1890 = arith.index_cast %add3A_1840 : i32 to index
        %get3A_1891 = arith.constant 48 : index
        %get3A_1892 = tpu.vector_load %arg10[%get3A_1890, %get3A_1891] {strides = array<i32>} : memref<128x128xf32, #tpu.memory_space<vmem>>, vector<16xf32>,
        %mul3A_1893 = arith.mulf %get3A_1892, %gather3A_1889 : vector<16xf32>
        %swap3A_1894 = arith.index_cast %add3A_1840 : i32 to index
        %swap3A_1895 = arith.constant 48 : index
        %swap3A_1896 = tpu.vector_load %arg10[%swap3A_1894, %swap3A_1895] {strides = array<i32>} : memref<128x128xf32, #tpu.memory_space<vmem>>, vector<16xf32>,
        tpu.vector_store %arg10[%swap3A_1894, %swap3A_1895], %mul3A_1893 {strides = array<i32>} : memref<128x128xf32, #tpu.memory_space<vmem>>, vector<16xf32>,
        %broadcast_in_dim3A_1897 = arith.constant 4 : i32
        %broadcast_in_dim3A_1898 = vector.broadcast %broadcast_in_dim3A_1897 : i32 to vector<16xi32>
        %broadcast_in_dim3A_1899 = arith.constant 0 : i32
        %broadcast_in_dim3A_1900 = vector.broadcast %broadcast_in_dim3A_1899 : i32 to vector<16xi32>
        %add3A_1901 = vector.broadcast %add3A_1840 : i32 to vector<16xi32>
        %add3A_1902 = arith.addi %broadcast_in_dim3A_1900, %add3A_1901 : vector<16xi32>
        %gather3A_1903 = tpu.vector_load_idx %arg11[%broadcast_in_dim3A_1898, %add3A_1902] : memref<8x128xf32, #tpu.memory_space<vmem>>[vector<16xi32>, vector<16xi32>], vector<16xf32>,
        %get3A_1904 = arith.index_cast %add3A_1840 : i32 to index
        %get3A_1905 = arith.constant 64 : index
        %get3A_1906 = tpu.vector_load %arg10[%get3A_1904, %get3A_1905] {strides = array<i32>} : memref<128x128xf32, #tpu.memory_space<vmem>>, vector<16xf32>,
        %mul3A_1907 = arith.mulf %get3A_1906, %gather3A_1903 : vector<16xf32>
        %swap3A_1908 = arith.index_cast %add3A_1840 : i32 to index
        %swap3A_1909 = arith.constant 64 : index
        %swap3A_1910 = tpu.vector_load %arg10[%swap3A_1908, %swap3A_1909] {strides = array<i32>} : memref<128x128xf32, #tpu.memory_space<vmem>>, vector<16xf32>,
        tpu.vector_store %arg10[%swap3A_1908, %swap3A_1909], %mul3A_1907 {strides = array<i32>} : memref<128x128xf32, #tpu.memory_space<vmem>>, vector<16xf32>,
        %broadcast_in_dim3A_1911 = arith.constant 5 : i32
        %broadcast_in_dim3A_1912 = vector.broadcast %broadcast_in_dim3A_1911 : i32 to vector<16xi32>
        %broadcast_in_dim3A_1913 = arith.constant 0 : i32
        %broadcast_in_dim3A_1914 = vector.broadcast %broadcast_in_dim3A_1913 : i32 to vector<16xi32>
        %add3A_1915 = vector.broadcast %add3A_1840 : i32 to vector<16xi32>
        %add3A_1916 = arith.addi %broadcast_in_dim3A_1914, %add3A_1915 : vector<16xi32>
        %gather3A_1917 = tpu.vector_load_idx %arg11[%broadcast_in_dim3A_1912, %add3A_1916] : memref<8x128xf32, #tpu.memory_space<vmem>>[vector<16xi32>, vector<16xi32>], vector<16xf32>,
        %get3A_1918 = arith.index_cast %add3A_1840 : i32 to index
        %get3A_1919 = arith.constant 80 : index
        %get3A_1920 = tpu.vector_load %arg10[%get3A_1918, %get3A_1919] {strides = array<i32>} : memref<128x128xf32, #tpu.memory_space<vmem>>, vector<16xf32>,
        %mul3A_1921 = arith.mulf %get3A_1920, %gather3A_1917 : vector<16xf32>
        %swap3A_1922 = arith.index_cast %add3A_1840 : i32 to index
        %swap3A_1923 = arith.constant 80 : index
        %swap3A_1924 = tpu.vector_load %arg10[%swap3A_1922, %swap3A_1923] {strides = array<i32>} : memref<128x128xf32, #tpu.memory_space<vmem>>, vector<16xf32>,
        tpu.vector_store %arg10[%swap3A_1922, %swap3A_1923], %mul3A_1921 {strides = array<i32>} : memref<128x128xf32, #tpu.memory_space<vmem>>, vector<16xf32>,
        %broadcast_in_dim3A_1925 = arith.constant 6 : i32
        %broadcast_in_dim3A_1926 = vector.broadcast %broadcast_in_dim3A_1925 : i32 to vector<16xi32>
        %broadcast_in_dim3A_1927 = arith.constant 0 : i32
        %broadcast_in_dim3A_1928 = vector.broadcast %broadcast_in_dim3A_1927 : i32 to vector<16xi32>
        %add3A_1929 = vector.broadcast %add3A_1840 : i32 to vector<16xi32>
        %add3A_1930 = arith.addi %broadcast_in_dim3A_1928, %add3A_1929 : vector<16xi32>
        %gather3A_1931 = tpu.vector_load_idx %arg11[%broadcast_in_dim3A_1926, %add3A_1930] : memref<8x128xf32, #tpu.memory_space<vmem>>[vector<16xi32>, vector<16xi32>], vector<16xf32>,
        %get3A_1932 = arith.index_cast %add3A_1840 : i32 to index
        %get3A_1933 = arith.constant 96 : index
        %get3A_1934 = tpu.vector_load %arg10[%get3A_1932, %get3A_1933] {strides = array<i32>} : memref<128x128xf32, #tpu.memory_space<vmem>>, vector<16xf32>,
        %mul3A_1935 = arith.mulf %get3A_1934, %gather3A_1931 : vector<16xf32>
        %swap3A_1936 = arith.index_cast %add3A_1840 : i32 to index
        %swap3A_1937 = arith.constant 96 : index
        %swap3A_1938 = tpu.vector_load %arg10[%swap3A_1936, %swap3A_1937] {strides = array<i32>} : memref<128x128xf32, #tpu.memory_space<vmem>>, vector<16xf32>,
        tpu.vector_store %arg10[%swap3A_1936, %swap3A_1937], %mul3A_1935 {strides = array<i32>} : memref<128x128xf32, #tpu.memory_space<vmem>>, vector<16xf32>,
        %broadcast_in_dim3A_1939 = arith.constant 7 : i32
        %broadcast_in_dim3A_1940 = vector.broadcast %broadcast_in_dim3A_1939 : i32 to vector<16xi32>
        %broadcast_in_dim3A_1941 = arith.constant 0 : i32
        %broadcast_in_dim3A_1942 = vector.broadcast %broadcast_in_dim3A_1941 : i32 to vector<16xi32>
        %add3A_1943 = vector.broadcast %add3A_1840 : i32 to vector<16xi32>
        %add3A_1944 = arith.addi %broadcast_in_dim3A_1942, %add3A_1943 : vector<16xi32>
        %gather3A_1945 = tpu.vector_load_idx %arg11[%broadcast_in_dim3A_1940, %add3A_1944] : memref<8x128xf32, #tpu.memory_space<vmem>>[vector<16xi32>, vector<16xi32>], vector<16xf32>,
        %get3A_1946 = arith.index_cast %add3A_1840 : i32 to index
        %get3A_1947 = arith.constant 112 : index
        %get3A_1948 = tpu.vector_load %arg10[%get3A_1946, %get3A_1947] {strides = array<i32>} : memref<128x128xf32, #tpu.memory_space<vmem>>, vector<16xf32>,
        %mul3A_1949 = arith.mulf %get3A_1948, %gather3A_1945 : vector<16xf32>
        %swap3A_1950 = arith.index_cast %add3A_1840 : i32 to index
        %swap3A_1951 = arith.constant 112 : index
        %swap3A_1952 = tpu.vector_load %arg10[%swap3A_1950, %swap3A_1951] {strides = array<i32>} : memref<128x128xf32, #tpu.memory_space<vmem>>, vector<16xf32>,
        tpu.vector_store %arg10[%swap3A_1950, %swap3A_1951], %mul3A_1949 {strides = array<i32>} : memref<128x128xf32, #tpu.memory_space<vmem>>, vector<16xf32>,
      }
      %scan3A_98 = arith.constant 8 : i32
      %run_scoped3A_99 = arith.constant 0 : i32
      "tpu.region"() ({
        %run_scoped3A_100 = tpu.sem_alloc : memref<!tpu.dma_semaphore, #tpu.memory_space<semaphore_mem>>
        %dma_start3A_101 = arith.constant 0 : i32
        %dma_start3A_102 = tpu.memref_slice %arg8[%run_scoped3A_99, %dma_start3A_101] : memref<1x128xi32, #tpu.memory_space<vmem>> -> memref<1x128xi32, #tpu.memory_space<vmem>>
        %dma_start3A_103 = tpu.memref_squeeze %dma_start3A_102 : memref<1x128xi32, #tpu.memory_space<vmem>> -> memref<128xi32, #tpu.memory_space<vmem>>
        %dma_start3A_104 = arith.constant 0 : i32
        %dma_start3A_105 = arith.constant 0 : i32
        %dma_start3A_106 = tpu.memref_slice %arg12[%dma_start3A_104, %dma_start3A_105] : memref<10240x128xf32, #tpu.memory_space<vmem_shared>> -> memref<10240x128xf32, #tpu.memory_space<vmem_shared>>
        tpu.enqueue_indirect_dma source(%arg10 : memref<128x128xf32, #tpu.memory_space<vmem>>) target(%dma_start3A_106 : memref<10240x128xf32, #tpu.memory_space<vmem_shared>>) offsets(%dma_start3A_103 : memref<128xi32, #tpu.memory_space<vmem>>) semaphore(%run_scoped3A_100 : memref<!tpu.dma_semaphore, #tpu.memory_space<semaphore_mem>>) {add = true}
        %dma_wait3A_107 = arith.constant 0 : i32
        %dma_wait3A_108 = tpu.memref_slice %arg8[%run_scoped3A_99, %dma_wait3A_107] : memref<1x128xi32, #tpu.memory_space<vmem>> -> memref<1x128xi32, #tpu.memory_space<vmem>>
        %dma_wait3A_109 = tpu.memref_squeeze %dma_wait3A_108 : memref<1x128xi32, #tpu.memory_space<vmem>> -> memref<128xi32, #tpu.memory_space<vmem>>
        %dma_wait3A_110 = arith.constant 0 : i32
        %dma_wait3A_111 = arith.constant 0 : i32
        %dma_wait3A_112 = tpu.memref_slice %arg12[%dma_wait3A_110, %dma_wait3A_111] : memref<10240x128xf32, #tpu.memory_space<vmem_shared>> -> memref<10240x128xf32, #tpu.memory_space<vmem_shared>>
        tpu.wait_indirect_dma semaphore(%run_scoped3A_100 : memref<!tpu.dma_semaphore, #tpu.memory_space<semaphore_mem>>) src(%arg10 : memref<128x128xf32, #tpu.memory_space<vmem>>) dst(%dma_wait3A_112 : memref<10240x128xf32, #tpu.memory_space<vmem_shared>>)
        tpu.yield
      }) : () -> ()
    }
    %scan3A_45 = arith.constant 80 : i32
    %barrier3A_46 = arith.constant 0 : index
    tpu.barrier barrier_id(%barrier3A_46)
    %scan3A_47 = arith.constant 0 : i32
    %scan3A_48 = arith.constant 0 : i32
    %scan3A_49 = arith.constant 8 : i32
    %scan3A_50 = arith.addi %scan3A_48, %scan3A_49 : i32
    %scan3A_51 = arith.constant 1 : i32
    scf.for %scan3A_82 = %scan3A_48 to %scan3A_50 step %scan3A_51  : i32 {
      %mul3A_83 = arith.constant 640 : i32
      %mul3A_84 = arith.muli %arg1, %mul3A_83 : i32
      %add3A_85 = arith.constant 0 : i32
      %add3A_86 = arith.addi %mul3A_84, %add3A_85 : i32
      %mul3A_87 = arith.constant 16 : i32
      %mul3A_88 = arith.muli %scan3A_82, %mul3A_87 : i32
      %add3A_89 = arith.addi %add3A_86, %mul3A_88 : i32
      %iota3A = tpu.iota {dimensions = array<i32: 0>} : vector<16xi32>
      %add3A_90 = vector.broadcast %add3A_89 : i32 to vector<16xi32>
      %add3A_91 = arith.addi %add3A_90, %iota3A : vector<16xi32>
      %mul3A_92 = arith.constant 16 : i32
      %mul3A_93 = arith.muli %scan3A_82, %mul3A_92 : i32
      %swap3A = arith.constant 0 : i32
      %swap3A_94 = arith.index_cast %swap3A : i32 to index
      %swap3A_95 = arith.index_cast %mul3A_93 : i32 to index
      %swap3A_96 = tpu.vector_load %arg9[%swap3A_94, %swap3A_95] {strides = array<i32>} : memref<1x128xi32, #tpu.memory_space<vmem>>, vector<16xi32>,
      tpu.vector_store %arg9[%swap3A_94, %swap3A_95], %add3A_91 {strides = array<i32>} : memref<1x128xi32, #tpu.memory_space<vmem>>, vector<16xi32>,
    }
    %scan3A_52 = arith.constant 8 : i32
    %run_scoped3A_53 = arith.constant 0 : i32
    "tpu.region"() ({
      %run_scoped3A_82 = tpu.sem_alloc : memref<!tpu.dma_semaphore, #tpu.memory_space<semaphore_mem>>
      %dma_start3A = arith.constant 0 : i32
      %dma_start3A_83 = tpu.memref_slice %arg9[%run_scoped3A_53, %dma_start3A] : memref<1x128xi32, #tpu.memory_space<vmem>> -> memref<1x128xi32, #tpu.memory_space<vmem>>
      %dma_start3A_84 = tpu.memref_squeeze %dma_start3A_83 : memref<1x128xi32, #tpu.memory_space<vmem>> -> memref<128xi32, #tpu.memory_space<vmem>>
      %dma_start3A_85 = arith.constant 0 : i32
      %dma_start3A_86 = arith.constant 0 : i32
      %dma_start3A_87 = tpu.memref_slice %arg12[%dma_start3A_85, %dma_start3A_86] : memref<10240x128xf32, #tpu.memory_space<vmem_shared>> -> memref<10240x128xf32, #tpu.memory_space<vmem_shared>>
      tpu.enqueue_indirect_dma source(%dma_start3A_87 : memref<10240x128xf32, #tpu.memory_space<vmem_shared>>) target(%arg10 : memref<128x128xf32, #tpu.memory_space<vmem>>) offsets(%dma_start3A_84 : memref<128xi32, #tpu.memory_space<vmem>>) semaphore(%run_scoped3A_82 : memref<!tpu.dma_semaphore, #tpu.memory_space<semaphore_mem>>)
      %dma_wait3A = arith.constant 0 : i32
      %dma_wait3A_88 = tpu.memref_slice %arg9[%run_scoped3A_53, %dma_wait3A] : memref<1x128xi32, #tpu.memory_space<vmem>> -> memref<1x128xi32, #tpu.memory_space<vmem>>
      %dma_wait3A_89 = tpu.memref_squeeze %dma_wait3A_88 : memref<1x128xi32, #tpu.memory_space<vmem>> -> memref<128xi32, #tpu.memory_space<vmem>>
      %dma_wait3A_90 = arith.constant 0 : i32
      %dma_wait3A_91 = arith.constant 0 : i32
      %dma_wait3A_92 = tpu.memref_slice %arg12[%dma_wait3A_90, %dma_wait3A_91] : memref<10240x128xf32, #tpu.memory_space<vmem_shared>> -> memref<10240x128xf32, #tpu.memory_space<vmem_shared>>
      tpu.wait_indirect_dma semaphore(%run_scoped3A_82 : memref<!tpu.dma_semaphore, #tpu.memory_space<semaphore_mem>>) src(%dma_wait3A_92 : memref<10240x128xf32, #tpu.memory_space<vmem_shared>>) dst(%arg10 : memref<128x128xf32, #tpu.memory_space<vmem>>)
      tpu.yield
    }) : () -> ()
    "tpu.region"() ({
      %run_scoped3A_82 = tpu.sem_alloc : memref<!tpu.dma_semaphore, #tpu.memory_space<semaphore_mem>>
      %dma_start3A = arith.constant 0 : i32
      %dma_start3A_83 = arith.constant 0 : i32
      %dma_start3A_84 = tpu.memref_slice %arg6[%arg0, %arg1, %dma_start3A, %dma_start3A_83] : memref<2x16x640x128xf32, #tpu.memory_space<hbm>> -> memref<1x1x128x128xf32, #tpu.memory_space<hbm>>
      %dma_start3A_85 = tpu.memref_squeeze %dma_start3A_84 : memref<1x1x128x128xf32, #tpu.memory_space<hbm>> -> memref<128x128xf32, #tpu.memory_space<hbm>>
      %dma_start3A_86 = arith.constant 0 : i32
      %dma_start3A_87 = arith.constant 0 : i32
      %dma_start3A_88 = tpu.memref_slice %arg6[%arg0, %arg1, %dma_start3A_86, %dma_start3A_87] : memref<2x16x640x128xf32, #tpu.memory_space<hbm>> -> memref<1x1x128x128xf32, #tpu.memory_space<hbm>>
      %dma_start3A_89 = tpu.memref_squeeze %dma_start3A_88 : memref<1x1x128x128xf32, #tpu.memory_space<hbm>> -> memref<128x128xf32, #tpu.memory_space<hbm>>
      tpu.enqueue_dma source(%arg10 : memref<128x128xf32, #tpu.memory_space<vmem>>) target(%dma_start3A_89 : memref<128x128xf32, #tpu.memory_space<hbm>>) target_semaphore(%run_scoped3A_82 : memref<!tpu.dma_semaphore, #tpu.memory_space<semaphore_mem>>)
      %dma_wait3A = arith.constant 0 : i32
      %dma_wait3A_90 = arith.constant 0 : i32
      %dma_wait3A_91 = tpu.memref_slice %arg6[%arg0, %arg1, %dma_wait3A, %dma_wait3A_90] : memref<2x16x640x128xf32, #tpu.memory_space<hbm>> -> memref<1x1x128x128xf32, #tpu.memory_space<hbm>>
      %dma_wait3A_92 = tpu.memref_squeeze %dma_wait3A_91 : memref<1x1x128x128xf32, #tpu.memory_space<hbm>> -> memref<128x128xf32, #tpu.memory_space<hbm>>
      %dma_wait3A_93 = arith.constant 0 : i32
      %dma_wait3A_94 = arith.constant 0 : i32
      %dma_wait3A_95 = tpu.memref_slice %arg6[%arg0, %arg1, %dma_wait3A_93, %dma_wait3A_94] : memref<2x16x640x128xf32, #tpu.memory_space<hbm>> -> memref<1x1x128x128xf32, #tpu.memory_space<hbm>>
      %dma_wait3A_96 = tpu.memref_squeeze %dma_wait3A_95 : memref<1x1x128x128xf32, #tpu.memory_space<hbm>> -> memref<128x128xf32, #tpu.memory_space<hbm>>
      tpu.wait_dma2 semaphore(%run_scoped3A_82 : memref<!tpu.dma_semaphore, #tpu.memory_space<semaphore_mem>>) src(%arg10 : memref<128x128xf32, #tpu.memory_space<vmem>>) dst(%dma_wait3A_96 : memref<128x128xf32, #tpu.memory_space<hbm>>)
      tpu.yield
    }) : () -> ()
    %scan3A_54 = arith.constant 0 : i32
    %scan3A_55 = arith.constant 0 : i32
    %scan3A_56 = arith.constant 8 : i32
    %scan3A_57 = arith.addi %scan3A_55, %scan3A_56 : i32
    %scan3A_58 = arith.constant 1 : i32
    scf.for %scan3A_82 = %scan3A_55 to %scan3A_57 step %scan3A_58  : i32 {
      %mul3A_83 = arith.constant 640 : i32
      %mul3A_84 = arith.muli %arg1, %mul3A_83 : i32
      %add3A_85 = arith.constant 128 : i32
      %add3A_86 = arith.addi %mul3A_84, %add3A_85 : i32
      %mul3A_87 = arith.constant 16 : i32
      %mul3A_88 = arith.muli %scan3A_82, %mul3A_87 : i32
      %add3A_89 = arith.addi %add3A_86, %mul3A_88 : i32
      %iota3A = tpu.iota {dimensions = array<i32: 0>} : vector<16xi32>
      %add3A_90 = vector.broadcast %add3A_89 : i32 to vector<16xi32>
      %add3A_91 = arith.addi %add3A_90, %iota3A : vector<16xi32>
      %mul3A_92 = arith.constant 16 : i32
      %mul3A_93 = arith.muli %scan3A_82, %mul3A_92 : i32
      %swap3A = arith.constant 0 : i32
      %swap3A_94 = arith.index_cast %swap3A : i32 to index
      %swap3A_95 = arith.index_cast %mul3A_93 : i32 to index
      %swap3A_96 = tpu.vector_load %arg9[%swap3A_94, %swap3A_95] {strides = array<i32>} : memref<1x128xi32, #tpu.memory_space<vmem>>, vector<16xi32>,
      tpu.vector_store %arg9[%swap3A_94, %swap3A_95], %add3A_91 {strides = array<i32>} : memref<1x128xi32, #tpu.memory_space<vmem>>, vector<16xi32>,
    }
    %scan3A_59 = arith.constant 8 : i32
    %run_scoped3A_60 = arith.constant 0 : i32
    "tpu.region"() ({
      %run_scoped3A_82 = tpu.sem_alloc : memref<!tpu.dma_semaphore, #tpu.memory_space<semaphore_mem>>
      %dma_start3A = arith.constant 0 : i32
      %dma_start3A_83 = tpu.memref_slice %arg9[%run_scoped3A_60, %dma_start3A] : memref<1x128xi32, #tpu.memory_space<vmem>> -> memref<1x128xi32, #tpu.memory_space<vmem>>
      %dma_start3A_84 = tpu.memref_squeeze %dma_start3A_83 : memref<1x128xi32, #tpu.memory_space<vmem>> -> memref<128xi32, #tpu.memory_space<vmem>>
      %dma_start3A_85 = arith.constant 0 : i32
      %dma_start3A_86 = arith.constant 0 : i32
      %dma_start3A_87 = tpu.memref_slice %arg12[%dma_start3A_85, %dma_start3A_86] : memref<10240x128xf32, #tpu.memory_space<vmem_shared>> -> memref<10240x128xf32, #tpu.memory_space<vmem_shared>>
      tpu.enqueue_indirect_dma source(%dma_start3A_87 : memref<10240x128xf32, #tpu.memory_space<vmem_shared>>) target(%arg10 : memref<128x128xf32, #tpu.memory_space<vmem>>) offsets(%dma_start3A_84 : memref<128xi32, #tpu.memory_space<vmem>>) semaphore(%run_scoped3A_82 : memref<!tpu.dma_semaphore, #tpu.memory_space<semaphore_mem>>)
      %dma_wait3A = arith.constant 0 : i32
      %dma_wait3A_88 = tpu.memref_slice %arg9[%run_scoped3A_60, %dma_wait3A] : memref<1x128xi32, #tpu.memory_space<vmem>> -> memref<1x128xi32, #tpu.memory_space<vmem>>
      %dma_wait3A_89 = tpu.memref_squeeze %dma_wait3A_88 : memref<1x128xi32, #tpu.memory_space<vmem>> -> memref<128xi32, #tpu.memory_space<vmem>>
      %dma_wait3A_90 = arith.constant 0 : i32
      %dma_wait3A_91 = arith.constant 0 : i32
      %dma_wait3A_92 = tpu.memref_slice %arg12[%dma_wait3A_90, %dma_wait3A_91] : memref<10240x128xf32, #tpu.memory_space<vmem_shared>> -> memref<10240x128xf32, #tpu.memory_space<vmem_shared>>
      tpu.wait_indirect_dma semaphore(%run_scoped3A_82 : memref<!tpu.dma_semaphore, #tpu.memory_space<semaphore_mem>>) src(%dma_wait3A_92 : memref<10240x128xf32, #tpu.memory_space<vmem_shared>>) dst(%arg10 : memref<128x128xf32, #tpu.memory_space<vmem>>)
      tpu.yield
    }) : () -> ()
    "tpu.region"() ({
      %run_scoped3A_82 = tpu.sem_alloc : memref<!tpu.dma_semaphore, #tpu.memory_space<semaphore_mem>>
      %dma_start3A = arith.constant 128 : i32
      %dma_start3A_83 = arith.constant 0 : i32
      %dma_start3A_84 = tpu.memref_slice %arg6[%arg0, %arg1, %dma_start3A, %dma_start3A_83] : memref<2x16x640x128xf32, #tpu.memory_space<hbm>> -> memref<1x1x128x128xf32, #tpu.memory_space<hbm>>
      %dma_start3A_85 = tpu.memref_squeeze %dma_start3A_84 : memref<1x1x128x128xf32, #tpu.memory_space<hbm>> -> memref<128x128xf32, #tpu.memory_space<hbm>>
      %dma_start3A_86 = arith.constant 128 : i32
      %dma_start3A_87 = arith.constant 0 : i32
      %dma_start3A_88 = tpu.memref_slice %arg6[%arg0, %arg1, %dma_start3A_86, %dma_start3A_87] : memref<2x16x640x128xf32, #tpu.memory_space<hbm>> -> memref<1x1x128x128xf32, #tpu.memory_space<hbm>>
      %dma_start3A_89 = tpu.memref_squeeze %dma_start3A_88 : memref<1x1x128x128xf32, #tpu.memory_space<hbm>> -> memref<128x128xf32, #tpu.memory_space<hbm>>
      tpu.enqueue_dma source(%arg10 : memref<128x128xf32, #tpu.memory_space<vmem>>) target(%dma_start3A_89 : memref<128x128xf32, #tpu.memory_space<hbm>>) target_semaphore(%run_scoped3A_82 : memref<!tpu.dma_semaphore, #tpu.memory_space<semaphore_mem>>)
      %dma_wait3A = arith.constant 128 : i32
      %dma_wait3A_90 = arith.constant 0 : i32
      %dma_wait3A_91 = tpu.memref_slice %arg6[%arg0, %arg1, %dma_wait3A, %dma_wait3A_90] : memref<2x16x640x128xf32, #tpu.memory_space<hbm>> -> memref<1x1x128x128xf32, #tpu.memory_space<hbm>>
      %dma_wait3A_92 = tpu.memref_squeeze %dma_wait3A_91 : memref<1x1x128x128xf32, #tpu.memory_space<hbm>> -> memref<128x128xf32, #tpu.memory_space<hbm>>
      %dma_wait3A_93 = arith.constant 128 : i32
      %dma_wait3A_94 = arith.constant 0 : i32
      %dma_wait3A_95 = tpu.memref_slice %arg6[%arg0, %arg1, %dma_wait3A_93, %dma_wait3A_94] : memref<2x16x640x128xf32, #tpu.memory_space<hbm>> -> memref<1x1x128x128xf32, #tpu.memory_space<hbm>>
      %dma_wait3A_96 = tpu.memref_squeeze %dma_wait3A_95 : memref<1x1x128x128xf32, #tpu.memory_space<hbm>> -> memref<128x128xf32, #tpu.memory_space<hbm>>
      tpu.wait_dma2 semaphore(%run_scoped3A_82 : memref<!tpu.dma_semaphore, #tpu.memory_space<semaphore_mem>>) src(%arg10 : memref<128x128xf32, #tpu.memory_space<vmem>>) dst(%dma_wait3A_96 : memref<128x128xf32, #tpu.memory_space<hbm>>)
      tpu.yield
    }) : () -> ()
    %scan3A_61 = arith.constant 0 : i32
    %scan3A_62 = arith.constant 0 : i32
    %scan3A_63 = arith.constant 8 : i32
    %scan3A_64 = arith.addi %scan3A_62, %scan3A_63 : i32
    %scan3A_65 = arith.constant 1 : i32
    scf.for %scan3A_82 = %scan3A_62 to %scan3A_64 step %scan3A_65  : i32 {
      %mul3A_83 = arith.constant 640 : i32
      %mul3A_84 = arith.muli %arg1, %mul3A_83 : i32
      %add3A_85 = arith.constant 256 : i32
      %add3A_86 = arith.addi %mul3A_84, %add3A_85 : i32
      %mul3A_87 = arith.constant 16 : i32
      %mul3A_88 = arith.muli %scan3A_82, %mul3A_87 : i32
      %add3A_89 = arith.addi %add3A_86, %mul3A_88 : i32
      %iota3A = tpu.iota {dimensions = array<i32: 0>} : vector<16xi32>
      %add3A_90 = vector.broadcast %add3A_89 : i32 to vector<16xi32>
      %add3A_91 = arith.addi %add3A_90, %iota3A : vector<16xi32>
      %mul3A_92 = arith.constant 16 : i32
      %mul3A_93 = arith.muli %scan3A_82, %mul3A_92 : i32
      %swap3A = arith.constant 0 : i32
      %swap3A_94 = arith.index_cast %swap3A : i32 to index
      %swap3A_95 = arith.index_cast %mul3A_93 : i32 to index
      %swap3A_96 = tpu.vector_load %arg9[%swap3A_94, %swap3A_95] {strides = array<i32>} : memref<1x128xi32, #tpu.memory_space<vmem>>, vector<16xi32>,
      tpu.vector_store %arg9[%swap3A_94, %swap3A_95], %add3A_91 {strides = array<i32>} : memref<1x128xi32, #tpu.memory_space<vmem>>, vector<16xi32>,
    }
    %scan3A_66 = arith.constant 8 : i32
    %run_scoped3A_67 = arith.constant 0 : i32
    "tpu.region"() ({
      %run_scoped3A_82 = tpu.sem_alloc : memref<!tpu.dma_semaphore, #tpu.memory_space<semaphore_mem>>
      %dma_start3A = arith.constant 0 : i32
      %dma_start3A_83 = tpu.memref_slice %arg9[%run_scoped3A_67, %dma_start3A] : memref<1x128xi32, #tpu.memory_space<vmem>> -> memref<1x128xi32, #tpu.memory_space<vmem>>
      %dma_start3A_84 = tpu.memref_squeeze %dma_start3A_83 : memref<1x128xi32, #tpu.memory_space<vmem>> -> memref<128xi32, #tpu.memory_space<vmem>>
      %dma_start3A_85 = arith.constant 0 : i32
      %dma_start3A_86 = arith.constant 0 : i32
      %dma_start3A_87 = tpu.memref_slice %arg12[%dma_start3A_85, %dma_start3A_86] : memref<10240x128xf32, #tpu.memory_space<vmem_shared>> -> memref<10240x128xf32, #tpu.memory_space<vmem_shared>>
      tpu.enqueue_indirect_dma source(%dma_start3A_87 : memref<10240x128xf32, #tpu.memory_space<vmem_shared>>) target(%arg10 : memref<128x128xf32, #tpu.memory_space<vmem>>) offsets(%dma_start3A_84 : memref<128xi32, #tpu.memory_space<vmem>>) semaphore(%run_scoped3A_82 : memref<!tpu.dma_semaphore, #tpu.memory_space<semaphore_mem>>)
      %dma_wait3A = arith.constant 0 : i32
      %dma_wait3A_88 = tpu.memref_slice %arg9[%run_scoped3A_67, %dma_wait3A] : memref<1x128xi32, #tpu.memory_space<vmem>> -> memref<1x128xi32, #tpu.memory_space<vmem>>
      %dma_wait3A_89 = tpu.memref_squeeze %dma_wait3A_88 : memref<1x128xi32, #tpu.memory_space<vmem>> -> memref<128xi32, #tpu.memory_space<vmem>>
      %dma_wait3A_90 = arith.constant 0 : i32
      %dma_wait3A_91 = arith.constant 0 : i32
      %dma_wait3A_92 = tpu.memref_slice %arg12[%dma_wait3A_90, %dma_wait3A_91] : memref<10240x128xf32, #tpu.memory_space<vmem_shared>> -> memref<10240x128xf32, #tpu.memory_space<vmem_shared>>
      tpu.wait_indirect_dma semaphore(%run_scoped3A_82 : memref<!tpu.dma_semaphore, #tpu.memory_space<semaphore_mem>>) src(%dma_wait3A_92 : memref<10240x128xf32, #tpu.memory_space<vmem_shared>>) dst(%arg10 : memref<128x128xf32, #tpu.memory_space<vmem>>)
      tpu.yield
    }) : () -> ()
    "tpu.region"() ({
      %run_scoped3A_82 = tpu.sem_alloc : memref<!tpu.dma_semaphore, #tpu.memory_space<semaphore_mem>>
      %dma_start3A = arith.constant 256 : i32
      %dma_start3A_83 = arith.constant 0 : i32
      %dma_start3A_84 = tpu.memref_slice %arg6[%arg0, %arg1, %dma_start3A, %dma_start3A_83] : memref<2x16x640x128xf32, #tpu.memory_space<hbm>> -> memref<1x1x128x128xf32, #tpu.memory_space<hbm>>
      %dma_start3A_85 = tpu.memref_squeeze %dma_start3A_84 : memref<1x1x128x128xf32, #tpu.memory_space<hbm>> -> memref<128x128xf32, #tpu.memory_space<hbm>>
      %dma_start3A_86 = arith.constant 256 : i32
      %dma_start3A_87 = arith.constant 0 : i32
      %dma_start3A_88 = tpu.memref_slice %arg6[%arg0, %arg1, %dma_start3A_86, %dma_start3A_87] : memref<2x16x640x128xf32, #tpu.memory_space<hbm>> -> memref<1x1x128x128xf32, #tpu.memory_space<hbm>>
      %dma_start3A_89 = tpu.memref_squeeze %dma_start3A_88 : memref<1x1x128x128xf32, #tpu.memory_space<hbm>> -> memref<128x128xf32, #tpu.memory_space<hbm>>
      tpu.enqueue_dma source(%arg10 : memref<128x128xf32, #tpu.memory_space<vmem>>) target(%dma_start3A_89 : memref<128x128xf32, #tpu.memory_space<hbm>>) target_semaphore(%run_scoped3A_82 : memref<!tpu.dma_semaphore, #tpu.memory_space<semaphore_mem>>)
      %dma_wait3A = arith.constant 256 : i32
      %dma_wait3A_90 = arith.constant 0 : i32
      %dma_wait3A_91 = tpu.memref_slice %arg6[%arg0, %arg1, %dma_wait3A, %dma_wait3A_90] : memref<2x16x640x128xf32, #tpu.memory_space<hbm>> -> memref<1x1x128x128xf32, #tpu.memory_space<hbm>>
      %dma_wait3A_92 = tpu.memref_squeeze %dma_wait3A_91 : memref<1x1x128x128xf32, #tpu.memory_space<hbm>> -> memref<128x128xf32, #tpu.memory_space<hbm>>
      %dma_wait3A_93 = arith.constant 256 : i32
      %dma_wait3A_94 = arith.constant 0 : i32
      %dma_wait3A_95 = tpu.memref_slice %arg6[%arg0, %arg1, %dma_wait3A_93, %dma_wait3A_94] : memref<2x16x640x128xf32, #tpu.memory_space<hbm>> -> memref<1x1x128x128xf32, #tpu.memory_space<hbm>>
      %dma_wait3A_96 = tpu.memref_squeeze %dma_wait3A_95 : memref<1x1x128x128xf32, #tpu.memory_space<hbm>> -> memref<128x128xf32, #tpu.memory_space<hbm>>
      tpu.wait_dma2 semaphore(%run_scoped3A_82 : memref<!tpu.dma_semaphore, #tpu.memory_space<semaphore_mem>>) src(%arg10 : memref<128x128xf32, #tpu.memory_space<vmem>>) dst(%dma_wait3A_96 : memref<128x128xf32, #tpu.memory_space<hbm>>)
      tpu.yield
    }) : () -> ()
    %scan3A_68 = arith.constant 0 : i32
    %scan3A_69 = arith.constant 0 : i32
    %scan3A_70 = arith.constant 8 : i32
    %scan3A_71 = arith.addi %scan3A_69, %scan3A_70 : i32
    %scan3A_72 = arith.constant 1 : i32
    scf.for %scan3A_82 = %scan3A_69 to %scan3A_71 step %scan3A_72  : i32 {
      %mul3A_83 = arith.constant 640 : i32
      %mul3A_84 = arith.muli %arg1, %mul3A_83 : i32
      %add3A_85 = arith.constant 384 : i32
      %add3A_86 = arith.addi %mul3A_84, %add3A_85 : i32
      %mul3A_87 = arith.constant 16 : i32
      %mul3A_88 = arith.muli %scan3A_82, %mul3A_87 : i32
      %add3A_89 = arith.addi %add3A_86, %mul3A_88 : i32
      %iota3A = tpu.iota {dimensions = array<i32: 0>} : vector<16xi32>
      %add3A_90 = vector.broadcast %add3A_89 : i32 to vector<16xi32>
      %add3A_91 = arith.addi %add3A_90, %iota3A : vector<16xi32>
      %mul3A_92 = arith.constant 16 : i32
      %mul3A_93 = arith.muli %scan3A_82, %mul3A_92 : i32
      %swap3A = arith.constant 0 : i32
      %swap3A_94 = arith.index_cast %swap3A : i32 to index
      %swap3A_95 = arith.index_cast %mul3A_93 : i32 to index
      %swap3A_96 = tpu.vector_load %arg9[%swap3A_94, %swap3A_95] {strides = array<i32>} : memref<1x128xi32, #tpu.memory_space<vmem>>, vector<16xi32>,
      tpu.vector_store %arg9[%swap3A_94, %swap3A_95], %add3A_91 {strides = array<i32>} : memref<1x128xi32, #tpu.memory_space<vmem>>, vector<16xi32>,
    }
    %scan3A_73 = arith.constant 8 : i32
    %run_scoped3A_74 = arith.constant 0 : i32
    "tpu.region"() ({
      %run_scoped3A_82 = tpu.sem_alloc : memref<!tpu.dma_semaphore, #tpu.memory_space<semaphore_mem>>
      %dma_start3A = arith.constant 0 : i32
      %dma_start3A_83 = tpu.memref_slice %arg9[%run_scoped3A_74, %dma_start3A] : memref<1x128xi32, #tpu.memory_space<vmem>> -> memref<1x128xi32, #tpu.memory_space<vmem>>
      %dma_start3A_84 = tpu.memref_squeeze %dma_start3A_83 : memref<1x128xi32, #tpu.memory_space<vmem>> -> memref<128xi32, #tpu.memory_space<vmem>>
      %dma_start3A_85 = arith.constant 0 : i32
      %dma_start3A_86 = arith.constant 0 : i32
      %dma_start3A_87 = tpu.memref_slice %arg12[%dma_start3A_85, %dma_start3A_86] : memref<10240x128xf32, #tpu.memory_space<vmem_shared>> -> memref<10240x128xf32, #tpu.memory_space<vmem_shared>>
      tpu.enqueue_indirect_dma source(%dma_start3A_87 : memref<10240x128xf32, #tpu.memory_space<vmem_shared>>) target(%arg10 : memref<128x128xf32, #tpu.memory_space<vmem>>) offsets(%dma_start3A_84 : memref<128xi32, #tpu.memory_space<vmem>>) semaphore(%run_scoped3A_82 : memref<!tpu.dma_semaphore, #tpu.memory_space<semaphore_mem>>)
      %dma_wait3A = arith.constant 0 : i32
      %dma_wait3A_88 = tpu.memref_slice %arg9[%run_scoped3A_74, %dma_wait3A] : memref<1x128xi32, #tpu.memory_space<vmem>> -> memref<1x128xi32, #tpu.memory_space<vmem>>
      %dma_wait3A_89 = tpu.memref_squeeze %dma_wait3A_88 : memref<1x128xi32, #tpu.memory_space<vmem>> -> memref<128xi32, #tpu.memory_space<vmem>>
      %dma_wait3A_90 = arith.constant 0 : i32
      %dma_wait3A_91 = arith.constant 0 : i32
      %dma_wait3A_92 = tpu.memref_slice %arg12[%dma_wait3A_90, %dma_wait3A_91] : memref<10240x128xf32, #tpu.memory_space<vmem_shared>> -> memref<10240x128xf32, #tpu.memory_space<vmem_shared>>
      tpu.wait_indirect_dma semaphore(%run_scoped3A_82 : memref<!tpu.dma_semaphore, #tpu.memory_space<semaphore_mem>>) src(%dma_wait3A_92 : memref<10240x128xf32, #tpu.memory_space<vmem_shared>>) dst(%arg10 : memref<128x128xf32, #tpu.memory_space<vmem>>)
      tpu.yield
    }) : () -> ()
    "tpu.region"() ({
      %run_scoped3A_82 = tpu.sem_alloc : memref<!tpu.dma_semaphore, #tpu.memory_space<semaphore_mem>>
      %dma_start3A = arith.constant 384 : i32
      %dma_start3A_83 = arith.constant 0 : i32
      %dma_start3A_84 = tpu.memref_slice %arg6[%arg0, %arg1, %dma_start3A, %dma_start3A_83] : memref<2x16x640x128xf32, #tpu.memory_space<hbm>> -> memref<1x1x128x128xf32, #tpu.memory_space<hbm>>
      %dma_start3A_85 = tpu.memref_squeeze %dma_start3A_84 : memref<1x1x128x128xf32, #tpu.memory_space<hbm>> -> memref<128x128xf32, #tpu.memory_space<hbm>>
      %dma_start3A_86 = arith.constant 384 : i32
      %dma_start3A_87 = arith.constant 0 : i32
      %dma_start3A_88 = tpu.memref_slice %arg6[%arg0, %arg1, %dma_start3A_86, %dma_start3A_87] : memref<2x16x640x128xf32, #tpu.memory_space<hbm>> -> memref<1x1x128x128xf32, #tpu.memory_space<hbm>>
      %dma_start3A_89 = tpu.memref_squeeze %dma_start3A_88 : memref<1x1x128x128xf32, #tpu.memory_space<hbm>> -> memref<128x128xf32, #tpu.memory_space<hbm>>
      tpu.enqueue_dma source(%arg10 : memref<128x128xf32, #tpu.memory_space<vmem>>) target(%dma_start3A_89 : memref<128x128xf32, #tpu.memory_space<hbm>>) target_semaphore(%run_scoped3A_82 : memref<!tpu.dma_semaphore, #tpu.memory_space<semaphore_mem>>)
      %dma_wait3A = arith.constant 384 : i32
      %dma_wait3A_90 = arith.constant 0 : i32
      %dma_wait3A_91 = tpu.memref_slice %arg6[%arg0, %arg1, %dma_wait3A, %dma_wait3A_90] : memref<2x16x640x128xf32, #tpu.memory_space<hbm>> -> memref<1x1x128x128xf32, #tpu.memory_space<hbm>>
      %dma_wait3A_92 = tpu.memref_squeeze %dma_wait3A_91 : memref<1x1x128x128xf32, #tpu.memory_space<hbm>> -> memref<128x128xf32, #tpu.memory_space<hbm>>
      %dma_wait3A_93 = arith.constant 384 : i32
      %dma_wait3A_94 = arith.constant 0 : i32
      %dma_wait3A_95 = tpu.memref_slice %arg6[%arg0, %arg1, %dma_wait3A_93, %dma_wait3A_94] : memref<2x16x640x128xf32, #tpu.memory_space<hbm>> -> memref<1x1x128x128xf32, #tpu.memory_space<hbm>>
      %dma_wait3A_96 = tpu.memref_squeeze %dma_wait3A_95 : memref<1x1x128x128xf32, #tpu.memory_space<hbm>> -> memref<128x128xf32, #tpu.memory_space<hbm>>
      tpu.wait_dma2 semaphore(%run_scoped3A_82 : memref<!tpu.dma_semaphore, #tpu.memory_space<semaphore_mem>>) src(%arg10 : memref<128x128xf32, #tpu.memory_space<vmem>>) dst(%dma_wait3A_96 : memref<128x128xf32, #tpu.memory_space<hbm>>)
      tpu.yield
    }) : () -> ()
    %scan3A_75 = arith.constant 0 : i32
    %scan3A_76 = arith.constant 0 : i32
    %scan3A_77 = arith.constant 8 : i32
    %scan3A_78 = arith.addi %scan3A_76, %scan3A_77 : i32
    %scan3A_79 = arith.constant 1 : i32
    scf.for %scan3A_82 = %scan3A_76 to %scan3A_78 step %scan3A_79  : i32 {
      %mul3A_83 = arith.constant 640 : i32
      %mul3A_84 = arith.muli %arg1, %mul3A_83 : i32
      %add3A_85 = arith.constant 512 : i32
      %add3A_86 = arith.addi %mul3A_84, %add3A_85 : i32
      %mul3A_87 = arith.constant 16 : i32
      %mul3A_88 = arith.muli %scan3A_82, %mul3A_87 : i32
      %add3A_89 = arith.addi %add3A_86, %mul3A_88 : i32
      %iota3A = tpu.iota {dimensions = array<i32: 0>} : vector<16xi32>
      %add3A_90 = vector.broadcast %add3A_89 : i32 to vector<16xi32>
      %add3A_91 = arith.addi %add3A_90, %iota3A : vector<16xi32>
      %mul3A_92 = arith.constant 16 : i32
      %mul3A_93 = arith.muli %scan3A_82, %mul3A_92 : i32
      %swap3A = arith.constant 0 : i32
      %swap3A_94 = arith.index_cast %swap3A : i32 to index
      %swap3A_95 = arith.index_cast %mul3A_93 : i32 to index
      %swap3A_96 = tpu.vector_load %arg9[%swap3A_94, %swap3A_95] {strides = array<i32>} : memref<1x128xi32, #tpu.memory_space<vmem>>, vector<16xi32>,
      tpu.vector_store %arg9[%swap3A_94, %swap3A_95], %add3A_91 {strides = array<i32>} : memref<1x128xi32, #tpu.memory_space<vmem>>, vector<16xi32>,
    }
    %scan3A_80 = arith.constant 8 : i32
    %run_scoped3A_81 = arith.constant 0 : i32
    "tpu.region"() ({
      %run_scoped3A_82 = tpu.sem_alloc : memref<!tpu.dma_semaphore, #tpu.memory_space<semaphore_mem>>
      %dma_start3A = arith.constant 0 : i32
      %dma_start3A_83 = tpu.memref_slice %arg9[%run_scoped3A_81, %dma_start3A] : memref<1x128xi32, #tpu.memory_space<vmem>> -> memref<1x128xi32, #tpu.memory_space<vmem>>
      %dma_start3A_84 = tpu.memref_squeeze %dma_start3A_83 : memref<1x128xi32, #tpu.memory_space<vmem>> -> memref<128xi32, #tpu.memory_space<vmem>>
      %dma_start3A_85 = arith.constant 0 : i32
      %dma_start3A_86 = arith.constant 0 : i32
      %dma_start3A_87 = tpu.memref_slice %arg12[%dma_start3A_85, %dma_start3A_86] : memref<10240x128xf32, #tpu.memory_space<vmem_shared>> -> memref<10240x128xf32, #tpu.memory_space<vmem_shared>>
      tpu.enqueue_indirect_dma source(%dma_start3A_87 : memref<10240x128xf32, #tpu.memory_space<vmem_shared>>) target(%arg10 : memref<128x128xf32, #tpu.memory_space<vmem>>) offsets(%dma_start3A_84 : memref<128xi32, #tpu.memory_space<vmem>>) semaphore(%run_scoped3A_82 : memref<!tpu.dma_semaphore, #tpu.memory_space<semaphore_mem>>)
      %dma_wait3A = arith.constant 0 : i32
      %dma_wait3A_88 = tpu.memref_slice %arg9[%run_scoped3A_81, %dma_wait3A] : memref<1x128xi32, #tpu.memory_space<vmem>> -> memref<1x128xi32, #tpu.memory_space<vmem>>
      %dma_wait3A_89 = tpu.memref_squeeze %dma_wait3A_88 : memref<1x128xi32, #tpu.memory_space<vmem>> -> memref<128xi32, #tpu.memory_space<vmem>>
      %dma_wait3A_90 = arith.constant 0 : i32
      %dma_wait3A_91 = arith.constant 0 : i32
      %dma_wait3A_92 = tpu.memref_slice %arg12[%dma_wait3A_90, %dma_wait3A_91] : memref<10240x128xf32, #tpu.memory_space<vmem_shared>> -> memref<10240x128xf32, #tpu.memory_space<vmem_shared>>
      tpu.wait_indirect_dma semaphore(%run_scoped3A_82 : memref<!tpu.dma_semaphore, #tpu.memory_space<semaphore_mem>>) src(%dma_wait3A_92 : memref<10240x128xf32, #tpu.memory_space<vmem_shared>>) dst(%arg10 : memref<128x128xf32, #tpu.memory_space<vmem>>)
      tpu.yield
    }) : () -> ()
    "tpu.region"() ({
      %run_scoped3A_82 = tpu.sem_alloc : memref<!tpu.dma_semaphore, #tpu.memory_space<semaphore_mem>>
      %dma_start3A = arith.constant 512 : i32
      %dma_start3A_83 = arith.constant 0 : i32
      %dma_start3A_84 = tpu.memref_slice %arg6[%arg0, %arg1, %dma_start3A, %dma_start3A_83] : memref<2x16x640x128xf32, #tpu.memory_space<hbm>> -> memref<1x1x128x128xf32, #tpu.memory_space<hbm>>
      %dma_start3A_85 = tpu.memref_squeeze %dma_start3A_84 : memref<1x1x128x128xf32, #tpu.memory_space<hbm>> -> memref<128x128xf32, #tpu.memory_space<hbm>>
      %dma_start3A_86 = arith.constant 512 : i32
      %dma_start3A_87 = arith.constant 0 : i32
      %dma_start3A_88 = tpu.memref_slice %arg6[%arg0, %arg1, %dma_start3A_86, %dma_start3A_87] : memref<2x16x640x128xf32, #tpu.memory_space<hbm>> -> memref<1x1x128x128xf32, #tpu.memory_space<hbm>>
      %dma_start3A_89 = tpu.memref_squeeze %dma_start3A_88 : memref<1x1x128x128xf32, #tpu.memory_space<hbm>> -> memref<128x128xf32, #tpu.memory_space<hbm>>
      tpu.enqueue_dma source(%arg10 : memref<128x128xf32, #tpu.memory_space<vmem>>) target(%dma_start3A_89 : memref<128x128xf32, #tpu.memory_space<hbm>>) target_semaphore(%run_scoped3A_82 : memref<!tpu.dma_semaphore, #tpu.memory_space<semaphore_mem>>)
      %dma_wait3A = arith.constant 512 : i32
      %dma_wait3A_90 = arith.constant 0 : i32
      %dma_wait3A_91 = tpu.memref_slice %arg6[%arg0, %arg1, %dma_wait3A, %dma_wait3A_90] : memref<2x16x640x128xf32, #tpu.memory_space<hbm>> -> memref<1x1x128x128xf32, #tpu.memory_space<hbm>>
      %dma_wait3A_92 = tpu.memref_squeeze %dma_wait3A_91 : memref<1x1x128x128xf32, #tpu.memory_space<hbm>> -> memref<128x128xf32, #tpu.memory_space<hbm>>
      %dma_wait3A_93 = arith.constant 512 : i32
      %dma_wait3A_94 = arith.constant 0 : i32
      %dma_wait3A_95 = tpu.memref_slice %arg6[%arg0, %arg1, %dma_wait3A_93, %dma_wait3A_94] : memref<2x16x640x128xf32, #tpu.memory_space<hbm>> -> memref<1x1x128x128xf32, #tpu.memory_space<hbm>>
      %dma_wait3A_96 = tpu.memref_squeeze %dma_wait3A_95 : memref<1x1x128x128xf32, #tpu.memory_space<hbm>> -> memref<128x128xf32, #tpu.memory_space<hbm>>
      tpu.wait_dma2 semaphore(%run_scoped3A_82 : memref<!tpu.dma_semaphore, #tpu.memory_space<semaphore_mem>>) src(%arg10 : memref<128x128xf32, #tpu.memory_space<vmem>>) dst(%dma_wait3A_96 : memref<128x128xf32, #tpu.memory_space<hbm>>)
      tpu.yield
    }) : () -> ()
    return
  }
}

module attributes {stable_mosaic.version = 14 : i64} {
  func.func @_ln_qkv_body(%arg0: i32, %arg1: memref<2560x128xf32, #tpu.memory_space<vmem>>, %arg2: memref<1x128xf32, #tpu.memory_space<vmem>>, %arg3: memref<1x128xf32, #tpu.memory_space<vmem>>, %arg4: memref<384x128xf32, #tpu.memory_space<vmem>>, %arg5: memref<1x384xf32, #tpu.memory_space<vmem>>, %arg6: memref<2560x128xf32, #tpu.memory_space<vmem>>, %arg7: memref<2560x128xf32, #tpu.memory_space<vmem>>, %arg8: memref<2560x128xf32, #tpu.memory_space<vmem>>) attributes {dimension_semantics = [#tpu.dimension_semantics<arbitrary>], iteration_bounds = array<i64: 4>, scalar_prefetch = 0 : i64, scratch_operands = 0 : i64, tpu.core_type = #tpu.core_type<tc>, window_params = [{transform_indices = @transform_0, window_bounds = array<i64: 2560, 128>}, {pipeline_mode = #tpu.pipeline_mode<synchronous>, transform_indices = @transform_1, window_bounds = array<i64: 1, 128>}, {pipeline_mode = #tpu.pipeline_mode<synchronous>, transform_indices = @transform_2, window_bounds = array<i64: 1, 128>}, {pipeline_mode = #tpu.pipeline_mode<synchronous>, transform_indices = @transform_3, window_bounds = array<i64: 384, 128>}, {pipeline_mode = #tpu.pipeline_mode<synchronous>, transform_indices = @transform_4, window_bounds = array<i64: 1, 384>}, {transform_indices = @transform_5, window_bounds = array<i64: 2560, 128>}, {transform_indices = @transform_6, window_bounds = array<i64: 2560, 128>}, {transform_indices = @transform_7, window_bounds = array<i64: 2560, 128>}]} {
    %get3A = arith.constant 0 : index
    %get3A_0 = arith.constant 0 : index
    %get3A_1 = vector.load %arg1[%get3A, %get3A_0] : memref<2560x128xf32, #tpu.memory_space<vmem>>, vector<2560x128xf32>
    %reduce_sum3A = arith.constant dense<0.000000e+00> : vector<2560xf32>
    %reduce_sum3A_2 = vector.multi_reduction <add>, %get3A_1, %reduce_sum3A [1] : vector<2560x128xf32> to vector<2560xf32>
    %broadcast_in_dim3A = vector.shape_cast %reduce_sum3A_2 : vector<2560xf32> to vector<2560x1xf32>
    %div3A = arith.constant 1.280000e+02 : f32
    %div3A_3 = vector.broadcast %div3A : f32 to vector<2560x1xf32>
    %div3A_4 = arith.divf %broadcast_in_dim3A, %div3A_3 : vector<2560x1xf32>
    %sub3A = vector.broadcast %div3A_4 : vector<2560x1xf32> to vector<2560x128xf32>
    %sub3A_5 = arith.subf %get3A_1, %sub3A : vector<2560x128xf32>
    %integer_pow3A = arith.mulf %sub3A_5, %sub3A_5 : vector<2560x128xf32>
    %reduce_sum3A_6 = arith.constant dense<0.000000e+00> : vector<2560xf32>
    %reduce_sum3A_7 = vector.multi_reduction <add>, %integer_pow3A, %reduce_sum3A_6 [1] : vector<2560x128xf32> to vector<2560xf32>
    %broadcast_in_dim3A_8 = vector.shape_cast %reduce_sum3A_7 : vector<2560xf32> to vector<2560x1xf32>
    %div3A_9 = arith.constant 1.280000e+02 : f32
    %div3A_10 = vector.broadcast %div3A_9 : f32 to vector<2560x1xf32>
    %div3A_11 = arith.divf %broadcast_in_dim3A_8, %div3A_10 : vector<2560x1xf32>
    %sub3A_12 = vector.broadcast %div3A_4 : vector<2560x1xf32> to vector<2560x128xf32>
    %sub3A_13 = arith.subf %get3A_1, %sub3A_12 : vector<2560x128xf32>
    %add3A = arith.constant 9.99999974E-6 : f32
    %add3A_14 = vector.broadcast %add3A : f32 to vector<2560x1xf32>
    %add3A_15 = arith.addf %div3A_11, %add3A_14 : vector<2560x1xf32>
    %sqrt3A = math.sqrt %add3A_15 : vector<2560x1xf32>
    %div3A_16 = vector.broadcast %sqrt3A : vector<2560x1xf32> to vector<2560x128xf32>
    %div3A_17 = arith.divf %sub3A_13, %div3A_16 : vector<2560x128xf32>
    %get3A_18 = arith.constant 0 : index
    %get3A_19 = arith.constant 0 : index
    %get3A_20 = vector.load %arg2[%get3A_18, %get3A_19] : memref<1x128xf32, #tpu.memory_space<vmem>>, vector<1x128xf32>
    %mul3A = vector.broadcast %get3A_20 : vector<1x128xf32> to vector<2560x128xf32>
    %mul3A_21 = arith.mulf %div3A_17, %mul3A : vector<2560x128xf32>
    %get3A_22 = arith.constant 0 : index
    %get3A_23 = arith.constant 0 : index
    %get3A_24 = vector.load %arg3[%get3A_22, %get3A_23] : memref<1x128xf32, #tpu.memory_space<vmem>>, vector<1x128xf32>
    %add3A_25 = vector.broadcast %get3A_24 : vector<1x128xf32> to vector<2560x128xf32>
    %add3A_26 = arith.addf %mul3A_21, %add3A_25 : vector<2560x128xf32>
    %get3A_27 = arith.constant 0 : index
    %get3A_28 = arith.constant 0 : index
    %get3A_29 = vector.load %arg4[%get3A_27, %get3A_28] : memref<384x128xf32, #tpu.memory_space<vmem>>, vector<384x128xf32>
    %dot_general3A = arith.constant dense<0.000000e+00> : vector<2560x384xf32>
    %dot_general3A_30 = tpu.matmul %add3A_26, %get3A_29, %dot_general3A {dimension_numbers = #tpu.dot_dimension_numbers<[1], [1], [0], [0], [0, 0, 1, 0], [], []>, transpose_lhs_hint = false} : vector<2560x128xf32>, vector<384x128xf32>, vector<2560x384xf32> -> vector<2560x384xf32>
    %get3A_31 = arith.constant 0 : index
    %get3A_32 = arith.constant 0 : index
    %get3A_33 = vector.load %arg5[%get3A_31, %get3A_32] : memref<1x384xf32, #tpu.memory_space<vmem>>, vector<1x384xf32>
    %add3A_34 = vector.broadcast %get3A_33 : vector<1x384xf32> to vector<2560x384xf32>
    %add3A_35 = arith.addf %dot_general3A_30, %add3A_34 : vector<2560x384xf32>
    %slice3A = vector.extract_strided_slice %add3A_35 {offsets = [0, 0], sizes = [2560, 128], strides = [1, 1]} : vector<2560x384xf32> to vector<2560x128xf32>
    %mul3A_36 = arith.constant 0.0883883461 : f32
    %mul3A_37 = vector.broadcast %mul3A_36 : f32 to vector<2560x128xf32>
    %mul3A_38 = arith.mulf %slice3A, %mul3A_37 : vector<2560x128xf32>
    %swap3A = arith.constant 0 : index
    %swap3A_39 = arith.constant 0 : index
    %swap3A_40 = vector.load %arg6[%swap3A, %swap3A_39] : memref<2560x128xf32, #tpu.memory_space<vmem>>, vector<2560x128xf32>
    tpu.vector_store %arg6[%swap3A, %swap3A_39], %mul3A_38 {strides = array<i32>} : memref<2560x128xf32, #tpu.memory_space<vmem>>, vector<2560x128xf32>,
    %slice3A_41 = vector.extract_strided_slice %add3A_35 {offsets = [0, 128], sizes = [2560, 128], strides = [1, 1]} : vector<2560x384xf32> to vector<2560x128xf32>
    %swap3A_42 = arith.constant 0 : index
    %swap3A_43 = arith.constant 0 : index
    %swap3A_44 = vector.load %arg7[%swap3A_42, %swap3A_43] : memref<2560x128xf32, #tpu.memory_space<vmem>>, vector<2560x128xf32>
    tpu.vector_store %arg7[%swap3A_42, %swap3A_43], %slice3A_41 {strides = array<i32>} : memref<2560x128xf32, #tpu.memory_space<vmem>>, vector<2560x128xf32>,
    %slice3A_45 = vector.extract_strided_slice %add3A_35 {offsets = [0, 256], sizes = [2560, 128], strides = [1, 1]} : vector<2560x384xf32> to vector<2560x128xf32>
    %swap3A_46 = arith.constant 0 : index
    %swap3A_47 = arith.constant 0 : index
    %swap3A_48 = vector.load %arg8[%swap3A_46, %swap3A_47] : memref<2560x128xf32, #tpu.memory_space<vmem>>, vector<2560x128xf32>
    tpu.vector_store %arg8[%swap3A_46, %swap3A_47], %slice3A_45 {strides = array<i32>} : memref<2560x128xf32, #tpu.memory_space<vmem>>, vector<2560x128xf32>,
    return
  }
  func.func @transform_0(%arg0: i32) -> (i32, i32) {
    %c0_i32 = arith.constant 0 : i32
    %c0_i32_0 = arith.constant 0 : i32
    return %arg0, %c0_i32 : i32, i32
  }
  func.func @transform_1(%arg0: i32) -> (i32, i32) {
    %c0_i32 = arith.constant 0 : i32
    %c0_i32_0 = arith.constant 0 : i32
    %c0_i32_1 = arith.constant 0 : i32
    return %c0_i32, %c0_i32_0 : i32, i32
  }
  func.func @transform_2(%arg0: i32) -> (i32, i32) {
    %c0_i32 = arith.constant 0 : i32
    %c0_i32_0 = arith.constant 0 : i32
    %c0_i32_1 = arith.constant 0 : i32
    return %c0_i32, %c0_i32_0 : i32, i32
  }
  func.func @transform_3(%arg0: i32) -> (i32, i32) {
    %c0_i32 = arith.constant 0 : i32
    %c0_i32_0 = arith.constant 0 : i32
    %c0_i32_1 = arith.constant 0 : i32
    return %c0_i32, %c0_i32_0 : i32, i32
  }
  func.func @transform_4(%arg0: i32) -> (i32, i32) {
    %c0_i32 = arith.constant 0 : i32
    %c0_i32_0 = arith.constant 0 : i32
    %c0_i32_1 = arith.constant 0 : i32
    return %c0_i32, %c0_i32_0 : i32, i32
  }
  func.func @transform_5(%arg0: i32) -> (i32, i32) {
    %c0_i32 = arith.constant 0 : i32
    %c0_i32_0 = arith.constant 0 : i32
    return %arg0, %c0_i32 : i32, i32
  }
  func.func @transform_6(%arg0: i32) -> (i32, i32) {
    %c0_i32 = arith.constant 0 : i32
    %c0_i32_0 = arith.constant 0 : i32
    return %arg0, %c0_i32 : i32, i32
  }
  func.func @transform_7(%arg0: i32) -> (i32, i32) {
    %c0_i32 = arith.constant 0 : i32
    %c0_i32_0 = arith.constant 0 : i32
    return %arg0, %c0_i32 : i32, i32
  }
}

module attributes {stable_mosaic.version = 14 : i64} {
  func.func @_out_proj_body(%arg0: i32, %arg1: memref<2000x128xf32, #tpu.memory_space<vmem>>, %arg2: memref<2000x128xf32, #tpu.memory_space<vmem>>, %arg3: memref<2000x8xf32, #tpu.memory_space<vmem>>, %arg4: memref<2000x8xf32, #tpu.memory_space<vmem>>, %arg5: memref<2000x128xf32, #tpu.memory_space<vmem>>, %arg6: memref<8x128xf32, #tpu.memory_space<vmem>>, %arg7: memref<128x128xf32, #tpu.memory_space<vmem>>, %arg8: memref<1x128xf32, #tpu.memory_space<vmem>>, %arg9: memref<2000x128xf32, #tpu.memory_space<vmem>>) attributes {dimension_semantics = [#tpu.dimension_semantics<arbitrary>], iteration_bounds = array<i64: 5>, scalar_prefetch = 0 : i64, scratch_operands = 0 : i64, tpu.core_type = #tpu.core_type<tc>, window_params = [{transform_indices = @transform_0, window_bounds = array<i64: 2000, 128>}, {transform_indices = @transform_1, window_bounds = array<i64: 2000, 128>}, {transform_indices = @transform_2, window_bounds = array<i64: 2000, 8>}, {transform_indices = @transform_3, window_bounds = array<i64: 2000, 8>}, {transform_indices = @transform_4, window_bounds = array<i64: 2000, 128>}, {pipeline_mode = #tpu.pipeline_mode<synchronous>, transform_indices = @transform_5, window_bounds = array<i64: 8, 128>}, {pipeline_mode = #tpu.pipeline_mode<synchronous>, transform_indices = @transform_6, window_bounds = array<i64: 128, 128>}, {pipeline_mode = #tpu.pipeline_mode<synchronous>, transform_indices = @transform_7, window_bounds = array<i64: 1, 128>}, {transform_indices = @transform_8, window_bounds = array<i64: 2000, 128>}]} {
    %get3A = arith.constant 0 : index
    %get3A_0 = arith.constant 0 : index
    %get3A_1 = vector.load %arg3[%get3A, %get3A_0] : memref<2000x8xf32, #tpu.memory_space<vmem>>, vector<2000x8xf32>
    %get3A_2 = arith.constant 0 : index
    %get3A_3 = arith.constant 0 : index
    %get3A_4 = vector.load %arg4[%get3A_2, %get3A_3] : memref<2000x8xf32, #tpu.memory_space<vmem>>, vector<2000x8xf32>
    %add3A = arith.addf %get3A_1, %get3A_4 : vector<2000x8xf32>
    %max3A = arith.constant 1.000000e-30 : f32
    %max3A_5 = vector.broadcast %max3A : f32 to vector<2000x8xf32>
    %max3A_6 = arith.maximumf %add3A, %max3A_5 : vector<2000x8xf32>
    %div3A = arith.constant 1.000000e+00 : f32
    %div3A_7 = vector.broadcast %div3A : f32 to vector<2000x8xf32>
    %div3A_8 = arith.divf %div3A_7, %max3A_6 : vector<2000x8xf32>
    %get3A_9 = arith.constant 0 : index
    %get3A_10 = arith.constant 0 : index
    %get3A_11 = vector.load %arg6[%get3A_9, %get3A_10] : memref<8x128xf32, #tpu.memory_space<vmem>>, vector<8x128xf32>
    %dot_general3A = arith.constant dense<0.000000e+00> : vector<2000x128xf32>
    %dot_general3A_12 = tpu.matmul %div3A_8, %get3A_11, %dot_general3A {dimension_numbers = #tpu.dot_dimension_numbers<[1], [0], [0], [1], [0, 0, 1, 1], [], []>, transpose_lhs_hint = false} : vector<2000x8xf32>, vector<8x128xf32>, vector<2000x128xf32> -> vector<2000x128xf32>
    %get3A_13 = arith.constant 0 : index
    %get3A_14 = arith.constant 0 : index
    %get3A_15 = vector.load %arg1[%get3A_13, %get3A_14] : memref<2000x128xf32, #tpu.memory_space<vmem>>, vector<2000x128xf32>
    %get3A_16 = arith.constant 0 : index
    %get3A_17 = arith.constant 0 : index
    %get3A_18 = vector.load %arg2[%get3A_16, %get3A_17] : memref<2000x128xf32, #tpu.memory_space<vmem>>, vector<2000x128xf32>
    %add3A_19 = arith.addf %get3A_15, %get3A_18 : vector<2000x128xf32>
    %mul3A = arith.mulf %add3A_19, %dot_general3A_12 : vector<2000x128xf32>
    %get3A_20 = arith.constant 0 : index
    %get3A_21 = arith.constant 0 : index
    %get3A_22 = vector.load %arg5[%get3A_20, %get3A_21] : memref<2000x128xf32, #tpu.memory_space<vmem>>, vector<2000x128xf32>
    %get3A_23 = arith.constant 0 : index
    %get3A_24 = arith.constant 0 : index
    %get3A_25 = vector.load %arg7[%get3A_23, %get3A_24] : memref<128x128xf32, #tpu.memory_space<vmem>>, vector<128x128xf32>
    %dot_general3A_26 = arith.constant dense<0.000000e+00> : vector<2000x128xf32>
    %dot_general3A_27 = tpu.matmul %mul3A, %get3A_25, %dot_general3A_26 {dimension_numbers = #tpu.dot_dimension_numbers<[1], [1], [0], [0], [0, 0, 1, 0], [], []>, transpose_lhs_hint = false} : vector<2000x128xf32>, vector<128x128xf32>, vector<2000x128xf32> -> vector<2000x128xf32>
    %add3A_28 = arith.addf %get3A_22, %dot_general3A_27 : vector<2000x128xf32>
    %get3A_29 = arith.constant 0 : index
    %get3A_30 = arith.constant 0 : index
    %get3A_31 = vector.load %arg8[%get3A_29, %get3A_30] : memref<1x128xf32, #tpu.memory_space<vmem>>, vector<1x128xf32>
    %add3A_32 = vector.broadcast %get3A_31 : vector<1x128xf32> to vector<2000x128xf32>
    %add3A_33 = arith.addf %add3A_28, %add3A_32 : vector<2000x128xf32>
    %swap3A = arith.constant 0 : index
    %swap3A_34 = arith.constant 0 : index
    %swap3A_35 = vector.load %arg9[%swap3A, %swap3A_34] : memref<2000x128xf32, #tpu.memory_space<vmem>>, vector<2000x128xf32>
    tpu.vector_store %arg9[%swap3A, %swap3A_34], %add3A_33 {strides = array<i32>} : memref<2000x128xf32, #tpu.memory_space<vmem>>, vector<2000x128xf32>,
    return
  }
  func.func @transform_0(%arg0: i32) -> (i32, i32) {
    %c0_i32 = arith.constant 0 : i32
    %c0_i32_0 = arith.constant 0 : i32
    return %arg0, %c0_i32 : i32, i32
  }
  func.func @transform_1(%arg0: i32) -> (i32, i32) {
    %c0_i32 = arith.constant 0 : i32
    %c0_i32_0 = arith.constant 0 : i32
    return %arg0, %c0_i32 : i32, i32
  }
  func.func @transform_2(%arg0: i32) -> (i32, i32) {
    %c0_i32 = arith.constant 0 : i32
    %c0_i32_0 = arith.constant 0 : i32
    return %arg0, %c0_i32 : i32, i32
  }
  func.func @transform_3(%arg0: i32) -> (i32, i32) {
    %c0_i32 = arith.constant 0 : i32
    %c0_i32_0 = arith.constant 0 : i32
    return %arg0, %c0_i32 : i32, i32
  }
  func.func @transform_4(%arg0: i32) -> (i32, i32) {
    %c0_i32 = arith.constant 0 : i32
    %c0_i32_0 = arith.constant 0 : i32
    return %arg0, %c0_i32 : i32, i32
  }
  func.func @transform_5(%arg0: i32) -> (i32, i32) {
    %c0_i32 = arith.constant 0 : i32
    %c0_i32_0 = arith.constant 0 : i32
    %c0_i32_1 = arith.constant 0 : i32
    return %c0_i32, %c0_i32_0 : i32, i32
  }
  func.func @transform_6(%arg0: i32) -> (i32, i32) {
    %c0_i32 = arith.constant 0 : i32
    %c0_i32_0 = arith.constant 0 : i32
    %c0_i32_1 = arith.constant 0 : i32
    return %c0_i32, %c0_i32_0 : i32, i32
  }
  func.func @transform_7(%arg0: i32) -> (i32, i32) {
    %c0_i32 = arith.constant 0 : i32
    %c0_i32_0 = arith.constant 0 : i32
    %c0_i32_1 = arith.constant 0 : i32
    return %c0_i32, %c0_i32_0 : i32, i32
  }
  func.func @transform_8(%arg0: i32) -> (i32, i32) {
    %c0_i32 = arith.constant 0 : i32
    %c0_i32_0 = arith.constant 0 : i32
    return %arg0, %c0_i32 : i32, i32
  }
}

</mosaic_0001>

<sc_bundles>
// kernel: kernel.6.cloned.1.call-start
scs
__scs_entry_jumppad:
0x0: {  	(pc) =	sbr.rel $0x88, $3  }
0x1: {  	(tag) =	ssettag $0x0;
	lr =	simm.s32 $0x1  }
0x2: {  	[smem:$0x3F97] =	sst lr;
	_ =	strace $0xD0000000  }
0x3: {  	_ = 	snop  }
0x4: {  	_ = 	snop  }
0x5: {  	_ = 	snop  }
0x6: {  	_ = 	snop  }
0x7: {  	_ = 	snop  }
__scs_overlays_trampoline_lowered:
0x8: {  	[smem:$0x3FA6] =	sst s0  }
0x9: {  	[smem:$0x3FA7] =	sst s1  }
0xa: {  	[smem:$0x3FA8] =	sst s2  }
0xb: {  	[smem:$0x3FA9] =	sst s3  }
0xc: {  	[smem:$0x3FAA] =	sst s4  }
0xd: {  	[smem:$0x3FAB] =	sst s5  }
0xe: {  	[smem:$0x3FAC] =	sst s6  }
0xf: {  	[smem:$0x3FAD] =	sst s7  }
0x10: {  	[smem:$0x3FAE] =	sst s8  }
0x11: {  	[smem:$0x3FAF] =	sst s9;
	s0 =	simm.s32 @!p0 $0x0  }
0x12: {  	s1 =	sld [smem:$0x3F95];
	s0 =	simm.s32 @p0 $0x1  }
0x13: {  	[smem:$0x3FB0] =	sst s0;
	s0 =	simm.s32 @!p1 $0x0  }
0x14: {  	s2 =	sld [smem:$0x3F94];
	s0 =	simm.s32 @p1 $0x1  }
0x15: {  	[smem:$0x3FB1] =	sst s0;
	s0 =	simm.s32 @!p2 $0x0  }
0x16: {  	s3 =	sld [smem:$0x3FDB];
	s0 =	simm.s32 @p2 $0x1  }
0x17: {  	s4 =	simm.s32 $0x1BF5;
	[smem:$0x3FB3] =	sst s0  }
0x18: {  	s0 =	sld [smem:$0x3F96];
	_ =	swait.ge [sflag:s4], $0x0  }
0x19: {  	s7 =	sld [smem:$0x3F97]  }
0x1a: {  	s8 =	sadd.s32 $0xFFFFE003, lr  }
0x1b: {  	s9 =	sadd.s32 $0xFFFFFEF7, lr;
	s5 =	simm.s32 $0xFFFFFFFF;
	p2 =	slt.u32 s8, $0xFFFFF086  }
0x1c: {  	p1 =	slt.u32 s9, $0xF7A;
	s5 =	simm.s32 @!p2 $0x0  }
0x1d: {  	s5 =	simm.s32 @p1 $0x1;
	p0 =	seq.s32 s7, s2  }
0x1e: {  	s7 =	smul.u32 @!p0 $0xF7A, s2;
	p2 =	seq.s32 @!p0 s5, $0x0  }
0x1f: {  	s9 =	smul.u32 $0xF7A, s1;
	s8 =	simm.s32 @!p0 $0x1BF5;
	p2 =	por !p2, p0  }
0x20: {  	[sflag:s8] =	ssyncset.s32 @!p0 $0xFFFFF086;
	s6 =	sadd.s32 @!p0 s3, s7;
	s7 =	simm.s32 @!p0 $0x108  }
0x21: {  	s3 =	sadd.s32 s3, s9;
	s6 =	sadd.s32 @!p0 $0x88, s6;
	s7 =	simm.s32 @p2 $0x1082  }
0x22: {  	[simem:s7], [sflag:s8] =	dma.local @!p0 [hbm:s6], $0xF7A  }
0x23: {  	s9 =	sor.u32 $0xD0000000, s2;
	s6 =	simm.s32 $0x108;
	_ =	swait.ge @!p0 [sflag:s8], $0x0  }
0x24: {  	s3 =	sadd.s32 $0x88, s3;
	s6 =	simm.s32 @!p1 $0x1082;
	[sflag:s4] =	ssyncset.s32 $0xFFFFF086  }
0x25: {  	[simem:s6], [sflag:s4] =	dma.local [hbm:s3], $0xF7A  }
0x26: {  	[smem:$0x3F97] =	sst s1;
	(tag) =	ssettag s2;
	_ =	strace s9  }
0x27: {  	s1 =	sld [smem:$0x3FA7]  }
0x28: {  	s2 =	sld [smem:$0x3FA8]  }
0x29: {  	s4 =	sld [smem:$0x3FAA]  }
0x2a: {  	p0 =	seq.s32 s5, $0x0;
	s5 =	sld [smem:$0x3FAB]  }
0x2b: {  	s6 =	sld [smem:$0x3FAC]  }
0x2c: {  	s7 =	sld [smem:$0x3FAD]  }
0x2d: {  	s3 =	simm.s32 $0x108;
	s8 =	sld [smem:$0x3FAE]  }
0x2e: {  	s3 =	simm.s32 @!p0 $0x1082;
	s9 =	sld [smem:$0x3FAF]  }
0x2f: {  	lr =	sadd.s32 s0, s3;
	s0 =	sld [smem:$0x3FA6]  }
0x30: {  	s3 =	sld [smem:$0x3FA9]  }
0x31: {  	[smem:$0x3FB2] =	sst s10  }
0x32: {  	s10 =	sld [smem:$0x3FB0];
	_ =	sdelay $0x3  }
0x33: {  	p0 =	seq.s32 s10, $0x1;
	s10 =	sld [smem:$0x3FB2];
	_ =	sdelay $0x3  }
0x34: {  	[smem:$0x3FB2] =	sst s10  }
0x35: {  	s10 =	sld [smem:$0x3FB1];
	_ =	sdelay $0x3  }
0x36: {  	p1 =	seq.s32 s10, $0x1;
	s10 =	sld [smem:$0x3FB2];
	_ =	sdelay $0x3  }
0x37: {  	[smem:$0x3FB2] =	sst s10  }
0x38: {  	s10 =	sld [smem:$0x3FB3]  }
0x39: {  	_ = 	snop;
	(pc) =	sbr.ind lr, $3  }
0x3a: {  	_ = 	snop  }
0x3b: {  	_ = 	snop  }
0x3c: {  	p2 =	seq.s32 s10, $0x1;
	s10 =	sld [smem:$0x3FB2]  }
0x3d: {  	_ =	shalt  }
0x3e: {  	_ =	shalt  }
0x3f: {  	_ =	shalt  }
0x40: {  	_ =	shalt  }
0x41: {  	_ =	shalt  }
0x42: {  	_ =	shalt  }
0x43: {  	_ =	shalt  }
0x44: {  	_ =	shalt  }
0x45: {  	_ =	shalt  }
0x46: {  	_ =	shalt  }
0x47: {  	_ =	shalt  }
0x48: {  	_ =	shalt  }
0x49: {  	_ =	shalt  }
0x4a: {  	_ =	shalt  }
0x4b: {  	_ =	shalt  }
0x4c: {  	_ =	shalt  }
0x4d: {  	_ =	shalt  }
0x4e: {  	_ =	shalt  }
0x4f: {  	_ =	shalt  }
0x50: {  	_ =	shalt  }
0x51: {  	_ =	shalt  }
0x52: {  	_ =	shalt  }
0x53: {  	_ =	shalt  }
0x54: {  	_ =	shalt  }
0x55: {  	_ =	shalt  }
0x56: {  	_ =	shalt  }
0x57: {  	_ =	shalt  }
0x58: {  	_ =	shalt  }
0x59: {  	_ =	shalt  }
0x5a: {  	_ =	shalt  }
0x5b: {  	_ =	shalt  }
0x5c: {  	_ =	shalt  }
0x5d: {  	_ =	shalt  }
0x5e: {  	_ =	shalt  }
0x5f: {  	_ =	shalt  }
0x60: {  	_ =	shalt  }
0x61: {  	_ =	shalt  }
0x62: {  	_ =	shalt  }
0x63: {  	_ =	shalt  }
0x64: {  	_ =	shalt  }
0x65: {  	_ =	shalt  }
0x66: {  	_ =	shalt  }
0x67: {  	_ =	shalt  }
0x68: {  	_ =	shalt  }
0x69: {  	_ =	shalt  }
0x6a: {  	_ =	shalt  }
0x6b: {  	_ =	shalt  }
0x6c: {  	_ =	shalt  }
0x6d: {  	_ =	shalt  }
0x6e: {  	_ =	shalt  }
0x6f: {  	_ =	shalt  }
0x70: {  	_ =	shalt  }
0x71: {  	_ =	shalt  }
0x72: {  	_ =	shalt  }
0x73: {  	_ =	shalt  }
0x74: {  	_ =	shalt  }
0x75: {  	_ =	shalt  }
0x76: {  	_ =	shalt  }
0x77: {  	_ =	shalt  }
0x78: {  	_ =	shalt  }
0x79: {  	_ =	shalt  }
0x7a: {  	_ =	shalt  }
0x7b: {  	_ =	shalt  }
0x7c: {  	_ =	shalt  }
0x7d: {  	_ =	shalt  }
0x7e: {  	_ =	shalt  }
0x7f: {  	_ =	shalt  }
0x80: {  	_ =	shalt  }
0x81: {  	_ =	shalt  }
0x82: {  	_ =	shalt  }
0x83: {  	_ =	shalt  }
0x84: {  	_ =	shalt  }
0x85: {  	_ =	shalt  }
0x86: {  	_ =	shalt  }
0x87: {  	_ =	shalt  }
.Lfunc_end0:
.L_simem_size_0:
called_computation_lowered:
.L_overlay_start_0:
0x88: {  	s2 =	sld [smem:$0x3FD9]  }
0x89: {  	s3 =	sld [smem:$0x3FFE];
	_ =	sdelay $0x1  }
0x8a: {  	s1 =	srdreg.scid  }
0x8b: {  	s0 =	sand.u32 $0x1, s1  }
0x8c: {  	s17 =	sshll.u32 s0, $0xA;
	s2 =	sadd.s32 s3, s2  }
0x8d: {  	s2 =	sadd.s32 s2, s17  }
0x8e: {  	[smem:$0x3FBE] =	sst s2  }
0x8f: {  	_ = 	snop  }
0x90: {  	s2 =	sld [smem:$0x3FD0];
	(tm) =	ssettm $0x1  }
0x91: {  	s18 =	sld [smem:$0x3FFB];
	_ =	sdelay $0x3  }
0x92: {  	_ =	strace s18  }
0x93: {  	s3 =	sld [smem:$0x3FFC];
	_ =	sdelay $0x3  }
0x94: {  	_ =	strace s3  }
0x95: {  	s3 =	sld [smem:$0x3FFD];
	_ =	sdelay $0x3  }
0x96: {  	_ =	strace s3  }
0x97: {  	_ =	strace $0x8FFFFFFF  }
0x98: {  	s19 =	sld [smem:$0x3FDB];
	_ =	sdelay $0x1  }
0x99: {  	s4 =	simm.s32 $_scs_section_size  }
0x9a: {  	s5 =	simm.s32 $_size__tile_overlayer_lowered;
	s6 =	simm.s32 $_tile_overlayer_lowered  }
0x9b: {  	s22 =	simm.s32 $0x1BFF;
	s21 =	sshll.u32 s6, $0x1;
	s3 =	sadd.s32 s4, s19  }
0x9c: {  	s7 =	simm.s32 $0x0;
	s20 =	sshll.u32 s5, $0x1;
	s5 =	sadd.s32 s21, s3  }
0x9d: {  	[timem:s7], [sflag:s22] =	dma.local [hbm:s5], s20  }
0x9e: {  	_ =	swait.ge [sflag:s22], s20  }
0x9f: {  	s4 =	ssub.s32 $0x0, s20;
	[sflag:s22] =	ssyncset.done $0x0  }
0xa0: {  	[sflag:s22] =	ssyncadd.s32 s4;
	_ =	sdelay $0x1  }
0xa1: {  	s23 =	simm.s32 $0x1B8B  }
0xa2: {  	_ =	swait.ge [sflag:s23], $0x1  }
0xa3: {  	[sflag:s23] =	ssyncset.done $0x0  }
0xa4: {  	s25 =	simm.s32 $0x1B8E;
	s24 =	sld [smem:$0x3FFE];
	[sflag:s23] =	ssyncadd.s32 $0xFFFFFFFF  }
0xa5: {  	s26 =	simm.s32 $execute0_lowered;
	[smem:$0x3FD2] =	sst s25  }
0xa6: {  	s5 =	sshll.u32 s26, $0x1;
	_ =	strace $0x80000046;
	[dreg:$0x1] =	wrdreg $0xFFFFFFFF  }
0xa7: {  	s28 =	simm.s32 $_size_execute0_lowered;
	s3 =	sadd.s32 s3, s5;
	[dreg:$0x0] =	wrdreg $0x0  }
0xa8: {  	s5 =	sshll.u32 s28, $0x1;
	[dreg:$0x2] =	wrdreg s3  }
0xa9: {  	[dreg:$0x3] =	wrdreg s5  }
0xaa: {  	[dreg:$0x4] =	wrdreg $0xC0  }
0xab: {  	_ =	task [dreg:s7], $0x5FFFF  }
0xac: {  	[dreg:$0x1] =	wrdreg $0xFFFFFFFF  }
0xad: {  	[dreg:$0x0] =	wrdreg $0x60  }
0xae: {  	[dreg:$0x2] =	wrdreg s24  }
0xaf: {  	[dreg:$0x3] =	wrdreg s2  }
0xb0: {  	[dreg:$0x4] =	wrdreg $0xA5000  }
0xb1: {  	[dreg:$0x5] =	wrdreg $0x9  }
0xb2: {  	_ =	task.clear_ibuf [dreg:s7], $0x6FFFF;
	_ =	strace $0x90000046  }
0xb3: {  	s29 =	simm.s32 $0x9;
	_ =	strace $0x80000048  }
0xb4: {  	_ =	swait.ge [sflag:s29], $0x1  }
0xb5: {  	[sflag:s29] =	ssyncadd.s32 $0xFFFFFFFF  }
0xb6: {  	_ =	strace $0x90000048  }
0xb7: {  	_ =	sfence  }
0xb8: {  	s30 =	sld [smem:$0x0];
	_ =	sdelay $0x2  }
0xb9: {  	s31 =	sshll.u32 s1, $0xD;
	s1 =	sshrl.u32 s1, $0x2  }
0xba: {  	s3 =	sand.u32 $0x4000, s31;
	s1 =	sadd.s32 s1, s30  }
0xbb: {  	s0 =	sor.u32 s3, s0;
	s1 =	sshll.u32 s1, $0x11  }
0xbc: {  	s0 =	sor.u32 s1, s0  }
0xbd: {  	s0 =	sadd.s32 $0x8F2B, s0  }
0xbe: {  	[sflag:s0] =	ssyncadd.remote.s32 $0x1  }
0xbf: {  	_ =	sfence.sel $0xFFFF  }
0xc0: {  	[dreg:$0x0] =	wrdreg $0xFFFFFFFF;
	(pc) =	sbr.abs _section_cstart, $3  }
0xc1: {  	[dreg:$0x1] =	wrdreg $0xFFFFFFFF  }
0xc2: {  	_ =	task.clear_ibuf [dreg:s7], $0x2FFFF;
	_ =	strace $0x9FFFFFFF  }
0xc3: {  	(tm) =	ssettm $0x7FFFFFFF  }
tec
execute0_lowered:
.L_overlay_start_1:
0x0: {  	(tag) =	ssettag $0x1  }
0x1: {  	s0 =	rddreg [dreg:$0x0]  }
0x2: {  	s2 =	rddreg [dreg:$0x2]  }
0x3: {  	s1 =	simm.s32 $0x0;
	s23 =	srdreg.scid;
	s12 =	stileid.u32  }
0x4: {  	s31 =	simm.s32 $0x9100;
	s17 =	simm.s32 $0x3;
	s18 =	simm.s32 $0x80  }
0x5: {  	s19 =	simm.s32 $0x8500;
	s20 =	simm.s32 $0x8900;
	s21 =	simm.s32 $0x500  }
0x6: {  	s22 =	simm.s32 $0x4500;
	s14 =	simm.s32 $0x300;
	s15 =	simm.s32 $0x8F00  }
0x7: {  	s16 =	simm.s32 $0x380;
	s28 =	simm.s32 $0x9080;
	s29 =	simm.s32 $0x0  }
0x8: {  	[smem:$0x7FF] =	sst s1;
	s5 =	sadd.s32 $0xACA00, s0;
	s1 =	sand.u32 $0x1, s23  }
0x9: {  	s6 =	sadd.s32 $0xD4A00, s0;
	s7 =	sadd.s32 $0x2A00, s0;
	s8 =	sadd.s32 $0xCA00, s0  }
0xa: {  	s11 =	sshll.u32 s12, $0x1;
	s3 =	sshll.u32 s1, $0x4;
	s4 =	ssub.s32 $0x2, s1  }
0xb: {  	s1 =	sor.u32 s1, s11;
	s3 =	sor.u32 s12, s3;
	s12 =	smul.u32 $0x5000, s12  }
0xc: {  	s9 =	sadd.s32 $0x5CA00, s0;
	s10 =	sadd.s32 $0x129A00, s0;
	s11 =	smul.u32 $0x50, s1  }
0xd: {  	s23 =	simm.s32 $0x1;
	_ =	strace $0x80000047;
	s3 =	smul.u32 $0x280, s3  }
0xe: {  	s24 =	sshrl.u32 s4, $0x1;
	s13 =	smul.u32 $0x14000, s1;
	s1 =	simm.s32 $0x400  }
0xf: {  	s25 =	sshrl.u32 s12, $0x2;
	s12 =	simm.s32 $0x8F80;
	s0 =	sadd.s32 s3, s0  }
0x10: {  	v0 =	vlaneseq.u32;
	s3 =	ssub.s32 s4, s24;
	s30 =	sadd.s32 s25, s2;
	s24 =	simm.s32 $0x2  }
0x11: {  	v1 =	vimm.f32 $0.0e+00;
	v2 =	vor.u32 $0x80, v0;
	s25 =	simm.s32 $0x8D00;
	s0 =	sadd.s32 $0x124A00, s0;
	[dreg:$0x4] =	wrdreg s30  }
0x12: {  	v3 =	vor.u32 $0x100, v0;
	v4 =	vor.u32 $0x180, v0;
	v5 =	vor.u32 $0x200, v0;
	s4 =	simm.s32 $0x8E80;
	s26 =	smax.u32 s3, $0x1;
	[dreg:$0x5] =	wrdreg s0  }
0x13: {  	v6 =	vor.u32 $0x280, v0;
	v7 =	vor.u32 $0x300, v0;
	v8 =	vor.u32 $0x380, v0;
	s3 =	simm.s32 $0x9000;
	[dreg:$0x6] =	wrdreg s26;
	s26 =	simm.s32 $0x480  }
.LBB2_1:
0x14: {  	[dreg:$0x7] =	wrdreg s29;
	s0 =	simm.s32 $0x40;
	s29 =	simm.s32 $0x0  }
.LBB2_2:
0x15: {  	p0 =	sne.s32 s0, $0x4FC0;
	[tilespmem:s29+$0x9100] =	vst v1;
	s29 =	smov.u32 s0;
	s0 =	sadd.s32 $0x40, s0  }
.Ltmp0:
0x16: {  	(pc) =	sbr.rel @p0 .LBB2_2-.Ltmp0, $2  }
0x17: {  	_ =	sdelay $0x2  }
0x18: {  	s29 =	sshra.s32 s29, $0x2  }
0x19: {  	[tilespmem:s29+$0x9100] =	vst v1  }
0x1a: {  	[spmem:s30] =	stream.linear.scatter [tilespmem:s31], [sflag:$0x3], $0x1400, $0x38;
	[tilespmem:$0xB900] =	vst v63  }
0x1b: {  	_ =	swait.ge [sflag:s17], $0x1400  }
0x1c: {  	[sflag:s17] =	ssyncset.done $0x0  }
0x1d: {  	[sflag:s17] =	ssyncadd.s32 $0xFFFFEC00  }
0x1e: {  	s29 =	simm.s32 $0x0;
	s30 =	simm.s32 $0x0;
	[bflag:$0x0] =	sbarrier.arrive $0xFFFF  }
.LBB2_4:
0x1f: {  	s0 =	sadd.s32 s11, s30  }
0x20: {  	s31 =	rddreg [dreg:$0x1];
	s0 =	sshll.u32 s0, $0x4  }
0x21: {  	s31 =	sadd.s32 s31, s0  }
0x22: {  	[tilespmem:s29], [sflag:$0x3] =	stream.linear.gather [hbm4b:s31+s29], $0x80, $0x38;
	[tilespmem:$0xB900] =	vst v63  }
0x23: {  	_ =	swait.ge [sflag:s17], $0x80  }
0x24: {  	[sflag:s17] =	ssyncset.done $0x0  }
0x25: {  	s0 =	sadd.s32 s7, s0;
	[sflag:s17] =	ssyncadd.s32 $0xFFFFFF80  }
0x26: {  	[tilespmem:s18], [sflag:$0x3] =	stream.linear.gather [hbm4b:s0+s29], $0x80, $0x38;
	[tilespmem:$0xB900] =	vst v63  }
0x27: {  	s0 =	sshll.u32 s30, $0xA  }
0x28: {  	_ =	swait.ge [sflag:s17], $0x80;
	s0 =	sadd.s32 s13, s0  }
0x29: {  	[sflag:s17] =	ssyncset.done $0x0;
	s31 =	sshrl.u32 s0, $0x3  }
0x2a: {  	[sflag:s17] =	ssyncadd.s32 $0xFFFFFF80;
	s0 =	sadd.s32 s8, s31  }
0x2b: {  	[tilespmem:s19], [sflag:$0x3] =	stream.linear.gather [hbm4b:s0+s29], $0x400, $0x38;
	[tilespmem:$0xB900] =	vst v63  }
0x2c: {  	_ =	swait.ge [sflag:s17], $0x400  }
0x2d: {  	[sflag:s17] =	ssyncset.done $0x0  }
0x2e: {  	s0 =	sadd.s32 s9, s31;
	[sflag:s17] =	ssyncadd.s32 $0xFFFFFC00  }
0x2f: {  	[tilespmem:s20], [sflag:$0x3] =	stream.linear.gather [hbm4b:s0+s29], $0x400, $0x38;
	[tilespmem:$0xB900] =	vst v63  }
0x30: {  	_ =	swait.ge [sflag:s17], $0x400  }
0x31: {  	[sflag:s17] =	ssyncset.done $0x0  }
0x32: {  	[sflag:s17] =	ssyncadd.s32 $0xFFFFFC00  }
0x33: {  	[tilespmem:s21], [sflag:$0x1] =	stream.indirect.gather [hbm4b:s5+s18], $0x80, s29, s18, $0xb8;
	[tilespmem:$0xB900] =	vst v63  }
0x34: {  	_ = 	snop  }
0x35: {  	[tilespmem:s22], [sflag:$0x2] =	stream.indirect.gather [hbm4b:s6+s18], $0x80, s18, s18, $0xb8;
	[tilespmem:$0xB900] =	vst v63  }
0x36: {  	v9 =	vld [tilespmem:$0x80];
	_ =	sdelay $0x4  }
0x37: {  	v9 =	vshll.u32 v9, $0x3  }
0x38: {  	[tilespmem:$0x100] =	vst v9;
	v10 =	vor.u32 $0x1, v9  }
0x39: {  	[tilespmem:$0x180] =	vst v10;
	v10 =	vor.u32 $0x2, v9  }
0x3a: {  	v11 =	vld [tilespmem:$0x90];
	[tilespmem:$0x200] =	vst v10;
	v10 =	vor.u32 $0x3, v9  }
0x3b: {  	[tilespmem:$0x280] =	vst v10;
	v10 =	vor.u32 $0x4, v9  }
0x3c: {  	[tilespmem:$0x300] =	vst v10;
	v10 =	vor.u32 $0x5, v9  }
0x3d: {  	[tilespmem:$0x380] =	vst v10;
	v10 =	vor.u32 $0x6, v9  }
0x3e: {  	v9 =	vor.u32 $0x7, v9;
	[tilespmem:$0x400] =	vst v10  }
0x3f: {  	[tilespmem:$0x480] =	vst v9;
	v9 =	vshll.u32 v11, $0x3  }
0x40: {  	[tilespmem:$0x110] =	vst v9;
	v10 =	vor.u32 $0x1, v9  }
0x41: {  	[tilespmem:$0x190] =	vst v10;
	v10 =	vor.u32 $0x2, v9  }
0x42: {  	v11 =	vld [tilespmem:$0xA0];
	[tilespmem:$0x210] =	vst v10;
	v10 =	vor.u32 $0x3, v9  }
0x43: {  	[tilespmem:$0x290] =	vst v10;
	v10 =	vor.u32 $0x4, v9  }
0x44: {  	[tilespmem:$0x310] =	vst v10;
	v10 =	vor.u32 $0x5, v9  }
0x45: {  	[tilespmem:$0x390] =	vst v10;
	v10 =	vor.u32 $0x6, v9  }
0x46: {  	v9 =	vor.u32 $0x7, v9;
	[tilespmem:$0x410] =	vst v10  }
0x47: {  	[tilespmem:$0x490] =	vst v9;
	v9 =	vshll.u32 v11, $0x3  }
0x48: {  	[tilespmem:$0x120] =	vst v9;
	v10 =	vor.u32 $0x1, v9  }
0x49: {  	[tilespmem:$0x1A0] =	vst v10;
	v10 =	vor.u32 $0x2, v9  }
0x4a: {  	v11 =	vld [tilespmem:$0xB0];
	[tilespmem:$0x220] =	vst v10;
	v10 =	vor.u32 $0x3, v9  }
0x4b: {  	[tilespmem:$0x2A0] =	vst v10;
	v10 =	vor.u32 $0x4, v9  }
0x4c: {  	[tilespmem:$0x320] =	vst v10;
	v10 =	vor.u32 $0x5, v9  }
0x4d: {  	[tilespmem:$0x3A0] =	vst v10;
	v10 =	vor.u32 $0x6, v9  }
0x4e: {  	v9 =	vor.u32 $0x7, v9;
	[tilespmem:$0x420] =	vst v10  }
0x4f: {  	[tilespmem:$0x4A0] =	vst v9;
	v9 =	vshll.u32 v11, $0x3  }
0x50: {  	[tilespmem:$0x130] =	vst v9;
	v10 =	vor.u32 $0x1, v9  }
0x51: {  	[tilespmem:$0x1B0] =	vst v10;
	v10 =	vor.u32 $0x2, v9  }
0x52: {  	v11 =	vld [tilespmem:$0xC0];
	[tilespmem:$0x230] =	vst v10;
	v10 =	vor.u32 $0x3, v9  }
0x53: {  	[tilespmem:$0x2B0] =	vst v10;
	v10 =	vor.u32 $0x4, v9  }
0x54: {  	[tilespmem:$0x330] =	vst v10;
	v10 =	vor.u32 $0x5, v9  }
0x55: {  	[tilespmem:$0x3B0] =	vst v10;
	v10 =	vor.u32 $0x6, v9  }
0x56: {  	v9 =	vor.u32 $0x7, v9;
	[tilespmem:$0x430] =	vst v10  }
0x57: {  	[tilespmem:$0x4B0] =	vst v9;
	v9 =	vshll.u32 v11, $0x3  }
0x58: {  	[tilespmem:$0x140] =	vst v9;
	v10 =	vor.u32 $0x1, v9  }
0x59: {  	[tilespmem:$0x1C0] =	vst v10;
	v10 =	vor.u32 $0x2, v9  }
0x5a: {  	v11 =	vld [tilespmem:$0xD0];
	[tilespmem:$0x240] =	vst v10;
	v10 =	vor.u32 $0x3, v9  }
0x5b: {  	[tilespmem:$0x2C0] =	vst v10;
	v10 =	vor.u32 $0x4, v9  }
0x5c: {  	[tilespmem:$0x340] =	vst v10;
	v10 =	vor.u32 $0x5, v9  }
0x5d: {  	[tilespmem:$0x3C0] =	vst v10;
	v10 =	vor.u32 $0x6, v9  }
0x5e: {  	v9 =	vor.u32 $0x7, v9;
	[tilespmem:$0x440] =	vst v10  }
0x5f: {  	[tilespmem:$0x4C0] =	vst v9;
	v9 =	vshll.u32 v11, $0x3  }
0x60: {  	[tilespmem:$0x150] =	vst v9;
	v10 =	vor.u32 $0x1, v9  }
0x61: {  	[tilespmem:$0x1D0] =	vst v10;
	v10 =	vor.u32 $0x2, v9  }
0x62: {  	v11 =	vld [tilespmem:$0xE0];
	[tilespmem:$0x250] =	vst v10;
	v10 =	vor.u32 $0x3, v9  }
0x63: {  	[tilespmem:$0x2D0] =	vst v10;
	v10 =	vor.u32 $0x4, v9  }
0x64: {  	[tilespmem:$0x350] =	vst v10;
	v10 =	vor.u32 $0x5, v9  }
0x65: {  	[tilespmem:$0x3D0] =	vst v10;
	v10 =	vor.u32 $0x6, v9  }
0x66: {  	v9 =	vor.u32 $0x7, v9;
	[tilespmem:$0x450] =	vst v10  }
0x67: {  	v10 =	vshll.u32 v11, $0x3;
	[tilespmem:$0x4D0] =	vst v9  }
0x68: {  	v9 =	vor.u32 $0x1, v10;
	[tilespmem:$0x160] =	vst v10  }
0x69: {  	[tilespmem:$0x1E0] =	vst v9;
	v9 =	vor.u32 $0x2, v10  }
0x6a: {  	v11 =	vld [tilespmem:$0xF0];
	[tilespmem:$0x260] =	vst v9;
	v9 =	vor.u32 $0x3, v10  }
0x6b: {  	[tilespmem:$0x2E0] =	vst v9;
	v9 =	vor.u32 $0x4, v10  }
0x6c: {  	[tilespmem:$0x360] =	vst v9;
	v9 =	vor.u32 $0x5, v10  }
0x6d: {  	[tilespmem:$0x3E0] =	vst v9;
	v9 =	vor.u32 $0x6, v10  }
0x6e: {  	[tilespmem:$0x460] =	vst v9;
	v9 =	vor.u32 $0x7, v10  }
0x6f: {  	[tilespmem:$0x4E0] =	vst v9;
	v9 =	vshll.u32 v11, $0x3  }
0x70: {  	[tilespmem:$0x170] =	vst v9;
	v10 =	vor.u32 $0x1, v9  }
0x71: {  	[tilespmem:$0x1F0] =	vst v10;
	v10 =	vor.u32 $0x2, v9  }
0x72: {  	[tilespmem:$0x270] =	vst v10;
	v10 =	vor.u32 $0x3, v9  }
0x73: {  	[tilespmem:$0x2F0] =	vst v10;
	v10 =	vor.u32 $0x4, v9  }
0x74: {  	[tilespmem:$0x370] =	vst v10;
	v10 =	vor.u32 $0x5, v9  }
0x75: {  	[tilespmem:$0x3F0] =	vst v10;
	v10 =	vor.u32 $0x6, v9  }
0x76: {  	v9 =	vor.u32 $0x7, v9;
	[tilespmem:$0x470] =	vst v10  }
0x77: {  	[tilespmem:$0x4F0] =	vst v9  }
0x78: {  	_ =	swait.ge [sflag:s23], $0x4000  }
0x79: {  	[sflag:s23] =	ssyncset.done $0x0  }
0x7a: {  	[sflag:s23] =	ssyncadd.s32 $0xFFFFC000  }
0x7b: {  	_ =	swait.ge [sflag:s24], $0x4000  }
0x7c: {  	[sflag:s24] =	ssyncset.done $0x0  }
0x7d: {  	s0 =	simm.s32 $0x0;
	[sflag:s24] =	ssyncadd.s32 $0xFFFFC000  }
.LBB2_5:
0x7e: {  	v10 =	vor.u32 s0, v0;
	_ =	sdelay $0x1  }
0x7f: {  	v9 =	vshll.u32 v10, $0x7;
	_ =	sdelay $0x1  }
0x80: {  	v11 =	vor.u32 $0x1, v9  }
0x81: {  	v12 =	vld.idx.msk [tilespmem:v10+s19+$0x0], $0xffff  }
0x82: {  	v14 =	vor.u32 $0x2, v9;
	v13 =	vld.idx.msk [tilespmem:v10+s20+$0x0], $0xffff  }
0x83: {  	v15 =	vld.idx.msk [tilespmem:v9+s21+$0x0], $0xffff  }
0x84: {  	v17 =	vor.u32 $0x3, v9;
	v16 =	vld.idx.msk [tilespmem:v9+s22+$0x0], $0xffff  }
0x85: {  	v18 =	vld.idx.msk [tilespmem:v11+s21+$0x0], $0xffff  }
0x86: {  	v19 =	vor.u32 $0x4, v9;
	v11 =	vld.idx.msk [tilespmem:v11+s22+$0x0], $0xffff  }
0x87: {  	v20 =	vld.idx.msk [tilespmem:v14+s21+$0x0], $0xffff  }
0x88: {  	v21 =	vor.u32 $0x5, v9;
	v14 =	vld.idx.msk [tilespmem:v14+s22+$0x0], $0xffff  }
0x89: {  	v46 =	vld.idx.msk [tilespmem:v17+s21+$0x0], $0xffff;
	v12 =	vadd.f32 v13, v12;
	v45 =	vmul.f32 v16, v15  }
0x8a: {  	v48 =	vor.u32 $0x6, v9;
	v47 =	vld.idx.msk [tilespmem:v17+s22+$0x0], $0xffff  }
0x8b: {  	v49 =	vld.idx.msk [tilespmem:v19+s21+$0x0], $0xffff;
	v11 =	vmul.f32 v11, v18;
	v12 =	vadd.f32 v45, v12  }
0x8c: {  	v51 =	vor.u32 $0x7, v9;
	v50 =	vld.idx.msk [tilespmem:v19+s22+$0x0], $0xffff  }
0x8d: {  	v53 =	vld.idx.msk [tilespmem:v21+s21+$0x0], $0xffff;
	v52 =	vmul.f32 v14, v20;
	v11 =	vadd.f32 v11, v12  }
0x8e: {  	v55 =	vor.u32 $0x8, v9;
	v54 =	vld.idx.msk [tilespmem:v21+s22+$0x0], $0xffff  }
0x8f: {  	v57 =	vld.idx.msk [tilespmem:v48+s21+$0x0], $0xffff;
	v56 =	vmul.f32 v47, v46;
	v11 =	vadd.f32 v52, v11  }
0x90: {  	v59 =	vor.u32 $0x9, v9;
	v58 =	vld.idx.msk [tilespmem:v48+s22+$0x0], $0xffff  }
0x91: {  	v61 =	vld.idx.msk [tilespmem:v51+s21+$0x0], $0xffff;
	v60 =	vmul.f32 v50, v49;
	v11 =	vadd.f32 v56, v11  }
0x92: {  	v63 =	vor.u32 $0xA, v9;
	v62 =	vld.idx.msk [tilespmem:v51+s22+$0x0], $0xffff  }
0x93: {  	v25 =	vld.idx.msk [tilespmem:v55+s21+$0x0], $0xffff;
	v24 =	vmul.f32 v54, v53;
	v11 =	vadd.f32 v60, v11  }
0x94: {  	v27 =	vor.u32 $0xB, v9;
	v26 =	vld.idx.msk [tilespmem:v55+s22+$0x0], $0xffff  }
0x95: {  	v29 =	vld.idx.msk [tilespmem:v59+s21+$0x0], $0xffff;
	v28 =	vmul.f32 v58, v57;
	v11 =	vadd.f32 v24, v11  }
0x96: {  	v31 =	vor.u32 $0xC, v9;
	v30 =	vld.idx.msk [tilespmem:v59+s22+$0x0], $0xffff  }
0x97: {  	v33 =	vld.idx.msk [tilespmem:v63+s21+$0x0], $0xffff;
	v32 =	vmul.f32 v62, v61;
	v11 =	vadd.f32 v28, v11  }
0x98: {  	v35 =	vor.u32 $0xD, v9;
	v34 =	vld.idx.msk [tilespmem:v63+s22+$0x0], $0xffff  }
0x99: {  	v37 =	vld.idx.msk [tilespmem:v27+s21+$0x0], $0xffff;
	v36 =	vmul.f32 v26, v25;
	v11 =	vadd.f32 v32, v11  }
0x9a: {  	v39 =	vor.u32 $0xE, v9;
	v38 =	vld.idx.msk [tilespmem:v27+s22+$0x0], $0xffff  }
0x9b: {  	v41 =	vld.idx.msk [tilespmem:v31+s21+$0x0], $0xffff;
	v40 =	vmul.f32 v30, v29;
	v11 =	vadd.f32 v36, v11  }
0x9c: {  	v43 =	vor.u32 $0xF, v9;
	v42 =	vld.idx.msk [tilespmem:v31+s22+$0x0], $0xffff  }
0x9d: {  	v44 =	vmul.f32 v34, v33;
	v46 =	vld.idx.msk [tilespmem:v35+s22+$0x0], $0xffff;
	v11 =	vadd.f32 v40, v11  }
0x9e: {  	v45 =	vld.idx.msk [tilespmem:v35+s21+$0x0], $0xffff  }
0x9f: {  	v48 =	vld.idx.msk [tilespmem:v39+s21+$0x0], $0xffff;
	v47 =	vmul.f32 v38, v37;
	v11 =	vadd.f32 v44, v11  }
0xa0: {  	v49 =	vld.idx.msk [tilespmem:v39+s22+$0x0], $0xffff  }
0xa1: {  	v51 =	vld.idx.msk [tilespmem:v43+s21+$0x0], $0xffff;
	v50 =	vmul.f32 v42, v41;
	v11 =	vadd.f32 v47, v11  }
0xa2: {  	v52 =	vld.idx.msk [tilespmem:v43+s22+$0x0], $0xffff  }
0xa3: {  	v53 =	vmul.f32 v46, v45;
	v11 =	vadd.f32 v50, v11;
	_ =	sdelay $0x1  }
0xa4: {  	v54 =	vmul.f32 v49, v48;
	v11 =	vadd.f32 v53, v11;
	_ =	sdelay $0x1  }
0xa5: {  	v55 =	vmul.f32 v52, v51;
	v11 =	vadd.f32 v54, v11;
	_ =	sdelay $0x1  }
0xa6: {  	v11 =	vadd.f32 v55, v11;
	_ =	sdelay $0x1  }
0xa7: {  	v11 =	vmul.f32 $1.442695020e+00, v11;
	_ =	sdelay $0x1  }
0xa8: {  	(erf) = vpow2.f32 v11;
	_ =	sdelay $0x5  }
0xa9: {  	v11 =	vor.u32 s0, v2;
	_ =	sdelay $0x1  }
0xaa: {  	v56 =	vor.u32 $0x10, v9  }
0xab: {  	v57 =	vpop (erf)  }
0xac: {  	[tilespmem:v10+s25+$0x0] =	vst.idx.msk $0xffff, v57;
	v10 =	vor.u32 $0x11, v9  }
0xad: {  	v13 =	vld.idx.msk [tilespmem:v11+s19+$0x0], $0xffff  }
0xae: {  	v59 =	vor.u32 $0x12, v9;
	v58 =	vld.idx.msk [tilespmem:v11+s20+$0x0], $0xffff  }
0xaf: {  	v60 =	vld.idx.msk [tilespmem:v56+s21+$0x0], $0xffff  }
0xb0: {  	v61 =	vor.u32 $0x13, v9;
	v12 =	vld.idx.msk [tilespmem:v56+s22+$0x0], $0xffff  }
0xb1: {  	v62 =	vld.idx.msk [tilespmem:v10+s21+$0x0], $0xffff  }
0xb2: {  	v63 =	vor.u32 $0x14, v9;
	v10 =	vld.idx.msk [tilespmem:v10+s22+$0x0], $0xffff  }
0xb3: {  	v24 =	vld.idx.msk [tilespmem:v59+s21+$0x0], $0xffff  }
0xb4: {  	v25 =	vor.u32 $0x15, v9;
	v15 =	vld.idx.msk [tilespmem:v59+s22+$0x0], $0xffff  }
0xb5: {  	v26 =	vld.idx.msk [tilespmem:v61+s21+$0x0], $0xffff;
	v13 =	vadd.f32 v58, v13;
	v12 =	vmul.f32 v12, v60  }
0xb6: {  	v28 =	vor.u32 $0x16, v9;
	v27 =	vld.idx.msk [tilespmem:v61+s22+$0x0], $0xffff  }
0xb7: {  	v29 =	vld.idx.msk [tilespmem:v63+s21+$0x0], $0xffff;
	v12 =	vadd.f32 v12, v13;
	v10 =	vmul.f32 v10, v62  }
0xb8: {  	v31 =	vor.u32 $0x17, v9;
	v30 =	vld.idx.msk [tilespmem:v63+s22+$0x0], $0xffff  }
0xb9: {  	v33 =	vld.idx.msk [tilespmem:v25+s21+$0x0], $0xffff;
	v32 =	vmul.f32 v15, v24;
	v10 =	vadd.f32 v10, v12  }
0xba: {  	v35 =	vor.u32 $0x18, v9;
	v34 =	vld.idx.msk [tilespmem:v25+s22+$0x0], $0xffff  }
0xbb: {  	v37 =	vld.idx.msk [tilespmem:v28+s21+$0x0], $0xffff;
	v36 =	vmul.f32 v27, v26;
	v10 =	vadd.f32 v32, v10  }
0xbc: {  	v39 =	vor.u32 $0x19, v9;
	v38 =	vld.idx.msk [tilespmem:v28+s22+$0x0], $0xffff  }
0xbd: {  	v41 =	vld.idx.msk [tilespmem:v31+s21+$0x0], $0xffff;
	v40 =	vmul.f32 v30, v29;
	v10 =	vadd.f32 v36, v10  }
0xbe: {  	v43 =	vor.u32 $0x1A, v9;
	v42 =	vld.idx.msk [tilespmem:v31+s22+$0x0], $0xffff  }
0xbf: {  	v45 =	vld.idx.msk [tilespmem:v35+s21+$0x0], $0xffff;
	v44 =	vmul.f32 v34, v33;
	v10 =	vadd.f32 v40, v10  }
0xc0: {  	v47 =	vor.u32 $0x1B, v9;
	v46 =	vld.idx.msk [tilespmem:v35+s22+$0x0], $0xffff  }
0xc1: {  	v49 =	vld.idx.msk [tilespmem:v39+s21+$0x0], $0xffff;
	v48 =	vmul.f32 v38, v37;
	v10 =	vadd.f32 v44, v10  }
0xc2: {  	v51 =	vor.u32 $0x1C, v9;
	v50 =	vld.idx.msk [tilespmem:v39+s22+$0x0], $0xffff  }
0xc3: {  	v53 =	vld.idx.msk [tilespmem:v43+s21+$0x0], $0xffff;
	v52 =	vmul.f32 v42, v41;
	v10 =	vadd.f32 v48, v10  }
0xc4: {  	v55 =	vor.u32 $0x1D, v9;
	v54 =	vld.idx.msk [tilespmem:v43+s22+$0x0], $0xffff  }
0xc5: {  	v57 =	vld.idx.msk [tilespmem:v47+s21+$0x0], $0xffff;
	v56 =	vmul.f32 v46, v45;
	v10 =	vadd.f32 v52, v10  }
0xc6: {  	v59 =	vor.u32 $0x1E, v9;
	v58 =	vld.idx.msk [tilespmem:v47+s22+$0x0], $0xffff  }
0xc7: {  	v61 =	vld.idx.msk [tilespmem:v51+s21+$0x0], $0xffff;
	v60 =	vmul.f32 v50, v49;
	v10 =	vadd.f32 v56, v10  }
0xc8: {  	v63 =	vor.u32 $0x1F, v9;
	v62 =	vld.idx.msk [tilespmem:v51+s22+$0x0], $0xffff  }
0xc9: {  	v23 =	vld.idx.msk [tilespmem:v55+s21+$0x0], $0xffff;
	v22 =	vmul.f32 v54, v53;
	v10 =	vadd.f32 v60, v10  }
0xca: {  	v24 =	vld.idx.msk [tilespmem:v55+s22+$0x0], $0xffff  }
0xcb: {  	v26 =	vld.idx.msk [tilespmem:v59+s21+$0x0], $0xffff;
	v25 =	vmul.f32 v58, v57;
	v10 =	vadd.f32 v22, v10  }
0xcc: {  	v27 =	vld.idx.msk [tilespmem:v59+s22+$0x0], $0xffff  }
0xcd: {  	v29 =	vld.idx.msk [tilespmem:v63+s21+$0x0], $0xffff;
	v28 =	vmul.f32 v62, v61;
	v10 =	vadd.f32 v25, v10  }
0xce: {  	v30 =	vld.idx.msk [tilespmem:v63+s22+$0x0], $0xffff  }
0xcf: {  	v31 =	vmul.f32 v24, v23;
	v10 =	vadd.f32 v28, v10;
	_ =	sdelay $0x1  }
0xd0: {  	v32 =	vmul.f32 v27, v26;
	v10 =	vadd.f32 v31, v10;
	_ =	sdelay $0x1  }
0xd1: {  	v33 =	vmul.f32 v30, v29;
	v10 =	vadd.f32 v32, v10;
	_ =	sdelay $0x1  }
0xd2: {  	v10 =	vadd.f32 v33, v10;
	_ =	sdelay $0x1  }
0xd3: {  	v10 =	vmul.f32 $1.442695020e+00, v10;
	_ =	sdelay $0x1  }
0xd4: {  	(erf) = vpow2.f32 v10;
	_ =	sdelay $0x5  }
0xd5: {  	v10 =	vor.u32 s0, v3;
	_ =	sdelay $0x1  }
0xd6: {  	v34 =	vor.u32 $0x20, v9  }
0xd7: {  	v35 =	vpop (erf)  }
0xd8: {  	[tilespmem:v11+s25+$0x0] =	vst.idx.msk $0xffff, v35;
	v11 =	vor.u32 $0x21, v9  }
0xd9: {  	v13 =	vld.idx.msk [tilespmem:v10+s19+$0x0], $0xffff  }
0xda: {  	v37 =	vor.u32 $0x22, v9;
	v36 =	vld.idx.msk [tilespmem:v10+s20+$0x0], $0xffff  }
0xdb: {  	v38 =	vld.idx.msk [tilespmem:v34+s21+$0x0], $0xffff  }
0xdc: {  	v39 =	vor.u32 $0x23, v9;
	v12 =	vld.idx.msk [tilespmem:v34+s22+$0x0], $0xffff  }
0xdd: {  	v40 =	vld.idx.msk [tilespmem:v11+s21+$0x0], $0xffff  }
0xde: {  	v41 =	vor.u32 $0x24, v9;
	v11 =	vld.idx.msk [tilespmem:v11+s22+$0x0], $0xffff  }
0xdf: {  	v42 =	vld.idx.msk [tilespmem:v37+s21+$0x0], $0xffff  }
0xe0: {  	v43 =	vor.u32 $0x25, v9;
	v15 =	vld.idx.msk [tilespmem:v37+s22+$0x0], $0xffff  }
0xe1: {  	v44 =	vld.idx.msk [tilespmem:v39+s21+$0x0], $0xffff;
	v13 =	vadd.f32 v36, v13;
	v12 =	vmul.f32 v12, v38  }
0xe2: {  	v46 =	vor.u32 $0x26, v9;
	v45 =	vld.idx.msk [tilespmem:v39+s22+$0x0], $0xffff  }
0xe3: {  	v47 =	vld.idx.msk [tilespmem:v41+s21+$0x0], $0xffff;
	v12 =	vadd.f32 v12, v13;
	v11 =	vmul.f32 v11, v40  }
0xe4: {  	v49 =	vor.u32 $0x27, v9;
	v48 =	vld.idx.msk [tilespmem:v41+s22+$0x0], $0xffff  }
0xe5: {  	v51 =	vld.idx.msk [tilespmem:v43+s21+$0x0], $0xffff;
	v50 =	vmul.f32 v15, v42;
	v11 =	vadd.f32 v11, v12  }
0xe6: {  	v53 =	vor.u32 $0x28, v9;
	v52 =	vld.idx.msk [tilespmem:v43+s22+$0x0], $0xffff  }
0xe7: {  	v55 =	vld.idx.msk [tilespmem:v46+s21+$0x0], $0xffff;
	v54 =	vmul.f32 v45, v44;
	v11 =	vadd.f32 v50, v11  }
0xe8: {  	v57 =	vor.u32 $0x29, v9;
	v56 =	vld.idx.msk [tilespmem:v46+s22+$0x0], $0xffff  }
0xe9: {  	v59 =	vld.idx.msk [tilespmem:v49+s21+$0x0], $0xffff;
	v58 =	vmul.f32 v48, v47;
	v11 =	vadd.f32 v54, v11  }
0xea: {  	v61 =	vor.u32 $0x2A, v9;
	v60 =	vld.idx.msk [tilespmem:v49+s22+$0x0], $0xffff  }
0xeb: {  	v63 =	vld.idx.msk [tilespmem:v53+s21+$0x0], $0xffff;
	v62 =	vmul.f32 v52, v51;
	v11 =	vadd.f32 v58, v11  }
0xec: {  	v25 =	vor.u32 $0x2B, v9;
	v24 =	vld.idx.msk [tilespmem:v53+s22+$0x0], $0xffff  }
0xed: {  	v27 =	vld.idx.msk [tilespmem:v57+s21+$0x0], $0xffff;
	v26 =	vmul.f32 v56, v55;
	v11 =	vadd.f32 v62, v11  }
0xee: {  	v29 =	vor.u32 $0x2C, v9;
	v28 =	vld.idx.msk [tilespmem:v57+s22+$0x0], $0xffff  }
0xef: {  	v31 =	vld.idx.msk [tilespmem:v61+s21+$0x0], $0xffff;
	v30 =	vmul.f32 v60, v59;
	v11 =	vadd.f32 v26, v11  }
0xf0: {  	v33 =	vor.u32 $0x2D, v9;
	v32 =	vld.idx.msk [tilespmem:v61+s22+$0x0], $0xffff  }
0xf1: {  	v35 =	vld.idx.msk [tilespmem:v25+s21+$0x0], $0xffff;
	v34 =	vmul.f32 v24, v63;
	v11 =	vadd.f32 v30, v11  }
0xf2: {  	v37 =	vor.u32 $0x2E, v9;
	v36 =	vld.idx.msk [tilespmem:v25+s22+$0x0], $0xffff  }
0xf3: {  	v39 =	vld.idx.msk [tilespmem:v29+s21+$0x0], $0xffff;
	v38 =	vmul.f32 v28, v27;
	v11 =	vadd.f32 v34, v11  }
0xf4: {  	v41 =	vor.u32 $0x2F, v9;
	v40 =	vld.idx.msk [tilespmem:v29+s22+$0x0], $0xffff  }
0xf5: {  	v43 =	vld.idx.msk [tilespmem:v33+s21+$0x0], $0xffff;
	v42 =	vmul.f32 v32, v31;
	v11 =	vadd.f32 v38, v11  }
0xf6: {  	v44 =	vld.idx.msk [tilespmem:v33+s22+$0x0], $0xffff  }
0xf7: {  	v46 =	vld.idx.msk [tilespmem:v37+s21+$0x0], $0xffff;
	v45 =	vmul.f32 v36, v35;
	v11 =	vadd.f32 v42, v11  }
0xf8: {  	v47 =	vld.idx.msk [tilespmem:v37+s22+$0x0], $0xffff  }
0xf9: {  	v49 =	vld.idx.msk [tilespmem:v41+s21+$0x0], $0xffff;
	v48 =	vmul.f32 v40, v39;
	v11 =	vadd.f32 v45, v11  }
0xfa: {  	v50 =	vld.idx.msk [tilespmem:v41+s22+$0x0], $0xffff  }
0xfb: {  	v51 =	vmul.f32 v44, v43;
	v11 =	vadd.f32 v48, v11;
	_ =	sdelay $0x1  }
0xfc: {  	v52 =	vmul.f32 v47, v46;
	v11 =	vadd.f32 v51, v11;
	_ =	sdelay $0x1  }
0xfd: {  	v53 =	vmul.f32 v50, v49;
	v11 =	vadd.f32 v52, v11;
	_ =	sdelay $0x1  }
0xfe: {  	v11 =	vadd.f32 v53, v11;
	_ =	sdelay $0x1  }
0xff: {  	v11 =	vmul.f32 $1.442695020e+00, v11;
	_ =	sdelay $0x1  }
0x100: {  	(erf) = vpow2.f32 v11;
	_ =	sdelay $0x5  }
0x101: {  	v11 =	vor.u32 s0, v4;
	_ =	sdelay $0x1  }
0x102: {  	v54 =	vor.u32 $0x30, v9  }
0x103: {  	v55 =	vpop (erf)  }
0x104: {  	[tilespmem:v10+s25+$0x0] =	vst.idx.msk $0xffff, v55;
	v10 =	vor.u32 $0x31, v9  }
0x105: {  	v13 =	vld.idx.msk [tilespmem:v11+s19+$0x0], $0xffff  }
0x106: {  	v57 =	vor.u32 $0x32, v9;
	v56 =	vld.idx.msk [tilespmem:v11+s20+$0x0], $0xffff  }
0x107: {  	v58 =	vld.idx.msk [tilespmem:v54+s21+$0x0], $0xffff  }
0x108: {  	v59 =	vor.u32 $0x33, v9;
	v12 =	vld.idx.msk [tilespmem:v54+s22+$0x0], $0xffff  }
0x109: {  	v60 =	vld.idx.msk [tilespmem:v10+s21+$0x0], $0xffff  }
0x10a: {  	v61 =	vor.u32 $0x34, v9;
	v10 =	vld.idx.msk [tilespmem:v10+s22+$0x0], $0xffff  }
0x10b: {  	v62 =	vld.idx.msk [tilespmem:v57+s21+$0x0], $0xffff  }
0x10c: {  	v63 =	vor.u32 $0x35, v9;
	v15 =	vld.idx.msk [tilespmem:v57+s22+$0x0], $0xffff  }
0x10d: {  	v24 =	vld.idx.msk [tilespmem:v59+s21+$0x0], $0xffff;
	v13 =	vadd.f32 v56, v13;
	v12 =	vmul.f32 v12, v58  }
0x10e: {  	v26 =	vor.u32 $0x36, v9;
	v25 =	vld.idx.msk [tilespmem:v59+s22+$0x0], $0xffff  }
0x10f: {  	v27 =	vld.idx.msk [tilespmem:v61+s21+$0x0], $0xffff;
	v12 =	vadd.f32 v12, v13;
	v10 =	vmul.f32 v10, v60  }
0x110: {  	v29 =	vor.u32 $0x37, v9;
	v28 =	vld.idx.msk [tilespmem:v61+s22+$0x0], $0xffff  }
0x111: {  	v31 =	vld.idx.msk [tilespmem:v63+s21+$0x0], $0xffff;
	v30 =	vmul.f32 v15, v62;
	v10 =	vadd.f32 v10, v12  }
0x112: {  	v33 =	vor.u32 $0x38, v9;
	v32 =	vld.idx.msk [tilespmem:v63+s22+$0x0], $0xffff  }
0x113: {  	v35 =	vld.idx.msk [tilespmem:v26+s21+$0x0], $0xffff;
	v34 =	vmul.f32 v25, v24;
	v10 =	vadd.f32 v30, v10  }
0x114: {  	v37 =	vor.u32 $0x39, v9;
	v36 =	vld.idx.msk [tilespmem:v26+s22+$0x0], $0xffff  }
0x115: {  	v39 =	vld.idx.msk [tilespmem:v29+s21+$0x0], $0xffff;
	v38 =	vmul.f32 v28, v27;
	v10 =	vadd.f32 v34, v10  }
0x116: {  	v41 =	vor.u32 $0x3A, v9;
	v40 =	vld.idx.msk [tilespmem:v29+s22+$0x0], $0xffff  }
0x117: {  	v43 =	vld.idx.msk [tilespmem:v33+s21+$0x0], $0xffff;
	v42 =	vmul.f32 v32, v31;
	v10 =	vadd.f32 v38, v10  }
0x118: {  	v45 =	vor.u32 $0x3B, v9;
	v44 =	vld.idx.msk [tilespmem:v33+s22+$0x0], $0xffff  }
0x119: {  	v47 =	vld.idx.msk [tilespmem:v37+s21+$0x0], $0xffff;
	v46 =	vmul.f32 v36, v35;
	v10 =	vadd.f32 v42, v10  }
0x11a: {  	v49 =	vor.u32 $0x3C, v9;
	v48 =	vld.idx.msk [tilespmem:v37+s22+$0x0], $0xffff  }
0x11b: {  	v51 =	vld.idx.msk [tilespmem:v41+s21+$0x0], $0xffff;
	v50 =	vmul.f32 v40, v39;
	v10 =	vadd.f32 v46, v10  }
0x11c: {  	v53 =	vor.u32 $0x3D, v9;
	v52 =	vld.idx.msk [tilespmem:v41+s22+$0x0], $0xffff  }
0x11d: {  	v55 =	vld.idx.msk [tilespmem:v45+s21+$0x0], $0xffff;
	v54 =	vmul.f32 v44, v43;
	v10 =	vadd.f32 v50, v10  }
0x11e: {  	v57 =	vor.u32 $0x3E, v9;
	v56 =	vld.idx.msk [tilespmem:v45+s22+$0x0], $0xffff  }
0x11f: {  	v59 =	vld.idx.msk [tilespmem:v49+s21+$0x0], $0xffff;
	v58 =	vmul.f32 v48, v47;
	v10 =	vadd.f32 v54, v10  }
0x120: {  	v61 =	vor.u32 $0x3F, v9;
	v60 =	vld.idx.msk [tilespmem:v49+s22+$0x0], $0xffff  }
0x121: {  	v63 =	vld.idx.msk [tilespmem:v53+s21+$0x0], $0xffff;
	v62 =	vmul.f32 v52, v51;
	v10 =	vadd.f32 v58, v10  }
0x122: {  	v22 =	vld.idx.msk [tilespmem:v53+s22+$0x0], $0xffff  }
0x123: {  	v24 =	vld.idx.msk [tilespmem:v57+s21+$0x0], $0xffff;
	v23 =	vmul.f32 v56, v55;
	v10 =	vadd.f32 v62, v10  }
0x124: {  	v25 =	vld.idx.msk [tilespmem:v57+s22+$0x0], $0xffff  }
0x125: {  	v27 =	vld.idx.msk [tilespmem:v61+s21+$0x0], $0xffff;
	v26 =	vmul.f32 v60, v59;
	v10 =	vadd.f32 v23, v10  }
0x126: {  	v28 =	vld.idx.msk [tilespmem:v61+s22+$0x0], $0xffff  }
0x127: {  	v29 =	vmul.f32 v22, v63;
	v10 =	vadd.f32 v26, v10;
	_ =	sdelay $0x1  }
0x128: {  	v30 =	vmul.f32 v25, v24;
	v10 =	vadd.f32 v29, v10;
	_ =	sdelay $0x1  }
0x129: {  	v31 =	vmul.f32 v28, v27;
	v10 =	vadd.f32 v30, v10;
	_ =	sdelay $0x1  }
0x12a: {  	v10 =	vadd.f32 v31, v10;
	_ =	sdelay $0x1  }
0x12b: {  	v10 =	vmul.f32 $1.442695020e+00, v10;
	_ =	sdelay $0x1  }
0x12c: {  	(erf) = vpow2.f32 v10;
	_ =	sdelay $0x5  }
0x12d: {  	v10 =	vor.u32 s0, v5;
	_ =	sdelay $0x1  }
0x12e: {  	v32 =	vor.u32 $0x40, v9  }
0x12f: {  	v33 =	vpop (erf)  }
0x130: {  	[tilespmem:v11+s25+$0x0] =	vst.idx.msk $0xffff, v33;
	v11 =	vor.u32 $0x41, v9  }
0x131: {  	v13 =	vld.idx.msk [tilespmem:v10+s19+$0x0], $0xffff  }
0x132: {  	v35 =	vor.u32 $0x42, v9;
	v34 =	vld.idx.msk [tilespmem:v10+s20+$0x0], $0xffff  }
0x133: {  	v36 =	vld.idx.msk [tilespmem:v32+s21+$0x0], $0xffff  }
0x134: {  	v37 =	vor.u32 $0x43, v9;
	v12 =	vld.idx.msk [tilespmem:v32+s22+$0x0], $0xffff  }
0x135: {  	v38 =	vld.idx.msk [tilespmem:v11+s21+$0x0], $0xffff  }
0x136: {  	v39 =	vor.u32 $0x44, v9;
	v11 =	vld.idx.msk [tilespmem:v11+s22+$0x0], $0xffff  }
0x137: {  	v40 =	vld.idx.msk [tilespmem:v35+s21+$0x0], $0xffff  }
0x138: {  	v41 =	vor.u32 $0x45, v9;
	v15 =	vld.idx.msk [tilespmem:v35+s22+$0x0], $0xffff  }
0x139: {  	v42 =	vld.idx.msk [tilespmem:v37+s21+$0x0], $0xffff;
	v13 =	vadd.f32 v34, v13;
	v12 =	vmul.f32 v12, v36  }
0x13a: {  	v44 =	vor.u32 $0x46, v9;
	v43 =	vld.idx.msk [tilespmem:v37+s22+$0x0], $0xffff  }
0x13b: {  	v45 =	vld.idx.msk [tilespmem:v39+s21+$0x0], $0xffff;
	v12 =	vadd.f32 v12, v13;
	v11 =	vmul.f32 v11, v38  }
0x13c: {  	v47 =	vor.u32 $0x47, v9;
	v46 =	vld.idx.msk [tilespmem:v39+s22+$0x0], $0xffff  }
0x13d: {  	v49 =	vld.idx.msk [tilespmem:v41+s21+$0x0], $0xffff;
	v48 =	vmul.f32 v15, v40;
	v11 =	vadd.f32 v11, v12  }
0x13e: {  	v51 =	vor.u32 $0x48, v9;
	v50 =	vld.idx.msk [tilespmem:v41+s22+$0x0], $0xffff  }
0x13f: {  	v53 =	vld.idx.msk [tilespmem:v44+s21+$0x0], $0xffff;
	v52 =	vmul.f32 v43, v42;
	v11 =	vadd.f32 v48, v11  }
0x140: {  	v55 =	vor.u32 $0x49, v9;
	v54 =	vld.idx.msk [tilespmem:v44+s22+$0x0], $0xffff  }
0x141: {  	v57 =	vld.idx.msk [tilespmem:v47+s21+$0x0], $0xffff;
	v56 =	vmul.f32 v46, v45;
	v11 =	vadd.f32 v52, v11  }
0x142: {  	v59 =	vor.u32 $0x4A, v9;
	v58 =	vld.idx.msk [tilespmem:v47+s22+$0x0], $0xffff  }
0x143: {  	v61 =	vld.idx.msk [tilespmem:v51+s21+$0x0], $0xffff;
	v60 =	vmul.f32 v50, v49;
	v11 =	vadd.f32 v56, v11  }
0x144: {  	v63 =	vor.u32 $0x4B, v9;
	v62 =	vld.idx.msk [tilespmem:v51+s22+$0x0], $0xffff  }
0x145: {  	v24 =	vld.idx.msk [tilespmem:v55+s21+$0x0], $0xffff;
	v23 =	vmul.f32 v54, v53;
	v11 =	vadd.f32 v60, v11  }
0x146: {  	v26 =	vor.u32 $0x4C, v9;
	v25 =	vld.idx.msk [tilespmem:v55+s22+$0x0], $0xffff  }
0x147: {  	v28 =	vld.idx.msk [tilespmem:v59+s21+$0x0], $0xffff;
	v27 =	vmul.f32 v58, v57;
	v11 =	vadd.f32 v23, v11  }
0x148: {  	v30 =	vor.u32 $0x4D, v9;
	v29 =	vld.idx.msk [tilespmem:v59+s22+$0x0], $0xffff  }
0x149: {  	v32 =	vld.idx.msk [tilespmem:v63+s21+$0x0], $0xffff;
	v31 =	vmul.f32 v62, v61;
	v11 =	vadd.f32 v27, v11  }
0x14a: {  	v33 =	vld.idx.msk [tilespmem:v63+s22+$0x0], $0xffff;
	v34 =	vor.u32 $0x4E, v9  }
0x14b: {  	v37 =	vld.idx.msk [tilespmem:v26+s22+$0x0], $0xffff;
	v35 =	vmul.f32 v25, v24;
	v11 =	vadd.f32 v31, v11  }
0x14c: {  	v36 =	vld.idx.msk [tilespmem:v26+s21+$0x0], $0xffff;
	v38 =	vor.u32 $0x4F, v9  }
0x14d: {  	v41 =	vld.idx.msk [tilespmem:v30+s22+$0x0], $0xffff;
	v39 =	vmul.f32 v29, v28;
	v11 =	vadd.f32 v35, v11  }
0x14e: {  	v40 =	vld.idx.msk [tilespmem:v30+s21+$0x0], $0xffff  }
0x14f: {  	v42 =	vmul.f32 v33, v32;
	v43 =	vld.idx.msk [tilespmem:v34+s21+$0x0], $0xffff;
	v11 =	vadd.f32 v39, v11  }
0x150: {  	v44 =	vld.idx.msk [tilespmem:v34+s22+$0x0], $0xffff  }
0x151: {  	v45 =	vmul.f32 v37, v36;
	v46 =	vld.idx.msk [tilespmem:v38+s21+$0x0], $0xffff;
	v11 =	vadd.f32 v42, v11  }
0x152: {  	v47 =	vld.idx.msk [tilespmem:v38+s22+$0x0], $0xffff  }
0x153: {  	v48 =	vmul.f32 v41, v40;
	v11 =	vadd.f32 v45, v11;
	_ =	sdelay $0x1  }
0x154: {  	v49 =	vmul.f32 v44, v43;
	v11 =	vadd.f32 v48, v11;
	_ =	sdelay $0x1  }
0x155: {  	v50 =	vmul.f32 v47, v46;
	v11 =	vadd.f32 v49, v11;
	_ =	sdelay $0x1  }
0x156: {  	v11 =	vadd.f32 v50, v11;
	_ =	sdelay $0x1  }
0x157: {  	v11 =	vmul.f32 $1.442695020e+00, v11;
	_ =	sdelay $0x1  }
0x158: {  	(erf) = vpow2.f32 v11;
	_ =	sdelay $0x5  }
0x159: {  	v11 =	vor.u32 s0, v6;
	_ =	sdelay $0x1  }
0x15a: {  	v51 =	vor.u32 $0x50, v9  }
0x15b: {  	v52 =	vpop (erf)  }
0x15c: {  	[tilespmem:v10+s25+$0x0] =	vst.idx.msk $0xffff, v52;
	v10 =	vor.u32 $0x51, v9  }
0x15d: {  	v13 =	vld.idx.msk [tilespmem:v11+s19+$0x0], $0xffff  }
0x15e: {  	v54 =	vor.u32 $0x52, v9;
	v53 =	vld.idx.msk [tilespmem:v11+s20+$0x0], $0xffff  }
0x15f: {  	v55 =	vld.idx.msk [tilespmem:v51+s21+$0x0], $0xffff  }
0x160: {  	v56 =	vor.u32 $0x53, v9;
	v12 =	vld.idx.msk [tilespmem:v51+s22+$0x0], $0xffff  }
0x161: {  	v57 =	vld.idx.msk [tilespmem:v10+s21+$0x0], $0xffff  }
0x162: {  	v58 =	vor.u32 $0x54, v9;
	v10 =	vld.idx.msk [tilespmem:v10+s22+$0x0], $0xffff  }
0x163: {  	v59 =	vld.idx.msk [tilespmem:v54+s21+$0x0], $0xffff  }
0x164: {  	v60 =	vor.u32 $0x55, v9;
	v15 =	vld.idx.msk [tilespmem:v54+s22+$0x0], $0xffff  }
0x165: {  	v61 =	vld.idx.msk [tilespmem:v56+s21+$0x0], $0xffff;
	v13 =	vadd.f32 v53, v13;
	v12 =	vmul.f32 v12, v55  }
0x166: {  	v63 =	vor.u32 $0x56, v9;
	v62 =	vld.idx.msk [tilespmem:v56+s22+$0x0], $0xffff  }
0x167: {  	v24 =	vld.idx.msk [tilespmem:v58+s21+$0x0], $0xffff;
	v12 =	vadd.f32 v12, v13;
	v10 =	vmul.f32 v10, v57  }
0x168: {  	v26 =	vor.u32 $0x57, v9;
	v25 =	vld.idx.msk [tilespmem:v58+s22+$0x0], $0xffff  }
0x169: {  	v28 =	vld.idx.msk [tilespmem:v60+s21+$0x0], $0xffff;
	v27 =	vmul.f32 v15, v59;
	v10 =	vadd.f32 v10, v12  }
0x16a: {  	v30 =	vor.u32 $0x58, v9;
	v29 =	vld.idx.msk [tilespmem:v60+s22+$0x0], $0xffff  }
0x16b: {  	v32 =	vld.idx.msk [tilespmem:v63+s21+$0x0], $0xffff;
	v31 =	vmul.f32 v62, v61;
	v10 =	vadd.f32 v27, v10  }
0x16c: {  	v34 =	vor.u32 $0x59, v9;
	v33 =	vld.idx.msk [tilespmem:v63+s22+$0x0], $0xffff  }
0x16d: {  	v36 =	vld.idx.msk [tilespmem:v26+s21+$0x0], $0xffff;
	v35 =	vmul.f32 v25, v24;
	v10 =	vadd.f32 v31, v10  }
0x16e: {  	v38 =	vor.u32 $0x5A, v9;
	v37 =	vld.idx.msk [tilespmem:v26+s22+$0x0], $0xffff  }
0x16f: {  	v40 =	vld.idx.msk [tilespmem:v30+s21+$0x0], $0xffff;
	v39 =	vmul.f32 v29, v28;
	v10 =	vadd.f32 v35, v10  }
0x170: {  	v42 =	vor.u32 $0x5B, v9;
	v41 =	vld.idx.msk [tilespmem:v30+s22+$0x0], $0xffff  }
0x171: {  	v44 =	vld.idx.msk [tilespmem:v34+s21+$0x0], $0xffff;
	v43 =	vmul.f32 v33, v32;
	v10 =	vadd.f32 v39, v10  }
0x172: {  	v46 =	vor.u32 $0x5C, v9;
	v45 =	vld.idx.msk [tilespmem:v34+s22+$0x0], $0xffff  }
0x173: {  	v48 =	vld.idx.msk [tilespmem:v38+s21+$0x0], $0xffff;
	v47 =	vmul.f32 v37, v36;
	v10 =	vadd.f32 v43, v10  }
0x174: {  	v50 =	vor.u32 $0x5D, v9;
	v49 =	vld.idx.msk [tilespmem:v38+s22+$0x0], $0xffff  }
0x175: {  	v52 =	vld.idx.msk [tilespmem:v42+s21+$0x0], $0xffff;
	v51 =	vmul.f32 v41, v40;
	v10 =	vadd.f32 v47, v10  }
0x176: {  	v54 =	vor.u32 $0x5E, v9;
	v53 =	vld.idx.msk [tilespmem:v42+s22+$0x0], $0xffff  }
0x177: {  	v56 =	vld.idx.msk [tilespmem:v46+s21+$0x0], $0xffff;
	v55 =	vmul.f32 v45, v44;
	v10 =	vadd.f32 v51, v10  }
0x178: {  	v58 =	vor.u32 $0x5F, v9;
	v57 =	vld.idx.msk [tilespmem:v46+s22+$0x0], $0xffff  }
0x179: {  	v60 =	vld.idx.msk [tilespmem:v50+s21+$0x0], $0xffff;
	v59 =	vmul.f32 v49, v48;
	v10 =	vadd.f32 v55, v10  }
0x17a: {  	v61 =	vld.idx.msk [tilespmem:v50+s22+$0x0], $0xffff  }
0x17b: {  	v63 =	vld.idx.msk [tilespmem:v54+s21+$0x0], $0xffff;
	v62 =	vmul.f32 v53, v52;
	v10 =	vadd.f32 v59, v10  }
0x17c: {  	v21 =	vld.idx.msk [tilespmem:v54+s22+$0x0], $0xffff  }
0x17d: {  	v23 =	vld.idx.msk [tilespmem:v58+s21+$0x0], $0xffff;
	v22 =	vmul.f32 v57, v56;
	v10 =	vadd.f32 v62, v10  }
0x17e: {  	v24 =	vld.idx.msk [tilespmem:v58+s22+$0x0], $0xffff  }
0x17f: {  	v25 =	vmul.f32 v61, v60;
	v10 =	vadd.f32 v22, v10;
	_ =	sdelay $0x1  }
0x180: {  	v26 =	vmul.f32 v21, v63;
	v10 =	vadd.f32 v25, v10;
	_ =	sdelay $0x1  }
0x181: {  	v27 =	vmul.f32 v24, v23;
	v10 =	vadd.f32 v26, v10;
	_ =	sdelay $0x1  }
0x182: {  	v10 =	vadd.f32 v27, v10;
	_ =	sdelay $0x1  }
0x183: {  	v10 =	vmul.f32 $1.442695020e+00, v10;
	_ =	sdelay $0x1  }
0x184: {  	(erf) = vpow2.f32 v10;
	_ =	sdelay $0x5  }
0x185: {  	v10 =	vor.u32 s0, v7;
	_ =	sdelay $0x1  }
0x186: {  	v28 =	vor.u32 $0x60, v9  }
0x187: {  	v29 =	vpop (erf)  }
0x188: {  	[tilespmem:v11+s25+$0x0] =	vst.idx.msk $0xffff, v29;
	v11 =	vor.u32 $0x61, v9  }
0x189: {  	v13 =	vld.idx.msk [tilespmem:v10+s19+$0x0], $0xffff  }
0x18a: {  	v31 =	vor.u32 $0x62, v9;
	v30 =	vld.idx.msk [tilespmem:v10+s20+$0x0], $0xffff  }
0x18b: {  	v32 =	vld.idx.msk [tilespmem:v28+s21+$0x0], $0xffff  }
0x18c: {  	v33 =	vor.u32 $0x63, v9;
	v12 =	vld.idx.msk [tilespmem:v28+s22+$0x0], $0xffff  }
0x18d: {  	v34 =	vld.idx.msk [tilespmem:v11+s21+$0x0], $0xffff  }
0x18e: {  	v35 =	vor.u32 $0x64, v9;
	v11 =	vld.idx.msk [tilespmem:v11+s22+$0x0], $0xffff  }
0x18f: {  	v36 =	vld.idx.msk [tilespmem:v31+s21+$0x0], $0xffff  }
0x190: {  	v37 =	vor.u32 $0x65, v9;
	v15 =	vld.idx.msk [tilespmem:v31+s22+$0x0], $0xffff  }
0x191: {  	v38 =	vld.idx.msk [tilespmem:v33+s21+$0x0], $0xffff;
	v13 =	vadd.f32 v30, v13;
	v12 =	vmul.f32 v12, v32  }
0x192: {  	v40 =	vor.u32 $0x66, v9;
	v39 =	vld.idx.msk [tilespmem:v33+s22+$0x0], $0xffff  }
0x193: {  	v41 =	vld.idx.msk [tilespmem:v35+s21+$0x0], $0xffff;
	v12 =	vadd.f32 v12, v13;
	v11 =	vmul.f32 v11, v34  }
0x194: {  	v43 =	vor.u32 $0x67, v9;
	v42 =	vld.idx.msk [tilespmem:v35+s22+$0x0], $0xffff  }
0x195: {  	v45 =	vld.idx.msk [tilespmem:v37+s21+$0x0], $0xffff;
	v44 =	vmul.f32 v15, v36;
	v11 =	vadd.f32 v11, v12  }
0x196: {  	v47 =	vor.u32 $0x68, v9;
	v46 =	vld.idx.msk [tilespmem:v37+s22+$0x0], $0xffff  }
0x197: {  	v49 =	vld.idx.msk [tilespmem:v40+s21+$0x0], $0xffff;
	v48 =	vmul.f32 v39, v38;
	v11 =	vadd.f32 v44, v11  }
0x198: {  	v51 =	vor.u32 $0x69, v9;
	v50 =	vld.idx.msk [tilespmem:v40+s22+$0x0], $0xffff  }
0x199: {  	v53 =	vld.idx.msk [tilespmem:v43+s21+$0x0], $0xffff;
	v52 =	vmul.f32 v42, v41;
	v11 =	vadd.f32 v48, v11  }
0x19a: {  	v55 =	vor.u32 $0x6A, v9;
	v54 =	vld.idx.msk [tilespmem:v43+s22+$0x0], $0xffff  }
0x19b: {  	v57 =	vld.idx.msk [tilespmem:v47+s21+$0x0], $0xffff;
	v56 =	vmul.f32 v46, v45;
	v11 =	vadd.f32 v52, v11  }
0x19c: {  	v59 =	vor.u32 $0x6B, v9;
	v58 =	vld.idx.msk [tilespmem:v47+s22+$0x0], $0xffff  }
0x19d: {  	v61 =	vld.idx.msk [tilespmem:v51+s21+$0x0], $0xffff;
	v60 =	vmul.f32 v50, v49;
	v11 =	vadd.f32 v56, v11  }
0x19e: {  	v63 =	vor.u32 $0x6C, v9;
	v62 =	vld.idx.msk [tilespmem:v51+s22+$0x0], $0xffff  }
0x19f: {  	v24 =	vld.idx.msk [tilespmem:v55+s21+$0x0], $0xffff;
	v23 =	vmul.f32 v54, v53;
	v11 =	vadd.f32 v60, v11  }
0x1a0: {  	v26 =	vor.u32 $0x6D, v9;
	v25 =	vld.idx.msk [tilespmem:v55+s22+$0x0], $0xffff  }
0x1a1: {  	v28 =	vld.idx.msk [tilespmem:v59+s21+$0x0], $0xffff;
	v27 =	vmul.f32 v58, v57;
	v11 =	vadd.f32 v23, v11  }
0x1a2: {  	v29 =	vld.idx.msk [tilespmem:v59+s22+$0x0], $0xffff;
	v30 =	vor.u32 $0x6E, v9  }
0x1a3: {  	v33 =	vld.idx.msk [tilespmem:v63+s22+$0x0], $0xffff;
	v31 =	vmul.f32 v62, v61;
	v11 =	vadd.f32 v27, v11  }
0x1a4: {  	v32 =	vld.idx.msk [tilespmem:v63+s21+$0x0], $0xffff;
	v34 =	vor.u32 $0x6F, v9  }
0x1a5: {  	v37 =	vld.idx.msk [tilespmem:v26+s22+$0x0], $0xffff;
	v35 =	vmul.f32 v25, v24;
	v11 =	vadd.f32 v31, v11  }
0x1a6: {  	v36 =	vld.idx.msk [tilespmem:v26+s21+$0x0], $0xffff  }
0x1a7: {  	v38 =	vmul.f32 v29, v28;
	v39 =	vld.idx.msk [tilespmem:v30+s21+$0x0], $0xffff;
	v11 =	vadd.f32 v35, v11  }
0x1a8: {  	v40 =	vld.idx.msk [tilespmem:v30+s22+$0x0], $0xffff  }
0x1a9: {  	v41 =	vmul.f32 v33, v32;
	v42 =	vld.idx.msk [tilespmem:v34+s21+$0x0], $0xffff;
	v11 =	vadd.f32 v38, v11  }
0x1aa: {  	v43 =	vld.idx.msk [tilespmem:v34+s22+$0x0], $0xffff  }
0x1ab: {  	v44 =	vmul.f32 v37, v36;
	v11 =	vadd.f32 v41, v11;
	_ =	sdelay $0x1  }
0x1ac: {  	v45 =	vmul.f32 v40, v39;
	v11 =	vadd.f32 v44, v11;
	_ =	sdelay $0x1  }
0x1ad: {  	v46 =	vmul.f32 v43, v42;
	v11 =	vadd.f32 v45, v11;
	_ =	sdelay $0x1  }
0x1ae: {  	v11 =	vadd.f32 v46, v11;
	_ =	sdelay $0x1  }
0x1af: {  	v11 =	vmul.f32 $1.442695020e+00, v11;
	_ =	sdelay $0x1  }
0x1b0: {  	(erf) = vpow2.f32 v11;
	_ =	sdelay $0x5  }
0x1b1: {  	v11 =	vor.u32 s0, v8;
	_ =	sdelay $0x1  }
0x1b2: {  	v47 =	vor.u32 $0x70, v9  }
0x1b3: {  	v48 =	vpop (erf)  }
0x1b4: {  	[tilespmem:v10+s25+$0x0] =	vst.idx.msk $0xffff, v48;
	v10 =	vor.u32 $0x71, v9  }
0x1b5: {  	v13 =	vld.idx.msk [tilespmem:v11+s19+$0x0], $0xffff  }
0x1b6: {  	v50 =	vor.u32 $0x72, v9;
	v49 =	vld.idx.msk [tilespmem:v11+s20+$0x0], $0xffff  }
0x1b7: {  	v51 =	vld.idx.msk [tilespmem:v47+s21+$0x0], $0xffff  }
0x1b8: {  	v52 =	vor.u32 $0x73, v9;
	v12 =	vld.idx.msk [tilespmem:v47+s22+$0x0], $0xffff  }
0x1b9: {  	v53 =	vld.idx.msk [tilespmem:v10+s21+$0x0], $0xffff  }
0x1ba: {  	v54 =	vor.u32 $0x74, v9;
	v10 =	vld.idx.msk [tilespmem:v10+s22+$0x0], $0xffff  }
0x1bb: {  	v55 =	vld.idx.msk [tilespmem:v50+s21+$0x0], $0xffff  }
0x1bc: {  	v56 =	vor.u32 $0x75, v9;
	v15 =	vld.idx.msk [tilespmem:v50+s22+$0x0], $0xffff  }
0x1bd: {  	v57 =	vld.idx.msk [tilespmem:v52+s21+$0x0], $0xffff;
	v13 =	vadd.f32 v49, v13;
	v12 =	vmul.f32 v12, v51  }
0x1be: {  	v59 =	vor.u32 $0x76, v9;
	v58 =	vld.idx.msk [tilespmem:v52+s22+$0x0], $0xffff  }
0x1bf: {  	v60 =	vld.idx.msk [tilespmem:v54+s21+$0x0], $0xffff;
	v12 =	vadd.f32 v12, v13;
	v10 =	vmul.f32 v10, v53  }
0x1c0: {  	v62 =	vor.u32 $0x77, v9;
	v61 =	vld.idx.msk [tilespmem:v54+s22+$0x0], $0xffff  }
0x1c1: {  	v24 =	vld.idx.msk [tilespmem:v56+s21+$0x0], $0xffff;
	v63 =	vmul.f32 v15, v55;
	v10 =	vadd.f32 v10, v12  }
0x1c2: {  	v26 =	vor.u32 $0x78, v9;
	v25 =	vld.idx.msk [tilespmem:v56+s22+$0x0], $0xffff  }
0x1c3: {  	v28 =	vld.idx.msk [tilespmem:v59+s21+$0x0], $0xffff;
	v27 =	vmul.f32 v58, v57;
	v10 =	vadd.f32 v63, v10  }
0x1c4: {  	v30 =	vor.u32 $0x79, v9;
	v29 =	vld.idx.msk [tilespmem:v59+s22+$0x0], $0xffff  }
0x1c5: {  	v32 =	vld.idx.msk [tilespmem:v62+s21+$0x0], $0xffff;
	v31 =	vmul.f32 v61, v60;
	v10 =	vadd.f32 v27, v10  }
0x1c6: {  	v34 =	vor.u32 $0x7A, v9;
	v33 =	vld.idx.msk [tilespmem:v62+s22+$0x0], $0xffff  }
0x1c7: {  	v36 =	vld.idx.msk [tilespmem:v26+s21+$0x0], $0xffff;
	v35 =	vmul.f32 v25, v24;
	v10 =	vadd.f32 v31, v10  }
0x1c8: {  	v38 =	vor.u32 $0x7B, v9;
	v37 =	vld.idx.msk [tilespmem:v26+s22+$0x0], $0xffff  }
0x1c9: {  	v40 =	vld.idx.msk [tilespmem:v30+s21+$0x0], $0xffff;
	v39 =	vmul.f32 v29, v28;
	v10 =	vadd.f32 v35, v10  }
0x1ca: {  	v42 =	vor.u32 $0x7C, v9;
	v41 =	vld.idx.msk [tilespmem:v30+s22+$0x0], $0xffff  }
0x1cb: {  	v44 =	vld.idx.msk [tilespmem:v34+s21+$0x0], $0xffff;
	v43 =	vmul.f32 v33, v32;
	v10 =	vadd.f32 v39, v10  }
0x1cc: {  	v46 =	vor.u32 $0x7D, v9;
	v45 =	vld.idx.msk [tilespmem:v34+s22+$0x0], $0xffff  }
0x1cd: {  	v48 =	vld.idx.msk [tilespmem:v38+s21+$0x0], $0xffff;
	v47 =	vmul.f32 v37, v36;
	v10 =	vadd.f32 v43, v10  }
0x1ce: {  	v50 =	vor.u32 $0x7E, v9;
	v49 =	vld.idx.msk [tilespmem:v38+s22+$0x0], $0xffff  }
0x1cf: {  	v52 =	vld.idx.msk [tilespmem:v42+s21+$0x0], $0xffff;
	v51 =	vmul.f32 v41, v40;
	v10 =	vadd.f32 v47, v10  }
0x1d0: {  	v9 =	vor.u32 $0x7F, v9;
	v53 =	vld.idx.msk [tilespmem:v42+s22+$0x0], $0xffff  }
0x1d1: {  	v56 =	vld.idx.msk [tilespmem:v46+s22+$0x0], $0xffff;
	v54 =	vmul.f32 v45, v44;
	v10 =	vadd.f32 v51, v10  }
0x1d2: {  	v55 =	vld.idx.msk [tilespmem:v46+s21+$0x0], $0xffff  }
0x1d3: {  	v58 =	vld.idx.msk [tilespmem:v50+s21+$0x0], $0xffff;
	v57 =	vmul.f32 v49, v48;
	v10 =	vadd.f32 v54, v10  }
0x1d4: {  	v59 =	vld.idx.msk [tilespmem:v50+s22+$0x0], $0xffff  }
0x1d5: {  	v61 =	vld.idx.msk [tilespmem:v9+s21+$0x0], $0xffff;
	v60 =	vmul.f32 v53, v52;
	v10 =	vadd.f32 v57, v10  }
0x1d6: {  	v9 =	vld.idx.msk [tilespmem:v9+s22+$0x0], $0xffff  }
0x1d7: {  	v62 =	vmul.f32 v56, v55;
	v10 =	vadd.f32 v60, v10;
	_ =	sdelay $0x1  }
0x1d8: {  	v63 =	vmul.f32 v59, v58;
	v10 =	vadd.f32 v62, v10;
	_ =	sdelay $0x1  }
0x1d9: {  	v9 =	vmul.f32 v9, v61;
	v10 =	vadd.f32 v63, v10;
	_ =	sdelay $0x1  }
0x1da: {  	v9 =	vadd.f32 v9, v10;
	_ =	sdelay $0x1  }
0x1db: {  	v9 =	vmul.f32 $1.442695020e+00, v9;
	_ =	sdelay $0x1  }
0x1dc: {  	(erf) = vpow2.f32 v9;
	_ =	sdelay $0x4  }
0x1dd: {  	p0 =	sne.s32 s0, $0x70  }
.Ltmp1:
0x1de: {  	_ = 	snop;
	(pc) =	sbr.rel @p0 .LBB2_5-.Ltmp1, $3  }
0x1df: {  	_ =	sdelay $0x1  }
0x1e0: {  	v9 =	vpop (erf)  }
0x1e1: {  	s0 =	sadd.s32 $0x10, s0;
	[tilespmem:v11+s25+$0x0] =	vst.idx.msk $0xffff, v9  }
0x1e2: {  	s0 =	sadd.s32 s10, s31;
	s31 =	simm.s32 $0x0  }
0x1e3: {  	[hbm4b:s0+s31] =	stream.linear.scatter [tilespmem:s25], [sflag:$0x3], $0x400, $0x38;
	[tilespmem:$0xB900] =	vst v63  }
0x1e4: {  	_ =	swait.ge [sflag:s17], $0x400  }
0x1e5: {  	[sflag:s17] =	ssyncset.done $0x0  }
0x1e6: {  	s31 =	simm.s32 $0x100;
	[sflag:s17] =	ssyncadd.s32 $0xFFFFFC00  }
0x1e7: {  	[spmem:s2] =	stream.indirect.scatter.add.f32 [tilespmem:s25], [sflag:$0x3], $0x1, s31, s18, $0xb8;
	[tilespmem:$0xB900] =	vst v63  }
0x1e8: {  	_ =	swait.ge [sflag:s17], $0x80  }
0x1e9: {  	[sflag:s17] =	ssyncset.done $0x0  }
0x1ea: {  	s0 =	simm.s32 $0x180;
	s31 =	simm.s32 $0x8D80;
	[sflag:s17] =	ssyncadd.s32 $0xFFFFFF80  }
0x1eb: {  	[spmem:s2] =	stream.indirect.scatter.add.f32 [tilespmem:s31], [sflag:$0x3], $0x1, s0, s18, $0xb8;
	[tilespmem:$0xB900] =	vst v63  }
0x1ec: {  	_ =	swait.ge [sflag:s17], $0x80  }
0x1ed: {  	[sflag:s17] =	ssyncset.done $0x0  }
0x1ee: {  	s0 =	simm.s32 $0x200;
	s31 =	simm.s32 $0x8E00;
	[sflag:s17] =	ssyncadd.s32 $0xFFFFFF80  }
0x1ef: {  	[spmem:s2] =	stream.indirect.scatter.add.f32 [tilespmem:s31], [sflag:$0x3], $0x1, s0, s18, $0xb8;
	[tilespmem:$0xB900] =	vst v63  }
0x1f0: {  	_ =	swait.ge [sflag:s17], $0x80  }
0x1f1: {  	[sflag:s17] =	ssyncset.done $0x0  }
0x1f2: {  	s31 =	simm.s32 $0x280;
	[sflag:s17] =	ssyncadd.s32 $0xFFFFFF80  }
0x1f3: {  	[spmem:s2] =	stream.indirect.scatter.add.f32 [tilespmem:s4], [sflag:$0x3], $0x1, s31, s18, $0xb8;
	[tilespmem:$0xB900] =	vst v63  }
0x1f4: {  	_ =	swait.ge [sflag:s17], $0x80  }
0x1f5: {  	[sflag:s17] =	ssyncset.done $0x0  }
0x1f6: {  	[sflag:s17] =	ssyncadd.s32 $0xFFFFFF80  }
0x1f7: {  	[spmem:s2] =	stream.indirect.scatter.add.f32 [tilespmem:s15], [sflag:$0x3], $0x1, s14, s18, $0xb8;
	[tilespmem:$0xB900] =	vst v63  }
0x1f8: {  	_ =	swait.ge [sflag:s17], $0x80  }
0x1f9: {  	[sflag:s17] =	ssyncset.done $0x0  }
0x1fa: {  	[sflag:s17] =	ssyncadd.s32 $0xFFFFFF80  }
0x1fb: {  	[spmem:s2] =	stream.indirect.scatter.add.f32 [tilespmem:s12], [sflag:$0x3], $0x1, s16, s18, $0xb8;
	[tilespmem:$0xB900] =	vst v63  }
0x1fc: {  	_ =	swait.ge [sflag:s17], $0x80  }
0x1fd: {  	[sflag:s17] =	ssyncset.done $0x0  }
0x1fe: {  	[sflag:s17] =	ssyncadd.s32 $0xFFFFFF80  }
0x1ff: {  	[spmem:s2] =	stream.indirect.scatter.add.f32 [tilespmem:s3], [sflag:$0x3], $0x1, s1, s18, $0xb8;
	[tilespmem:$0xB900] =	vst v63  }
0x200: {  	s30 =	sadd.s32 $0x1, s30;
	_ =	swait.ge [sflag:s17], $0x80  }
0x201: {  	p0 =	sne.s32 s30, $0x50;
	[sflag:s17] =	ssyncset.done $0x0  }
.Ltmp2:
0x202: {  	[sflag:s17] =	ssyncadd.s32 $0xFFFFFF80;
	(pc) =	sbr.rel @p0 .LBB2_4-.Ltmp2, $4  }
0x203: {  	[spmem:s2] =	stream.indirect.scatter.add.f32 [tilespmem:s28], [sflag:$0x3], $0x1, s26, s18, $0xb8;
	[tilespmem:$0xB900] =	vst v63  }
0x204: {  	_ =	swait.ge [sflag:s17], $0x80  }
0x205: {  	[sflag:s17] =	ssyncset.done $0x0  }
0x206: {  	[sflag:s17] =	ssyncadd.s32 $0xFFFFFF80  }
0x207: {  	[bflag:$0x0] =	sbarrier.arrive $0xFFFF  }
0x208: {  	s31 =	simm.s32 $0x9100;
	s30 =	rddreg [dreg:$0x4]  }
0x209: {  	[tilespmem:s31], [sflag:$0x3] =	stream.linear.gather [spmem:s30], $0x1400, $0x38;
	[tilespmem:$0xB900] =	vst v63  }
0x20a: {  	_ =	swait.ge [sflag:s17], $0x1400  }
0x20b: {  	[sflag:s17] =	ssyncset.done $0x0  }
0x20c: {  	s0 =	simm.s32 $0x0;
	s29 =	rddreg [dreg:$0x5];
	[sflag:s17] =	ssyncadd.s32 $0xFFFFEC00  }
0x20d: {  	[hbm4b:s29+s0] =	stream.linear.scatter [tilespmem:s31], [sflag:$0x3], $0x1400, $0x38;
	[tilespmem:$0xB900] =	vst v63  }
0x20e: {  	_ =	swait.ge [sflag:s17], $0x1400  }
0x20f: {  	s29 =	rddreg [dreg:$0x7]  }
0x210: {  	s0 =	rddreg [dreg:$0x6];
	s29 =	sadd.s32 $0x1, s29  }
0x211: {  	p0 =	sne.s32 s29, s0  }
.Ltmp3:
0x212: {  	_ = 	snop;
	(pc) =	sbr.rel @p0 .LBB2_1-.Ltmp3, $3  }
0x213: {  	_ =	sdelay $0x1  }
0x214: {  	[sflag:s17] =	ssyncset.done $0x0  }
0x215: {  	[sflag:s17] =	ssyncadd.s32 $0xFFFFEC00  }
0x216: {  	_ =	sfence.sel $0x180000  }
0x217: {  	[bflag:$0x0] =	sbarrier.arrive $0xFFFF  }
0x218: {  	_ =	strace $0x90000047  }
0x219: {  	s0 =	stileid.u32;
	[bflag:$0x2] =	sbarrier.arrive $0xFFFF  }
0x21a: {  	p0 =	sne.s32 s0, $0x0;
	s0 =	rddreg [dreg:$0x3]  }
0x21b: {  	s0 =	sadd.s32 @!p0 $0x100000, s0  }
0x21c: {  	[sflag:s0] =	ssyncadd.tile.s32 @!p0 $0x1;
	_ =	shalt  }
.Lfunc_end2:
_tile_overlayer_lowered:
.L_overlay_start_2:
0x21d: {  	(tag) =	ssettag $0x2  }
0x21e: {  	s0 =	rddreg [dreg:$0x0];
	s2 =	stileid.u32  }
0x21f: {  	s1 =	rddreg [dreg:$0x1];
	p0 =	sne.s32 s2, $0x0  }
0x220: {  	s3 =	rddreg [dreg:$0x2];
	[bflag:$0x3] =	sbarrier.arrive $0xFFFF;
	s2 =	simm.s32 @!p0 $0x1C03  }
0x221: {  	[timem:s3], [sflag:s2] =	dma.local @!p0 [hbm:s0], s1  }
0x222: {  	s0 =	simm.s32 @!p0 $0x3  }
0x223: {  	_ =	swait.ge @!p0 [sflag:s0], s1  }
0x224: {  	s1 =	ssub.s32 @!p0 $0x0, s1;
	[sflag:s0] =	ssyncset.done @!p0 $0x0  }
0x225: {  	[sflag:s0] =	ssyncadd.s32 @!p0 s1  }
0x226: {  	[bflag:$0x3] =	sbarrier.arrive $0xFFFF  }
0x227: {  	_ =	shalt  }

// kernel: kernel.9.cloned.1.call-start
scs
__scs_entry_jumppad:
0x0: {  	(pc) =	sbr.rel $0x88, $3  }
0x1: {  	(tag) =	ssettag $0x0;
	lr =	simm.s32 $0x1  }
0x2: {  	[smem:$0x3F97] =	sst lr;
	_ =	strace $0xD0000000  }
0x3: {  	_ = 	snop  }
0x4: {  	_ = 	snop  }
0x5: {  	_ = 	snop  }
0x6: {  	_ = 	snop  }
0x7: {  	_ = 	snop  }
__scs_overlays_trampoline_lowered:
0x8: {  	[smem:$0x3FA6] =	sst s0  }
0x9: {  	[smem:$0x3FA7] =	sst s1  }
0xa: {  	[smem:$0x3FA8] =	sst s2  }
0xb: {  	[smem:$0x3FA9] =	sst s3  }
0xc: {  	[smem:$0x3FAA] =	sst s4  }
0xd: {  	[smem:$0x3FAB] =	sst s5  }
0xe: {  	[smem:$0x3FAC] =	sst s6  }
0xf: {  	[smem:$0x3FAD] =	sst s7  }
0x10: {  	[smem:$0x3FAE] =	sst s8  }
0x11: {  	[smem:$0x3FAF] =	sst s9;
	s0 =	simm.s32 @!p0 $0x0  }
0x12: {  	s1 =	sld [smem:$0x3F95];
	s0 =	simm.s32 @p0 $0x1  }
0x13: {  	[smem:$0x3FB0] =	sst s0;
	s0 =	simm.s32 @!p1 $0x0  }
0x14: {  	s2 =	sld [smem:$0x3F94];
	s0 =	simm.s32 @p1 $0x1  }
0x15: {  	[smem:$0x3FB1] =	sst s0;
	s0 =	simm.s32 @!p2 $0x0  }
0x16: {  	s3 =	sld [smem:$0x3FDB];
	s0 =	simm.s32 @p2 $0x1  }
0x17: {  	s4 =	simm.s32 $0x1BF5;
	[smem:$0x3FB3] =	sst s0  }
0x18: {  	s0 =	sld [smem:$0x3F96];
	_ =	swait.ge [sflag:s4], $0x0  }
0x19: {  	s7 =	sld [smem:$0x3F97]  }
0x1a: {  	s8 =	sadd.s32 $0xFFFFE003, lr  }
0x1b: {  	s9 =	sadd.s32 $0xFFFFFEF7, lr;
	s5 =	simm.s32 $0xFFFFFFFF;
	p2 =	slt.u32 s8, $0xFFFFF086  }
0x1c: {  	p1 =	slt.u32 s9, $0xF7A;
	s5 =	simm.s32 @!p2 $0x0  }
0x1d: {  	s5 =	simm.s32 @p1 $0x1;
	p0 =	seq.s32 s7, s2  }
0x1e: {  	s7 =	smul.u32 @!p0 $0xF7A, s2;
	p2 =	seq.s32 @!p0 s5, $0x0  }
0x1f: {  	s9 =	smul.u32 $0xF7A, s1;
	s8 =	simm.s32 @!p0 $0x1BF5;
	p2 =	por !p2, p0  }
0x20: {  	[sflag:s8] =	ssyncset.s32 @!p0 $0xFFFFF086;
	s6 =	sadd.s32 @!p0 s3, s7;
	s7 =	simm.s32 @!p0 $0x108  }
0x21: {  	s3 =	sadd.s32 s3, s9;
	s6 =	sadd.s32 @!p0 $0x88, s6;
	s7 =	simm.s32 @p2 $0x1082  }
0x22: {  	[simem:s7], [sflag:s8] =	dma.local @!p0 [hbm:s6], $0xF7A  }
0x23: {  	s9 =	sor.u32 $0xD0000000, s2;
	s6 =	simm.s32 $0x108;
	_ =	swait.ge @!p0 [sflag:s8], $0x0  }
0x24: {  	s3 =	sadd.s32 $0x88, s3;
	s6 =	simm.s32 @!p1 $0x1082;
	[sflag:s4] =	ssyncset.s32 $0xFFFFF086  }
0x25: {  	[simem:s6], [sflag:s4] =	dma.local [hbm:s3], $0xF7A  }
0x26: {  	[smem:$0x3F97] =	sst s1;
	(tag) =	ssettag s2;
	_ =	strace s9  }
0x27: {  	s1 =	sld [smem:$0x3FA7]  }
0x28: {  	s2 =	sld [smem:$0x3FA8]  }
0x29: {  	s4 =	sld [smem:$0x3FAA]  }
0x2a: {  	p0 =	seq.s32 s5, $0x0;
	s5 =	sld [smem:$0x3FAB]  }
0x2b: {  	s6 =	sld [smem:$0x3FAC]  }
0x2c: {  	s7 =	sld [smem:$0x3FAD]  }
0x2d: {  	s3 =	simm.s32 $0x108;
	s8 =	sld [smem:$0x3FAE]  }
0x2e: {  	s3 =	simm.s32 @!p0 $0x1082;
	s9 =	sld [smem:$0x3FAF]  }
0x2f: {  	lr =	sadd.s32 s0, s3;
	s0 =	sld [smem:$0x3FA6]  }
0x30: {  	s3 =	sld [smem:$0x3FA9]  }
0x31: {  	[smem:$0x3FB2] =	sst s10  }
0x32: {  	s10 =	sld [smem:$0x3FB0];
	_ =	sdelay $0x3  }
0x33: {  	p0 =	seq.s32 s10, $0x1;
	s10 =	sld [smem:$0x3FB2];
	_ =	sdelay $0x3  }
0x34: {  	[smem:$0x3FB2] =	sst s10  }
0x35: {  	s10 =	sld [smem:$0x3FB1];
	_ =	sdelay $0x3  }
0x36: {  	p1 =	seq.s32 s10, $0x1;
	s10 =	sld [smem:$0x3FB2];
	_ =	sdelay $0x3  }
0x37: {  	[smem:$0x3FB2] =	sst s10  }
0x38: {  	s10 =	sld [smem:$0x3FB3]  }
0x39: {  	_ = 	snop;
	(pc) =	sbr.ind lr, $3  }
0x3a: {  	_ = 	snop  }
0x3b: {  	_ = 	snop  }
0x3c: {  	p2 =	seq.s32 s10, $0x1;
	s10 =	sld [smem:$0x3FB2]  }
0x3d: {  	_ =	shalt  }
0x3e: {  	_ =	shalt  }
0x3f: {  	_ =	shalt  }
0x40: {  	_ =	shalt  }
0x41: {  	_ =	shalt  }
0x42: {  	_ =	shalt  }
0x43: {  	_ =	shalt  }
0x44: {  	_ =	shalt  }
0x45: {  	_ =	shalt  }
0x46: {  	_ =	shalt  }
0x47: {  	_ =	shalt  }
0x48: {  	_ =	shalt  }
0x49: {  	_ =	shalt  }
0x4a: {  	_ =	shalt  }
0x4b: {  	_ =	shalt  }
0x4c: {  	_ =	shalt  }
0x4d: {  	_ =	shalt  }
0x4e: {  	_ =	shalt  }
0x4f: {  	_ =	shalt  }
0x50: {  	_ =	shalt  }
0x51: {  	_ =	shalt  }
0x52: {  	_ =	shalt  }
0x53: {  	_ =	shalt  }
0x54: {  	_ =	shalt  }
0x55: {  	_ =	shalt  }
0x56: {  	_ =	shalt  }
0x57: {  	_ =	shalt  }
0x58: {  	_ =	shalt  }
0x59: {  	_ =	shalt  }
0x5a: {  	_ =	shalt  }
0x5b: {  	_ =	shalt  }
0x5c: {  	_ =	shalt  }
0x5d: {  	_ =	shalt  }
0x5e: {  	_ =	shalt  }
0x5f: {  	_ =	shalt  }
0x60: {  	_ =	shalt  }
0x61: {  	_ =	shalt  }
0x62: {  	_ =	shalt  }
0x63: {  	_ =	shalt  }
0x64: {  	_ =	shalt  }
0x65: {  	_ =	shalt  }
0x66: {  	_ =	shalt  }
0x67: {  	_ =	shalt  }
0x68: {  	_ =	shalt  }
0x69: {  	_ =	shalt  }
0x6a: {  	_ =	shalt  }
0x6b: {  	_ =	shalt  }
0x6c: {  	_ =	shalt  }
0x6d: {  	_ =	shalt  }
0x6e: {  	_ =	shalt  }
0x6f: {  	_ =	shalt  }
0x70: {  	_ =	shalt  }
0x71: {  	_ =	shalt  }
0x72: {  	_ =	shalt  }
0x73: {  	_ =	shalt  }
0x74: {  	_ =	shalt  }
0x75: {  	_ =	shalt  }
0x76: {  	_ =	shalt  }
0x77: {  	_ =	shalt  }
0x78: {  	_ =	shalt  }
0x79: {  	_ =	shalt  }
0x7a: {  	_ =	shalt  }
0x7b: {  	_ =	shalt  }
0x7c: {  	_ =	shalt  }
0x7d: {  	_ =	shalt  }
0x7e: {  	_ =	shalt  }
0x7f: {  	_ =	shalt  }
0x80: {  	_ =	shalt  }
0x81: {  	_ =	shalt  }
0x82: {  	_ =	shalt  }
0x83: {  	_ =	shalt  }
0x84: {  	_ =	shalt  }
0x85: {  	_ =	shalt  }
0x86: {  	_ =	shalt  }
0x87: {  	_ =	shalt  }
.Lfunc_end0:
.L_simem_size_0:
called_computation.1_lowered:
.L_overlay_start_0:
0x88: {  	s2 =	sld [smem:$0x3FD9]  }
0x89: {  	s3 =	sld [smem:$0x3FFE];
	_ =	sdelay $0x1  }
0x8a: {  	s1 =	srdreg.scid  }
0x8b: {  	s0 =	sand.u32 $0x1, s1  }
0x8c: {  	s17 =	sshll.u32 s0, $0xA;
	s2 =	sadd.s32 s3, s2  }
0x8d: {  	s2 =	sadd.s32 s2, s17  }
0x8e: {  	[smem:$0x3FBE] =	sst s2  }
0x8f: {  	_ = 	snop  }
0x90: {  	s2 =	sld [smem:$0x3FD0];
	(tm) =	ssettm $0x1  }
0x91: {  	s18 =	sld [smem:$0x3FFB];
	_ =	sdelay $0x3  }
0x92: {  	_ =	strace s18  }
0x93: {  	s3 =	sld [smem:$0x3FFC];
	_ =	sdelay $0x3  }
0x94: {  	_ =	strace s3  }
0x95: {  	s3 =	sld [smem:$0x3FFD];
	_ =	sdelay $0x3  }
0x96: {  	_ =	strace s3  }
0x97: {  	_ =	strace $0x8FFFFFFF  }
0x98: {  	s19 =	sld [smem:$0x3FDB];
	_ =	sdelay $0x1  }
0x99: {  	s4 =	simm.s32 $_scs_section_size  }
0x9a: {  	s5 =	simm.s32 $_size__tile_overlayer_lowered;
	s6 =	simm.s32 $_tile_overlayer_lowered  }
0x9b: {  	s22 =	simm.s32 $0x1BFF;
	s21 =	sshll.u32 s6, $0x1;
	s3 =	sadd.s32 s4, s19  }
0x9c: {  	s7 =	simm.s32 $0x0;
	s20 =	sshll.u32 s5, $0x1;
	s5 =	sadd.s32 s21, s3  }
0x9d: {  	[timem:s7], [sflag:s22] =	dma.local [hbm:s5], s20  }
0x9e: {  	_ =	swait.ge [sflag:s22], s20  }
0x9f: {  	s4 =	ssub.s32 $0x0, s20;
	[sflag:s22] =	ssyncset.done $0x0  }
0xa0: {  	[sflag:s22] =	ssyncadd.s32 s4;
	_ =	sdelay $0x1  }
0xa1: {  	s23 =	simm.s32 $0x1B8B  }
0xa2: {  	_ =	swait.ge [sflag:s23], $0x1  }
0xa3: {  	[sflag:s23] =	ssyncset.done $0x0  }
0xa4: {  	s25 =	simm.s32 $0x1B8E;
	s24 =	sld [smem:$0x3FFE];
	[sflag:s23] =	ssyncadd.s32 $0xFFFFFFFF  }
0xa5: {  	s26 =	simm.s32 $execute0_lowered;
	[smem:$0x3FD2] =	sst s25  }
0xa6: {  	s5 =	sshll.u32 s26, $0x1;
	_ =	strace $0x80000049;
	[dreg:$0x1] =	wrdreg $0xFFFFFFFF  }
0xa7: {  	s28 =	simm.s32 $_size_execute0_lowered;
	s3 =	sadd.s32 s3, s5;
	[dreg:$0x0] =	wrdreg $0x0  }
0xa8: {  	s5 =	sshll.u32 s28, $0x1;
	[dreg:$0x2] =	wrdreg s3  }
0xa9: {  	[dreg:$0x3] =	wrdreg s5  }
0xaa: {  	[dreg:$0x4] =	wrdreg $0xC0  }
0xab: {  	_ =	task [dreg:s7], $0x5FFFF  }
0xac: {  	[dreg:$0x1] =	wrdreg $0xFFFFFFFF  }
0xad: {  	[dreg:$0x0] =	wrdreg $0x60  }
0xae: {  	[dreg:$0x2] =	wrdreg s24  }
0xaf: {  	[dreg:$0x3] =	wrdreg s2  }
0xb0: {  	[dreg:$0x4] =	wrdreg $0x45800  }
0xb1: {  	[dreg:$0x5] =	wrdreg $0x9  }
0xb2: {  	_ =	task.clear_ibuf [dreg:s7], $0x6FFFF;
	_ =	strace $0x90000049  }
0xb3: {  	s29 =	simm.s32 $0x9;
	_ =	strace $0x8000004B  }
0xb4: {  	_ =	swait.ge [sflag:s29], $0x1  }
0xb5: {  	[sflag:s29] =	ssyncadd.s32 $0xFFFFFFFF  }
0xb6: {  	_ =	strace $0x9000004B  }
0xb7: {  	_ =	sfence  }
0xb8: {  	s30 =	sld [smem:$0x0];
	_ =	sdelay $0x2  }
0xb9: {  	s31 =	sshll.u32 s1, $0xD;
	s1 =	sshrl.u32 s1, $0x2  }
0xba: {  	s3 =	sand.u32 $0x4000, s31;
	s1 =	sadd.s32 s1, s30  }
0xbb: {  	s0 =	sor.u32 s3, s0;
	s1 =	sshll.u32 s1, $0x11  }
0xbc: {  	s0 =	sor.u32 s1, s0  }
0xbd: {  	s0 =	sadd.s32 $0x8F2B, s0  }
0xbe: {  	[sflag:s0] =	ssyncadd.remote.s32 $0x1  }
0xbf: {  	_ =	sfence.sel $0xFFFF  }
0xc0: {  	[dreg:$0x0] =	wrdreg $0xFFFFFFFF;
	(pc) =	sbr.abs _section_cstart, $3  }
0xc1: {  	[dreg:$0x1] =	wrdreg $0xFFFFFFFF  }
0xc2: {  	_ =	task.clear_ibuf [dreg:s7], $0x2FFFF;
	_ =	strace $0x9FFFFFFF  }
0xc3: {  	(tm) =	ssettm $0x7FFFFFFF  }
tec
execute0_lowered:
.L_overlay_start_1:
0x0: {  	(tag) =	ssettag $0x1  }
0x1: {  	s8 =	rddreg [dreg:$0x0]  }
0x2: {  	s1 =	rddreg [dreg:$0x1]  }
0x3: {  	s2 =	rddreg [dreg:$0x2]  }
0x4: {  	s3 =	srdreg.scid;
	s0 =	rddreg [dreg:$0x3];
	s4 =	simm.s32 $0x0  }
0x5: {  	s9 =	sand.u32 $0x1, s3;
	s3 =	stileid.u32;
	[smem:$0x7FF] =	sst s4  }
0x6: {  	s5 =	sadd.s32 $0xFCA00, s8;
	s6 =	sadd.s32 $0x2A00, s8;
	s7 =	smul.u32 $0x140000, s9  }
0x7: {  	s10 =	smul.u32 $0x14000, s3;
	_ =	strace $0x8000004A;
	s11 =	ssub.s32 $0x2, s9  }
0x8: {  	s13 =	sshll.u32 s3, $0x1;
	s16 =	smul.u32 $0x280, s3;
	s12 =	sshrl.u32 s11, $0x1  }
0x9: {  	s9 =	sor.u32 s9, s13;
	s10 =	sadd.s32 s10, s7;
	s7 =	sadd.s32 $0x129A00, s8  }
0xa: {  	s15 =	ssub.s32 s11, s12;
	s17 =	sadd.s32 $0x80, s16;
	s18 =	sadd.s32 $0x100, s16  }
0xb: {  	s19 =	sadd.s32 $0x180, s16;
	s20 =	sadd.s32 $0x200, s16;
	s24 =	sor.u32 $0x10, s16  }
0xc: {  	s21 =	sor.u32 $0x20, s16;
	s22 =	sor.u32 $0x30, s16;
	s25 =	sor.u32 $0x40, s16  }
0xd: {  	s26 =	sor.u32 $0x50, s16;
	s28 =	sor.u32 $0x60, s16;
	s29 =	sor.u32 $0x70, s16  }
0xe: {  	v39 =	vlaneseq.u32;
	s30 =	sadd.s32 $0x90, s16;
	s31 =	sadd.s32 $0xA0, s16;
	s23 =	sadd.s32 $0xC0, s16  }
0xf: {  	v40 =	vimm.f32 $0.0e+00;
	s10 =	sshrl.u32 s10, $0x3;
	s15 =	smax.u32 s15, $0x1;
	v3 =	vor.u32 s21, v39;
	s21 =	sadd.s32 $0xB0, s16  }
0x10: {  	v2 =	vor.u32 s24, v39;
	v5 =	vor.u32 s25, v39;
	v6 =	vor.u32 s26, v39;
	s24 =	sadd.s32 $0xD0, s16;
	s25 =	sadd.s32 $0xE0, s16;
	s26 =	sadd.s32 $0xF0, s16  }
0x11: {  	v7 =	vor.u32 s28, v39;
	v8 =	vor.u32 s29, v39;
	v10 =	vor.u32 s30, v39;
	s28 =	sadd.s32 $0x110, s16;
	s29 =	sadd.s32 $0x120, s16;
	s30 =	sadd.s32 $0x130, s16  }
0x12: {  	v4 =	vor.u32 s22, v39;
	v11 =	vor.u32 s31, v39;
	v13 =	vor.u32 s23, v39;
	s31 =	sadd.s32 $0x140, s16;
	s22 =	sadd.s32 $0x150, s16;
	s23 =	sadd.s32 $0x160, s16  }
0x13: {  	v9 =	vor.u32 s17, v39;
	v17 =	vor.u32 s18, v39;
	v25 =	vor.u32 s19, v39;
	s17 =	simm.s32 $0x100;
	s18 =	simm.s32 $0x180;
	s19 =	simm.s32 $0x2  }
0x14: {  	v1 =	vor.u32 s16, v39;
	v0 =	vor.u32 s20, v39;
	s20 =	simm.s32 $0x4180;
	s14 =	sadd.s32 s10, s8;
	s8 =	smul.u32 $0x50, s9;
	v12 =	vor.u32 s21, v39  }
0x15: {  	s9 =	smul.u32 $0x14000, s9;
	v14 =	vor.u32 s24, v39;
	v15 =	vor.u32 s25, v39;
	v16 =	vor.u32 s26, v39;
	s24 =	sadd.s32 $0x170, s16;
	s25 =	sadd.s32 $0x190, s16  }
0x16: {  	v18 =	vor.u32 s28, v39;
	v19 =	vor.u32 s29, v39;
	v20 =	vor.u32 s30, v39;
	s26 =	sadd.s32 $0x1A0, s16;
	s28 =	sadd.s32 $0x1B0, s16;
	s29 =	sadd.s32 $0x1C0, s16  }
0x17: {  	v21 =	vor.u32 s31, v39;
	v22 =	vor.u32 s22, v39;
	v23 =	vor.u32 s23, v39;
	s30 =	sadd.s32 $0x1D0, s16;
	s31 =	sadd.s32 $0x1E0, s16;
	s23 =	sadd.s32 $0x1F0, s16  }
0x18: {  	s21 =	simm.s32 $0x1;
	s22 =	simm.s32 $0x0;
	s10 =	sadd.s32 $0xCA00, s14;
	v24 =	vor.u32 s24, v39;
	v26 =	vor.u32 s25, v39;
	v27 =	vor.u32 s26, v39  }
0x19: {  	s11 =	sadd.s32 $0xD200, s14;
	s12 =	sadd.s32 $0xDA00, s14;
	v28 =	vor.u32 s28, v39;
	s24 =	sadd.s32 $0x210, s16;
	v29 =	vor.u32 s29, v39;
	v30 =	vor.u32 s30, v39  }
0x1a: {  	s25 =	sadd.s32 $0x220, s16;
	v31 =	vor.u32 s31, v39;
	s26 =	sadd.s32 $0x230, s16;
	s28 =	sadd.s32 $0x240, s16;
	v32 =	vor.u32 s23, v39;
	v33 =	vor.u32 s24, v39  }
0x1b: {  	s29 =	sadd.s32 $0x250, s16;
	s30 =	sadd.s32 $0x260, s16;
	s31 =	sadd.s32 $0x270, s16;
	v34 =	vor.u32 s25, v39;
	v35 =	vor.u32 s26, v39;
	v36 =	vor.u32 s28, v39  }
0x1c: {  	s13 =	sadd.s32 $0xE200, s14;
	s14 =	sadd.s32 $0xEA00, s14;
	s16 =	simm.s32 $0x80;
	v37 =	vor.u32 s29, v39;
	v38 =	vor.u32 s30, v39;
	v39 =	vor.u32 s31, v39  }
.LBB2_1:
0x1d: {  	s23 =	simm.s32 $0x0;
	s24 =	simm.s32 $0x200  }
.LBB2_2:
0x1e: {  	p0 =	sne.s32 s24, $0xFE00;
	[tilespmem:s23+$0x1F0] =	vst v40  }
0x1f: {  	[tilespmem:s23+$0x180] =	vst v40  }
0x20: {  	[tilespmem:s23+$0x190] =	vst v40  }
.Ltmp0:
0x21: {  	[tilespmem:s23+$0x1A0] =	vst v40;
	(pc) =	sbr.rel @p0 .LBB2_2-.Ltmp0, $4  }
0x22: {  	[tilespmem:s23+$0x1B0] =	vst v40  }
0x23: {  	[tilespmem:s23+$0x1C0] =	vst v40  }
0x24: {  	[tilespmem:s23+$0x1D0] =	vst v40  }
0x25: {  	[tilespmem:s23+$0x1E0] =	vst v40;
	s23 =	sshra.s32 s24, $0x2;
	s24 =	sadd.s32 $0x200, s24  }
0x26: {  	[tilespmem:s23+$0x1F0] =	vst v40  }
0x27: {  	[tilespmem:s23+$0x180] =	vst v40  }
0x28: {  	[tilespmem:s23+$0x190] =	vst v40  }
0x29: {  	[tilespmem:s23+$0x1A0] =	vst v40  }
0x2a: {  	[tilespmem:s23+$0x1B0] =	vst v40  }
0x2b: {  	[tilespmem:s23+$0x1C0] =	vst v40  }
0x2c: {  	[tilespmem:s23+$0x1D0] =	vst v40  }
0x2d: {  	[tilespmem:s23+$0x1E0] =	vst v40  }
0x2e: {  	[tilespmem:$0x100] =	vst v1  }
0x2f: {  	[tilespmem:$0x110] =	vst v2  }
0x30: {  	[tilespmem:$0x120] =	vst v3  }
0x31: {  	[tilespmem:$0x130] =	vst v4  }
0x32: {  	[tilespmem:$0x140] =	vst v5  }
0x33: {  	[tilespmem:$0x150] =	vst v6  }
0x34: {  	[tilespmem:$0x160] =	vst v7  }
0x35: {  	[tilespmem:$0x170] =	vst v8  }
0x36: {  	[spmem:s2] =	stream.indirect.scatter [tilespmem:s18], [sflag:$0x2], $0x80, s17, s16, $0xb8;
	[tilespmem:$0x18580] =	vst v63  }
0x37: {  	_ =	swait.ge [sflag:s19], $0x4000  }
0x38: {  	[sflag:s19] =	ssyncset.done $0x0  }
0x39: {  	[sflag:s19] =	ssyncadd.s32 $0xFFFFC000  }
0x3a: {  	[tilespmem:$0x100] =	vst v9  }
0x3b: {  	[tilespmem:$0x110] =	vst v10  }
0x3c: {  	[tilespmem:$0x120] =	vst v11  }
0x3d: {  	[tilespmem:$0x130] =	vst v12  }
0x3e: {  	[tilespmem:$0x140] =	vst v13  }
0x3f: {  	[tilespmem:$0x150] =	vst v14  }
0x40: {  	[tilespmem:$0x160] =	vst v15  }
0x41: {  	[tilespmem:$0x170] =	vst v16  }
0x42: {  	[spmem:s2] =	stream.indirect.scatter [tilespmem:s18], [sflag:$0x2], $0x80, s17, s16, $0xb8;
	[tilespmem:$0x18580] =	vst v63  }
0x43: {  	_ =	swait.ge [sflag:s19], $0x4000  }
0x44: {  	[sflag:s19] =	ssyncset.done $0x0  }
0x45: {  	[sflag:s19] =	ssyncadd.s32 $0xFFFFC000  }
0x46: {  	[tilespmem:$0x100] =	vst v17  }
0x47: {  	[tilespmem:$0x110] =	vst v18  }
0x48: {  	[tilespmem:$0x120] =	vst v19  }
0x49: {  	[tilespmem:$0x130] =	vst v20  }
0x4a: {  	[tilespmem:$0x140] =	vst v21  }
0x4b: {  	[tilespmem:$0x150] =	vst v22  }
0x4c: {  	[tilespmem:$0x160] =	vst v23  }
0x4d: {  	[tilespmem:$0x170] =	vst v24  }
0x4e: {  	[spmem:s2] =	stream.indirect.scatter [tilespmem:s18], [sflag:$0x2], $0x80, s17, s16, $0xb8;
	[tilespmem:$0x18580] =	vst v63  }
0x4f: {  	_ =	swait.ge [sflag:s19], $0x4000  }
0x50: {  	[sflag:s19] =	ssyncset.done $0x0  }
0x51: {  	[sflag:s19] =	ssyncadd.s32 $0xFFFFC000  }
0x52: {  	[tilespmem:$0x100] =	vst v25  }
0x53: {  	[tilespmem:$0x110] =	vst v26  }
0x54: {  	[tilespmem:$0x120] =	vst v27  }
0x55: {  	[tilespmem:$0x130] =	vst v28  }
0x56: {  	[tilespmem:$0x140] =	vst v29  }
0x57: {  	[tilespmem:$0x150] =	vst v30  }
0x58: {  	[tilespmem:$0x160] =	vst v31  }
0x59: {  	[tilespmem:$0x170] =	vst v32  }
0x5a: {  	[spmem:s2] =	stream.indirect.scatter [tilespmem:s18], [sflag:$0x2], $0x80, s17, s16, $0xb8;
	[tilespmem:$0x18580] =	vst v63  }
0x5b: {  	_ =	swait.ge [sflag:s19], $0x4000  }
0x5c: {  	[sflag:s19] =	ssyncset.done $0x0  }
0x5d: {  	[sflag:s19] =	ssyncadd.s32 $0xFFFFC000  }
0x5e: {  	[tilespmem:$0x100] =	vst v0  }
0x5f: {  	[tilespmem:$0x110] =	vst v33  }
0x60: {  	[tilespmem:$0x120] =	vst v34  }
0x61: {  	[tilespmem:$0x130] =	vst v35  }
0x62: {  	[tilespmem:$0x140] =	vst v36  }
0x63: {  	[tilespmem:$0x150] =	vst v37  }
0x64: {  	[tilespmem:$0x160] =	vst v38  }
0x65: {  	[tilespmem:$0x170] =	vst v39  }
0x66: {  	[spmem:s2] =	stream.indirect.scatter [tilespmem:s18], [sflag:$0x2], $0x80, s17, s16, $0xb8;
	[tilespmem:$0x18580] =	vst v63  }
0x67: {  	_ =	swait.ge [sflag:s19], $0x4000  }
0x68: {  	[sflag:s19] =	ssyncset.done $0x0  }
0x69: {  	[sflag:s19] =	ssyncadd.s32 $0xFFFFC000  }
0x6a: {  	s23 =	simm.s32 $0x0;
	s24 =	simm.s32 $0x0;
	[bflag:$0x0] =	sbarrier.arrive $0xFFFF  }
.LBB2_4:
0x6b: {  	s25 =	sadd.s32 s8, s24  }
0x6c: {  	s25 =	sshll.u32 s25, $0x4  }
0x6d: {  	s26 =	sadd.s32 s1, s25  }
0x6e: {  	[tilespmem:s23], [sflag:$0x2] =	stream.linear.gather [hbm4b:s26+s23], $0x80, $0x38;
	[tilespmem:$0x18580] =	vst v63  }
0x6f: {  	_ =	swait.ge [sflag:s19], $0x80  }
0x70: {  	[sflag:s19] =	ssyncset.done $0x0  }
0x71: {  	s31 =	sshll.u32 s24, $0xA;
	s25 =	sadd.s32 s6, s25;
	[sflag:s19] =	ssyncadd.s32 $0xFFFFFF80  }
0x72: {  	[tilespmem:s16], [sflag:$0x2] =	stream.linear.gather [hbm4b:s25+s23], $0x80, $0x38;
	[tilespmem:$0x18580] =	vst v63  }
0x73: {  	s25 =	sadd.s32 s9, s31;
	_ =	swait.ge [sflag:s19], $0x80  }
0x74: {  	s25 =	sshrl.u32 s25, $0x3;
	[sflag:s19] =	ssyncset.done $0x0  }
0x75: {  	s25 =	sadd.s32 s7, s25;
	[sflag:s19] =	ssyncadd.s32 $0xFFFFFF80  }
0x76: {  	[tilespmem:s20], [sflag:$0x2] =	stream.linear.gather [hbm4b:s25+s23], $0x400, $0x38;
	[tilespmem:$0x18580] =	vst v63  }
0x77: {  	_ =	swait.ge [sflag:s19], $0x400  }
0x78: {  	[sflag:s19] =	ssyncset.done $0x0  }
0x79: {  	[sflag:s19] =	ssyncadd.s32 $0xFFFFFC00  }
0x7a: {  	[tilespmem:s18], [sflag:$0x1] =	stream.indirect.gather [hbm4b:s5+s16], $0x80, s23, s16, $0xb8;
	[tilespmem:$0x18580] =	vst v63  }
0x7b: {  	_ =	swait.ge [sflag:s21], $0x4000  }
0x7c: {  	[sflag:s21] =	ssyncset.done $0x0  }
0x7d: {  	s25 =	simm.s32 $0x0;
	[sflag:s21] =	ssyncadd.s32 $0xFFFFC000  }
.LBB2_5:
0x7e: {  	s26 =	sshll.u32 s25, $0x4  }
0x7f: {  	v41 =	vmov s26;
	_ =	sdelay $0x1  }
0x80: {  	s28 =	sshll.u32 s25, $0xB  }
0x81: {  	s28 =	sand.u32 $0x3FFFF800, s28  }
0x82: {  	v43 =	vld [tilespmem:s28+$0x180]  }
0x83: {  	v42 =	vld.idx.msk [tilespmem:v41+s20+$0x0], $0xffff;
	_ =	sdelay $0x2  }
0x84: {  	v44 =	vor.u32 $0x80, v41;
	_ =	sdelay $0x1  }
0x85: {  	v42 =	vmul.f32 v43, v42;
	_ =	sdelay $0x1  }
0x86: {  	v54 =	vld [tilespmem:s28+$0x190];
	[tilespmem:s28+$0x180] =	vst v42  }
0x87: {  	v42 =	vld.idx.msk [tilespmem:v44+s20+$0x0], $0xffff;
	_ =	sdelay $0x2  }
0x88: {  	v55 =	vor.u32 $0x100, v41;
	_ =	sdelay $0x1  }
0x89: {  	v42 =	vmul.f32 v54, v42;
	_ =	sdelay $0x1  }
0x8a: {  	v56 =	vld [tilespmem:s28+$0x1A0];
	[tilespmem:s28+$0x190] =	vst v42  }
0x8b: {  	v42 =	vld.idx.msk [tilespmem:v55+s20+$0x0], $0xffff;
	_ =	sdelay $0x2  }
0x8c: {  	v57 =	vor.u32 $0x180, v41;
	_ =	sdelay $0x1  }
0x8d: {  	v42 =	vmul.f32 v56, v42;
	_ =	sdelay $0x1  }
0x8e: {  	v58 =	vld [tilespmem:s28+$0x1B0];
	[tilespmem:s28+$0x1A0] =	vst v42  }
0x8f: {  	v42 =	vld.idx.msk [tilespmem:v57+s20+$0x0], $0xffff;
	_ =	sdelay $0x2  }
0x90: {  	v59 =	vor.u32 $0x200, v41;
	_ =	sdelay $0x1  }
0x91: {  	v42 =	vmul.f32 v58, v42;
	_ =	sdelay $0x1  }
0x92: {  	v60 =	vld [tilespmem:s28+$0x1C0];
	[tilespmem:s28+$0x1B0] =	vst v42  }
0x93: {  	v42 =	vld.idx.msk [tilespmem:v59+s20+$0x0], $0xffff;
	_ =	sdelay $0x2  }
0x94: {  	v61 =	vor.u32 $0x280, v41;
	_ =	sdelay $0x1  }
0x95: {  	v42 =	vmul.f32 v60, v42;
	_ =	sdelay $0x1  }
0x96: {  	v62 =	vld [tilespmem:s28+$0x1D0];
	[tilespmem:s28+$0x1C0] =	vst v42  }
0x97: {  	v42 =	vld.idx.msk [tilespmem:v61+s20+$0x0], $0xffff;
	_ =	sdelay $0x2  }
0x98: {  	v63 =	vor.u32 $0x300, v41;
	_ =	sdelay $0x1  }
0x99: {  	v42 =	vmul.f32 v62, v42;
	_ =	sdelay $0x1  }
0x9a: {  	v46 =	vld [tilespmem:s28+$0x1E0];
	[tilespmem:s28+$0x1D0] =	vst v42  }
0x9b: {  	v42 =	vld.idx.msk [tilespmem:v63+s20+$0x0], $0xffff;
	_ =	sdelay $0x2  }
0x9c: {  	v41 =	vor.u32 $0x380, v41;
	_ =	sdelay $0x1  }
0x9d: {  	v42 =	vmul.f32 v46, v42;
	_ =	sdelay $0x1  }
0x9e: {  	v47 =	vld [tilespmem:s28+$0x1F0];
	[tilespmem:s28+$0x1E0] =	vst v42  }
0x9f: {  	v41 =	vld.idx.msk [tilespmem:v41+s20+$0x0], $0xffff;
	_ =	sdelay $0x1  }
0xa0: {  	s29 =	sor.u32 $0x1, s26  }
0xa1: {  	v48 =	vmov s29;
	_ =	sdelay $0x1  }
0xa2: {  	v41 =	vmul.f32 v47, v41;
	_ =	sdelay $0x1  }
0xa3: {  	s30 =	sshll.u32 s29, $0x7;
	[tilespmem:s28+$0x1F0] =	vst v41  }
0xa4: {  	s28 =	sand.u32 $0x3FFFF880, s30;
	v41 =	vld.idx.msk [tilespmem:v48+s20+$0x0], $0xffff  }
0xa5: {  	v49 =	vld [tilespmem:s28+$0x180];
	_ =	sdelay $0x2  }
0xa6: {  	v50 =	vor.u32 $0x80, v48;
	_ =	sdelay $0x1  }
0xa7: {  	v41 =	vmul.f32 v49, v41;
	_ =	sdelay $0x1  }
0xa8: {  	v51 =	vld [tilespmem:s28+$0x190];
	[tilespmem:s28+$0x180] =	vst v41  }
0xa9: {  	v41 =	vld.idx.msk [tilespmem:v50+s20+$0x0], $0xffff;
	_ =	sdelay $0x2  }
0xaa: {  	v52 =	vor.u32 $0x100, v48;
	_ =	sdelay $0x1  }
0xab: {  	v41 =	vmul.f32 v51, v41;
	_ =	sdelay $0x1  }
0xac: {  	v53 =	vld [tilespmem:s28+$0x1A0];
	[tilespmem:s28+$0x190] =	vst v41  }
0xad: {  	v41 =	vld.idx.msk [tilespmem:v52+s20+$0x0], $0xffff;
	_ =	sdelay $0x2  }
0xae: {  	v54 =	vor.u32 $0x180, v48;
	_ =	sdelay $0x1  }
0xaf: {  	v41 =	vmul.f32 v53, v41;
	_ =	sdelay $0x1  }
0xb0: {  	v55 =	vld [tilespmem:s28+$0x1B0];
	[tilespmem:s28+$0x1A0] =	vst v41  }
0xb1: {  	v41 =	vld.idx.msk [tilespmem:v54+s20+$0x0], $0xffff;
	_ =	sdelay $0x2  }
0xb2: {  	v56 =	vor.u32 $0x200, v48;
	_ =	sdelay $0x1  }
0xb3: {  	v41 =	vmul.f32 v55, v41;
	_ =	sdelay $0x1  }
0xb4: {  	v57 =	vld [tilespmem:s28+$0x1C0];
	[tilespmem:s28+$0x1B0] =	vst v41  }
0xb5: {  	v41 =	vld.idx.msk [tilespmem:v56+s20+$0x0], $0xffff;
	_ =	sdelay $0x2  }
0xb6: {  	v58 =	vor.u32 $0x280, v48;
	_ =	sdelay $0x1  }
0xb7: {  	v41 =	vmul.f32 v57, v41;
	_ =	sdelay $0x1  }
0xb8: {  	v59 =	vld [tilespmem:s28+$0x1D0];
	[tilespmem:s28+$0x1C0] =	vst v41  }
0xb9: {  	v41 =	vld.idx.msk [tilespmem:v58+s20+$0x0], $0xffff;
	_ =	sdelay $0x2  }
0xba: {  	v60 =	vor.u32 $0x300, v48;
	_ =	sdelay $0x1  }
0xbb: {  	v41 =	vmul.f32 v59, v41;
	_ =	sdelay $0x1  }
0xbc: {  	v61 =	vld [tilespmem:s28+$0x1E0];
	[tilespmem:s28+$0x1D0] =	vst v41  }
0xbd: {  	v41 =	vld.idx.msk [tilespmem:v60+s20+$0x0], $0xffff;
	_ =	sdelay $0x2  }
0xbe: {  	v43 =	vor.u32 $0x380, v48;
	_ =	sdelay $0x1  }
0xbf: {  	v41 =	vmul.f32 v61, v41;
	_ =	sdelay $0x1  }
0xc0: {  	v62 =	vld [tilespmem:s28+$0x1F0];
	[tilespmem:s28+$0x1E0] =	vst v41  }
0xc1: {  	v41 =	vld.idx.msk [tilespmem:v43+s20+$0x0], $0xffff;
	_ =	sdelay $0x1  }
0xc2: {  	s31 =	sor.u32 $0x2, s26  }
0xc3: {  	v63 =	vmov s31;
	_ =	sdelay $0x1  }
0xc4: {  	v41 =	vmul.f32 v62, v41;
	_ =	sdelay $0x1  }
0xc5: {  	s30 =	sshll.u32 s31, $0x7;
	[tilespmem:s28+$0x1F0] =	vst v41  }
0xc6: {  	s28 =	sand.u32 $0x3FFFF900, s30;
	v41 =	vld.idx.msk [tilespmem:v63+s20+$0x0], $0xffff  }
0xc7: {  	v48 =	vld [tilespmem:s28+$0x180];
	_ =	sdelay $0x2  }
0xc8: {  	v49 =	vor.u32 $0x80, v63;
	_ =	sdelay $0x1  }
0xc9: {  	v41 =	vmul.f32 v48, v41;
	_ =	sdelay $0x1  }
0xca: {  	v50 =	vld [tilespmem:s28+$0x190];
	[tilespmem:s28+$0x180] =	vst v41  }
0xcb: {  	v41 =	vld.idx.msk [tilespmem:v49+s20+$0x0], $0xffff;
	_ =	sdelay $0x2  }
0xcc: {  	v51 =	vor.u32 $0x100, v63;
	_ =	sdelay $0x1  }
0xcd: {  	v41 =	vmul.f32 v50, v41;
	_ =	sdelay $0x1  }
0xce: {  	v52 =	vld [tilespmem:s28+$0x1A0];
	[tilespmem:s28+$0x190] =	vst v41  }
0xcf: {  	v41 =	vld.idx.msk [tilespmem:v51+s20+$0x0], $0xffff;
	_ =	sdelay $0x2  }
0xd0: {  	v53 =	vor.u32 $0x180, v63;
	_ =	sdelay $0x1  }
0xd1: {  	v41 =	vmul.f32 v52, v41;
	_ =	sdelay $0x1  }
0xd2: {  	v54 =	vld [tilespmem:s28+$0x1B0];
	[tilespmem:s28+$0x1A0] =	vst v41  }
0xd3: {  	v41 =	vld.idx.msk [tilespmem:v53+s20+$0x0], $0xffff;
	_ =	sdelay $0x2  }
0xd4: {  	v55 =	vor.u32 $0x200, v63;
	_ =	sdelay $0x1  }
0xd5: {  	v41 =	vmul.f32 v54, v41;
	_ =	sdelay $0x1  }
0xd6: {  	v56 =	vld [tilespmem:s28+$0x1C0];
	[tilespmem:s28+$0x1B0] =	vst v41  }
0xd7: {  	v41 =	vld.idx.msk [tilespmem:v55+s20+$0x0], $0xffff;
	_ =	sdelay $0x2  }
0xd8: {  	v57 =	vor.u32 $0x280, v63;
	_ =	sdelay $0x1  }
0xd9: {  	v41 =	vmul.f32 v56, v41;
	_ =	sdelay $0x1  }
0xda: {  	v58 =	vld [tilespmem:s28+$0x1D0];
	[tilespmem:s28+$0x1C0] =	vst v41  }
0xdb: {  	v41 =	vld.idx.msk [tilespmem:v57+s20+$0x0], $0xffff;
	_ =	sdelay $0x2  }
0xdc: {  	v59 =	vor.u32 $0x300, v63;
	_ =	sdelay $0x1  }
0xdd: {  	v41 =	vmul.f32 v58, v41;
	_ =	sdelay $0x1  }
0xde: {  	v60 =	vld [tilespmem:s28+$0x1E0];
	[tilespmem:s28+$0x1D0] =	vst v41  }
0xdf: {  	v41 =	vld.idx.msk [tilespmem:v59+s20+$0x0], $0xffff;
	_ =	sdelay $0x2  }
0xe0: {  	v43 =	vor.u32 $0x380, v63;
	_ =	sdelay $0x1  }
0xe1: {  	v41 =	vmul.f32 v60, v41;
	_ =	sdelay $0x1  }
0xe2: {  	v61 =	vld [tilespmem:s28+$0x1F0];
	[tilespmem:s28+$0x1E0] =	vst v41  }
0xe3: {  	v41 =	vld.idx.msk [tilespmem:v43+s20+$0x0], $0xffff;
	_ =	sdelay $0x1  }
0xe4: {  	s31 =	sor.u32 $0x3, s26  }
0xe5: {  	v62 =	vmov s31;
	_ =	sdelay $0x1  }
0xe6: {  	v41 =	vmul.f32 v61, v41;
	_ =	sdelay $0x1  }
0xe7: {  	s30 =	sshll.u32 s31, $0x7;
	[tilespmem:s28+$0x1F0] =	vst v41  }
0xe8: {  	s28 =	sand.u32 $0x3FFFF980, s30;
	v41 =	vld.idx.msk [tilespmem:v62+s20+$0x0], $0xffff  }
0xe9: {  	v63 =	vld [tilespmem:s28+$0x180];
	_ =	sdelay $0x2  }
0xea: {  	v48 =	vor.u32 $0x80, v62;
	_ =	sdelay $0x1  }
0xeb: {  	v41 =	vmul.f32 v63, v41;
	_ =	sdelay $0x1  }
0xec: {  	v49 =	vld [tilespmem:s28+$0x190];
	[tilespmem:s28+$0x180] =	vst v41  }
0xed: {  	v41 =	vld.idx.msk [tilespmem:v48+s20+$0x0], $0xffff;
	_ =	sdelay $0x2  }
0xee: {  	v50 =	vor.u32 $0x100, v62;
	_ =	sdelay $0x1  }
0xef: {  	v41 =	vmul.f32 v49, v41;
	_ =	sdelay $0x1  }
0xf0: {  	v51 =	vld [tilespmem:s28+$0x1A0];
	[tilespmem:s28+$0x190] =	vst v41  }
0xf1: {  	v41 =	vld.idx.msk [tilespmem:v50+s20+$0x0], $0xffff;
	_ =	sdelay $0x2  }
0xf2: {  	v52 =	vor.u32 $0x180, v62;
	_ =	sdelay $0x1  }
0xf3: {  	v41 =	vmul.f32 v51, v41;
	_ =	sdelay $0x1  }
0xf4: {  	v53 =	vld [tilespmem:s28+$0x1B0];
	[tilespmem:s28+$0x1A0] =	vst v41  }
0xf5: {  	v41 =	vld.idx.msk [tilespmem:v52+s20+$0x0], $0xffff;
	_ =	sdelay $0x2  }
0xf6: {  	v54 =	vor.u32 $0x200, v62;
	_ =	sdelay $0x1  }
0xf7: {  	v41 =	vmul.f32 v53, v41;
	_ =	sdelay $0x1  }
0xf8: {  	v55 =	vld [tilespmem:s28+$0x1C0];
	[tilespmem:s28+$0x1B0] =	vst v41  }
0xf9: {  	v41 =	vld.idx.msk [tilespmem:v54+s20+$0x0], $0xffff;
	_ =	sdelay $0x2  }
0xfa: {  	v56 =	vor.u32 $0x280, v62;
	_ =	sdelay $0x1  }
0xfb: {  	v41 =	vmul.f32 v55, v41;
	_ =	sdelay $0x1  }
0xfc: {  	v57 =	vld [tilespmem:s28+$0x1D0];
	[tilespmem:s28+$0x1C0] =	vst v41  }
0xfd: {  	v41 =	vld.idx.msk [tilespmem:v56+s20+$0x0], $0xffff;
	_ =	sdelay $0x2  }
0xfe: {  	v58 =	vor.u32 $0x300, v62;
	_ =	sdelay $0x1  }
0xff: {  	v41 =	vmul.f32 v57, v41;
	_ =	sdelay $0x1  }
0x100: {  	v59 =	vld [tilespmem:s28+$0x1E0];
	[tilespmem:s28+$0x1D0] =	vst v41  }
0x101: {  	v41 =	vld.idx.msk [tilespmem:v58+s20+$0x0], $0xffff;
	_ =	sdelay $0x2  }
0x102: {  	v43 =	vor.u32 $0x380, v62;
	_ =	sdelay $0x1  }
0x103: {  	v41 =	vmul.f32 v59, v41;
	_ =	sdelay $0x1  }
0x104: {  	v60 =	vld [tilespmem:s28+$0x1F0];
	[tilespmem:s28+$0x1E0] =	vst v41  }
0x105: {  	v41 =	vld.idx.msk [tilespmem:v43+s20+$0x0], $0xffff;
	_ =	sdelay $0x1  }
0x106: {  	s31 =	sor.u32 $0x4, s26  }
0x107: {  	v61 =	vmov s31;
	_ =	sdelay $0x1  }
0x108: {  	v41 =	vmul.f32 v60, v41;
	_ =	sdelay $0x1  }
0x109: {  	s30 =	sshll.u32 s31, $0x7;
	[tilespmem:s28+$0x1F0] =	vst v41  }
0x10a: {  	s28 =	sand.u32 $0x3FFFFA00, s30;
	v41 =	vld.idx.msk [tilespmem:v61+s20+$0x0], $0xffff  }
0x10b: {  	v62 =	vld [tilespmem:s28+$0x180];
	_ =	sdelay $0x2  }
0x10c: {  	v63 =	vor.u32 $0x80, v61;
	_ =	sdelay $0x1  }
0x10d: {  	v41 =	vmul.f32 v62, v41;
	_ =	sdelay $0x1  }
0x10e: {  	v48 =	vld [tilespmem:s28+$0x190];
	[tilespmem:s28+$0x180] =	vst v41  }
0x10f: {  	v41 =	vld.idx.msk [tilespmem:v63+s20+$0x0], $0xffff;
	_ =	sdelay $0x2  }
0x110: {  	v49 =	vor.u32 $0x100, v61;
	_ =	sdelay $0x1  }
0x111: {  	v41 =	vmul.f32 v48, v41;
	_ =	sdelay $0x1  }
0x112: {  	v50 =	vld [tilespmem:s28+$0x1A0];
	[tilespmem:s28+$0x190] =	vst v41  }
0x113: {  	v41 =	vld.idx.msk [tilespmem:v49+s20+$0x0], $0xffff;
	_ =	sdelay $0x2  }
0x114: {  	v51 =	vor.u32 $0x180, v61;
	_ =	sdelay $0x1  }
0x115: {  	v41 =	vmul.f32 v50, v41;
	_ =	sdelay $0x1  }
0x116: {  	v52 =	vld [tilespmem:s28+$0x1B0];
	[tilespmem:s28+$0x1A0] =	vst v41  }
0x117: {  	v41 =	vld.idx.msk [tilespmem:v51+s20+$0x0], $0xffff;
	_ =	sdelay $0x2  }
0x118: {  	v53 =	vor.u32 $0x200, v61;
	_ =	sdelay $0x1  }
0x119: {  	v41 =	vmul.f32 v52, v41;
	_ =	sdelay $0x1  }
0x11a: {  	v54 =	vld [tilespmem:s28+$0x1C0];
	[tilespmem:s28+$0x1B0] =	vst v41  }
0x11b: {  	v41 =	vld.idx.msk [tilespmem:v53+s20+$0x0], $0xffff;
	_ =	sdelay $0x2  }
0x11c: {  	v55 =	vor.u32 $0x280, v61;
	_ =	sdelay $0x1  }
0x11d: {  	v41 =	vmul.f32 v54, v41;
	_ =	sdelay $0x1  }
0x11e: {  	v56 =	vld [tilespmem:s28+$0x1D0];
	[tilespmem:s28+$0x1C0] =	vst v41  }
0x11f: {  	v41 =	vld.idx.msk [tilespmem:v55+s20+$0x0], $0xffff;
	_ =	sdelay $0x2  }
0x120: {  	v57 =	vor.u32 $0x300, v61;
	_ =	sdelay $0x1  }
0x121: {  	v41 =	vmul.f32 v56, v41;
	_ =	sdelay $0x1  }
0x122: {  	v58 =	vld [tilespmem:s28+$0x1E0];
	[tilespmem:s28+$0x1D0] =	vst v41  }
0x123: {  	v41 =	vld.idx.msk [tilespmem:v57+s20+$0x0], $0xffff;
	_ =	sdelay $0x2  }
0x124: {  	v43 =	vor.u32 $0x380, v61;
	_ =	sdelay $0x1  }
0x125: {  	v41 =	vmul.f32 v58, v41;
	_ =	sdelay $0x1  }
0x126: {  	v59 =	vld [tilespmem:s28+$0x1F0];
	[tilespmem:s28+$0x1E0] =	vst v41  }
0x127: {  	v41 =	vld.idx.msk [tilespmem:v43+s20+$0x0], $0xffff;
	_ =	sdelay $0x1  }
0x128: {  	s31 =	sor.u32 $0x5, s26  }
0x129: {  	v60 =	vmov s31;
	_ =	sdelay $0x1  }
0x12a: {  	v41 =	vmul.f32 v59, v41;
	_ =	sdelay $0x1  }
0x12b: {  	s30 =	sshll.u32 s31, $0x7;
	[tilespmem:s28+$0x1F0] =	vst v41  }
0x12c: {  	s28 =	sand.u32 $0x3FFFFA80, s30;
	v41 =	vld.idx.msk [tilespmem:v60+s20+$0x0], $0xffff  }
0x12d: {  	v61 =	vld [tilespmem:s28+$0x180];
	_ =	sdelay $0x2  }
0x12e: {  	v62 =	vor.u32 $0x80, v60;
	_ =	sdelay $0x1  }
0x12f: {  	v41 =	vmul.f32 v61, v41;
	_ =	sdelay $0x1  }
0x130: {  	v63 =	vld [tilespmem:s28+$0x190];
	[tilespmem:s28+$0x180] =	vst v41  }
0x131: {  	v41 =	vld.idx.msk [tilespmem:v62+s20+$0x0], $0xffff;
	_ =	sdelay $0x2  }
0x132: {  	v48 =	vor.u32 $0x100, v60;
	_ =	sdelay $0x1  }
0x133: {  	v41 =	vmul.f32 v63, v41;
	_ =	sdelay $0x1  }
0x134: {  	v49 =	vld [tilespmem:s28+$0x1A0];
	[tilespmem:s28+$0x190] =	vst v41  }
0x135: {  	v41 =	vld.idx.msk [tilespmem:v48+s20+$0x0], $0xffff;
	_ =	sdelay $0x2  }
0x136: {  	v50 =	vor.u32 $0x180, v60;
	_ =	sdelay $0x1  }
0x137: {  	v41 =	vmul.f32 v49, v41;
	_ =	sdelay $0x1  }
0x138: {  	v51 =	vld [tilespmem:s28+$0x1B0];
	[tilespmem:s28+$0x1A0] =	vst v41  }
0x139: {  	v41 =	vld.idx.msk [tilespmem:v50+s20+$0x0], $0xffff;
	_ =	sdelay $0x2  }
0x13a: {  	v52 =	vor.u32 $0x200, v60;
	_ =	sdelay $0x1  }
0x13b: {  	v41 =	vmul.f32 v51, v41;
	_ =	sdelay $0x1  }
0x13c: {  	v53 =	vld [tilespmem:s28+$0x1C0];
	[tilespmem:s28+$0x1B0] =	vst v41  }
0x13d: {  	v41 =	vld.idx.msk [tilespmem:v52+s20+$0x0], $0xffff;
	_ =	sdelay $0x2  }
0x13e: {  	v54 =	vor.u32 $0x280, v60;
	_ =	sdelay $0x1  }
0x13f: {  	v41 =	vmul.f32 v53, v41;
	_ =	sdelay $0x1  }
0x140: {  	v55 =	vld [tilespmem:s28+$0x1D0];
	[tilespmem:s28+$0x1C0] =	vst v41  }
0x141: {  	v41 =	vld.idx.msk [tilespmem:v54+s20+$0x0], $0xffff;
	_ =	sdelay $0x2  }
0x142: {  	v56 =	vor.u32 $0x300, v60;
	_ =	sdelay $0x1  }
0x143: {  	v41 =	vmul.f32 v55, v41;
	_ =	sdelay $0x1  }
0x144: {  	v57 =	vld [tilespmem:s28+$0x1E0];
	[tilespmem:s28+$0x1D0] =	vst v41  }
0x145: {  	v41 =	vld.idx.msk [tilespmem:v56+s20+$0x0], $0xffff;
	_ =	sdelay $0x2  }
0x146: {  	v43 =	vor.u32 $0x380, v60;
	_ =	sdelay $0x1  }
0x147: {  	v41 =	vmul.f32 v57, v41;
	_ =	sdelay $0x1  }
0x148: {  	v58 =	vld [tilespmem:s28+$0x1F0];
	[tilespmem:s28+$0x1E0] =	vst v41  }
0x149: {  	v41 =	vld.idx.msk [tilespmem:v43+s20+$0x0], $0xffff;
	_ =	sdelay $0x1  }
0x14a: {  	s31 =	sor.u32 $0x6, s26  }
0x14b: {  	v59 =	vmov s31;
	_ =	sdelay $0x1  }
0x14c: {  	v41 =	vmul.f32 v58, v41;
	_ =	sdelay $0x1  }
0x14d: {  	s30 =	sshll.u32 s31, $0x7;
	[tilespmem:s28+$0x1F0] =	vst v41  }
0x14e: {  	s28 =	sand.u32 $0x3FFFFB00, s30;
	v41 =	vld.idx.msk [tilespmem:v59+s20+$0x0], $0xffff  }
0x14f: {  	v60 =	vld [tilespmem:s28+$0x180];
	_ =	sdelay $0x2  }
0x150: {  	v61 =	vor.u32 $0x80, v59;
	_ =	sdelay $0x1  }
0x151: {  	v41 =	vmul.f32 v60, v41;
	_ =	sdelay $0x1  }
0x152: {  	v62 =	vld [tilespmem:s28+$0x190];
	[tilespmem:s28+$0x180] =	vst v41  }
0x153: {  	v41 =	vld.idx.msk [tilespmem:v61+s20+$0x0], $0xffff;
	_ =	sdelay $0x2  }
0x154: {  	v63 =	vor.u32 $0x100, v59;
	_ =	sdelay $0x1  }
0x155: {  	v41 =	vmul.f32 v62, v41;
	_ =	sdelay $0x1  }
0x156: {  	v48 =	vld [tilespmem:s28+$0x1A0];
	[tilespmem:s28+$0x190] =	vst v41  }
0x157: {  	v41 =	vld.idx.msk [tilespmem:v63+s20+$0x0], $0xffff;
	_ =	sdelay $0x2  }
0x158: {  	v49 =	vor.u32 $0x180, v59;
	_ =	sdelay $0x1  }
0x159: {  	v41 =	vmul.f32 v48, v41;
	_ =	sdelay $0x1  }
0x15a: {  	v50 =	vld [tilespmem:s28+$0x1B0];
	[tilespmem:s28+$0x1A0] =	vst v41  }
0x15b: {  	v41 =	vld.idx.msk [tilespmem:v49+s20+$0x0], $0xffff;
	_ =	sdelay $0x2  }
0x15c: {  	v51 =	vor.u32 $0x200, v59;
	_ =	sdelay $0x1  }
0x15d: {  	v41 =	vmul.f32 v50, v41;
	_ =	sdelay $0x1  }
0x15e: {  	v52 =	vld [tilespmem:s28+$0x1C0];
	[tilespmem:s28+$0x1B0] =	vst v41  }
0x15f: {  	v41 =	vld.idx.msk [tilespmem:v51+s20+$0x0], $0xffff;
	_ =	sdelay $0x2  }
0x160: {  	v53 =	vor.u32 $0x280, v59;
	_ =	sdelay $0x1  }
0x161: {  	v41 =	vmul.f32 v52, v41;
	_ =	sdelay $0x1  }
0x162: {  	v54 =	vld [tilespmem:s28+$0x1D0];
	[tilespmem:s28+$0x1C0] =	vst v41  }
0x163: {  	v41 =	vld.idx.msk [tilespmem:v53+s20+$0x0], $0xffff;
	_ =	sdelay $0x2  }
0x164: {  	v55 =	vor.u32 $0x300, v59;
	_ =	sdelay $0x1  }
0x165: {  	v41 =	vmul.f32 v54, v41;
	_ =	sdelay $0x1  }
0x166: {  	v56 =	vld [tilespmem:s28+$0x1E0];
	[tilespmem:s28+$0x1D0] =	vst v41  }
0x167: {  	v41 =	vld.idx.msk [tilespmem:v55+s20+$0x0], $0xffff;
	_ =	sdelay $0x2  }
0x168: {  	v43 =	vor.u32 $0x380, v59;
	_ =	sdelay $0x1  }
0x169: {  	v41 =	vmul.f32 v56, v41;
	_ =	sdelay $0x1  }
0x16a: {  	v57 =	vld [tilespmem:s28+$0x1F0];
	[tilespmem:s28+$0x1E0] =	vst v41  }
0x16b: {  	v41 =	vld.idx.msk [tilespmem:v43+s20+$0x0], $0xffff;
	_ =	sdelay $0x1  }
0x16c: {  	s31 =	sor.u32 $0x7, s26  }
0x16d: {  	v58 =	vmov s31;
	_ =	sdelay $0x1  }
0x16e: {  	v41 =	vmul.f32 v57, v41;
	_ =	sdelay $0x1  }
0x16f: {  	s30 =	sshll.u32 s31, $0x7;
	[tilespmem:s28+$0x1F0] =	vst v41  }
0x170: {  	s28 =	sand.u32 $0x3FFFFB80, s30;
	v41 =	vld.idx.msk [tilespmem:v58+s20+$0x0], $0xffff  }
0x171: {  	v59 =	vld [tilespmem:s28+$0x180];
	_ =	sdelay $0x2  }
0x172: {  	v60 =	vor.u32 $0x80, v58;
	_ =	sdelay $0x1  }
0x173: {  	v41 =	vmul.f32 v59, v41;
	_ =	sdelay $0x1  }
0x174: {  	v61 =	vld [tilespmem:s28+$0x190];
	[tilespmem:s28+$0x180] =	vst v41  }
0x175: {  	v41 =	vld.idx.msk [tilespmem:v60+s20+$0x0], $0xffff;
	_ =	sdelay $0x2  }
0x176: {  	v62 =	vor.u32 $0x100, v58;
	_ =	sdelay $0x1  }
0x177: {  	v41 =	vmul.f32 v61, v41;
	_ =	sdelay $0x1  }
0x178: {  	v63 =	vld [tilespmem:s28+$0x1A0];
	[tilespmem:s28+$0x190] =	vst v41  }
0x179: {  	v41 =	vld.idx.msk [tilespmem:v62+s20+$0x0], $0xffff;
	_ =	sdelay $0x2  }
0x17a: {  	v48 =	vor.u32 $0x180, v58;
	_ =	sdelay $0x1  }
0x17b: {  	v41 =	vmul.f32 v63, v41;
	_ =	sdelay $0x1  }
0x17c: {  	v49 =	vld [tilespmem:s28+$0x1B0];
	[tilespmem:s28+$0x1A0] =	vst v41  }
0x17d: {  	v41 =	vld.idx.msk [tilespmem:v48+s20+$0x0], $0xffff;
	_ =	sdelay $0x2  }
0x17e: {  	v50 =	vor.u32 $0x200, v58;
	_ =	sdelay $0x1  }
0x17f: {  	v41 =	vmul.f32 v49, v41;
	_ =	sdelay $0x1  }
0x180: {  	v51 =	vld [tilespmem:s28+$0x1C0];
	[tilespmem:s28+$0x1B0] =	vst v41  }
0x181: {  	v41 =	vld.idx.msk [tilespmem:v50+s20+$0x0], $0xffff;
	_ =	sdelay $0x2  }
0x182: {  	v52 =	vor.u32 $0x280, v58;
	_ =	sdelay $0x1  }
0x183: {  	v41 =	vmul.f32 v51, v41;
	_ =	sdelay $0x1  }
0x184: {  	v53 =	vld [tilespmem:s28+$0x1D0];
	[tilespmem:s28+$0x1C0] =	vst v41  }
0x185: {  	v41 =	vld.idx.msk [tilespmem:v52+s20+$0x0], $0xffff;
	_ =	sdelay $0x2  }
0x186: {  	v54 =	vor.u32 $0x300, v58;
	_ =	sdelay $0x1  }
0x187: {  	v41 =	vmul.f32 v53, v41;
	_ =	sdelay $0x1  }
0x188: {  	v55 =	vld [tilespmem:s28+$0x1E0];
	[tilespmem:s28+$0x1D0] =	vst v41  }
0x189: {  	v41 =	vld.idx.msk [tilespmem:v54+s20+$0x0], $0xffff;
	_ =	sdelay $0x2  }
0x18a: {  	v43 =	vor.u32 $0x380, v58;
	_ =	sdelay $0x1  }
0x18b: {  	v41 =	vmul.f32 v55, v41;
	_ =	sdelay $0x1  }
0x18c: {  	v56 =	vld [tilespmem:s28+$0x1F0];
	[tilespmem:s28+$0x1E0] =	vst v41  }
0x18d: {  	v41 =	vld.idx.msk [tilespmem:v43+s20+$0x0], $0xffff;
	_ =	sdelay $0x1  }
0x18e: {  	s31 =	sor.u32 $0x8, s26  }
0x18f: {  	v57 =	vmov s31;
	_ =	sdelay $0x1  }
0x190: {  	v41 =	vmul.f32 v56, v41;
	_ =	sdelay $0x1  }
0x191: {  	s30 =	sshll.u32 s31, $0x7;
	[tilespmem:s28+$0x1F0] =	vst v41  }
0x192: {  	s28 =	sand.u32 $0x3FFFFC00, s30;
	v41 =	vld.idx.msk [tilespmem:v57+s20+$0x0], $0xffff  }
0x193: {  	v58 =	vld [tilespmem:s28+$0x180];
	_ =	sdelay $0x2  }
0x194: {  	v59 =	vor.u32 $0x80, v57;
	_ =	sdelay $0x1  }
0x195: {  	v41 =	vmul.f32 v58, v41;
	_ =	sdelay $0x1  }
0x196: {  	v60 =	vld [tilespmem:s28+$0x190];
	[tilespmem:s28+$0x180] =	vst v41  }
0x197: {  	v41 =	vld.idx.msk [tilespmem:v59+s20+$0x0], $0xffff;
	_ =	sdelay $0x2  }
0x198: {  	v61 =	vor.u32 $0x100, v57;
	_ =	sdelay $0x1  }
0x199: {  	v41 =	vmul.f32 v60, v41;
	_ =	sdelay $0x1  }
0x19a: {  	v62 =	vld [tilespmem:s28+$0x1A0];
	[tilespmem:s28+$0x190] =	vst v41  }
0x19b: {  	v41 =	vld.idx.msk [tilespmem:v61+s20+$0x0], $0xffff;
	_ =	sdelay $0x2  }
0x19c: {  	v63 =	vor.u32 $0x180, v57;
	_ =	sdelay $0x1  }
0x19d: {  	v41 =	vmul.f32 v62, v41;
	_ =	sdelay $0x1  }
0x19e: {  	v48 =	vld [tilespmem:s28+$0x1B0];
	[tilespmem:s28+$0x1A0] =	vst v41  }
0x19f: {  	v41 =	vld.idx.msk [tilespmem:v63+s20+$0x0], $0xffff;
	_ =	sdelay $0x2  }
0x1a0: {  	v49 =	vor.u32 $0x200, v57;
	_ =	sdelay $0x1  }
0x1a1: {  	v41 =	vmul.f32 v48, v41;
	_ =	sdelay $0x1  }
0x1a2: {  	v50 =	vld [tilespmem:s28+$0x1C0];
	[tilespmem:s28+$0x1B0] =	vst v41  }
0x1a3: {  	v41 =	vld.idx.msk [tilespmem:v49+s20+$0x0], $0xffff;
	_ =	sdelay $0x2  }
0x1a4: {  	v51 =	vor.u32 $0x280, v57;
	_ =	sdelay $0x1  }
0x1a5: {  	v41 =	vmul.f32 v50, v41;
	_ =	sdelay $0x1  }
0x1a6: {  	v52 =	vld [tilespmem:s28+$0x1D0];
	[tilespmem:s28+$0x1C0] =	vst v41  }
0x1a7: {  	v41 =	vld.idx.msk [tilespmem:v51+s20+$0x0], $0xffff;
	_ =	sdelay $0x2  }
0x1a8: {  	v53 =	vor.u32 $0x300, v57;
	_ =	sdelay $0x1  }
0x1a9: {  	v41 =	vmul.f32 v52, v41;
	_ =	sdelay $0x1  }
0x1aa: {  	v54 =	vld [tilespmem:s28+$0x1E0];
	[tilespmem:s28+$0x1D0] =	vst v41  }
0x1ab: {  	v41 =	vld.idx.msk [tilespmem:v53+s20+$0x0], $0xffff;
	_ =	sdelay $0x2  }
0x1ac: {  	v43 =	vor.u32 $0x380, v57;
	_ =	sdelay $0x1  }
0x1ad: {  	v41 =	vmul.f32 v54, v41;
	_ =	sdelay $0x1  }
0x1ae: {  	v55 =	vld [tilespmem:s28+$0x1F0];
	[tilespmem:s28+$0x1E0] =	vst v41  }
0x1af: {  	v41 =	vld.idx.msk [tilespmem:v43+s20+$0x0], $0xffff;
	_ =	sdelay $0x1  }
0x1b0: {  	s31 =	sor.u32 $0x9, s26  }
0x1b1: {  	v56 =	vmov s31;
	_ =	sdelay $0x1  }
0x1b2: {  	v41 =	vmul.f32 v55, v41;
	_ =	sdelay $0x1  }
0x1b3: {  	s30 =	sshll.u32 s31, $0x7;
	[tilespmem:s28+$0x1F0] =	vst v41  }
0x1b4: {  	s28 =	sand.u32 $0x3FFFFC80, s30;
	v41 =	vld.idx.msk [tilespmem:v56+s20+$0x0], $0xffff  }
0x1b5: {  	v57 =	vld [tilespmem:s28+$0x180];
	_ =	sdelay $0x2  }
0x1b6: {  	v58 =	vor.u32 $0x80, v56;
	_ =	sdelay $0x1  }
0x1b7: {  	v41 =	vmul.f32 v57, v41;
	_ =	sdelay $0x1  }
0x1b8: {  	v59 =	vld [tilespmem:s28+$0x190];
	[tilespmem:s28+$0x180] =	vst v41  }
0x1b9: {  	v41 =	vld.idx.msk [tilespmem:v58+s20+$0x0], $0xffff;
	_ =	sdelay $0x2  }
0x1ba: {  	v60 =	vor.u32 $0x100, v56;
	_ =	sdelay $0x1  }
0x1bb: {  	v41 =	vmul.f32 v59, v41;
	_ =	sdelay $0x1  }
0x1bc: {  	v61 =	vld [tilespmem:s28+$0x1A0];
	[tilespmem:s28+$0x190] =	vst v41  }
0x1bd: {  	v41 =	vld.idx.msk [tilespmem:v60+s20+$0x0], $0xffff;
	_ =	sdelay $0x2  }
0x1be: {  	v62 =	vor.u32 $0x180, v56;
	_ =	sdelay $0x1  }
0x1bf: {  	v41 =	vmul.f32 v61, v41;
	_ =	sdelay $0x1  }
0x1c0: {  	v63 =	vld [tilespmem:s28+$0x1B0];
	[tilespmem:s28+$0x1A0] =	vst v41  }
0x1c1: {  	v41 =	vld.idx.msk [tilespmem:v62+s20+$0x0], $0xffff;
	_ =	sdelay $0x2  }
0x1c2: {  	v48 =	vor.u32 $0x200, v56;
	_ =	sdelay $0x1  }
0x1c3: {  	v41 =	vmul.f32 v63, v41;
	_ =	sdelay $0x1  }
0x1c4: {  	v49 =	vld [tilespmem:s28+$0x1C0];
	[tilespmem:s28+$0x1B0] =	vst v41  }
0x1c5: {  	v41 =	vld.idx.msk [tilespmem:v48+s20+$0x0], $0xffff;
	_ =	sdelay $0x2  }
0x1c6: {  	v50 =	vor.u32 $0x280, v56;
	_ =	sdelay $0x1  }
0x1c7: {  	v41 =	vmul.f32 v49, v41;
	_ =	sdelay $0x1  }
0x1c8: {  	v51 =	vld [tilespmem:s28+$0x1D0];
	[tilespmem:s28+$0x1C0] =	vst v41  }
0x1c9: {  	v41 =	vld.idx.msk [tilespmem:v50+s20+$0x0], $0xffff;
	_ =	sdelay $0x2  }
0x1ca: {  	v52 =	vor.u32 $0x300, v56;
	_ =	sdelay $0x1  }
0x1cb: {  	v41 =	vmul.f32 v51, v41;
	_ =	sdelay $0x1  }
0x1cc: {  	v53 =	vld [tilespmem:s28+$0x1E0];
	[tilespmem:s28+$0x1D0] =	vst v41  }
0x1cd: {  	v41 =	vld.idx.msk [tilespmem:v52+s20+$0x0], $0xffff;
	_ =	sdelay $0x2  }
0x1ce: {  	v43 =	vor.u32 $0x380, v56;
	_ =	sdelay $0x1  }
0x1cf: {  	v41 =	vmul.f32 v53, v41;
	_ =	sdelay $0x1  }
0x1d0: {  	v54 =	vld [tilespmem:s28+$0x1F0];
	[tilespmem:s28+$0x1E0] =	vst v41  }
0x1d1: {  	v41 =	vld.idx.msk [tilespmem:v43+s20+$0x0], $0xffff;
	_ =	sdelay $0x1  }
0x1d2: {  	s31 =	sor.u32 $0xA, s26  }
0x1d3: {  	v55 =	vmov s31;
	_ =	sdelay $0x1  }
0x1d4: {  	v41 =	vmul.f32 v54, v41;
	_ =	sdelay $0x1  }
0x1d5: {  	s30 =	sshll.u32 s31, $0x7;
	[tilespmem:s28+$0x1F0] =	vst v41  }
0x1d6: {  	s28 =	sand.u32 $0x3FFFFD00, s30;
	v41 =	vld.idx.msk [tilespmem:v55+s20+$0x0], $0xffff  }
0x1d7: {  	v56 =	vld [tilespmem:s28+$0x180];
	_ =	sdelay $0x2  }
0x1d8: {  	v57 =	vor.u32 $0x80, v55;
	_ =	sdelay $0x1  }
0x1d9: {  	v41 =	vmul.f32 v56, v41;
	_ =	sdelay $0x1  }
0x1da: {  	v58 =	vld [tilespmem:s28+$0x190];
	[tilespmem:s28+$0x180] =	vst v41  }
0x1db: {  	v41 =	vld.idx.msk [tilespmem:v57+s20+$0x0], $0xffff;
	_ =	sdelay $0x2  }
0x1dc: {  	v59 =	vor.u32 $0x100, v55;
	_ =	sdelay $0x1  }
0x1dd: {  	v41 =	vmul.f32 v58, v41;
	_ =	sdelay $0x1  }
0x1de: {  	v60 =	vld [tilespmem:s28+$0x1A0];
	[tilespmem:s28+$0x190] =	vst v41  }
0x1df: {  	v41 =	vld.idx.msk [tilespmem:v59+s20+$0x0], $0xffff;
	_ =	sdelay $0x2  }
0x1e0: {  	v61 =	vor.u32 $0x180, v55;
	_ =	sdelay $0x1  }
0x1e1: {  	v41 =	vmul.f32 v60, v41;
	_ =	sdelay $0x1  }
0x1e2: {  	v62 =	vld [tilespmem:s28+$0x1B0];
	[tilespmem:s28+$0x1A0] =	vst v41  }
0x1e3: {  	v41 =	vld.idx.msk [tilespmem:v61+s20+$0x0], $0xffff;
	_ =	sdelay $0x2  }
0x1e4: {  	v63 =	vor.u32 $0x200, v55;
	_ =	sdelay $0x1  }
0x1e5: {  	v41 =	vmul.f32 v62, v41;
	_ =	sdelay $0x1  }
0x1e6: {  	v48 =	vld [tilespmem:s28+$0x1C0];
	[tilespmem:s28+$0x1B0] =	vst v41  }
0x1e7: {  	v41 =	vld.idx.msk [tilespmem:v63+s20+$0x0], $0xffff;
	_ =	sdelay $0x2  }
0x1e8: {  	v49 =	vor.u32 $0x280, v55;
	_ =	sdelay $0x1  }
0x1e9: {  	v41 =	vmul.f32 v48, v41;
	_ =	sdelay $0x1  }
0x1ea: {  	v50 =	vld [tilespmem:s28+$0x1D0];
	[tilespmem:s28+$0x1C0] =	vst v41  }
0x1eb: {  	v41 =	vld.idx.msk [tilespmem:v49+s20+$0x0], $0xffff;
	_ =	sdelay $0x2  }
0x1ec: {  	v51 =	vor.u32 $0x300, v55;
	_ =	sdelay $0x1  }
0x1ed: {  	v41 =	vmul.f32 v50, v41;
	_ =	sdelay $0x1  }
0x1ee: {  	v52 =	vld [tilespmem:s28+$0x1E0];
	[tilespmem:s28+$0x1D0] =	vst v41  }
0x1ef: {  	v41 =	vld.idx.msk [tilespmem:v51+s20+$0x0], $0xffff;
	_ =	sdelay $0x2  }
0x1f0: {  	v43 =	vor.u32 $0x380, v55;
	_ =	sdelay $0x1  }
0x1f1: {  	v41 =	vmul.f32 v52, v41;
	_ =	sdelay $0x1  }
0x1f2: {  	v53 =	vld [tilespmem:s28+$0x1F0];
	[tilespmem:s28+$0x1E0] =	vst v41  }
0x1f3: {  	v41 =	vld.idx.msk [tilespmem:v43+s20+$0x0], $0xffff;
	_ =	sdelay $0x1  }
0x1f4: {  	s31 =	sor.u32 $0xB, s26  }
0x1f5: {  	v54 =	vmov s31;
	_ =	sdelay $0x1  }
0x1f6: {  	v41 =	vmul.f32 v53, v41;
	_ =	sdelay $0x1  }
0x1f7: {  	s30 =	sshll.u32 s31, $0x7;
	[tilespmem:s28+$0x1F0] =	vst v41  }
0x1f8: {  	s28 =	sand.u32 $0x3FFFFD80, s30;
	v41 =	vld.idx.msk [tilespmem:v54+s20+$0x0], $0xffff  }
0x1f9: {  	v55 =	vld [tilespmem:s28+$0x180];
	_ =	sdelay $0x2  }
0x1fa: {  	v56 =	vor.u32 $0x80, v54;
	_ =	sdelay $0x1  }
0x1fb: {  	v41 =	vmul.f32 v55, v41;
	_ =	sdelay $0x1  }
0x1fc: {  	v57 =	vld [tilespmem:s28+$0x190];
	[tilespmem:s28+$0x180] =	vst v41  }
0x1fd: {  	v41 =	vld.idx.msk [tilespmem:v56+s20+$0x0], $0xffff;
	_ =	sdelay $0x2  }
0x1fe: {  	v58 =	vor.u32 $0x100, v54;
	_ =	sdelay $0x1  }
0x1ff: {  	v41 =	vmul.f32 v57, v41;
	_ =	sdelay $0x1  }
0x200: {  	v59 =	vld [tilespmem:s28+$0x1A0];
	[tilespmem:s28+$0x190] =	vst v41  }
0x201: {  	v41 =	vld.idx.msk [tilespmem:v58+s20+$0x0], $0xffff;
	_ =	sdelay $0x2  }
0x202: {  	v60 =	vor.u32 $0x180, v54;
	_ =	sdelay $0x1  }
0x203: {  	v41 =	vmul.f32 v59, v41;
	_ =	sdelay $0x1  }
0x204: {  	v61 =	vld [tilespmem:s28+$0x1B0];
	[tilespmem:s28+$0x1A0] =	vst v41  }
0x205: {  	v41 =	vld.idx.msk [tilespmem:v60+s20+$0x0], $0xffff;
	_ =	sdelay $0x2  }
0x206: {  	v62 =	vor.u32 $0x200, v54;
	_ =	sdelay $0x1  }
0x207: {  	v41 =	vmul.f32 v61, v41;
	_ =	sdelay $0x1  }
0x208: {  	v63 =	vld [tilespmem:s28+$0x1C0];
	[tilespmem:s28+$0x1B0] =	vst v41  }
0x209: {  	v41 =	vld.idx.msk [tilespmem:v62+s20+$0x0], $0xffff;
	_ =	sdelay $0x2  }
0x20a: {  	v48 =	vor.u32 $0x280, v54;
	_ =	sdelay $0x1  }
0x20b: {  	v41 =	vmul.f32 v63, v41;
	_ =	sdelay $0x1  }
0x20c: {  	v49 =	vld [tilespmem:s28+$0x1D0];
	[tilespmem:s28+$0x1C0] =	vst v41  }
0x20d: {  	v41 =	vld.idx.msk [tilespmem:v48+s20+$0x0], $0xffff;
	_ =	sdelay $0x2  }
0x20e: {  	v50 =	vor.u32 $0x300, v54;
	_ =	sdelay $0x1  }
0x20f: {  	v41 =	vmul.f32 v49, v41;
	_ =	sdelay $0x1  }
0x210: {  	v51 =	vld [tilespmem:s28+$0x1E0];
	[tilespmem:s28+$0x1D0] =	vst v41  }
0x211: {  	v41 =	vld.idx.msk [tilespmem:v50+s20+$0x0], $0xffff;
	_ =	sdelay $0x2  }
0x212: {  	v43 =	vor.u32 $0x380, v54;
	_ =	sdelay $0x1  }
0x213: {  	v41 =	vmul.f32 v51, v41;
	_ =	sdelay $0x1  }
0x214: {  	v52 =	vld [tilespmem:s28+$0x1F0];
	[tilespmem:s28+$0x1E0] =	vst v41  }
0x215: {  	v41 =	vld.idx.msk [tilespmem:v43+s20+$0x0], $0xffff;
	_ =	sdelay $0x1  }
0x216: {  	s31 =	sor.u32 $0xC, s26  }
0x217: {  	v53 =	vmov s31;
	_ =	sdelay $0x1  }
0x218: {  	v41 =	vmul.f32 v52, v41;
	_ =	sdelay $0x1  }
0x219: {  	s30 =	sshll.u32 s31, $0x7;
	[tilespmem:s28+$0x1F0] =	vst v41  }
0x21a: {  	s28 =	sand.u32 $0x3FFFFE00, s30;
	v41 =	vld.idx.msk [tilespmem:v53+s20+$0x0], $0xffff  }
0x21b: {  	v54 =	vld [tilespmem:s28+$0x180];
	_ =	sdelay $0x2  }
0x21c: {  	v55 =	vor.u32 $0x80, v53;
	_ =	sdelay $0x1  }
0x21d: {  	v41 =	vmul.f32 v54, v41;
	_ =	sdelay $0x1  }
0x21e: {  	v56 =	vld [tilespmem:s28+$0x190];
	[tilespmem:s28+$0x180] =	vst v41  }
0x21f: {  	v41 =	vld.idx.msk [tilespmem:v55+s20+$0x0], $0xffff;
	_ =	sdelay $0x2  }
0x220: {  	v57 =	vor.u32 $0x100, v53;
	_ =	sdelay $0x1  }
0x221: {  	v41 =	vmul.f32 v56, v41;
	_ =	sdelay $0x1  }
0x222: {  	v58 =	vld [tilespmem:s28+$0x1A0];
	[tilespmem:s28+$0x190] =	vst v41  }
0x223: {  	v41 =	vld.idx.msk [tilespmem:v57+s20+$0x0], $0xffff;
	_ =	sdelay $0x2  }
0x224: {  	v59 =	vor.u32 $0x180, v53;
	_ =	sdelay $0x1  }
0x225: {  	v41 =	vmul.f32 v58, v41;
	_ =	sdelay $0x1  }
0x226: {  	v60 =	vld [tilespmem:s28+$0x1B0];
	[tilespmem:s28+$0x1A0] =	vst v41  }
0x227: {  	v41 =	vld.idx.msk [tilespmem:v59+s20+$0x0], $0xffff;
	_ =	sdelay $0x2  }
0x228: {  	v61 =	vor.u32 $0x200, v53;
	_ =	sdelay $0x1  }
0x229: {  	v41 =	vmul.f32 v60, v41;
	_ =	sdelay $0x1  }
0x22a: {  	v62 =	vld [tilespmem:s28+$0x1C0];
	[tilespmem:s28+$0x1B0] =	vst v41  }
0x22b: {  	v41 =	vld.idx.msk [tilespmem:v61+s20+$0x0], $0xffff;
	_ =	sdelay $0x2  }
0x22c: {  	v63 =	vor.u32 $0x280, v53;
	_ =	sdelay $0x1  }
0x22d: {  	v41 =	vmul.f32 v62, v41;
	_ =	sdelay $0x1  }
0x22e: {  	v48 =	vld [tilespmem:s28+$0x1D0];
	[tilespmem:s28+$0x1C0] =	vst v41  }
0x22f: {  	v41 =	vld.idx.msk [tilespmem:v63+s20+$0x0], $0xffff;
	_ =	sdelay $0x2  }
0x230: {  	v49 =	vor.u32 $0x300, v53;
	_ =	sdelay $0x1  }
0x231: {  	v41 =	vmul.f32 v48, v41;
	_ =	sdelay $0x1  }
0x232: {  	v50 =	vld [tilespmem:s28+$0x1E0];
	[tilespmem:s28+$0x1D0] =	vst v41  }
0x233: {  	v41 =	vld.idx.msk [tilespmem:v49+s20+$0x0], $0xffff;
	_ =	sdelay $0x2  }
0x234: {  	v43 =	vor.u32 $0x380, v53;
	_ =	sdelay $0x1  }
0x235: {  	v41 =	vmul.f32 v50, v41;
	_ =	sdelay $0x1  }
0x236: {  	v51 =	vld [tilespmem:s28+$0x1F0];
	[tilespmem:s28+$0x1E0] =	vst v41  }
0x237: {  	v41 =	vld.idx.msk [tilespmem:v43+s20+$0x0], $0xffff;
	_ =	sdelay $0x1  }
0x238: {  	s31 =	sor.u32 $0xD, s26  }
0x239: {  	v52 =	vmov s31;
	_ =	sdelay $0x1  }
0x23a: {  	v41 =	vmul.f32 v51, v41;
	_ =	sdelay $0x1  }
0x23b: {  	s29 =	sshll.u32 s31, $0x7;
	[tilespmem:s28+$0x1F0] =	vst v41  }
0x23c: {  	s28 =	sand.u32 $0x3FFFFE80, s29;
	v41 =	vld.idx.msk [tilespmem:v52+s20+$0x0], $0xffff  }
0x23d: {  	v53 =	vld [tilespmem:s28+$0x180];
	_ =	sdelay $0x2  }
0x23e: {  	v54 =	vor.u32 $0x80, v52;
	_ =	sdelay $0x1  }
0x23f: {  	v41 =	vmul.f32 v53, v41;
	_ =	sdelay $0x1  }
0x240: {  	v55 =	vld [tilespmem:s28+$0x190];
	[tilespmem:s28+$0x180] =	vst v41  }
0x241: {  	v41 =	vld.idx.msk [tilespmem:v54+s20+$0x0], $0xffff;
	_ =	sdelay $0x2  }
0x242: {  	v56 =	vor.u32 $0x100, v52;
	_ =	sdelay $0x1  }
0x243: {  	v41 =	vmul.f32 v55, v41;
	_ =	sdelay $0x1  }
0x244: {  	v57 =	vld [tilespmem:s28+$0x1A0];
	[tilespmem:s28+$0x190] =	vst v41  }
0x245: {  	v41 =	vld.idx.msk [tilespmem:v56+s20+$0x0], $0xffff;
	_ =	sdelay $0x2  }
0x246: {  	v58 =	vor.u32 $0x180, v52;
	_ =	sdelay $0x1  }
0x247: {  	v41 =	vmul.f32 v57, v41;
	_ =	sdelay $0x1  }
0x248: {  	v59 =	vld [tilespmem:s28+$0x1B0];
	[tilespmem:s28+$0x1A0] =	vst v41  }
0x249: {  	v41 =	vld.idx.msk [tilespmem:v58+s20+$0x0], $0xffff;
	_ =	sdelay $0x2  }
0x24a: {  	v60 =	vor.u32 $0x200, v52;
	_ =	sdelay $0x1  }
0x24b: {  	v41 =	vmul.f32 v59, v41;
	_ =	sdelay $0x1  }
0x24c: {  	v61 =	vld [tilespmem:s28+$0x1C0];
	[tilespmem:s28+$0x1B0] =	vst v41  }
0x24d: {  	v41 =	vld.idx.msk [tilespmem:v60+s20+$0x0], $0xffff;
	_ =	sdelay $0x2  }
0x24e: {  	v62 =	vor.u32 $0x280, v52;
	_ =	sdelay $0x1  }
0x24f: {  	v41 =	vmul.f32 v61, v41;
	_ =	sdelay $0x1  }
0x250: {  	v63 =	vld [tilespmem:s28+$0x1D0];
	[tilespmem:s28+$0x1C0] =	vst v41  }
0x251: {  	v41 =	vld.idx.msk [tilespmem:v62+s20+$0x0], $0xffff;
	_ =	sdelay $0x2  }
0x252: {  	v48 =	vor.u32 $0x300, v52;
	_ =	sdelay $0x1  }
0x253: {  	v41 =	vmul.f32 v63, v41;
	_ =	sdelay $0x1  }
0x254: {  	v49 =	vld [tilespmem:s28+$0x1E0];
	[tilespmem:s28+$0x1D0] =	vst v41  }
0x255: {  	v41 =	vld.idx.msk [tilespmem:v48+s20+$0x0], $0xffff;
	_ =	sdelay $0x2  }
0x256: {  	v43 =	vor.u32 $0x380, v52;
	_ =	sdelay $0x1  }
0x257: {  	v41 =	vmul.f32 v49, v41;
	_ =	sdelay $0x1  }
0x258: {  	v50 =	vld [tilespmem:s28+$0x1F0];
	[tilespmem:s28+$0x1E0] =	vst v41  }
0x259: {  	v41 =	vld.idx.msk [tilespmem:v43+s20+$0x0], $0xffff;
	_ =	sdelay $0x1  }
0x25a: {  	s26 =	sor.u32 $0xE, s26  }
0x25b: {  	v51 =	vmov s26;
	_ =	sdelay $0x1  }
0x25c: {  	v41 =	vmul.f32 v50, v41;
	_ =	sdelay $0x1  }
0x25d: {  	s26 =	sshll.u32 s26, $0x7;
	[tilespmem:s28+$0x1F0] =	vst v41  }
0x25e: {  	s26 =	sand.u32 $0x3FFFFF00, s26;
	v41 =	vld.idx.msk [tilespmem:v51+s20+$0x0], $0xffff  }
0x25f: {  	v52 =	vld [tilespmem:s26+$0x180];
	_ =	sdelay $0x2  }
0x260: {  	v53 =	vor.u32 $0x80, v51;
	_ =	sdelay $0x1  }
0x261: {  	v41 =	vmul.f32 v52, v41;
	_ =	sdelay $0x1  }
0x262: {  	v54 =	vld [tilespmem:s26+$0x190];
	[tilespmem:s26+$0x180] =	vst v41  }
0x263: {  	v41 =	vld.idx.msk [tilespmem:v53+s20+$0x0], $0xffff;
	_ =	sdelay $0x2  }
0x264: {  	v55 =	vor.u32 $0x100, v51;
	_ =	sdelay $0x1  }
0x265: {  	v41 =	vmul.f32 v54, v41;
	_ =	sdelay $0x1  }
0x266: {  	v56 =	vld [tilespmem:s26+$0x1A0];
	[tilespmem:s26+$0x190] =	vst v41  }
0x267: {  	v41 =	vld.idx.msk [tilespmem:v55+s20+$0x0], $0xffff;
	_ =	sdelay $0x2  }
0x268: {  	v57 =	vor.u32 $0x180, v51;
	_ =	sdelay $0x1  }
0x269: {  	v41 =	vmul.f32 v56, v41;
	_ =	sdelay $0x1  }
0x26a: {  	v58 =	vld [tilespmem:s26+$0x1B0];
	[tilespmem:s26+$0x1A0] =	vst v41  }
0x26b: {  	v41 =	vld.idx.msk [tilespmem:v57+s20+$0x0], $0xffff;
	_ =	sdelay $0x2  }
0x26c: {  	v59 =	vor.u32 $0x200, v51;
	_ =	sdelay $0x1  }
0x26d: {  	v41 =	vmul.f32 v58, v41;
	_ =	sdelay $0x1  }
0x26e: {  	v60 =	vld [tilespmem:s26+$0x1C0];
	[tilespmem:s26+$0x1B0] =	vst v41  }
0x26f: {  	v41 =	vld.idx.msk [tilespmem:v59+s20+$0x0], $0xffff;
	_ =	sdelay $0x2  }
0x270: {  	v61 =	vor.u32 $0x280, v51;
	_ =	sdelay $0x1  }
0x271: {  	v41 =	vmul.f32 v60, v41;
	_ =	sdelay $0x1  }
0x272: {  	v62 =	vld [tilespmem:s26+$0x1D0];
	[tilespmem:s26+$0x1C0] =	vst v41  }
0x273: {  	v41 =	vld.idx.msk [tilespmem:v61+s20+$0x0], $0xffff;
	_ =	sdelay $0x2  }
0x274: {  	v63 =	vor.u32 $0x300, v51;
	_ =	sdelay $0x1  }
0x275: {  	v41 =	vmul.f32 v62, v41;
	_ =	sdelay $0x1  }
0x276: {  	v47 =	vld [tilespmem:s26+$0x1E0];
	[tilespmem:s26+$0x1D0] =	vst v41  }
0x277: {  	v41 =	vld.idx.msk [tilespmem:v63+s20+$0x0], $0xffff;
	_ =	sdelay $0x2  }
0x278: {  	v43 =	vor.u32 $0x380, v51;
	_ =	sdelay $0x1  }
0x279: {  	v41 =	vmul.f32 v47, v41;
	_ =	sdelay $0x1  }
0x27a: {  	v48 =	vld [tilespmem:s26+$0x1F0];
	[tilespmem:s26+$0x1E0] =	vst v41  }
0x27b: {  	v41 =	vld.idx.msk [tilespmem:v43+s20+$0x0], $0xffff;
	_ =	sdelay $0x1  }
0x27c: {  	s30 =	sshllo.u32 s25, $0x4  }
0x27d: {  	v49 =	vmov s30;
	_ =	sdelay $0x1  }
0x27e: {  	v41 =	vmul.f32 v48, v41;
	_ =	sdelay $0x1  }
0x27f: {  	s31 =	sshll.u32 s30, $0x7;
	[tilespmem:s26+$0x1F0] =	vst v41  }
0x280: {  	s26 =	sand.u32 $0x3FFFFF80, s31;
	v41 =	vld.idx.msk [tilespmem:v49+s20+$0x0], $0xffff  }
0x281: {  	v50 =	vld [tilespmem:s26+$0x180];
	_ =	sdelay $0x2  }
0x282: {  	v51 =	vor.u32 $0x80, v49;
	_ =	sdelay $0x1  }
0x283: {  	v41 =	vmul.f32 v50, v41;
	_ =	sdelay $0x1  }
0x284: {  	v52 =	vld [tilespmem:s26+$0x190];
	[tilespmem:s26+$0x180] =	vst v41  }
0x285: {  	v41 =	vld.idx.msk [tilespmem:v51+s20+$0x0], $0xffff;
	_ =	sdelay $0x2  }
0x286: {  	v53 =	vor.u32 $0x100, v49;
	_ =	sdelay $0x1  }
0x287: {  	v41 =	vmul.f32 v52, v41;
	_ =	sdelay $0x1  }
0x288: {  	v54 =	vld [tilespmem:s26+$0x1A0];
	[tilespmem:s26+$0x190] =	vst v41  }
0x289: {  	v41 =	vld.idx.msk [tilespmem:v53+s20+$0x0], $0xffff;
	_ =	sdelay $0x2  }
0x28a: {  	v55 =	vor.u32 $0x180, v49;
	_ =	sdelay $0x1  }
0x28b: {  	v41 =	vmul.f32 v54, v41;
	_ =	sdelay $0x1  }
0x28c: {  	v56 =	vld [tilespmem:s26+$0x1B0];
	[tilespmem:s26+$0x1A0] =	vst v41  }
0x28d: {  	v41 =	vld.idx.msk [tilespmem:v55+s20+$0x0], $0xffff;
	_ =	sdelay $0x2  }
0x28e: {  	v57 =	vor.u32 $0x200, v49;
	_ =	sdelay $0x1  }
0x28f: {  	v41 =	vmul.f32 v56, v41;
	_ =	sdelay $0x1  }
0x290: {  	v58 =	vld [tilespmem:s26+$0x1C0];
	[tilespmem:s26+$0x1B0] =	vst v41  }
0x291: {  	v41 =	vld.idx.msk [tilespmem:v57+s20+$0x0], $0xffff;
	_ =	sdelay $0x2  }
0x292: {  	v59 =	vor.u32 $0x280, v49;
	_ =	sdelay $0x1  }
0x293: {  	v41 =	vmul.f32 v58, v41;
	_ =	sdelay $0x1  }
0x294: {  	v60 =	vld [tilespmem:s26+$0x1D0];
	[tilespmem:s26+$0x1C0] =	vst v41  }
0x295: {  	v41 =	vld.idx.msk [tilespmem:v59+s20+$0x0], $0xffff;
	_ =	sdelay $0x2  }
0x296: {  	v61 =	vor.u32 $0x300, v49;
	_ =	sdelay $0x1  }
0x297: {  	v41 =	vmul.f32 v60, v41;
	_ =	sdelay $0x1  }
0x298: {  	v62 =	vld [tilespmem:s26+$0x1E0];
	[tilespmem:s26+$0x1D0] =	vst v41  }
0x299: {  	v41 =	vld.idx.msk [tilespmem:v61+s20+$0x0], $0xffff;
	_ =	sdelay $0x2  }
0x29a: {  	v43 =	vor.u32 $0x380, v49;
	_ =	sdelay $0x1  }
0x29b: {  	v41 =	vmul.f32 v62, v41;
	_ =	sdelay $0x1  }
0x29c: {  	v63 =	vld [tilespmem:s26+$0x1F0];
	[tilespmem:s26+$0x1E0] =	vst v41  }
0x29d: {  	v41 =	vld.idx.msk [tilespmem:v43+s20+$0x0], $0xffff;
	_ =	sdelay $0x1  }
0x29e: {  	p0 =	sne.s32 s25, $0x7  }
.Ltmp1:
0x29f: {  	_ = 	snop;
	(pc) =	sbr.rel @p0 .LBB2_5-.Ltmp1, $3  }
0x2a0: {  	_ = 	snop  }
0x2a1: {  	v41 =	vmul.f32 v63, v41;
	_ =	sdelay $0x1  }
0x2a2: {  	s25 =	sadd.s32 $0x1, s25;
	[tilespmem:s26+$0x1F0] =	vst v41  }
0x2a3: {  	s24 =	sadd.s32 $0x1, s24  }
0x2a4: {  	p0 =	sne.s32 s24, $0x50  }
.Ltmp2:
0x2a5: {  	_ = 	snop;
	(pc) =	sbr.rel @p0 .LBB2_4-.Ltmp2, $4  }
0x2a6: {  	[spmem:s2] =	stream.indirect.scatter.add.f32 [tilespmem:s18], [sflag:$0x2], $0x80, s16, s16, $0xb8;
	[tilespmem:$0x18580] =	vst v63  }
0x2a7: {  	_ =	swait.ge [sflag:s19], $0x4000  }
0x2a8: {  	[sflag:s19] =	ssyncset.done $0x0  }
0x2a9: {  	[sflag:s19] =	ssyncadd.s32 $0xFFFFC000  }
0x2aa: {  	[bflag:$0x0] =	sbarrier.arrive $0xFFFF  }
0x2ab: {  	[tilespmem:$0x100] =	vst v1  }
0x2ac: {  	[tilespmem:$0x110] =	vst v2  }
0x2ad: {  	[tilespmem:$0x120] =	vst v3  }
0x2ae: {  	[tilespmem:$0x130] =	vst v4  }
0x2af: {  	[tilespmem:$0x140] =	vst v5  }
0x2b0: {  	[tilespmem:$0x150] =	vst v6  }
0x2b1: {  	[tilespmem:$0x160] =	vst v7  }
0x2b2: {  	[tilespmem:$0x170] =	vst v8  }
0x2b3: {  	[tilespmem:s18], [sflag:$0x2] =	stream.indirect.gather [spmem:s2], $0x80, s17, s16, $0xb8;
	[tilespmem:$0x18580] =	vst v63  }
0x2b4: {  	_ =	swait.ge [sflag:s19], $0x4000  }
0x2b5: {  	[sflag:s19] =	ssyncset.done $0x0  }
0x2b6: {  	[sflag:s19] =	ssyncadd.s32 $0xFFFFC000  }
0x2b7: {  	[hbm4b:s10+s4] =	stream.linear.scatter [tilespmem:s18], [sflag:$0x2], $0x4000, $0x38;
	[tilespmem:$0x18580] =	vst v63  }
0x2b8: {  	_ =	swait.ge [sflag:s19], $0x4000  }
0x2b9: {  	[sflag:s19] =	ssyncset.done $0x0  }
0x2ba: {  	[sflag:s19] =	ssyncadd.s32 $0xFFFFC000  }
0x2bb: {  	[tilespmem:$0x100] =	vst v9  }
0x2bc: {  	[tilespmem:$0x110] =	vst v10  }
0x2bd: {  	[tilespmem:$0x120] =	vst v11  }
0x2be: {  	[tilespmem:$0x130] =	vst v12  }
0x2bf: {  	[tilespmem:$0x140] =	vst v13  }
0x2c0: {  	[tilespmem:$0x150] =	vst v14  }
0x2c1: {  	[tilespmem:$0x160] =	vst v15  }
0x2c2: {  	[tilespmem:$0x170] =	vst v16  }
0x2c3: {  	[tilespmem:s18], [sflag:$0x2] =	stream.indirect.gather [spmem:s2], $0x80, s17, s16, $0xb8;
	[tilespmem:$0x18580] =	vst v63  }
0x2c4: {  	_ =	swait.ge [sflag:s19], $0x4000  }
0x2c5: {  	[sflag:s19] =	ssyncset.done $0x0  }
0x2c6: {  	[sflag:s19] =	ssyncadd.s32 $0xFFFFC000  }
0x2c7: {  	[hbm4b:s11+s4] =	stream.linear.scatter [tilespmem:s18], [sflag:$0x2], $0x4000, $0x38;
	[tilespmem:$0x18580] =	vst v63  }
0x2c8: {  	_ =	swait.ge [sflag:s19], $0x4000  }
0x2c9: {  	[sflag:s19] =	ssyncset.done $0x0  }
0x2ca: {  	[sflag:s19] =	ssyncadd.s32 $0xFFFFC000  }
0x2cb: {  	[tilespmem:$0x100] =	vst v17  }
0x2cc: {  	[tilespmem:$0x110] =	vst v18  }
0x2cd: {  	[tilespmem:$0x120] =	vst v19  }
0x2ce: {  	[tilespmem:$0x130] =	vst v20  }
0x2cf: {  	[tilespmem:$0x140] =	vst v21  }
0x2d0: {  	[tilespmem:$0x150] =	vst v22  }
0x2d1: {  	[tilespmem:$0x160] =	vst v23  }
0x2d2: {  	[tilespmem:$0x170] =	vst v24  }
0x2d3: {  	[tilespmem:s18], [sflag:$0x2] =	stream.indirect.gather [spmem:s2], $0x80, s17, s16, $0xb8;
	[tilespmem:$0x18580] =	vst v63  }
0x2d4: {  	_ =	swait.ge [sflag:s19], $0x4000  }
0x2d5: {  	[sflag:s19] =	ssyncset.done $0x0  }
0x2d6: {  	[sflag:s19] =	ssyncadd.s32 $0xFFFFC000  }
0x2d7: {  	[hbm4b:s12+s4] =	stream.linear.scatter [tilespmem:s18], [sflag:$0x2], $0x4000, $0x38;
	[tilespmem:$0x18580] =	vst v63  }
0x2d8: {  	_ =	swait.ge [sflag:s19], $0x4000  }
0x2d9: {  	[sflag:s19] =	ssyncset.done $0x0  }
0x2da: {  	[sflag:s19] =	ssyncadd.s32 $0xFFFFC000  }
0x2db: {  	[tilespmem:$0x100] =	vst v25  }
0x2dc: {  	[tilespmem:$0x110] =	vst v26  }
0x2dd: {  	[tilespmem:$0x120] =	vst v27  }
0x2de: {  	[tilespmem:$0x130] =	vst v28  }
0x2df: {  	[tilespmem:$0x140] =	vst v29  }
0x2e0: {  	[tilespmem:$0x150] =	vst v30  }
0x2e1: {  	[tilespmem:$0x160] =	vst v31  }
0x2e2: {  	[tilespmem:$0x170] =	vst v32  }
0x2e3: {  	[tilespmem:s18], [sflag:$0x2] =	stream.indirect.gather [spmem:s2], $0x80, s17, s16, $0xb8;
	[tilespmem:$0x18580] =	vst v63  }
0x2e4: {  	_ =	swait.ge [sflag:s19], $0x4000  }
0x2e5: {  	[sflag:s19] =	ssyncset.done $0x0  }
0x2e6: {  	[sflag:s19] =	ssyncadd.s32 $0xFFFFC000  }
0x2e7: {  	[hbm4b:s13+s4] =	stream.linear.scatter [tilespmem:s18], [sflag:$0x2], $0x4000, $0x38;
	[tilespmem:$0x18580] =	vst v63  }
0x2e8: {  	_ =	swait.ge [sflag:s19], $0x4000  }
0x2e9: {  	[sflag:s19] =	ssyncset.done $0x0  }
0x2ea: {  	[sflag:s19] =	ssyncadd.s32 $0xFFFFC000  }
0x2eb: {  	[tilespmem:$0x100] =	vst v0  }
0x2ec: {  	[tilespmem:$0x110] =	vst v33  }
0x2ed: {  	[tilespmem:$0x120] =	vst v34  }
0x2ee: {  	[tilespmem:$0x130] =	vst v35  }
0x2ef: {  	[tilespmem:$0x140] =	vst v36  }
0x2f0: {  	[tilespmem:$0x150] =	vst v37  }
0x2f1: {  	[tilespmem:$0x160] =	vst v38  }
0x2f2: {  	[tilespmem:$0x170] =	vst v39  }
0x2f3: {  	[tilespmem:s18], [sflag:$0x2] =	stream.indirect.gather [spmem:s2], $0x80, s17, s16, $0xb8;
	[tilespmem:$0x18580] =	vst v63  }
0x2f4: {  	s22 =	sadd.s32 $0x1, s22;
	_ =	swait.ge [sflag:s19], $0x4000  }
0x2f5: {  	p0 =	sne.s32 s22, s15;
	[sflag:s19] =	ssyncset.done $0x0  }
.Ltmp3:
0x2f6: {  	[sflag:s19] =	ssyncadd.s32 $0xFFFFC000;
	(pc) =	sbr.rel @p0 .LBB2_1-.Ltmp3, $4  }
0x2f7: {  	[hbm4b:s14+s4] =	stream.linear.scatter [tilespmem:s18], [sflag:$0x2], $0x4000, $0x38;
	[tilespmem:$0x18580] =	vst v63  }
0x2f8: {  	_ =	swait.ge [sflag:s19], $0x4000  }
0x2f9: {  	[sflag:s19] =	ssyncset.done $0x0  }
0x2fa: {  	[sflag:s19] =	ssyncadd.s32 $0xFFFFC000  }
0x2fb: {  	_ =	sfence.sel $0x180000  }
0x2fc: {  	[bflag:$0x0] =	sbarrier.arrive $0xFFFF  }
0x2fd: {  	p0 =	sne.s32 s3, $0x0;
	_ =	strace $0x9000004A  }
0x2fe: {  	s0 =	sadd.s32 @!p0 $0x100000, s0;
	[bflag:$0x2] =	sbarrier.arrive $0xFFFF  }
0x2ff: {  	[sflag:s0] =	ssyncadd.tile.s32 @!p0 $0x1;
	_ =	shalt  }
.Lfunc_end2:
_tile_overlayer_lowered:
.L_overlay_start_2:
0x300: {  	(tag) =	ssettag $0x2  }
0x301: {  	s0 =	rddreg [dreg:$0x0];
	s2 =	stileid.u32  }
0x302: {  	s1 =	rddreg [dreg:$0x1];
	p0 =	sne.s32 s2, $0x0  }
0x303: {  	s3 =	rddreg [dreg:$0x2];
	[bflag:$0x3] =	sbarrier.arrive $0xFFFF;
	s2 =	simm.s32 @!p0 $0x1C02  }
0x304: {  	[timem:s3], [sflag:s2] =	dma.local @!p0 [hbm:s0], s1  }
0x305: {  	s0 =	simm.s32 @!p0 $0x2  }
0x306: {  	_ =	swait.ge @!p0 [sflag:s0], s1  }
0x307: {  	s1 =	ssub.s32 @!p0 $0x0, s1;
	[sflag:s0] =	ssyncset.done @!p0 $0x0  }
0x308: {  	[sflag:s0] =	ssyncadd.s32 @!p0 s1  }
0x309: {  	[bflag:$0x3] =	sbarrier.arrive $0xFFFF  }
0x30a: {  	_ =	shalt  }

</sc_bundles>
